<compile_context>
chip_gen: v7x
topology: tpu7x:2x2x1
jax: 0.10.2.dev20260603
libtpu: 0.0.44.dev20260713+nightly
codegen_flags: <defaults>
</compile_context>

<pallas_src>
import functools

import jax
import jax.numpy as jnp
from jax import lax
from jax.experimental import pallas as pl
from jax.experimental.pallas import tpu as pltpu
from jax.experimental.pallas import tpu_sc as plsc

T = 128
D = 1024
E = 64
K = 8
F = 512
FS = 2048
FS_CHUNK = 512
EPB = 2

SC_CORES = 2
SC_LANES = 16


def _logits_body(x_ref, wr_ref, logits_ref):
    for w in range(T // SC_LANES):
        xw = x_ref[w * SC_LANES:(w + 1) * SC_LANES, :]
        logits_ref[w] = jax.lax.dot_general(
            wr_ref[:], xw, (((1,), (1,)), ((), ())),
            preferred_element_type=jnp.float32)


def _sc_router_body(logits_hbm, comb_hbm, lvm, ovm):
    wid = lax.axis_index("s") * SC_CORES + lax.axis_index("c")

    @pl.when(wid < T // SC_LANES)
    def _():
        pltpu.sync_copy(logits_hbm.at[wid], lvm)
        neg = jnp.full((SC_LANES,), -3.0e38, jnp.float32)
        top = [neg] * K
        for e in range(E):
            v = lvm[e, :]
            for j in range(K):
                new_tj = jnp.maximum(top[j], v)
                v = jnp.minimum(top[j], v)
                top[j] = new_tj
        mx = top[0]
        thresh = top[K - 1]
        ssum = jnp.zeros((SC_LANES,), jnp.float32)
        for j in range(K):
            ssum = ssum + jnp.exp(top[j] - mx)
        inv = jnp.float32(1.0) / ssum
        for e in range(E):
            le = lvm[e, :]
            ovm[e, :] = jnp.where(le >= thresh, jnp.exp(le - mx) * inv,
                                  jnp.float32(0.0))
        pltpu.sync_copy(ovm, comb_hbm.at[wid])


_sc_router = functools.partial(
    pl.kernel,
    out_type=jax.ShapeDtypeStruct((T // SC_LANES, E, SC_LANES), jnp.float32),
    mesh=plsc.VectorSubcoreMesh(core_axis_name="c", subcore_axis_name="s"),
    scratch_types=[
        pltpu.VMEM((E, SC_LANES), jnp.float32),
        pltpu.VMEM((E, SC_LANES), jnp.float32),
    ],
)(_sc_router_body)


def _shared_body(x_ref, wsg_ref, wsu_ref, wsd_ref, wseg_ref, out_ref):
    c = pl.program_id(0)
    x = x_ref[:]
    g = jnp.dot(x, wsg_ref[:], preferred_element_type=jnp.float32)
    u = jnp.dot(x, wsu_ref[:], preferred_element_type=jnp.float32)
    h = (g * jax.nn.sigmoid(g)) * u
    y = jnp.dot(h, wsd_ref[:], preferred_element_type=jnp.float32)

    @pl.when(c == 0)
    def _():
        out_ref[:] = jnp.zeros_like(out_ref)

    out_ref[:] += y

    @pl.when(c == (FS // FS_CHUNK) - 1)
    def _():
        seg = jax.nn.sigmoid(jax.lax.dot_general(
            x, wseg_ref[:], (((1,), (1,)), ((), ())),
            preferred_element_type=jnp.float32))
        out_ref[:] = seg * out_ref[:]


def _expert_body(x_ref, comb3_ref, shared_ref, wg_ref, wu_ref, wd_ref,
                 out_ref, comb_ref):
    b = pl.program_id(0)
    x = x_ref[:]
    lane = jax.lax.broadcasted_iota(jnp.int32, (T, E), 1)

    @pl.when(b == 0)
    def _():
        out_ref[:] = shared_ref[:]
        for w in range(T // SC_LANES):
            comb_ref[w * SC_LANES:(w + 1) * SC_LANES, :] = comb3_ref[w].T

    acc = jnp.zeros((T, D), jnp.float32)
    for j in range(EPB):
        g = jnp.dot(x, wg_ref[j], preferred_element_type=jnp.float32)
        u = jnp.dot(x, wu_ref[j], preferred_element_type=jnp.float32)
        h = (g * jax.nn.sigmoid(g)) * u
        y = jnp.dot(h, wd_ref[j], preferred_element_type=jnp.float32)
        scale = jnp.sum(jnp.where(lane == b * EPB + j, comb_ref[:], 0.0),
                        axis=1, keepdims=True)
        acc += scale * y
    out_ref[:] += acc


def kernel(hidden_states, w_router, w_gate, w_up, w_down,
           w_shared_gate_proj, w_shared_up_proj, w_shared_down_proj,
           w_shared_expert_gate):
    x = hidden_states.reshape(T, D)

    logits3 = pl.pallas_call(
        _logits_body,
        out_shape=jax.ShapeDtypeStruct((T // SC_LANES, E, SC_LANES),
                                       jnp.float32),
    )(x, w_router)
    comb3 = _sc_router(logits3)

    n_chunks = FS // FS_CHUNK
    shared_out = pl.pallas_call(
        _shared_body,
        grid=(n_chunks,),
        in_specs=[
            pl.BlockSpec((T, D), lambda c: (0, 0)),
            pl.BlockSpec((D, FS_CHUNK), lambda c: (0, c)),
            pl.BlockSpec((D, FS_CHUNK), lambda c: (0, c)),
            pl.BlockSpec((FS_CHUNK, D), lambda c: (c, 0)),
            pl.BlockSpec((1, D), lambda c: (0, 0)),
        ],
        out_specs=pl.BlockSpec((T, D), lambda c: (0, 0)),
        out_shape=jax.ShapeDtypeStruct((T, D), jnp.float32),
    )(x, w_shared_gate_proj, w_shared_up_proj, w_shared_down_proj,
      w_shared_expert_gate)

    out = pl.pallas_call(
        _expert_body,
        grid=(E // EPB,),
        in_specs=[
            pl.BlockSpec((T, D), lambda b: (0, 0)),
            pl.BlockSpec((T // SC_LANES, E, SC_LANES), lambda b: (0, 0, 0)),
            pl.BlockSpec((T, D), lambda b: (0, 0)),
            pl.BlockSpec((EPB, D, F), lambda b: (b, 0, 0)),
            pl.BlockSpec((EPB, D, F), lambda b: (b, 0, 0)),
            pl.BlockSpec((EPB, F, D), lambda b: (b, 0, 0)),
        ],
        out_specs=pl.BlockSpec((T, D), lambda b: (0, 0)),
        out_shape=jax.ShapeDtypeStruct((T, D), jnp.float32),
        scratch_shapes=[pltpu.VMEM((T, E), jnp.float32)],
    )(x, comb3, shared_out, w_gate, w_up, w_down)

    return out

# --- scband reference (transcript-rebuilt; emitter-appended) ---
"""Pipeline reference for scband-qwen2-moe-sparse-moe-block-206158430628 (READ-ONLY COPY).

The authoritative reference and input builder live on the scoring server;
editing this copy changes nothing except your own understanding.
"""

import jax, jax.numpy as jnp
import numpy as np

T = 128
D = 1024
E = 64
K = 8
F = 512
FS = 2048


def _silu(x):
    return x * jax.nn.sigmoid(x)


def setup_inputs(seed: int = 0) -> dict:
    key = jax.random.key(seed)
    ks = jax.random.split(key, 9)
    hidden_states = jax.random.normal(ks[0], (T, D), dtype=jnp.float32)
    # router gate: ReplicatedLinear(hidden_size, num_experts), weight [E, D]
    w_router = jax.random.normal(ks[1], (E, D), dtype=jnp.float32) * 0.02
    # expert weights (fused MoE): gate_proj/up_proj [E, D, F], down_proj [E, F, D]
    w_gate = jax.random.normal(ks[2], (E, D, F), dtype=jnp.float32) * 0.02
    w_up = jax.random.normal(ks[3], (E, D, F), dtype=jnp.float32) * 0.02
    w_down = jax.random.normal(ks[4], (E, F, D), dtype=jnp.float32) * 0.02
    # shared expert MLP (Qwen2MoeMLP): gate/up [D, FS], down [FS, D]
    w_shared_gate_proj = jax.random.normal(ks[5], (D, FS), dtype=jnp.float32) * 0.02
    w_shared_up_proj = jax.random.normal(ks[6], (D, FS), dtype=jnp.float32) * 0.02
    w_shared_down_proj = jax.random.normal(ks[7], (FS, D), dtype=jnp.float32) * 0.02
    # shared_expert_gate: nn.Linear(hidden_size, 1, bias=False), weight [1, D]
    w_shared_expert_gate = jax.random.normal(ks[8], (1, D), dtype=jnp.float32) * 0.02
    return {
        "hidden_states": hidden_states,
        "w_router": w_router,
        "w_gate": w_gate,
        "w_up": w_up,
        "w_down": w_down,
        "w_shared_gate_proj": w_shared_gate_proj,
        "w_shared_up_proj": w_shared_up_proj,
        "w_shared_down_proj": w_shared_down_proj,
        "w_shared_expert_gate": w_shared_expert_gate,
    }


def reference(hidden_states, w_router, w_gate, w_up, w_down,
              w_shared_gate_proj, w_shared_up_proj, w_shared_down_proj,
              w_shared_expert_gate):
    x = hidden_states.reshape(-1, D)
    num_tokens = x.shape[0]

    # ---- shared expert path (Qwen2MoeMLP + sigmoid gate) ----
    shared_h = _silu(x @ w_shared_gate_proj) * (x @ w_shared_up_proj)
    shared_out = shared_h @ w_shared_down_proj
    seg = jax.nn.sigmoid(x @ w_shared_expert_gate.T)  # [T, 1]
    shared_out = seg * shared_out

    # ---- router + top-k (RenormalizeNaive: softmax -> topk -> renormalize) ----
    router_logits = x @ w_router.T                     # [T, E]
    probs = jax.nn.softmax(router_logits, axis=-1)
    topk_w, topk_idx = jax.lax.top_k(probs, K)         # [T, K]
    topk_w = topk_w / jnp.sum(topk_w, axis=-1, keepdims=True)

    # dense combine weights [T, E] via scatter-add (zero for unselected experts)
    comb = jnp.zeros((num_tokens, E), dtype=x.dtype)
    comb = comb.at[jnp.arange(num_tokens)[:, None], topk_idx].add(topk_w)

    # ---- experts: silu(x@Wg) * (x@Wu) @ Wd, weighted-combined ----
    g = jnp.einsum('td,edf->tef', x, w_gate)
    u = jnp.einsum('td,edf->tef', x, w_up)
    h = _silu(g) * u
    y = jnp.einsum('tef,efd->ted', h, w_down)
    moe_out = jnp.einsum('te,ted->td', comb, y)

    final = moe_out + shared_out
    return final.reshape(num_tokens, D)

if __name__ == "__main__":
    import jax
    _d = setup_inputs()
    print(jax.jit(kernel)(*tuple(_d.values())))

</pallas_src>

<mosaic_0001>
#map = affine_map<(d0, d1) -> (0, 0, 0)>
module attributes {stable_mosaic.version = 14 : i64} {
  func.func @_sc_router_body(%arg0: i32, %arg1: i32, %arg2: memref<8x64x16xf32, #tpu.memory_space<hbm>>, %arg3: memref<8x64x16xf32, #tpu.memory_space<hbm>>, %arg4: memref<64x16xf32, #tpu.memory_space<vmem>>, %arg5: memref<64x16xf32, #tpu.memory_space<vmem>>) attributes {dimension_semantics = [#tpu.dimension_semantics<core_parallel>, #tpu.dimension_semantics<subcore_parallel>], iteration_bounds = array<i64: 2, 16>, scalar_prefetch = 0 : i64, scratch_operands = 2 : i64, tpu.core_type = #tpu.core_type<sc_vector_subcore>, window_params = [{transform_indices = #map}, {transform_indices = #map}]} {
    %mul3A = arith.constant 2 : i32
    %mul3A_0 = arith.muli %arg1, %mul3A : i32
    %add3A = arith.addi %mul3A_0, %arg0 : i32
    %lt3A = arith.constant 8 : i32
    %lt3A_1 = arith.cmpi slt, %add3A, %lt3A : i32
    %convert_element_type3A = arith.extui %lt3A_1 : i1 to i32
    %cond3A = arith.constant 0 : i32
    %cond3A_2 = arith.cmpi ne, %convert_element_type3A, %cond3A : i32
    scf.if %cond3A_2 {
      "tpu.region"() ({
        %run_scoped3A = tpu.sem_alloc : memref<!tpu.dma_semaphore, #tpu.memory_space<semaphore_mem>>
        %dma_start3A = arith.constant 0 : i32
        %dma_start3A_2519 = arith.constant 0 : i32
        %dma_start3A_2520 = tpu.memref_slice %arg2[%add3A, %dma_start3A, %dma_start3A_2519] : memref<8x64x16xf32, #tpu.memory_space<hbm>> -> memref<1x64x16xf32, #tpu.memory_space<hbm>>
        %dma_start3A_2521 = tpu.memref_squeeze %dma_start3A_2520 : memref<1x64x16xf32, #tpu.memory_space<hbm>> -> memref<64x16xf32, #tpu.memory_space<hbm>>
        %dma_start3A_2522 = arith.constant 0 : i32
        %dma_start3A_2523 = arith.constant 0 : i32
        %dma_start3A_2524 = tpu.memref_slice %arg2[%add3A, %dma_start3A_2522, %dma_start3A_2523] : memref<8x64x16xf32, #tpu.memory_space<hbm>> -> memref<1x64x16xf32, #tpu.memory_space<hbm>>
        %dma_start3A_2525 = tpu.memref_squeeze %dma_start3A_2524 : memref<1x64x16xf32, #tpu.memory_space<hbm>> -> memref<64x16xf32, #tpu.memory_space<hbm>>
        tpu.enqueue_dma source(%dma_start3A_2525 : memref<64x16xf32, #tpu.memory_space<hbm>>) target(%arg4 : memref<64x16xf32, #tpu.memory_space<vmem>>) target_semaphore(%run_scoped3A : memref<!tpu.dma_semaphore, #tpu.memory_space<semaphore_mem>>)
        %dma_wait3A = arith.constant 0 : i32
        %dma_wait3A_2526 = arith.constant 0 : i32
        %dma_wait3A_2527 = tpu.memref_slice %arg2[%add3A, %dma_wait3A, %dma_wait3A_2526] : memref<8x64x16xf32, #tpu.memory_space<hbm>> -> memref<1x64x16xf32, #tpu.memory_space<hbm>>
        %dma_wait3A_2528 = tpu.memref_squeeze %dma_wait3A_2527 : memref<1x64x16xf32, #tpu.memory_space<hbm>> -> memref<64x16xf32, #tpu.memory_space<hbm>>
        %dma_wait3A_2529 = arith.constant 0 : i32
        %dma_wait3A_2530 = arith.constant 0 : i32
        %dma_wait3A_2531 = tpu.memref_slice %arg2[%add3A, %dma_wait3A_2529, %dma_wait3A_2530] : memref<8x64x16xf32, #tpu.memory_space<hbm>> -> memref<1x64x16xf32, #tpu.memory_space<hbm>>
        %dma_wait3A_2532 = tpu.memref_squeeze %dma_wait3A_2531 : memref<1x64x16xf32, #tpu.memory_space<hbm>> -> memref<64x16xf32, #tpu.memory_space<hbm>>
        tpu.wait_dma2 semaphore(%run_scoped3A : memref<!tpu.dma_semaphore, #tpu.memory_space<semaphore_mem>>) src(%dma_wait3A_2532 : memref<64x16xf32, #tpu.memory_space<hbm>>) dst(%arg4 : memref<64x16xf32, #tpu.memory_space<vmem>>)
        tpu.yield
      }) : () -> ()
      %broadcast_in_dim3A = arith.constant -3.000000e+38 : f32
      %broadcast_in_dim3A_3 = vector.broadcast %broadcast_in_dim3A : f32 to vector<16xf32>
      %get3A = arith.constant 0 : i32
      %get3A_4 = arith.index_cast %get3A : i32 to index
      %get3A_5 = arith.constant 0 : index
      %get3A_6 = tpu.vector_load %arg4[%get3A_4, %get3A_5] {strides = array<i32>} : memref<64x16xf32, #tpu.memory_space<vmem>>, vector<1x16xf32>,
      %get3A_7 = vector.shape_cast %get3A_6 : vector<1x16xf32> to vector<16xf32>
      %max3A = arith.maximumf %broadcast_in_dim3A_3, %get3A_7 : vector<16xf32>
      %min3A = arith.minimumf %broadcast_in_dim3A_3, %get3A_7 : vector<16xf32>
      %max3A_8 = arith.maximumf %broadcast_in_dim3A_3, %min3A : vector<16xf32>
      %min3A_9 = arith.minimumf %broadcast_in_dim3A_3, %min3A : vector<16xf32>
      %max3A_10 = arith.maximumf %broadcast_in_dim3A_3, %min3A_9 : vector<16xf32>
      %min3A_11 = arith.minimumf %broadcast_in_dim3A_3, %min3A_9 : vector<16xf32>
      %max3A_12 = arith.maximumf %broadcast_in_dim3A_3, %min3A_11 : vector<16xf32>
      %min3A_13 = arith.minimumf %broadcast_in_dim3A_3, %min3A_11 : vector<16xf32>
      %max3A_14 = arith.maximumf %broadcast_in_dim3A_3, %min3A_13 : vector<16xf32>
      %min3A_15 = arith.minimumf %broadcast_in_dim3A_3, %min3A_13 : vector<16xf32>
      %max3A_16 = arith.maximumf %broadcast_in_dim3A_3, %min3A_15 : vector<16xf32>
      %min3A_17 = arith.minimumf %broadcast_in_dim3A_3, %min3A_15 : vector<16xf32>
      %max3A_18 = arith.maximumf %broadcast_in_dim3A_3, %min3A_17 : vector<16xf32>
      %min3A_19 = arith.minimumf %broadcast_in_dim3A_3, %min3A_17 : vector<16xf32>
      %max3A_20 = arith.maximumf %broadcast_in_dim3A_3, %min3A_19 : vector<16xf32>
      %min3A_21 = arith.minimumf %broadcast_in_dim3A_3, %min3A_19 : vector<16xf32>
      %get3A_22 = arith.constant 1 : i32
      %get3A_23 = arith.index_cast %get3A_22 : i32 to index
      %get3A_24 = arith.constant 0 : index
      %get3A_25 = tpu.vector_load %arg4[%get3A_23, %get3A_24] {strides = array<i32>} : memref<64x16xf32, #tpu.memory_space<vmem>>, vector<1x16xf32>,
      %get3A_26 = vector.shape_cast %get3A_25 : vector<1x16xf32> to vector<16xf32>
      %max3A_27 = arith.maximumf %max3A, %get3A_26 : vector<16xf32>
      %min3A_28 = arith.minimumf %max3A, %get3A_26 : vector<16xf32>
      %max3A_29 = arith.maximumf %max3A_8, %min3A_28 : vector<16xf32>
      %min3A_30 = arith.minimumf %max3A_8, %min3A_28 : vector<16xf32>
      %max3A_31 = arith.maximumf %max3A_10, %min3A_30 : vector<16xf32>
      %min3A_32 = arith.minimumf %max3A_10, %min3A_30 : vector<16xf32>
      %max3A_33 = arith.maximumf %max3A_12, %min3A_32 : vector<16xf32>
      %min3A_34 = arith.minimumf %max3A_12, %min3A_32 : vector<16xf32>
      %max3A_35 = arith.maximumf %max3A_14, %min3A_34 : vector<16xf32>
      %min3A_36 = arith.minimumf %max3A_14, %min3A_34 : vector<16xf32>
      %max3A_37 = arith.maximumf %max3A_16, %min3A_36 : vector<16xf32>
      %min3A_38 = arith.minimumf %max3A_16, %min3A_36 : vector<16xf32>
      %max3A_39 = arith.maximumf %max3A_18, %min3A_38 : vector<16xf32>
      %min3A_40 = arith.minimumf %max3A_18, %min3A_38 : vector<16xf32>
      %max3A_41 = arith.maximumf %max3A_20, %min3A_40 : vector<16xf32>
      %min3A_42 = arith.minimumf %max3A_20, %min3A_40 : vector<16xf32>
      %get3A_43 = arith.constant 2 : i32
      %get3A_44 = arith.index_cast %get3A_43 : i32 to index
      %get3A_45 = arith.constant 0 : index
      %get3A_46 = tpu.vector_load %arg4[%get3A_44, %get3A_45] {strides = array<i32>} : memref<64x16xf32, #tpu.memory_space<vmem>>, vector<1x16xf32>,
      %get3A_47 = vector.shape_cast %get3A_46 : vector<1x16xf32> to vector<16xf32>
      %max3A_48 = arith.maximumf %max3A_27, %get3A_47 : vector<16xf32>
      %min3A_49 = arith.minimumf %max3A_27, %get3A_47 : vector<16xf32>
      %max3A_50 = arith.maximumf %max3A_29, %min3A_49 : vector<16xf32>
      %min3A_51 = arith.minimumf %max3A_29, %min3A_49 : vector<16xf32>
      %max3A_52 = arith.maximumf %max3A_31, %min3A_51 : vector<16xf32>
      %min3A_53 = arith.minimumf %max3A_31, %min3A_51 : vector<16xf32>
      %max3A_54 = arith.maximumf %max3A_33, %min3A_53 : vector<16xf32>
      %min3A_55 = arith.minimumf %max3A_33, %min3A_53 : vector<16xf32>
      %max3A_56 = arith.maximumf %max3A_35, %min3A_55 : vector<16xf32>
      %min3A_57 = arith.minimumf %max3A_35, %min3A_55 : vector<16xf32>
      %max3A_58 = arith.maximumf %max3A_37, %min3A_57 : vector<16xf32>
      %min3A_59 = arith.minimumf %max3A_37, %min3A_57 : vector<16xf32>
      %max3A_60 = arith.maximumf %max3A_39, %min3A_59 : vector<16xf32>
      %min3A_61 = arith.minimumf %max3A_39, %min3A_59 : vector<16xf32>
      %max3A_62 = arith.maximumf %max3A_41, %min3A_61 : vector<16xf32>
      %min3A_63 = arith.minimumf %max3A_41, %min3A_61 : vector<16xf32>
      %get3A_64 = arith.constant 3 : i32
      %get3A_65 = arith.index_cast %get3A_64 : i32 to index
      %get3A_66 = arith.constant 0 : index
      %get3A_67 = tpu.vector_load %arg4[%get3A_65, %get3A_66] {strides = array<i32>} : memref<64x16xf32, #tpu.memory_space<vmem>>, vector<1x16xf32>,
      %get3A_68 = vector.shape_cast %get3A_67 : vector<1x16xf32> to vector<16xf32>
      %max3A_69 = arith.maximumf %max3A_48, %get3A_68 : vector<16xf32>
      %min3A_70 = arith.minimumf %max3A_48, %get3A_68 : vector<16xf32>
      %max3A_71 = arith.maximumf %max3A_50, %min3A_70 : vector<16xf32>
      %min3A_72 = arith.minimumf %max3A_50, %min3A_70 : vector<16xf32>
      %max3A_73 = arith.maximumf %max3A_52, %min3A_72 : vector<16xf32>
      %min3A_74 = arith.minimumf %max3A_52, %min3A_72 : vector<16xf32>
      %max3A_75 = arith.maximumf %max3A_54, %min3A_74 : vector<16xf32>
      %min3A_76 = arith.minimumf %max3A_54, %min3A_74 : vector<16xf32>
      %max3A_77 = arith.maximumf %max3A_56, %min3A_76 : vector<16xf32>
      %min3A_78 = arith.minimumf %max3A_56, %min3A_76 : vector<16xf32>
      %max3A_79 = arith.maximumf %max3A_58, %min3A_78 : vector<16xf32>
      %min3A_80 = arith.minimumf %max3A_58, %min3A_78 : vector<16xf32>
      %max3A_81 = arith.maximumf %max3A_60, %min3A_80 : vector<16xf32>
      %min3A_82 = arith.minimumf %max3A_60, %min3A_80 : vector<16xf32>
      %max3A_83 = arith.maximumf %max3A_62, %min3A_82 : vector<16xf32>
      %min3A_84 = arith.minimumf %max3A_62, %min3A_82 : vector<16xf32>
      %get3A_85 = arith.constant 4 : i32
      %get3A_86 = arith.index_cast %get3A_85 : i32 to index
      %get3A_87 = arith.constant 0 : index
      %get3A_88 = tpu.vector_load %arg4[%get3A_86, %get3A_87] {strides = array<i32>} : memref<64x16xf32, #tpu.memory_space<vmem>>, vector<1x16xf32>,
      %get3A_89 = vector.shape_cast %get3A_88 : vector<1x16xf32> to vector<16xf32>
      %max3A_90 = arith.maximumf %max3A_69, %get3A_89 : vector<16xf32>
      %min3A_91 = arith.minimumf %max3A_69, %get3A_89 : vector<16xf32>
      %max3A_92 = arith.maximumf %max3A_71, %min3A_91 : vector<16xf32>
      %min3A_93 = arith.minimumf %max3A_71, %min3A_91 : vector<16xf32>
      %max3A_94 = arith.maximumf %max3A_73, %min3A_93 : vector<16xf32>
      %min3A_95 = arith.minimumf %max3A_73, %min3A_93 : vector<16xf32>
      %max3A_96 = arith.maximumf %max3A_75, %min3A_95 : vector<16xf32>
      %min3A_97 = arith.minimumf %max3A_75, %min3A_95 : vector<16xf32>
      %max3A_98 = arith.maximumf %max3A_77, %min3A_97 : vector<16xf32>
      %min3A_99 = arith.minimumf %max3A_77, %min3A_97 : vector<16xf32>
      %max3A_100 = arith.maximumf %max3A_79, %min3A_99 : vector<16xf32>
      %min3A_101 = arith.minimumf %max3A_79, %min3A_99 : vector<16xf32>
      %max3A_102 = arith.maximumf %max3A_81, %min3A_101 : vector<16xf32>
      %min3A_103 = arith.minimumf %max3A_81, %min3A_101 : vector<16xf32>
      %max3A_104 = arith.maximumf %max3A_83, %min3A_103 : vector<16xf32>
      %min3A_105 = arith.minimumf %max3A_83, %min3A_103 : vector<16xf32>
      %get3A_106 = arith.constant 5 : i32
      %get3A_107 = arith.index_cast %get3A_106 : i32 to index
      %get3A_108 = arith.constant 0 : index
      %get3A_109 = tpu.vector_load %arg4[%get3A_107, %get3A_108] {strides = array<i32>} : memref<64x16xf32, #tpu.memory_space<vmem>>, vector<1x16xf32>,
      %get3A_110 = vector.shape_cast %get3A_109 : vector<1x16xf32> to vector<16xf32>
      %max3A_111 = arith.maximumf %max3A_90, %get3A_110 : vector<16xf32>
      %min3A_112 = arith.minimumf %max3A_90, %get3A_110 : vector<16xf32>
      %max3A_113 = arith.maximumf %max3A_92, %min3A_112 : vector<16xf32>
      %min3A_114 = arith.minimumf %max3A_92, %min3A_112 : vector<16xf32>
      %max3A_115 = arith.maximumf %max3A_94, %min3A_114 : vector<16xf32>
      %min3A_116 = arith.minimumf %max3A_94, %min3A_114 : vector<16xf32>
      %max3A_117 = arith.maximumf %max3A_96, %min3A_116 : vector<16xf32>
      %min3A_118 = arith.minimumf %max3A_96, %min3A_116 : vector<16xf32>
      %max3A_119 = arith.maximumf %max3A_98, %min3A_118 : vector<16xf32>
      %min3A_120 = arith.minimumf %max3A_98, %min3A_118 : vector<16xf32>
      %max3A_121 = arith.maximumf %max3A_100, %min3A_120 : vector<16xf32>
      %min3A_122 = arith.minimumf %max3A_100, %min3A_120 : vector<16xf32>
      %max3A_123 = arith.maximumf %max3A_102, %min3A_122 : vector<16xf32>
      %min3A_124 = arith.minimumf %max3A_102, %min3A_122 : vector<16xf32>
      %max3A_125 = arith.maximumf %max3A_104, %min3A_124 : vector<16xf32>
      %min3A_126 = arith.minimumf %max3A_104, %min3A_124 : vector<16xf32>
      %get3A_127 = arith.constant 6 : i32
      %get3A_128 = arith.index_cast %get3A_127 : i32 to index
      %get3A_129 = arith.constant 0 : index
      %get3A_130 = tpu.vector_load %arg4[%get3A_128, %get3A_129] {strides = array<i32>} : memref<64x16xf32, #tpu.memory_space<vmem>>, vector<1x16xf32>,
      %get3A_131 = vector.shape_cast %get3A_130 : vector<1x16xf32> to vector<16xf32>
      %max3A_132 = arith.maximumf %max3A_111, %get3A_131 : vector<16xf32>
      %min3A_133 = arith.minimumf %max3A_111, %get3A_131 : vector<16xf32>
      %max3A_134 = arith.maximumf %max3A_113, %min3A_133 : vector<16xf32>
      %min3A_135 = arith.minimumf %max3A_113, %min3A_133 : vector<16xf32>
      %max3A_136 = arith.maximumf %max3A_115, %min3A_135 : vector<16xf32>
      %min3A_137 = arith.minimumf %max3A_115, %min3A_135 : vector<16xf32>
      %max3A_138 = arith.maximumf %max3A_117, %min3A_137 : vector<16xf32>
      %min3A_139 = arith.minimumf %max3A_117, %min3A_137 : vector<16xf32>
      %max3A_140 = arith.maximumf %max3A_119, %min3A_139 : vector<16xf32>
      %min3A_141 = arith.minimumf %max3A_119, %min3A_139 : vector<16xf32>
      %max3A_142 = arith.maximumf %max3A_121, %min3A_141 : vector<16xf32>
      %min3A_143 = arith.minimumf %max3A_121, %min3A_141 : vector<16xf32>
      %max3A_144 = arith.maximumf %max3A_123, %min3A_143 : vector<16xf32>
      %min3A_145 = arith.minimumf %max3A_123, %min3A_143 : vector<16xf32>
      %max3A_146 = arith.maximumf %max3A_125, %min3A_145 : vector<16xf32>
      %min3A_147 = arith.minimumf %max3A_125, %min3A_145 : vector<16xf32>
      %get3A_148 = arith.constant 7 : i32
      %get3A_149 = arith.index_cast %get3A_148 : i32 to index
      %get3A_150 = arith.constant 0 : index
      %get3A_151 = tpu.vector_load %arg4[%get3A_149, %get3A_150] {strides = array<i32>} : memref<64x16xf32, #tpu.memory_space<vmem>>, vector<1x16xf32>,
      %get3A_152 = vector.shape_cast %get3A_151 : vector<1x16xf32> to vector<16xf32>
      %max3A_153 = arith.maximumf %max3A_132, %get3A_152 : vector<16xf32>
      %min3A_154 = arith.minimumf %max3A_132, %get3A_152 : vector<16xf32>
      %max3A_155 = arith.maximumf %max3A_134, %min3A_154 : vector<16xf32>
      %min3A_156 = arith.minimumf %max3A_134, %min3A_154 : vector<16xf32>
      %max3A_157 = arith.maximumf %max3A_136, %min3A_156 : vector<16xf32>
      %min3A_158 = arith.minimumf %max3A_136, %min3A_156 : vector<16xf32>
      %max3A_159 = arith.maximumf %max3A_138, %min3A_158 : vector<16xf32>
      %min3A_160 = arith.minimumf %max3A_138, %min3A_158 : vector<16xf32>
      %max3A_161 = arith.maximumf %max3A_140, %min3A_160 : vector<16xf32>
      %min3A_162 = arith.minimumf %max3A_140, %min3A_160 : vector<16xf32>
      %max3A_163 = arith.maximumf %max3A_142, %min3A_162 : vector<16xf32>
      %min3A_164 = arith.minimumf %max3A_142, %min3A_162 : vector<16xf32>
      %max3A_165 = arith.maximumf %max3A_144, %min3A_164 : vector<16xf32>
      %min3A_166 = arith.minimumf %max3A_144, %min3A_164 : vector<16xf32>
      %max3A_167 = arith.maximumf %max3A_146, %min3A_166 : vector<16xf32>
      %min3A_168 = arith.minimumf %max3A_146, %min3A_166 : vector<16xf32>
      %get3A_169 = arith.constant 8 : i32
      %get3A_170 = arith.index_cast %get3A_169 : i32 to index
      %get3A_171 = arith.constant 0 : index
      %get3A_172 = tpu.vector_load %arg4[%get3A_170, %get3A_171] {strides = array<i32>} : memref<64x16xf32, #tpu.memory_space<vmem>>, vector<1x16xf32>,
      %get3A_173 = vector.shape_cast %get3A_172 : vector<1x16xf32> to vector<16xf32>
      %max3A_174 = arith.maximumf %max3A_153, %get3A_173 : vector<16xf32>
      %min3A_175 = arith.minimumf %max3A_153, %get3A_173 : vector<16xf32>
      %max3A_176 = arith.maximumf %max3A_155, %min3A_175 : vector<16xf32>
      %min3A_177 = arith.minimumf %max3A_155, %min3A_175 : vector<16xf32>
      %max3A_178 = arith.maximumf %max3A_157, %min3A_177 : vector<16xf32>
      %min3A_179 = arith.minimumf %max3A_157, %min3A_177 : vector<16xf32>
      %max3A_180 = arith.maximumf %max3A_159, %min3A_179 : vector<16xf32>
      %min3A_181 = arith.minimumf %max3A_159, %min3A_179 : vector<16xf32>
      %max3A_182 = arith.maximumf %max3A_161, %min3A_181 : vector<16xf32>
      %min3A_183 = arith.minimumf %max3A_161, %min3A_181 : vector<16xf32>
      %max3A_184 = arith.maximumf %max3A_163, %min3A_183 : vector<16xf32>
      %min3A_185 = arith.minimumf %max3A_163, %min3A_183 : vector<16xf32>
      %max3A_186 = arith.maximumf %max3A_165, %min3A_185 : vector<16xf32>
      %min3A_187 = arith.minimumf %max3A_165, %min3A_185 : vector<16xf32>
      %max3A_188 = arith.maximumf %max3A_167, %min3A_187 : vector<16xf32>
      %min3A_189 = arith.minimumf %max3A_167, %min3A_187 : vector<16xf32>
      %get3A_190 = arith.constant 9 : i32
      %get3A_191 = arith.index_cast %get3A_190 : i32 to index
      %get3A_192 = arith.constant 0 : index
      %get3A_193 = tpu.vector_load %arg4[%get3A_191, %get3A_192] {strides = array<i32>} : memref<64x16xf32, #tpu.memory_space<vmem>>, vector<1x16xf32>,
      %get3A_194 = vector.shape_cast %get3A_193 : vector<1x16xf32> to vector<16xf32>
      %max3A_195 = arith.maximumf %max3A_174, %get3A_194 : vector<16xf32>
      %min3A_196 = arith.minimumf %max3A_174, %get3A_194 : vector<16xf32>
      %max3A_197 = arith.maximumf %max3A_176, %min3A_196 : vector<16xf32>
      %min3A_198 = arith.minimumf %max3A_176, %min3A_196 : vector<16xf32>
      %max3A_199 = arith.maximumf %max3A_178, %min3A_198 : vector<16xf32>
      %min3A_200 = arith.minimumf %max3A_178, %min3A_198 : vector<16xf32>
      %max3A_201 = arith.maximumf %max3A_180, %min3A_200 : vector<16xf32>
      %min3A_202 = arith.minimumf %max3A_180, %min3A_200 : vector<16xf32>
      %max3A_203 = arith.maximumf %max3A_182, %min3A_202 : vector<16xf32>
      %min3A_204 = arith.minimumf %max3A_182, %min3A_202 : vector<16xf32>
      %max3A_205 = arith.maximumf %max3A_184, %min3A_204 : vector<16xf32>
      %min3A_206 = arith.minimumf %max3A_184, %min3A_204 : vector<16xf32>
      %max3A_207 = arith.maximumf %max3A_186, %min3A_206 : vector<16xf32>
      %min3A_208 = arith.minimumf %max3A_186, %min3A_206 : vector<16xf32>
      %max3A_209 = arith.maximumf %max3A_188, %min3A_208 : vector<16xf32>
      %min3A_210 = arith.minimumf %max3A_188, %min3A_208 : vector<16xf32>
      %get3A_211 = arith.constant 10 : i32
      %get3A_212 = arith.index_cast %get3A_211 : i32 to index
      %get3A_213 = arith.constant 0 : index
      %get3A_214 = tpu.vector_load %arg4[%get3A_212, %get3A_213] {strides = array<i32>} : memref<64x16xf32, #tpu.memory_space<vmem>>, vector<1x16xf32>,
      %get3A_215 = vector.shape_cast %get3A_214 : vector<1x16xf32> to vector<16xf32>
      %max3A_216 = arith.maximumf %max3A_195, %get3A_215 : vector<16xf32>
      %min3A_217 = arith.minimumf %max3A_195, %get3A_215 : vector<16xf32>
      %max3A_218 = arith.maximumf %max3A_197, %min3A_217 : vector<16xf32>
      %min3A_219 = arith.minimumf %max3A_197, %min3A_217 : vector<16xf32>
      %max3A_220 = arith.maximumf %max3A_199, %min3A_219 : vector<16xf32>
      %min3A_221 = arith.minimumf %max3A_199, %min3A_219 : vector<16xf32>
      %max3A_222 = arith.maximumf %max3A_201, %min3A_221 : vector<16xf32>
      %min3A_223 = arith.minimumf %max3A_201, %min3A_221 : vector<16xf32>
      %max3A_224 = arith.maximumf %max3A_203, %min3A_223 : vector<16xf32>
      %min3A_225 = arith.minimumf %max3A_203, %min3A_223 : vector<16xf32>
      %max3A_226 = arith.maximumf %max3A_205, %min3A_225 : vector<16xf32>
      %min3A_227 = arith.minimumf %max3A_205, %min3A_225 : vector<16xf32>
      %max3A_228 = arith.maximumf %max3A_207, %min3A_227 : vector<16xf32>
      %min3A_229 = arith.minimumf %max3A_207, %min3A_227 : vector<16xf32>
      %max3A_230 = arith.maximumf %max3A_209, %min3A_229 : vector<16xf32>
      %min3A_231 = arith.minimumf %max3A_209, %min3A_229 : vector<16xf32>
      %get3A_232 = arith.constant 11 : i32
      %get3A_233 = arith.index_cast %get3A_232 : i32 to index
      %get3A_234 = arith.constant 0 : index
      %get3A_235 = tpu.vector_load %arg4[%get3A_233, %get3A_234] {strides = array<i32>} : memref<64x16xf32, #tpu.memory_space<vmem>>, vector<1x16xf32>,
      %get3A_236 = vector.shape_cast %get3A_235 : vector<1x16xf32> to vector<16xf32>
      %max3A_237 = arith.maximumf %max3A_216, %get3A_236 : vector<16xf32>
      %min3A_238 = arith.minimumf %max3A_216, %get3A_236 : vector<16xf32>
      %max3A_239 = arith.maximumf %max3A_218, %min3A_238 : vector<16xf32>
      %min3A_240 = arith.minimumf %max3A_218, %min3A_238 : vector<16xf32>
      %max3A_241 = arith.maximumf %max3A_220, %min3A_240 : vector<16xf32>
      %min3A_242 = arith.minimumf %max3A_220, %min3A_240 : vector<16xf32>
      %max3A_243 = arith.maximumf %max3A_222, %min3A_242 : vector<16xf32>
      %min3A_244 = arith.minimumf %max3A_222, %min3A_242 : vector<16xf32>
      %max3A_245 = arith.maximumf %max3A_224, %min3A_244 : vector<16xf32>
      %min3A_246 = arith.minimumf %max3A_224, %min3A_244 : vector<16xf32>
      %max3A_247 = arith.maximumf %max3A_226, %min3A_246 : vector<16xf32>
      %min3A_248 = arith.minimumf %max3A_226, %min3A_246 : vector<16xf32>
      %max3A_249 = arith.maximumf %max3A_228, %min3A_248 : vector<16xf32>
      %min3A_250 = arith.minimumf %max3A_228, %min3A_248 : vector<16xf32>
      %max3A_251 = arith.maximumf %max3A_230, %min3A_250 : vector<16xf32>
      %min3A_252 = arith.minimumf %max3A_230, %min3A_250 : vector<16xf32>
      %get3A_253 = arith.constant 12 : i32
      %get3A_254 = arith.index_cast %get3A_253 : i32 to index
      %get3A_255 = arith.constant 0 : index
      %get3A_256 = tpu.vector_load %arg4[%get3A_254, %get3A_255] {strides = array<i32>} : memref<64x16xf32, #tpu.memory_space<vmem>>, vector<1x16xf32>,
      %get3A_257 = vector.shape_cast %get3A_256 : vector<1x16xf32> to vector<16xf32>
      %max3A_258 = arith.maximumf %max3A_237, %get3A_257 : vector<16xf32>
      %min3A_259 = arith.minimumf %max3A_237, %get3A_257 : vector<16xf32>
      %max3A_260 = arith.maximumf %max3A_239, %min3A_259 : vector<16xf32>
      %min3A_261 = arith.minimumf %max3A_239, %min3A_259 : vector<16xf32>
      %max3A_262 = arith.maximumf %max3A_241, %min3A_261 : vector<16xf32>
      %min3A_263 = arith.minimumf %max3A_241, %min3A_261 : vector<16xf32>
      %max3A_264 = arith.maximumf %max3A_243, %min3A_263 : vector<16xf32>
      %min3A_265 = arith.minimumf %max3A_243, %min3A_263 : vector<16xf32>
      %max3A_266 = arith.maximumf %max3A_245, %min3A_265 : vector<16xf32>
      %min3A_267 = arith.minimumf %max3A_245, %min3A_265 : vector<16xf32>
      %max3A_268 = arith.maximumf %max3A_247, %min3A_267 : vector<16xf32>
      %min3A_269 = arith.minimumf %max3A_247, %min3A_267 : vector<16xf32>
      %max3A_270 = arith.maximumf %max3A_249, %min3A_269 : vector<16xf32>
      %min3A_271 = arith.minimumf %max3A_249, %min3A_269 : vector<16xf32>
      %max3A_272 = arith.maximumf %max3A_251, %min3A_271 : vector<16xf32>
      %min3A_273 = arith.minimumf %max3A_251, %min3A_271 : vector<16xf32>
      %get3A_274 = arith.constant 13 : i32
      %get3A_275 = arith.index_cast %get3A_274 : i32 to index
      %get3A_276 = arith.constant 0 : index
      %get3A_277 = tpu.vector_load %arg4[%get3A_275, %get3A_276] {strides = array<i32>} : memref<64x16xf32, #tpu.memory_space<vmem>>, vector<1x16xf32>,
      %get3A_278 = vector.shape_cast %get3A_277 : vector<1x16xf32> to vector<16xf32>
      %max3A_279 = arith.maximumf %max3A_258, %get3A_278 : vector<16xf32>
      %min3A_280 = arith.minimumf %max3A_258, %get3A_278 : vector<16xf32>
      %max3A_281 = arith.maximumf %max3A_260, %min3A_280 : vector<16xf32>
      %min3A_282 = arith.minimumf %max3A_260, %min3A_280 : vector<16xf32>
      %max3A_283 = arith.maximumf %max3A_262, %min3A_282 : vector<16xf32>
      %min3A_284 = arith.minimumf %max3A_262, %min3A_282 : vector<16xf32>
      %max3A_285 = arith.maximumf %max3A_264, %min3A_284 : vector<16xf32>
      %min3A_286 = arith.minimumf %max3A_264, %min3A_284 : vector<16xf32>
      %max3A_287 = arith.maximumf %max3A_266, %min3A_286 : vector<16xf32>
      %min3A_288 = arith.minimumf %max3A_266, %min3A_286 : vector<16xf32>
      %max3A_289 = arith.maximumf %max3A_268, %min3A_288 : vector<16xf32>
      %min3A_290 = arith.minimumf %max3A_268, %min3A_288 : vector<16xf32>
      %max3A_291 = arith.maximumf %max3A_270, %min3A_290 : vector<16xf32>
      %min3A_292 = arith.minimumf %max3A_270, %min3A_290 : vector<16xf32>
      %max3A_293 = arith.maximumf %max3A_272, %min3A_292 : vector<16xf32>
      %min3A_294 = arith.minimumf %max3A_272, %min3A_292 : vector<16xf32>
      %get3A_295 = arith.constant 14 : i32
      %get3A_296 = arith.index_cast %get3A_295 : i32 to index
      %get3A_297 = arith.constant 0 : index
      %get3A_298 = tpu.vector_load %arg4[%get3A_296, %get3A_297] {strides = array<i32>} : memref<64x16xf32, #tpu.memory_space<vmem>>, vector<1x16xf32>,
      %get3A_299 = vector.shape_cast %get3A_298 : vector<1x16xf32> to vector<16xf32>
      %max3A_300 = arith.maximumf %max3A_279, %get3A_299 : vector<16xf32>
      %min3A_301 = arith.minimumf %max3A_279, %get3A_299 : vector<16xf32>
      %max3A_302 = arith.maximumf %max3A_281, %min3A_301 : vector<16xf32>
      %min3A_303 = arith.minimumf %max3A_281, %min3A_301 : vector<16xf32>
      %max3A_304 = arith.maximumf %max3A_283, %min3A_303 : vector<16xf32>
      %min3A_305 = arith.minimumf %max3A_283, %min3A_303 : vector<16xf32>
      %max3A_306 = arith.maximumf %max3A_285, %min3A_305 : vector<16xf32>
      %min3A_307 = arith.minimumf %max3A_285, %min3A_305 : vector<16xf32>
      %max3A_308 = arith.maximumf %max3A_287, %min3A_307 : vector<16xf32>
      %min3A_309 = arith.minimumf %max3A_287, %min3A_307 : vector<16xf32>
      %max3A_310 = arith.maximumf %max3A_289, %min3A_309 : vector<16xf32>
      %min3A_311 = arith.minimumf %max3A_289, %min3A_309 : vector<16xf32>
      %max3A_312 = arith.maximumf %max3A_291, %min3A_311 : vector<16xf32>
      %min3A_313 = arith.minimumf %max3A_291, %min3A_311 : vector<16xf32>
      %max3A_314 = arith.maximumf %max3A_293, %min3A_313 : vector<16xf32>
      %min3A_315 = arith.minimumf %max3A_293, %min3A_313 : vector<16xf32>
      %get3A_316 = arith.constant 15 : i32
      %get3A_317 = arith.index_cast %get3A_316 : i32 to index
      %get3A_318 = arith.constant 0 : index
      %get3A_319 = tpu.vector_load %arg4[%get3A_317, %get3A_318] {strides = array<i32>} : memref<64x16xf32, #tpu.memory_space<vmem>>, vector<1x16xf32>,
      %get3A_320 = vector.shape_cast %get3A_319 : vector<1x16xf32> to vector<16xf32>
      %max3A_321 = arith.maximumf %max3A_300, %get3A_320 : vector<16xf32>
      %min3A_322 = arith.minimumf %max3A_300, %get3A_320 : vector<16xf32>
      %max3A_323 = arith.maximumf %max3A_302, %min3A_322 : vector<16xf32>
      %min3A_324 = arith.minimumf %max3A_302, %min3A_322 : vector<16xf32>
      %max3A_325 = arith.maximumf %max3A_304, %min3A_324 : vector<16xf32>
      %min3A_326 = arith.minimumf %max3A_304, %min3A_324 : vector<16xf32>
      %max3A_327 = arith.maximumf %max3A_306, %min3A_326 : vector<16xf32>
      %min3A_328 = arith.minimumf %max3A_306, %min3A_326 : vector<16xf32>
      %max3A_329 = arith.maximumf %max3A_308, %min3A_328 : vector<16xf32>
      %min3A_330 = arith.minimumf %max3A_308, %min3A_328 : vector<16xf32>
      %max3A_331 = arith.maximumf %max3A_310, %min3A_330 : vector<16xf32>
      %min3A_332 = arith.minimumf %max3A_310, %min3A_330 : vector<16xf32>
      %max3A_333 = arith.maximumf %max3A_312, %min3A_332 : vector<16xf32>
      %min3A_334 = arith.minimumf %max3A_312, %min3A_332 : vector<16xf32>
      %max3A_335 = arith.maximumf %max3A_314, %min3A_334 : vector<16xf32>
      %min3A_336 = arith.minimumf %max3A_314, %min3A_334 : vector<16xf32>
      %get3A_337 = arith.constant 16 : i32
      %get3A_338 = arith.index_cast %get3A_337 : i32 to index
      %get3A_339 = arith.constant 0 : index
      %get3A_340 = tpu.vector_load %arg4[%get3A_338, %get3A_339] {strides = array<i32>} : memref<64x16xf32, #tpu.memory_space<vmem>>, vector<1x16xf32>,
      %get3A_341 = vector.shape_cast %get3A_340 : vector<1x16xf32> to vector<16xf32>
      %max3A_342 = arith.maximumf %max3A_321, %get3A_341 : vector<16xf32>
      %min3A_343 = arith.minimumf %max3A_321, %get3A_341 : vector<16xf32>
      %max3A_344 = arith.maximumf %max3A_323, %min3A_343 : vector<16xf32>
      %min3A_345 = arith.minimumf %max3A_323, %min3A_343 : vector<16xf32>
      %max3A_346 = arith.maximumf %max3A_325, %min3A_345 : vector<16xf32>
      %min3A_347 = arith.minimumf %max3A_325, %min3A_345 : vector<16xf32>
      %max3A_348 = arith.maximumf %max3A_327, %min3A_347 : vector<16xf32>
      %min3A_349 = arith.minimumf %max3A_327, %min3A_347 : vector<16xf32>
      %max3A_350 = arith.maximumf %max3A_329, %min3A_349 : vector<16xf32>
      %min3A_351 = arith.minimumf %max3A_329, %min3A_349 : vector<16xf32>
      %max3A_352 = arith.maximumf %max3A_331, %min3A_351 : vector<16xf32>
      %min3A_353 = arith.minimumf %max3A_331, %min3A_351 : vector<16xf32>
      %max3A_354 = arith.maximumf %max3A_333, %min3A_353 : vector<16xf32>
      %min3A_355 = arith.minimumf %max3A_333, %min3A_353 : vector<16xf32>
      %max3A_356 = arith.maximumf %max3A_335, %min3A_355 : vector<16xf32>
      %min3A_357 = arith.minimumf %max3A_335, %min3A_355 : vector<16xf32>
      %get3A_358 = arith.constant 17 : i32
      %get3A_359 = arith.index_cast %get3A_358 : i32 to index
      %get3A_360 = arith.constant 0 : index
      %get3A_361 = tpu.vector_load %arg4[%get3A_359, %get3A_360] {strides = array<i32>} : memref<64x16xf32, #tpu.memory_space<vmem>>, vector<1x16xf32>,
      %get3A_362 = vector.shape_cast %get3A_361 : vector<1x16xf32> to vector<16xf32>
      %max3A_363 = arith.maximumf %max3A_342, %get3A_362 : vector<16xf32>
      %min3A_364 = arith.minimumf %max3A_342, %get3A_362 : vector<16xf32>
      %max3A_365 = arith.maximumf %max3A_344, %min3A_364 : vector<16xf32>
      %min3A_366 = arith.minimumf %max3A_344, %min3A_364 : vector<16xf32>
      %max3A_367 = arith.maximumf %max3A_346, %min3A_366 : vector<16xf32>
      %min3A_368 = arith.minimumf %max3A_346, %min3A_366 : vector<16xf32>
      %max3A_369 = arith.maximumf %max3A_348, %min3A_368 : vector<16xf32>
      %min3A_370 = arith.minimumf %max3A_348, %min3A_368 : vector<16xf32>
      %max3A_371 = arith.maximumf %max3A_350, %min3A_370 : vector<16xf32>
      %min3A_372 = arith.minimumf %max3A_350, %min3A_370 : vector<16xf32>
      %max3A_373 = arith.maximumf %max3A_352, %min3A_372 : vector<16xf32>
      %min3A_374 = arith.minimumf %max3A_352, %min3A_372 : vector<16xf32>
      %max3A_375 = arith.maximumf %max3A_354, %min3A_374 : vector<16xf32>
      %min3A_376 = arith.minimumf %max3A_354, %min3A_374 : vector<16xf32>
      %max3A_377 = arith.maximumf %max3A_356, %min3A_376 : vector<16xf32>
      %min3A_378 = arith.minimumf %max3A_356, %min3A_376 : vector<16xf32>
      %get3A_379 = arith.constant 18 : i32
      %get3A_380 = arith.index_cast %get3A_379 : i32 to index
      %get3A_381 = arith.constant 0 : index
      %get3A_382 = tpu.vector_load %arg4[%get3A_380, %get3A_381] {strides = array<i32>} : memref<64x16xf32, #tpu.memory_space<vmem>>, vector<1x16xf32>,
      %get3A_383 = vector.shape_cast %get3A_382 : vector<1x16xf32> to vector<16xf32>
      %max3A_384 = arith.maximumf %max3A_363, %get3A_383 : vector<16xf32>
      %min3A_385 = arith.minimumf %max3A_363, %get3A_383 : vector<16xf32>
      %max3A_386 = arith.maximumf %max3A_365, %min3A_385 : vector<16xf32>
      %min3A_387 = arith.minimumf %max3A_365, %min3A_385 : vector<16xf32>
      %max3A_388 = arith.maximumf %max3A_367, %min3A_387 : vector<16xf32>
      %min3A_389 = arith.minimumf %max3A_367, %min3A_387 : vector<16xf32>
      %max3A_390 = arith.maximumf %max3A_369, %min3A_389 : vector<16xf32>
      %min3A_391 = arith.minimumf %max3A_369, %min3A_389 : vector<16xf32>
      %max3A_392 = arith.maximumf %max3A_371, %min3A_391 : vector<16xf32>
      %min3A_393 = arith.minimumf %max3A_371, %min3A_391 : vector<16xf32>
      %max3A_394 = arith.maximumf %max3A_373, %min3A_393 : vector<16xf32>
      %min3A_395 = arith.minimumf %max3A_373, %min3A_393 : vector<16xf32>
      %max3A_396 = arith.maximumf %max3A_375, %min3A_395 : vector<16xf32>
      %min3A_397 = arith.minimumf %max3A_375, %min3A_395 : vector<16xf32>
      %max3A_398 = arith.maximumf %max3A_377, %min3A_397 : vector<16xf32>
      %min3A_399 = arith.minimumf %max3A_377, %min3A_397 : vector<16xf32>
      %get3A_400 = arith.constant 19 : i32
      %get3A_401 = arith.index_cast %get3A_400 : i32 to index
      %get3A_402 = arith.constant 0 : index
      %get3A_403 = tpu.vector_load %arg4[%get3A_401, %get3A_402] {strides = array<i32>} : memref<64x16xf32, #tpu.memory_space<vmem>>, vector<1x16xf32>,
      %get3A_404 = vector.shape_cast %get3A_403 : vector<1x16xf32> to vector<16xf32>
      %max3A_405 = arith.maximumf %max3A_384, %get3A_404 : vector<16xf32>
      %min3A_406 = arith.minimumf %max3A_384, %get3A_404 : vector<16xf32>
      %max3A_407 = arith.maximumf %max3A_386, %min3A_406 : vector<16xf32>
      %min3A_408 = arith.minimumf %max3A_386, %min3A_406 : vector<16xf32>
      %max3A_409 = arith.maximumf %max3A_388, %min3A_408 : vector<16xf32>
      %min3A_410 = arith.minimumf %max3A_388, %min3A_408 : vector<16xf32>
      %max3A_411 = arith.maximumf %max3A_390, %min3A_410 : vector<16xf32>
      %min3A_412 = arith.minimumf %max3A_390, %min3A_410 : vector<16xf32>
      %max3A_413 = arith.maximumf %max3A_392, %min3A_412 : vector<16xf32>
      %min3A_414 = arith.minimumf %max3A_392, %min3A_412 : vector<16xf32>
      %max3A_415 = arith.maximumf %max3A_394, %min3A_414 : vector<16xf32>
      %min3A_416 = arith.minimumf %max3A_394, %min3A_414 : vector<16xf32>
      %max3A_417 = arith.maximumf %max3A_396, %min3A_416 : vector<16xf32>
      %min3A_418 = arith.minimumf %max3A_396, %min3A_416 : vector<16xf32>
      %max3A_419 = arith.maximumf %max3A_398, %min3A_418 : vector<16xf32>
      %min3A_420 = arith.minimumf %max3A_398, %min3A_418 : vector<16xf32>
      %get3A_421 = arith.constant 20 : i32
      %get3A_422 = arith.index_cast %get3A_421 : i32 to index
      %get3A_423 = arith.constant 0 : index
      %get3A_424 = tpu.vector_load %arg4[%get3A_422, %get3A_423] {strides = array<i32>} : memref<64x16xf32, #tpu.memory_space<vmem>>, vector<1x16xf32>,
      %get3A_425 = vector.shape_cast %get3A_424 : vector<1x16xf32> to vector<16xf32>
      %max3A_426 = arith.maximumf %max3A_405, %get3A_425 : vector<16xf32>
      %min3A_427 = arith.minimumf %max3A_405, %get3A_425 : vector<16xf32>
      %max3A_428 = arith.maximumf %max3A_407, %min3A_427 : vector<16xf32>
      %min3A_429 = arith.minimumf %max3A_407, %min3A_427 : vector<16xf32>
      %max3A_430 = arith.maximumf %max3A_409, %min3A_429 : vector<16xf32>
      %min3A_431 = arith.minimumf %max3A_409, %min3A_429 : vector<16xf32>
      %max3A_432 = arith.maximumf %max3A_411, %min3A_431 : vector<16xf32>
      %min3A_433 = arith.minimumf %max3A_411, %min3A_431 : vector<16xf32>
      %max3A_434 = arith.maximumf %max3A_413, %min3A_433 : vector<16xf32>
      %min3A_435 = arith.minimumf %max3A_413, %min3A_433 : vector<16xf32>
      %max3A_436 = arith.maximumf %max3A_415, %min3A_435 : vector<16xf32>
      %min3A_437 = arith.minimumf %max3A_415, %min3A_435 : vector<16xf32>
      %max3A_438 = arith.maximumf %max3A_417, %min3A_437 : vector<16xf32>
      %min3A_439 = arith.minimumf %max3A_417, %min3A_437 : vector<16xf32>
      %max3A_440 = arith.maximumf %max3A_419, %min3A_439 : vector<16xf32>
      %min3A_441 = arith.minimumf %max3A_419, %min3A_439 : vector<16xf32>
      %get3A_442 = arith.constant 21 : i32
      %get3A_443 = arith.index_cast %get3A_442 : i32 to index
      %get3A_444 = arith.constant 0 : index
      %get3A_445 = tpu.vector_load %arg4[%get3A_443, %get3A_444] {strides = array<i32>} : memref<64x16xf32, #tpu.memory_space<vmem>>, vector<1x16xf32>,
      %get3A_446 = vector.shape_cast %get3A_445 : vector<1x16xf32> to vector<16xf32>
      %max3A_447 = arith.maximumf %max3A_426, %get3A_446 : vector<16xf32>
      %min3A_448 = arith.minimumf %max3A_426, %get3A_446 : vector<16xf32>
      %max3A_449 = arith.maximumf %max3A_428, %min3A_448 : vector<16xf32>
      %min3A_450 = arith.minimumf %max3A_428, %min3A_448 : vector<16xf32>
      %max3A_451 = arith.maximumf %max3A_430, %min3A_450 : vector<16xf32>
      %min3A_452 = arith.minimumf %max3A_430, %min3A_450 : vector<16xf32>
      %max3A_453 = arith.maximumf %max3A_432, %min3A_452 : vector<16xf32>
      %min3A_454 = arith.minimumf %max3A_432, %min3A_452 : vector<16xf32>
      %max3A_455 = arith.maximumf %max3A_434, %min3A_454 : vector<16xf32>
      %min3A_456 = arith.minimumf %max3A_434, %min3A_454 : vector<16xf32>
      %max3A_457 = arith.maximumf %max3A_436, %min3A_456 : vector<16xf32>
      %min3A_458 = arith.minimumf %max3A_436, %min3A_456 : vector<16xf32>
      %max3A_459 = arith.maximumf %max3A_438, %min3A_458 : vector<16xf32>
      %min3A_460 = arith.minimumf %max3A_438, %min3A_458 : vector<16xf32>
      %max3A_461 = arith.maximumf %max3A_440, %min3A_460 : vector<16xf32>
      %min3A_462 = arith.minimumf %max3A_440, %min3A_460 : vector<16xf32>
      %get3A_463 = arith.constant 22 : i32
      %get3A_464 = arith.index_cast %get3A_463 : i32 to index
      %get3A_465 = arith.constant 0 : index
      %get3A_466 = tpu.vector_load %arg4[%get3A_464, %get3A_465] {strides = array<i32>} : memref<64x16xf32, #tpu.memory_space<vmem>>, vector<1x16xf32>,
      %get3A_467 = vector.shape_cast %get3A_466 : vector<1x16xf32> to vector<16xf32>
      %max3A_468 = arith.maximumf %max3A_447, %get3A_467 : vector<16xf32>
      %min3A_469 = arith.minimumf %max3A_447, %get3A_467 : vector<16xf32>
      %max3A_470 = arith.maximumf %max3A_449, %min3A_469 : vector<16xf32>
      %min3A_471 = arith.minimumf %max3A_449, %min3A_469 : vector<16xf32>
      %max3A_472 = arith.maximumf %max3A_451, %min3A_471 : vector<16xf32>
      %min3A_473 = arith.minimumf %max3A_451, %min3A_471 : vector<16xf32>
      %max3A_474 = arith.maximumf %max3A_453, %min3A_473 : vector<16xf32>
      %min3A_475 = arith.minimumf %max3A_453, %min3A_473 : vector<16xf32>
      %max3A_476 = arith.maximumf %max3A_455, %min3A_475 : vector<16xf32>
      %min3A_477 = arith.minimumf %max3A_455, %min3A_475 : vector<16xf32>
      %max3A_478 = arith.maximumf %max3A_457, %min3A_477 : vector<16xf32>
      %min3A_479 = arith.minimumf %max3A_457, %min3A_477 : vector<16xf32>
      %max3A_480 = arith.maximumf %max3A_459, %min3A_479 : vector<16xf32>
      %min3A_481 = arith.minimumf %max3A_459, %min3A_479 : vector<16xf32>
      %max3A_482 = arith.maximumf %max3A_461, %min3A_481 : vector<16xf32>
      %min3A_483 = arith.minimumf %max3A_461, %min3A_481 : vector<16xf32>
      %get3A_484 = arith.constant 23 : i32
      %get3A_485 = arith.index_cast %get3A_484 : i32 to index
      %get3A_486 = arith.constant 0 : index
      %get3A_487 = tpu.vector_load %arg4[%get3A_485, %get3A_486] {strides = array<i32>} : memref<64x16xf32, #tpu.memory_space<vmem>>, vector<1x16xf32>,
      %get3A_488 = vector.shape_cast %get3A_487 : vector<1x16xf32> to vector<16xf32>
      %max3A_489 = arith.maximumf %max3A_468, %get3A_488 : vector<16xf32>
      %min3A_490 = arith.minimumf %max3A_468, %get3A_488 : vector<16xf32>
      %max3A_491 = arith.maximumf %max3A_470, %min3A_490 : vector<16xf32>
      %min3A_492 = arith.minimumf %max3A_470, %min3A_490 : vector<16xf32>
      %max3A_493 = arith.maximumf %max3A_472, %min3A_492 : vector<16xf32>
      %min3A_494 = arith.minimumf %max3A_472, %min3A_492 : vector<16xf32>
      %max3A_495 = arith.maximumf %max3A_474, %min3A_494 : vector<16xf32>
      %min3A_496 = arith.minimumf %max3A_474, %min3A_494 : vector<16xf32>
      %max3A_497 = arith.maximumf %max3A_476, %min3A_496 : vector<16xf32>
      %min3A_498 = arith.minimumf %max3A_476, %min3A_496 : vector<16xf32>
      %max3A_499 = arith.maximumf %max3A_478, %min3A_498 : vector<16xf32>
      %min3A_500 = arith.minimumf %max3A_478, %min3A_498 : vector<16xf32>
      %max3A_501 = arith.maximumf %max3A_480, %min3A_500 : vector<16xf32>
      %min3A_502 = arith.minimumf %max3A_480, %min3A_500 : vector<16xf32>
      %max3A_503 = arith.maximumf %max3A_482, %min3A_502 : vector<16xf32>
      %min3A_504 = arith.minimumf %max3A_482, %min3A_502 : vector<16xf32>
      %get3A_505 = arith.constant 24 : i32
      %get3A_506 = arith.index_cast %get3A_505 : i32 to index
      %get3A_507 = arith.constant 0 : index
      %get3A_508 = tpu.vector_load %arg4[%get3A_506, %get3A_507] {strides = array<i32>} : memref<64x16xf32, #tpu.memory_space<vmem>>, vector<1x16xf32>,
      %get3A_509 = vector.shape_cast %get3A_508 : vector<1x16xf32> to vector<16xf32>
      %max3A_510 = arith.maximumf %max3A_489, %get3A_509 : vector<16xf32>
      %min3A_511 = arith.minimumf %max3A_489, %get3A_509 : vector<16xf32>
      %max3A_512 = arith.maximumf %max3A_491, %min3A_511 : vector<16xf32>
      %min3A_513 = arith.minimumf %max3A_491, %min3A_511 : vector<16xf32>
      %max3A_514 = arith.maximumf %max3A_493, %min3A_513 : vector<16xf32>
      %min3A_515 = arith.minimumf %max3A_493, %min3A_513 : vector<16xf32>
      %max3A_516 = arith.maximumf %max3A_495, %min3A_515 : vector<16xf32>
      %min3A_517 = arith.minimumf %max3A_495, %min3A_515 : vector<16xf32>
      %max3A_518 = arith.maximumf %max3A_497, %min3A_517 : vector<16xf32>
      %min3A_519 = arith.minimumf %max3A_497, %min3A_517 : vector<16xf32>
      %max3A_520 = arith.maximumf %max3A_499, %min3A_519 : vector<16xf32>
      %min3A_521 = arith.minimumf %max3A_499, %min3A_519 : vector<16xf32>
      %max3A_522 = arith.maximumf %max3A_501, %min3A_521 : vector<16xf32>
      %min3A_523 = arith.minimumf %max3A_501, %min3A_521 : vector<16xf32>
      %max3A_524 = arith.maximumf %max3A_503, %min3A_523 : vector<16xf32>
      %min3A_525 = arith.minimumf %max3A_503, %min3A_523 : vector<16xf32>
      %get3A_526 = arith.constant 25 : i32
      %get3A_527 = arith.index_cast %get3A_526 : i32 to index
      %get3A_528 = arith.constant 0 : index
      %get3A_529 = tpu.vector_load %arg4[%get3A_527, %get3A_528] {strides = array<i32>} : memref<64x16xf32, #tpu.memory_space<vmem>>, vector<1x16xf32>,
      %get3A_530 = vector.shape_cast %get3A_529 : vector<1x16xf32> to vector<16xf32>
      %max3A_531 = arith.maximumf %max3A_510, %get3A_530 : vector<16xf32>
      %min3A_532 = arith.minimumf %max3A_510, %get3A_530 : vector<16xf32>
      %max3A_533 = arith.maximumf %max3A_512, %min3A_532 : vector<16xf32>
      %min3A_534 = arith.minimumf %max3A_512, %min3A_532 : vector<16xf32>
      %max3A_535 = arith.maximumf %max3A_514, %min3A_534 : vector<16xf32>
      %min3A_536 = arith.minimumf %max3A_514, %min3A_534 : vector<16xf32>
      %max3A_537 = arith.maximumf %max3A_516, %min3A_536 : vector<16xf32>
      %min3A_538 = arith.minimumf %max3A_516, %min3A_536 : vector<16xf32>
      %max3A_539 = arith.maximumf %max3A_518, %min3A_538 : vector<16xf32>
      %min3A_540 = arith.minimumf %max3A_518, %min3A_538 : vector<16xf32>
      %max3A_541 = arith.maximumf %max3A_520, %min3A_540 : vector<16xf32>
      %min3A_542 = arith.minimumf %max3A_520, %min3A_540 : vector<16xf32>
      %max3A_543 = arith.maximumf %max3A_522, %min3A_542 : vector<16xf32>
      %min3A_544 = arith.minimumf %max3A_522, %min3A_542 : vector<16xf32>
      %max3A_545 = arith.maximumf %max3A_524, %min3A_544 : vector<16xf32>
      %min3A_546 = arith.minimumf %max3A_524, %min3A_544 : vector<16xf32>
      %get3A_547 = arith.constant 26 : i32
      %get3A_548 = arith.index_cast %get3A_547 : i32 to index
      %get3A_549 = arith.constant 0 : index
      %get3A_550 = tpu.vector_load %arg4[%get3A_548, %get3A_549] {strides = array<i32>} : memref<64x16xf32, #tpu.memory_space<vmem>>, vector<1x16xf32>,
      %get3A_551 = vector.shape_cast %get3A_550 : vector<1x16xf32> to vector<16xf32>
      %max3A_552 = arith.maximumf %max3A_531, %get3A_551 : vector<16xf32>
      %min3A_553 = arith.minimumf %max3A_531, %get3A_551 : vector<16xf32>
      %max3A_554 = arith.maximumf %max3A_533, %min3A_553 : vector<16xf32>
      %min3A_555 = arith.minimumf %max3A_533, %min3A_553 : vector<16xf32>
      %max3A_556 = arith.maximumf %max3A_535, %min3A_555 : vector<16xf32>
      %min3A_557 = arith.minimumf %max3A_535, %min3A_555 : vector<16xf32>
      %max3A_558 = arith.maximumf %max3A_537, %min3A_557 : vector<16xf32>
      %min3A_559 = arith.minimumf %max3A_537, %min3A_557 : vector<16xf32>
      %max3A_560 = arith.maximumf %max3A_539, %min3A_559 : vector<16xf32>
      %min3A_561 = arith.minimumf %max3A_539, %min3A_559 : vector<16xf32>
      %max3A_562 = arith.maximumf %max3A_541, %min3A_561 : vector<16xf32>
      %min3A_563 = arith.minimumf %max3A_541, %min3A_561 : vector<16xf32>
      %max3A_564 = arith.maximumf %max3A_543, %min3A_563 : vector<16xf32>
      %min3A_565 = arith.minimumf %max3A_543, %min3A_563 : vector<16xf32>
      %max3A_566 = arith.maximumf %max3A_545, %min3A_565 : vector<16xf32>
      %min3A_567 = arith.minimumf %max3A_545, %min3A_565 : vector<16xf32>
      %get3A_568 = arith.constant 27 : i32
      %get3A_569 = arith.index_cast %get3A_568 : i32 to index
      %get3A_570 = arith.constant 0 : index
      %get3A_571 = tpu.vector_load %arg4[%get3A_569, %get3A_570] {strides = array<i32>} : memref<64x16xf32, #tpu.memory_space<vmem>>, vector<1x16xf32>,
      %get3A_572 = vector.shape_cast %get3A_571 : vector<1x16xf32> to vector<16xf32>
      %max3A_573 = arith.maximumf %max3A_552, %get3A_572 : vector<16xf32>
      %min3A_574 = arith.minimumf %max3A_552, %get3A_572 : vector<16xf32>
      %max3A_575 = arith.maximumf %max3A_554, %min3A_574 : vector<16xf32>
      %min3A_576 = arith.minimumf %max3A_554, %min3A_574 : vector<16xf32>
      %max3A_577 = arith.maximumf %max3A_556, %min3A_576 : vector<16xf32>
      %min3A_578 = arith.minimumf %max3A_556, %min3A_576 : vector<16xf32>
      %max3A_579 = arith.maximumf %max3A_558, %min3A_578 : vector<16xf32>
      %min3A_580 = arith.minimumf %max3A_558, %min3A_578 : vector<16xf32>
      %max3A_581 = arith.maximumf %max3A_560, %min3A_580 : vector<16xf32>
      %min3A_582 = arith.minimumf %max3A_560, %min3A_580 : vector<16xf32>
      %max3A_583 = arith.maximumf %max3A_562, %min3A_582 : vector<16xf32>
      %min3A_584 = arith.minimumf %max3A_562, %min3A_582 : vector<16xf32>
      %max3A_585 = arith.maximumf %max3A_564, %min3A_584 : vector<16xf32>
      %min3A_586 = arith.minimumf %max3A_564, %min3A_584 : vector<16xf32>
      %max3A_587 = arith.maximumf %max3A_566, %min3A_586 : vector<16xf32>
      %min3A_588 = arith.minimumf %max3A_566, %min3A_586 : vector<16xf32>
      %get3A_589 = arith.constant 28 : i32
      %get3A_590 = arith.index_cast %get3A_589 : i32 to index
      %get3A_591 = arith.constant 0 : index
      %get3A_592 = tpu.vector_load %arg4[%get3A_590, %get3A_591] {strides = array<i32>} : memref<64x16xf32, #tpu.memory_space<vmem>>, vector<1x16xf32>,
      %get3A_593 = vector.shape_cast %get3A_592 : vector<1x16xf32> to vector<16xf32>
      %max3A_594 = arith.maximumf %max3A_573, %get3A_593 : vector<16xf32>
      %min3A_595 = arith.minimumf %max3A_573, %get3A_593 : vector<16xf32>
      %max3A_596 = arith.maximumf %max3A_575, %min3A_595 : vector<16xf32>
      %min3A_597 = arith.minimumf %max3A_575, %min3A_595 : vector<16xf32>
      %max3A_598 = arith.maximumf %max3A_577, %min3A_597 : vector<16xf32>
      %min3A_599 = arith.minimumf %max3A_577, %min3A_597 : vector<16xf32>
      %max3A_600 = arith.maximumf %max3A_579, %min3A_599 : vector<16xf32>
      %min3A_601 = arith.minimumf %max3A_579, %min3A_599 : vector<16xf32>
      %max3A_602 = arith.maximumf %max3A_581, %min3A_601 : vector<16xf32>
      %min3A_603 = arith.minimumf %max3A_581, %min3A_601 : vector<16xf32>
      %max3A_604 = arith.maximumf %max3A_583, %min3A_603 : vector<16xf32>
      %min3A_605 = arith.minimumf %max3A_583, %min3A_603 : vector<16xf32>
      %max3A_606 = arith.maximumf %max3A_585, %min3A_605 : vector<16xf32>
      %min3A_607 = arith.minimumf %max3A_585, %min3A_605 : vector<16xf32>
      %max3A_608 = arith.maximumf %max3A_587, %min3A_607 : vector<16xf32>
      %min3A_609 = arith.minimumf %max3A_587, %min3A_607 : vector<16xf32>
      %get3A_610 = arith.constant 29 : i32
      %get3A_611 = arith.index_cast %get3A_610 : i32 to index
      %get3A_612 = arith.constant 0 : index
      %get3A_613 = tpu.vector_load %arg4[%get3A_611, %get3A_612] {strides = array<i32>} : memref<64x16xf32, #tpu.memory_space<vmem>>, vector<1x16xf32>,
      %get3A_614 = vector.shape_cast %get3A_613 : vector<1x16xf32> to vector<16xf32>
      %max3A_615 = arith.maximumf %max3A_594, %get3A_614 : vector<16xf32>
      %min3A_616 = arith.minimumf %max3A_594, %get3A_614 : vector<16xf32>
      %max3A_617 = arith.maximumf %max3A_596, %min3A_616 : vector<16xf32>
      %min3A_618 = arith.minimumf %max3A_596, %min3A_616 : vector<16xf32>
      %max3A_619 = arith.maximumf %max3A_598, %min3A_618 : vector<16xf32>
      %min3A_620 = arith.minimumf %max3A_598, %min3A_618 : vector<16xf32>
      %max3A_621 = arith.maximumf %max3A_600, %min3A_620 : vector<16xf32>
      %min3A_622 = arith.minimumf %max3A_600, %min3A_620 : vector<16xf32>
      %max3A_623 = arith.maximumf %max3A_602, %min3A_622 : vector<16xf32>
      %min3A_624 = arith.minimumf %max3A_602, %min3A_622 : vector<16xf32>
      %max3A_625 = arith.maximumf %max3A_604, %min3A_624 : vector<16xf32>
      %min3A_626 = arith.minimumf %max3A_604, %min3A_624 : vector<16xf32>
      %max3A_627 = arith.maximumf %max3A_606, %min3A_626 : vector<16xf32>
      %min3A_628 = arith.minimumf %max3A_606, %min3A_626 : vector<16xf32>
      %max3A_629 = arith.maximumf %max3A_608, %min3A_628 : vector<16xf32>
      %min3A_630 = arith.minimumf %max3A_608, %min3A_628 : vector<16xf32>
      %get3A_631 = arith.constant 30 : i32
      %get3A_632 = arith.index_cast %get3A_631 : i32 to index
      %get3A_633 = arith.constant 0 : index
      %get3A_634 = tpu.vector_load %arg4[%get3A_632, %get3A_633] {strides = array<i32>} : memref<64x16xf32, #tpu.memory_space<vmem>>, vector<1x16xf32>,
      %get3A_635 = vector.shape_cast %get3A_634 : vector<1x16xf32> to vector<16xf32>
      %max3A_636 = arith.maximumf %max3A_615, %get3A_635 : vector<16xf32>
      %min3A_637 = arith.minimumf %max3A_615, %get3A_635 : vector<16xf32>
      %max3A_638 = arith.maximumf %max3A_617, %min3A_637 : vector<16xf32>
      %min3A_639 = arith.minimumf %max3A_617, %min3A_637 : vector<16xf32>
      %max3A_640 = arith.maximumf %max3A_619, %min3A_639 : vector<16xf32>
      %min3A_641 = arith.minimumf %max3A_619, %min3A_639 : vector<16xf32>
      %max3A_642 = arith.maximumf %max3A_621, %min3A_641 : vector<16xf32>
      %min3A_643 = arith.minimumf %max3A_621, %min3A_641 : vector<16xf32>
      %max3A_644 = arith.maximumf %max3A_623, %min3A_643 : vector<16xf32>
      %min3A_645 = arith.minimumf %max3A_623, %min3A_643 : vector<16xf32>
      %max3A_646 = arith.maximumf %max3A_625, %min3A_645 : vector<16xf32>
      %min3A_647 = arith.minimumf %max3A_625, %min3A_645 : vector<16xf32>
      %max3A_648 = arith.maximumf %max3A_627, %min3A_647 : vector<16xf32>
      %min3A_649 = arith.minimumf %max3A_627, %min3A_647 : vector<16xf32>
      %max3A_650 = arith.maximumf %max3A_629, %min3A_649 : vector<16xf32>
      %min3A_651 = arith.minimumf %max3A_629, %min3A_649 : vector<16xf32>
      %get3A_652 = arith.constant 31 : i32
      %get3A_653 = arith.index_cast %get3A_652 : i32 to index
      %get3A_654 = arith.constant 0 : index
      %get3A_655 = tpu.vector_load %arg4[%get3A_653, %get3A_654] {strides = array<i32>} : memref<64x16xf32, #tpu.memory_space<vmem>>, vector<1x16xf32>,
      %get3A_656 = vector.shape_cast %get3A_655 : vector<1x16xf32> to vector<16xf32>
      %max3A_657 = arith.maximumf %max3A_636, %get3A_656 : vector<16xf32>
      %min3A_658 = arith.minimumf %max3A_636, %get3A_656 : vector<16xf32>
      %max3A_659 = arith.maximumf %max3A_638, %min3A_658 : vector<16xf32>
      %min3A_660 = arith.minimumf %max3A_638, %min3A_658 : vector<16xf32>
      %max3A_661 = arith.maximumf %max3A_640, %min3A_660 : vector<16xf32>
      %min3A_662 = arith.minimumf %max3A_640, %min3A_660 : vector<16xf32>
      %max3A_663 = arith.maximumf %max3A_642, %min3A_662 : vector<16xf32>
      %min3A_664 = arith.minimumf %max3A_642, %min3A_662 : vector<16xf32>
      %max3A_665 = arith.maximumf %max3A_644, %min3A_664 : vector<16xf32>
      %min3A_666 = arith.minimumf %max3A_644, %min3A_664 : vector<16xf32>
      %max3A_667 = arith.maximumf %max3A_646, %min3A_666 : vector<16xf32>
      %min3A_668 = arith.minimumf %max3A_646, %min3A_666 : vector<16xf32>
      %max3A_669 = arith.maximumf %max3A_648, %min3A_668 : vector<16xf32>
      %min3A_670 = arith.minimumf %max3A_648, %min3A_668 : vector<16xf32>
      %max3A_671 = arith.maximumf %max3A_650, %min3A_670 : vector<16xf32>
      %min3A_672 = arith.minimumf %max3A_650, %min3A_670 : vector<16xf32>
      %get3A_673 = arith.constant 32 : i32
      %get3A_674 = arith.index_cast %get3A_673 : i32 to index
      %get3A_675 = arith.constant 0 : index
      %get3A_676 = tpu.vector_load %arg4[%get3A_674, %get3A_675] {strides = array<i32>} : memref<64x16xf32, #tpu.memory_space<vmem>>, vector<1x16xf32>,
      %get3A_677 = vector.shape_cast %get3A_676 : vector<1x16xf32> to vector<16xf32>
      %max3A_678 = arith.maximumf %max3A_657, %get3A_677 : vector<16xf32>
      %min3A_679 = arith.minimumf %max3A_657, %get3A_677 : vector<16xf32>
      %max3A_680 = arith.maximumf %max3A_659, %min3A_679 : vector<16xf32>
      %min3A_681 = arith.minimumf %max3A_659, %min3A_679 : vector<16xf32>
      %max3A_682 = arith.maximumf %max3A_661, %min3A_681 : vector<16xf32>
      %min3A_683 = arith.minimumf %max3A_661, %min3A_681 : vector<16xf32>
      %max3A_684 = arith.maximumf %max3A_663, %min3A_683 : vector<16xf32>
      %min3A_685 = arith.minimumf %max3A_663, %min3A_683 : vector<16xf32>
      %max3A_686 = arith.maximumf %max3A_665, %min3A_685 : vector<16xf32>
      %min3A_687 = arith.minimumf %max3A_665, %min3A_685 : vector<16xf32>
      %max3A_688 = arith.maximumf %max3A_667, %min3A_687 : vector<16xf32>
      %min3A_689 = arith.minimumf %max3A_667, %min3A_687 : vector<16xf32>
      %max3A_690 = arith.maximumf %max3A_669, %min3A_689 : vector<16xf32>
      %min3A_691 = arith.minimumf %max3A_669, %min3A_689 : vector<16xf32>
      %max3A_692 = arith.maximumf %max3A_671, %min3A_691 : vector<16xf32>
      %min3A_693 = arith.minimumf %max3A_671, %min3A_691 : vector<16xf32>
      %get3A_694 = arith.constant 33 : i32
      %get3A_695 = arith.index_cast %get3A_694 : i32 to index
      %get3A_696 = arith.constant 0 : index
      %get3A_697 = tpu.vector_load %arg4[%get3A_695, %get3A_696] {strides = array<i32>} : memref<64x16xf32, #tpu.memory_space<vmem>>, vector<1x16xf32>,
      %get3A_698 = vector.shape_cast %get3A_697 : vector<1x16xf32> to vector<16xf32>
      %max3A_699 = arith.maximumf %max3A_678, %get3A_698 : vector<16xf32>
      %min3A_700 = arith.minimumf %max3A_678, %get3A_698 : vector<16xf32>
      %max3A_701 = arith.maximumf %max3A_680, %min3A_700 : vector<16xf32>
      %min3A_702 = arith.minimumf %max3A_680, %min3A_700 : vector<16xf32>
      %max3A_703 = arith.maximumf %max3A_682, %min3A_702 : vector<16xf32>
      %min3A_704 = arith.minimumf %max3A_682, %min3A_702 : vector<16xf32>
      %max3A_705 = arith.maximumf %max3A_684, %min3A_704 : vector<16xf32>
      %min3A_706 = arith.minimumf %max3A_684, %min3A_704 : vector<16xf32>
      %max3A_707 = arith.maximumf %max3A_686, %min3A_706 : vector<16xf32>
      %min3A_708 = arith.minimumf %max3A_686, %min3A_706 : vector<16xf32>
      %max3A_709 = arith.maximumf %max3A_688, %min3A_708 : vector<16xf32>
      %min3A_710 = arith.minimumf %max3A_688, %min3A_708 : vector<16xf32>
      %max3A_711 = arith.maximumf %max3A_690, %min3A_710 : vector<16xf32>
      %min3A_712 = arith.minimumf %max3A_690, %min3A_710 : vector<16xf32>
      %max3A_713 = arith.maximumf %max3A_692, %min3A_712 : vector<16xf32>
      %min3A_714 = arith.minimumf %max3A_692, %min3A_712 : vector<16xf32>
      %get3A_715 = arith.constant 34 : i32
      %get3A_716 = arith.index_cast %get3A_715 : i32 to index
      %get3A_717 = arith.constant 0 : index
      %get3A_718 = tpu.vector_load %arg4[%get3A_716, %get3A_717] {strides = array<i32>} : memref<64x16xf32, #tpu.memory_space<vmem>>, vector<1x16xf32>,
      %get3A_719 = vector.shape_cast %get3A_718 : vector<1x16xf32> to vector<16xf32>
      %max3A_720 = arith.maximumf %max3A_699, %get3A_719 : vector<16xf32>
      %min3A_721 = arith.minimumf %max3A_699, %get3A_719 : vector<16xf32>
      %max3A_722 = arith.maximumf %max3A_701, %min3A_721 : vector<16xf32>
      %min3A_723 = arith.minimumf %max3A_701, %min3A_721 : vector<16xf32>
      %max3A_724 = arith.maximumf %max3A_703, %min3A_723 : vector<16xf32>
      %min3A_725 = arith.minimumf %max3A_703, %min3A_723 : vector<16xf32>
      %max3A_726 = arith.maximumf %max3A_705, %min3A_725 : vector<16xf32>
      %min3A_727 = arith.minimumf %max3A_705, %min3A_725 : vector<16xf32>
      %max3A_728 = arith.maximumf %max3A_707, %min3A_727 : vector<16xf32>
      %min3A_729 = arith.minimumf %max3A_707, %min3A_727 : vector<16xf32>
      %max3A_730 = arith.maximumf %max3A_709, %min3A_729 : vector<16xf32>
      %min3A_731 = arith.minimumf %max3A_709, %min3A_729 : vector<16xf32>
      %max3A_732 = arith.maximumf %max3A_711, %min3A_731 : vector<16xf32>
      %min3A_733 = arith.minimumf %max3A_711, %min3A_731 : vector<16xf32>
      %max3A_734 = arith.maximumf %max3A_713, %min3A_733 : vector<16xf32>
      %min3A_735 = arith.minimumf %max3A_713, %min3A_733 : vector<16xf32>
      %get3A_736 = arith.constant 35 : i32
      %get3A_737 = arith.index_cast %get3A_736 : i32 to index
      %get3A_738 = arith.constant 0 : index
      %get3A_739 = tpu.vector_load %arg4[%get3A_737, %get3A_738] {strides = array<i32>} : memref<64x16xf32, #tpu.memory_space<vmem>>, vector<1x16xf32>,
      %get3A_740 = vector.shape_cast %get3A_739 : vector<1x16xf32> to vector<16xf32>
      %max3A_741 = arith.maximumf %max3A_720, %get3A_740 : vector<16xf32>
      %min3A_742 = arith.minimumf %max3A_720, %get3A_740 : vector<16xf32>
      %max3A_743 = arith.maximumf %max3A_722, %min3A_742 : vector<16xf32>
      %min3A_744 = arith.minimumf %max3A_722, %min3A_742 : vector<16xf32>
      %max3A_745 = arith.maximumf %max3A_724, %min3A_744 : vector<16xf32>
      %min3A_746 = arith.minimumf %max3A_724, %min3A_744 : vector<16xf32>
      %max3A_747 = arith.maximumf %max3A_726, %min3A_746 : vector<16xf32>
      %min3A_748 = arith.minimumf %max3A_726, %min3A_746 : vector<16xf32>
      %max3A_749 = arith.maximumf %max3A_728, %min3A_748 : vector<16xf32>
      %min3A_750 = arith.minimumf %max3A_728, %min3A_748 : vector<16xf32>
      %max3A_751 = arith.maximumf %max3A_730, %min3A_750 : vector<16xf32>
      %min3A_752 = arith.minimumf %max3A_730, %min3A_750 : vector<16xf32>
      %max3A_753 = arith.maximumf %max3A_732, %min3A_752 : vector<16xf32>
      %min3A_754 = arith.minimumf %max3A_732, %min3A_752 : vector<16xf32>
      %max3A_755 = arith.maximumf %max3A_734, %min3A_754 : vector<16xf32>
      %min3A_756 = arith.minimumf %max3A_734, %min3A_754 : vector<16xf32>
      %get3A_757 = arith.constant 36 : i32
      %get3A_758 = arith.index_cast %get3A_757 : i32 to index
      %get3A_759 = arith.constant 0 : index
      %get3A_760 = tpu.vector_load %arg4[%get3A_758, %get3A_759] {strides = array<i32>} : memref<64x16xf32, #tpu.memory_space<vmem>>, vector<1x16xf32>,
      %get3A_761 = vector.shape_cast %get3A_760 : vector<1x16xf32> to vector<16xf32>
      %max3A_762 = arith.maximumf %max3A_741, %get3A_761 : vector<16xf32>
      %min3A_763 = arith.minimumf %max3A_741, %get3A_761 : vector<16xf32>
      %max3A_764 = arith.maximumf %max3A_743, %min3A_763 : vector<16xf32>
      %min3A_765 = arith.minimumf %max3A_743, %min3A_763 : vector<16xf32>
      %max3A_766 = arith.maximumf %max3A_745, %min3A_765 : vector<16xf32>
      %min3A_767 = arith.minimumf %max3A_745, %min3A_765 : vector<16xf32>
      %max3A_768 = arith.maximumf %max3A_747, %min3A_767 : vector<16xf32>
      %min3A_769 = arith.minimumf %max3A_747, %min3A_767 : vector<16xf32>
      %max3A_770 = arith.maximumf %max3A_749, %min3A_769 : vector<16xf32>
      %min3A_771 = arith.minimumf %max3A_749, %min3A_769 : vector<16xf32>
      %max3A_772 = arith.maximumf %max3A_751, %min3A_771 : vector<16xf32>
      %min3A_773 = arith.minimumf %max3A_751, %min3A_771 : vector<16xf32>
      %max3A_774 = arith.maximumf %max3A_753, %min3A_773 : vector<16xf32>
      %min3A_775 = arith.minimumf %max3A_753, %min3A_773 : vector<16xf32>
      %max3A_776 = arith.maximumf %max3A_755, %min3A_775 : vector<16xf32>
      %min3A_777 = arith.minimumf %max3A_755, %min3A_775 : vector<16xf32>
      %get3A_778 = arith.constant 37 : i32
      %get3A_779 = arith.index_cast %get3A_778 : i32 to index
      %get3A_780 = arith.constant 0 : index
      %get3A_781 = tpu.vector_load %arg4[%get3A_779, %get3A_780] {strides = array<i32>} : memref<64x16xf32, #tpu.memory_space<vmem>>, vector<1x16xf32>,
      %get3A_782 = vector.shape_cast %get3A_781 : vector<1x16xf32> to vector<16xf32>
      %max3A_783 = arith.maximumf %max3A_762, %get3A_782 : vector<16xf32>
      %min3A_784 = arith.minimumf %max3A_762, %get3A_782 : vector<16xf32>
      %max3A_785 = arith.maximumf %max3A_764, %min3A_784 : vector<16xf32>
      %min3A_786 = arith.minimumf %max3A_764, %min3A_784 : vector<16xf32>
      %max3A_787 = arith.maximumf %max3A_766, %min3A_786 : vector<16xf32>
      %min3A_788 = arith.minimumf %max3A_766, %min3A_786 : vector<16xf32>
      %max3A_789 = arith.maximumf %max3A_768, %min3A_788 : vector<16xf32>
      %min3A_790 = arith.minimumf %max3A_768, %min3A_788 : vector<16xf32>
      %max3A_791 = arith.maximumf %max3A_770, %min3A_790 : vector<16xf32>
      %min3A_792 = arith.minimumf %max3A_770, %min3A_790 : vector<16xf32>
      %max3A_793 = arith.maximumf %max3A_772, %min3A_792 : vector<16xf32>
      %min3A_794 = arith.minimumf %max3A_772, %min3A_792 : vector<16xf32>
      %max3A_795 = arith.maximumf %max3A_774, %min3A_794 : vector<16xf32>
      %min3A_796 = arith.minimumf %max3A_774, %min3A_794 : vector<16xf32>
      %max3A_797 = arith.maximumf %max3A_776, %min3A_796 : vector<16xf32>
      %min3A_798 = arith.minimumf %max3A_776, %min3A_796 : vector<16xf32>
      %get3A_799 = arith.constant 38 : i32
      %get3A_800 = arith.index_cast %get3A_799 : i32 to index
      %get3A_801 = arith.constant 0 : index
      %get3A_802 = tpu.vector_load %arg4[%get3A_800, %get3A_801] {strides = array<i32>} : memref<64x16xf32, #tpu.memory_space<vmem>>, vector<1x16xf32>,
      %get3A_803 = vector.shape_cast %get3A_802 : vector<1x16xf32> to vector<16xf32>
      %max3A_804 = arith.maximumf %max3A_783, %get3A_803 : vector<16xf32>
      %min3A_805 = arith.minimumf %max3A_783, %get3A_803 : vector<16xf32>
      %max3A_806 = arith.maximumf %max3A_785, %min3A_805 : vector<16xf32>
      %min3A_807 = arith.minimumf %max3A_785, %min3A_805 : vector<16xf32>
      %max3A_808 = arith.maximumf %max3A_787, %min3A_807 : vector<16xf32>
      %min3A_809 = arith.minimumf %max3A_787, %min3A_807 : vector<16xf32>
      %max3A_810 = arith.maximumf %max3A_789, %min3A_809 : vector<16xf32>
      %min3A_811 = arith.minimumf %max3A_789, %min3A_809 : vector<16xf32>
      %max3A_812 = arith.maximumf %max3A_791, %min3A_811 : vector<16xf32>
      %min3A_813 = arith.minimumf %max3A_791, %min3A_811 : vector<16xf32>
      %max3A_814 = arith.maximumf %max3A_793, %min3A_813 : vector<16xf32>
      %min3A_815 = arith.minimumf %max3A_793, %min3A_813 : vector<16xf32>
      %max3A_816 = arith.maximumf %max3A_795, %min3A_815 : vector<16xf32>
      %min3A_817 = arith.minimumf %max3A_795, %min3A_815 : vector<16xf32>
      %max3A_818 = arith.maximumf %max3A_797, %min3A_817 : vector<16xf32>
      %min3A_819 = arith.minimumf %max3A_797, %min3A_817 : vector<16xf32>
      %get3A_820 = arith.constant 39 : i32
      %get3A_821 = arith.index_cast %get3A_820 : i32 to index
      %get3A_822 = arith.constant 0 : index
      %get3A_823 = tpu.vector_load %arg4[%get3A_821, %get3A_822] {strides = array<i32>} : memref<64x16xf32, #tpu.memory_space<vmem>>, vector<1x16xf32>,
      %get3A_824 = vector.shape_cast %get3A_823 : vector<1x16xf32> to vector<16xf32>
      %max3A_825 = arith.maximumf %max3A_804, %get3A_824 : vector<16xf32>
      %min3A_826 = arith.minimumf %max3A_804, %get3A_824 : vector<16xf32>
      %max3A_827 = arith.maximumf %max3A_806, %min3A_826 : vector<16xf32>
      %min3A_828 = arith.minimumf %max3A_806, %min3A_826 : vector<16xf32>
      %max3A_829 = arith.maximumf %max3A_808, %min3A_828 : vector<16xf32>
      %min3A_830 = arith.minimumf %max3A_808, %min3A_828 : vector<16xf32>
      %max3A_831 = arith.maximumf %max3A_810, %min3A_830 : vector<16xf32>
      %min3A_832 = arith.minimumf %max3A_810, %min3A_830 : vector<16xf32>
      %max3A_833 = arith.maximumf %max3A_812, %min3A_832 : vector<16xf32>
      %min3A_834 = arith.minimumf %max3A_812, %min3A_832 : vector<16xf32>
      %max3A_835 = arith.maximumf %max3A_814, %min3A_834 : vector<16xf32>
      %min3A_836 = arith.minimumf %max3A_814, %min3A_834 : vector<16xf32>
      %max3A_837 = arith.maximumf %max3A_816, %min3A_836 : vector<16xf32>
      %min3A_838 = arith.minimumf %max3A_816, %min3A_836 : vector<16xf32>
      %max3A_839 = arith.maximumf %max3A_818, %min3A_838 : vector<16xf32>
      %min3A_840 = arith.minimumf %max3A_818, %min3A_838 : vector<16xf32>
      %get3A_841 = arith.constant 40 : i32
      %get3A_842 = arith.index_cast %get3A_841 : i32 to index
      %get3A_843 = arith.constant 0 : index
      %get3A_844 = tpu.vector_load %arg4[%get3A_842, %get3A_843] {strides = array<i32>} : memref<64x16xf32, #tpu.memory_space<vmem>>, vector<1x16xf32>,
      %get3A_845 = vector.shape_cast %get3A_844 : vector<1x16xf32> to vector<16xf32>
      %max3A_846 = arith.maximumf %max3A_825, %get3A_845 : vector<16xf32>
      %min3A_847 = arith.minimumf %max3A_825, %get3A_845 : vector<16xf32>
      %max3A_848 = arith.maximumf %max3A_827, %min3A_847 : vector<16xf32>
      %min3A_849 = arith.minimumf %max3A_827, %min3A_847 : vector<16xf32>
      %max3A_850 = arith.maximumf %max3A_829, %min3A_849 : vector<16xf32>
      %min3A_851 = arith.minimumf %max3A_829, %min3A_849 : vector<16xf32>
      %max3A_852 = arith.maximumf %max3A_831, %min3A_851 : vector<16xf32>
      %min3A_853 = arith.minimumf %max3A_831, %min3A_851 : vector<16xf32>
      %max3A_854 = arith.maximumf %max3A_833, %min3A_853 : vector<16xf32>
      %min3A_855 = arith.minimumf %max3A_833, %min3A_853 : vector<16xf32>
      %max3A_856 = arith.maximumf %max3A_835, %min3A_855 : vector<16xf32>
      %min3A_857 = arith.minimumf %max3A_835, %min3A_855 : vector<16xf32>
      %max3A_858 = arith.maximumf %max3A_837, %min3A_857 : vector<16xf32>
      %min3A_859 = arith.minimumf %max3A_837, %min3A_857 : vector<16xf32>
      %max3A_860 = arith.maximumf %max3A_839, %min3A_859 : vector<16xf32>
      %min3A_861 = arith.minimumf %max3A_839, %min3A_859 : vector<16xf32>
      %get3A_862 = arith.constant 41 : i32
      %get3A_863 = arith.index_cast %get3A_862 : i32 to index
      %get3A_864 = arith.constant 0 : index
      %get3A_865 = tpu.vector_load %arg4[%get3A_863, %get3A_864] {strides = array<i32>} : memref<64x16xf32, #tpu.memory_space<vmem>>, vector<1x16xf32>,
      %get3A_866 = vector.shape_cast %get3A_865 : vector<1x16xf32> to vector<16xf32>
      %max3A_867 = arith.maximumf %max3A_846, %get3A_866 : vector<16xf32>
      %min3A_868 = arith.minimumf %max3A_846, %get3A_866 : vector<16xf32>
      %max3A_869 = arith.maximumf %max3A_848, %min3A_868 : vector<16xf32>
      %min3A_870 = arith.minimumf %max3A_848, %min3A_868 : vector<16xf32>
      %max3A_871 = arith.maximumf %max3A_850, %min3A_870 : vector<16xf32>
      %min3A_872 = arith.minimumf %max3A_850, %min3A_870 : vector<16xf32>
      %max3A_873 = arith.maximumf %max3A_852, %min3A_872 : vector<16xf32>
      %min3A_874 = arith.minimumf %max3A_852, %min3A_872 : vector<16xf32>
      %max3A_875 = arith.maximumf %max3A_854, %min3A_874 : vector<16xf32>
      %min3A_876 = arith.minimumf %max3A_854, %min3A_874 : vector<16xf32>
      %max3A_877 = arith.maximumf %max3A_856, %min3A_876 : vector<16xf32>
      %min3A_878 = arith.minimumf %max3A_856, %min3A_876 : vector<16xf32>
      %max3A_879 = arith.maximumf %max3A_858, %min3A_878 : vector<16xf32>
      %min3A_880 = arith.minimumf %max3A_858, %min3A_878 : vector<16xf32>
      %max3A_881 = arith.maximumf %max3A_860, %min3A_880 : vector<16xf32>
      %min3A_882 = arith.minimumf %max3A_860, %min3A_880 : vector<16xf32>
      %get3A_883 = arith.constant 42 : i32
      %get3A_884 = arith.index_cast %get3A_883 : i32 to index
      %get3A_885 = arith.constant 0 : index
      %get3A_886 = tpu.vector_load %arg4[%get3A_884, %get3A_885] {strides = array<i32>} : memref<64x16xf32, #tpu.memory_space<vmem>>, vector<1x16xf32>,
      %get3A_887 = vector.shape_cast %get3A_886 : vector<1x16xf32> to vector<16xf32>
      %max3A_888 = arith.maximumf %max3A_867, %get3A_887 : vector<16xf32>
      %min3A_889 = arith.minimumf %max3A_867, %get3A_887 : vector<16xf32>
      %max3A_890 = arith.maximumf %max3A_869, %min3A_889 : vector<16xf32>
      %min3A_891 = arith.minimumf %max3A_869, %min3A_889 : vector<16xf32>
      %max3A_892 = arith.maximumf %max3A_871, %min3A_891 : vector<16xf32>
      %min3A_893 = arith.minimumf %max3A_871, %min3A_891 : vector<16xf32>
      %max3A_894 = arith.maximumf %max3A_873, %min3A_893 : vector<16xf32>
      %min3A_895 = arith.minimumf %max3A_873, %min3A_893 : vector<16xf32>
      %max3A_896 = arith.maximumf %max3A_875, %min3A_895 : vector<16xf32>
      %min3A_897 = arith.minimumf %max3A_875, %min3A_895 : vector<16xf32>
      %max3A_898 = arith.maximumf %max3A_877, %min3A_897 : vector<16xf32>
      %min3A_899 = arith.minimumf %max3A_877, %min3A_897 : vector<16xf32>
      %max3A_900 = arith.maximumf %max3A_879, %min3A_899 : vector<16xf32>
      %min3A_901 = arith.minimumf %max3A_879, %min3A_899 : vector<16xf32>
      %max3A_902 = arith.maximumf %max3A_881, %min3A_901 : vector<16xf32>
      %min3A_903 = arith.minimumf %max3A_881, %min3A_901 : vector<16xf32>
      %get3A_904 = arith.constant 43 : i32
      %get3A_905 = arith.index_cast %get3A_904 : i32 to index
      %get3A_906 = arith.constant 0 : index
      %get3A_907 = tpu.vector_load %arg4[%get3A_905, %get3A_906] {strides = array<i32>} : memref<64x16xf32, #tpu.memory_space<vmem>>, vector<1x16xf32>,
      %get3A_908 = vector.shape_cast %get3A_907 : vector<1x16xf32> to vector<16xf32>
      %max3A_909 = arith.maximumf %max3A_888, %get3A_908 : vector<16xf32>
      %min3A_910 = arith.minimumf %max3A_888, %get3A_908 : vector<16xf32>
      %max3A_911 = arith.maximumf %max3A_890, %min3A_910 : vector<16xf32>
      %min3A_912 = arith.minimumf %max3A_890, %min3A_910 : vector<16xf32>
      %max3A_913 = arith.maximumf %max3A_892, %min3A_912 : vector<16xf32>
      %min3A_914 = arith.minimumf %max3A_892, %min3A_912 : vector<16xf32>
      %max3A_915 = arith.maximumf %max3A_894, %min3A_914 : vector<16xf32>
      %min3A_916 = arith.minimumf %max3A_894, %min3A_914 : vector<16xf32>
      %max3A_917 = arith.maximumf %max3A_896, %min3A_916 : vector<16xf32>
      %min3A_918 = arith.minimumf %max3A_896, %min3A_916 : vector<16xf32>
      %max3A_919 = arith.maximumf %max3A_898, %min3A_918 : vector<16xf32>
      %min3A_920 = arith.minimumf %max3A_898, %min3A_918 : vector<16xf32>
      %max3A_921 = arith.maximumf %max3A_900, %min3A_920 : vector<16xf32>
      %min3A_922 = arith.minimumf %max3A_900, %min3A_920 : vector<16xf32>
      %max3A_923 = arith.maximumf %max3A_902, %min3A_922 : vector<16xf32>
      %min3A_924 = arith.minimumf %max3A_902, %min3A_922 : vector<16xf32>
      %get3A_925 = arith.constant 44 : i32
      %get3A_926 = arith.index_cast %get3A_925 : i32 to index
      %get3A_927 = arith.constant 0 : index
      %get3A_928 = tpu.vector_load %arg4[%get3A_926, %get3A_927] {strides = array<i32>} : memref<64x16xf32, #tpu.memory_space<vmem>>, vector<1x16xf32>,
      %get3A_929 = vector.shape_cast %get3A_928 : vector<1x16xf32> to vector<16xf32>
      %max3A_930 = arith.maximumf %max3A_909, %get3A_929 : vector<16xf32>
      %min3A_931 = arith.minimumf %max3A_909, %get3A_929 : vector<16xf32>
      %max3A_932 = arith.maximumf %max3A_911, %min3A_931 : vector<16xf32>
      %min3A_933 = arith.minimumf %max3A_911, %min3A_931 : vector<16xf32>
      %max3A_934 = arith.maximumf %max3A_913, %min3A_933 : vector<16xf32>
      %min3A_935 = arith.minimumf %max3A_913, %min3A_933 : vector<16xf32>
      %max3A_936 = arith.maximumf %max3A_915, %min3A_935 : vector<16xf32>
      %min3A_937 = arith.minimumf %max3A_915, %min3A_935 : vector<16xf32>
      %max3A_938 = arith.maximumf %max3A_917, %min3A_937 : vector<16xf32>
      %min3A_939 = arith.minimumf %max3A_917, %min3A_937 : vector<16xf32>
      %max3A_940 = arith.maximumf %max3A_919, %min3A_939 : vector<16xf32>
      %min3A_941 = arith.minimumf %max3A_919, %min3A_939 : vector<16xf32>
      %max3A_942 = arith.maximumf %max3A_921, %min3A_941 : vector<16xf32>
      %min3A_943 = arith.minimumf %max3A_921, %min3A_941 : vector<16xf32>
      %max3A_944 = arith.maximumf %max3A_923, %min3A_943 : vector<16xf32>
      %min3A_945 = arith.minimumf %max3A_923, %min3A_943 : vector<16xf32>
      %get3A_946 = arith.constant 45 : i32
      %get3A_947 = arith.index_cast %get3A_946 : i32 to index
      %get3A_948 = arith.constant 0 : index
      %get3A_949 = tpu.vector_load %arg4[%get3A_947, %get3A_948] {strides = array<i32>} : memref<64x16xf32, #tpu.memory_space<vmem>>, vector<1x16xf32>,
      %get3A_950 = vector.shape_cast %get3A_949 : vector<1x16xf32> to vector<16xf32>
      %max3A_951 = arith.maximumf %max3A_930, %get3A_950 : vector<16xf32>
      %min3A_952 = arith.minimumf %max3A_930, %get3A_950 : vector<16xf32>
      %max3A_953 = arith.maximumf %max3A_932, %min3A_952 : vector<16xf32>
      %min3A_954 = arith.minimumf %max3A_932, %min3A_952 : vector<16xf32>
      %max3A_955 = arith.maximumf %max3A_934, %min3A_954 : vector<16xf32>
      %min3A_956 = arith.minimumf %max3A_934, %min3A_954 : vector<16xf32>
      %max3A_957 = arith.maximumf %max3A_936, %min3A_956 : vector<16xf32>
      %min3A_958 = arith.minimumf %max3A_936, %min3A_956 : vector<16xf32>
      %max3A_959 = arith.maximumf %max3A_938, %min3A_958 : vector<16xf32>
      %min3A_960 = arith.minimumf %max3A_938, %min3A_958 : vector<16xf32>
      %max3A_961 = arith.maximumf %max3A_940, %min3A_960 : vector<16xf32>
      %min3A_962 = arith.minimumf %max3A_940, %min3A_960 : vector<16xf32>
      %max3A_963 = arith.maximumf %max3A_942, %min3A_962 : vector<16xf32>
      %min3A_964 = arith.minimumf %max3A_942, %min3A_962 : vector<16xf32>
      %max3A_965 = arith.maximumf %max3A_944, %min3A_964 : vector<16xf32>
      %min3A_966 = arith.minimumf %max3A_944, %min3A_964 : vector<16xf32>
      %get3A_967 = arith.constant 46 : i32
      %get3A_968 = arith.index_cast %get3A_967 : i32 to index
      %get3A_969 = arith.constant 0 : index
      %get3A_970 = tpu.vector_load %arg4[%get3A_968, %get3A_969] {strides = array<i32>} : memref<64x16xf32, #tpu.memory_space<vmem>>, vector<1x16xf32>,
      %get3A_971 = vector.shape_cast %get3A_970 : vector<1x16xf32> to vector<16xf32>
      %max3A_972 = arith.maximumf %max3A_951, %get3A_971 : vector<16xf32>
      %min3A_973 = arith.minimumf %max3A_951, %get3A_971 : vector<16xf32>
      %max3A_974 = arith.maximumf %max3A_953, %min3A_973 : vector<16xf32>
      %min3A_975 = arith.minimumf %max3A_953, %min3A_973 : vector<16xf32>
      %max3A_976 = arith.maximumf %max3A_955, %min3A_975 : vector<16xf32>
      %min3A_977 = arith.minimumf %max3A_955, %min3A_975 : vector<16xf32>
      %max3A_978 = arith.maximumf %max3A_957, %min3A_977 : vector<16xf32>
      %min3A_979 = arith.minimumf %max3A_957, %min3A_977 : vector<16xf32>
      %max3A_980 = arith.maximumf %max3A_959, %min3A_979 : vector<16xf32>
      %min3A_981 = arith.minimumf %max3A_959, %min3A_979 : vector<16xf32>
      %max3A_982 = arith.maximumf %max3A_961, %min3A_981 : vector<16xf32>
      %min3A_983 = arith.minimumf %max3A_961, %min3A_981 : vector<16xf32>
      %max3A_984 = arith.maximumf %max3A_963, %min3A_983 : vector<16xf32>
      %min3A_985 = arith.minimumf %max3A_963, %min3A_983 : vector<16xf32>
      %max3A_986 = arith.maximumf %max3A_965, %min3A_985 : vector<16xf32>
      %min3A_987 = arith.minimumf %max3A_965, %min3A_985 : vector<16xf32>
      %get3A_988 = arith.constant 47 : i32
      %get3A_989 = arith.index_cast %get3A_988 : i32 to index
      %get3A_990 = arith.constant 0 : index
      %get3A_991 = tpu.vector_load %arg4[%get3A_989, %get3A_990] {strides = array<i32>} : memref<64x16xf32, #tpu.memory_space<vmem>>, vector<1x16xf32>,
      %get3A_992 = vector.shape_cast %get3A_991 : vector<1x16xf32> to vector<16xf32>
      %max3A_993 = arith.maximumf %max3A_972, %get3A_992 : vector<16xf32>
      %min3A_994 = arith.minimumf %max3A_972, %get3A_992 : vector<16xf32>
      %max3A_995 = arith.maximumf %max3A_974, %min3A_994 : vector<16xf32>
      %min3A_996 = arith.minimumf %max3A_974, %min3A_994 : vector<16xf32>
      %max3A_997 = arith.maximumf %max3A_976, %min3A_996 : vector<16xf32>
      %min3A_998 = arith.minimumf %max3A_976, %min3A_996 : vector<16xf32>
      %max3A_999 = arith.maximumf %max3A_978, %min3A_998 : vector<16xf32>
      %min3A_1000 = arith.minimumf %max3A_978, %min3A_998 : vector<16xf32>
      %max3A_1001 = arith.maximumf %max3A_980, %min3A_1000 : vector<16xf32>
      %min3A_1002 = arith.minimumf %max3A_980, %min3A_1000 : vector<16xf32>
      %max3A_1003 = arith.maximumf %max3A_982, %min3A_1002 : vector<16xf32>
      %min3A_1004 = arith.minimumf %max3A_982, %min3A_1002 : vector<16xf32>
      %max3A_1005 = arith.maximumf %max3A_984, %min3A_1004 : vector<16xf32>
      %min3A_1006 = arith.minimumf %max3A_984, %min3A_1004 : vector<16xf32>
      %max3A_1007 = arith.maximumf %max3A_986, %min3A_1006 : vector<16xf32>
      %min3A_1008 = arith.minimumf %max3A_986, %min3A_1006 : vector<16xf32>
      %get3A_1009 = arith.constant 48 : i32
      %get3A_1010 = arith.index_cast %get3A_1009 : i32 to index
      %get3A_1011 = arith.constant 0 : index
      %get3A_1012 = tpu.vector_load %arg4[%get3A_1010, %get3A_1011] {strides = array<i32>} : memref<64x16xf32, #tpu.memory_space<vmem>>, vector<1x16xf32>,
      %get3A_1013 = vector.shape_cast %get3A_1012 : vector<1x16xf32> to vector<16xf32>
      %max3A_1014 = arith.maximumf %max3A_993, %get3A_1013 : vector<16xf32>
      %min3A_1015 = arith.minimumf %max3A_993, %get3A_1013 : vector<16xf32>
      %max3A_1016 = arith.maximumf %max3A_995, %min3A_1015 : vector<16xf32>
      %min3A_1017 = arith.minimumf %max3A_995, %min3A_1015 : vector<16xf32>
      %max3A_1018 = arith.maximumf %max3A_997, %min3A_1017 : vector<16xf32>
      %min3A_1019 = arith.minimumf %max3A_997, %min3A_1017 : vector<16xf32>
      %max3A_1020 = arith.maximumf %max3A_999, %min3A_1019 : vector<16xf32>
      %min3A_1021 = arith.minimumf %max3A_999, %min3A_1019 : vector<16xf32>
      %max3A_1022 = arith.maximumf %max3A_1001, %min3A_1021 : vector<16xf32>
      %min3A_1023 = arith.minimumf %max3A_1001, %min3A_1021 : vector<16xf32>
      %max3A_1024 = arith.maximumf %max3A_1003, %min3A_1023 : vector<16xf32>
      %min3A_1025 = arith.minimumf %max3A_1003, %min3A_1023 : vector<16xf32>
      %max3A_1026 = arith.maximumf %max3A_1005, %min3A_1025 : vector<16xf32>
      %min3A_1027 = arith.minimumf %max3A_1005, %min3A_1025 : vector<16xf32>
      %max3A_1028 = arith.maximumf %max3A_1007, %min3A_1027 : vector<16xf32>
      %min3A_1029 = arith.minimumf %max3A_1007, %min3A_1027 : vector<16xf32>
      %get3A_1030 = arith.constant 49 : i32
      %get3A_1031 = arith.index_cast %get3A_1030 : i32 to index
      %get3A_1032 = arith.constant 0 : index
      %get3A_1033 = tpu.vector_load %arg4[%get3A_1031, %get3A_1032] {strides = array<i32>} : memref<64x16xf32, #tpu.memory_space<vmem>>, vector<1x16xf32>,
      %get3A_1034 = vector.shape_cast %get3A_1033 : vector<1x16xf32> to vector<16xf32>
      %max3A_1035 = arith.maximumf %max3A_1014, %get3A_1034 : vector<16xf32>
      %min3A_1036 = arith.minimumf %max3A_1014, %get3A_1034 : vector<16xf32>
      %max3A_1037 = arith.maximumf %max3A_1016, %min3A_1036 : vector<16xf32>
      %min3A_1038 = arith.minimumf %max3A_1016, %min3A_1036 : vector<16xf32>
      %max3A_1039 = arith.maximumf %max3A_1018, %min3A_1038 : vector<16xf32>
      %min3A_1040 = arith.minimumf %max3A_1018, %min3A_1038 : vector<16xf32>
      %max3A_1041 = arith.maximumf %max3A_1020, %min3A_1040 : vector<16xf32>
      %min3A_1042 = arith.minimumf %max3A_1020, %min3A_1040 : vector<16xf32>
      %max3A_1043 = arith.maximumf %max3A_1022, %min3A_1042 : vector<16xf32>
      %min3A_1044 = arith.minimumf %max3A_1022, %min3A_1042 : vector<16xf32>
      %max3A_1045 = arith.maximumf %max3A_1024, %min3A_1044 : vector<16xf32>
      %min3A_1046 = arith.minimumf %max3A_1024, %min3A_1044 : vector<16xf32>
      %max3A_1047 = arith.maximumf %max3A_1026, %min3A_1046 : vector<16xf32>
      %min3A_1048 = arith.minimumf %max3A_1026, %min3A_1046 : vector<16xf32>
      %max3A_1049 = arith.maximumf %max3A_1028, %min3A_1048 : vector<16xf32>
      %min3A_1050 = arith.minimumf %max3A_1028, %min3A_1048 : vector<16xf32>
      %get3A_1051 = arith.constant 50 : i32
      %get3A_1052 = arith.index_cast %get3A_1051 : i32 to index
      %get3A_1053 = arith.constant 0 : index
      %get3A_1054 = tpu.vector_load %arg4[%get3A_1052, %get3A_1053] {strides = array<i32>} : memref<64x16xf32, #tpu.memory_space<vmem>>, vector<1x16xf32>,
      %get3A_1055 = vector.shape_cast %get3A_1054 : vector<1x16xf32> to vector<16xf32>
      %max3A_1056 = arith.maximumf %max3A_1035, %get3A_1055 : vector<16xf32>
      %min3A_1057 = arith.minimumf %max3A_1035, %get3A_1055 : vector<16xf32>
      %max3A_1058 = arith.maximumf %max3A_1037, %min3A_1057 : vector<16xf32>
      %min3A_1059 = arith.minimumf %max3A_1037, %min3A_1057 : vector<16xf32>
      %max3A_1060 = arith.maximumf %max3A_1039, %min3A_1059 : vector<16xf32>
      %min3A_1061 = arith.minimumf %max3A_1039, %min3A_1059 : vector<16xf32>
      %max3A_1062 = arith.maximumf %max3A_1041, %min3A_1061 : vector<16xf32>
      %min3A_1063 = arith.minimumf %max3A_1041, %min3A_1061 : vector<16xf32>
      %max3A_1064 = arith.maximumf %max3A_1043, %min3A_1063 : vector<16xf32>
      %min3A_1065 = arith.minimumf %max3A_1043, %min3A_1063 : vector<16xf32>
      %max3A_1066 = arith.maximumf %max3A_1045, %min3A_1065 : vector<16xf32>
      %min3A_1067 = arith.minimumf %max3A_1045, %min3A_1065 : vector<16xf32>
      %max3A_1068 = arith.maximumf %max3A_1047, %min3A_1067 : vector<16xf32>
      %min3A_1069 = arith.minimumf %max3A_1047, %min3A_1067 : vector<16xf32>
      %max3A_1070 = arith.maximumf %max3A_1049, %min3A_1069 : vector<16xf32>
      %min3A_1071 = arith.minimumf %max3A_1049, %min3A_1069 : vector<16xf32>
      %get3A_1072 = arith.constant 51 : i32
      %get3A_1073 = arith.index_cast %get3A_1072 : i32 to index
      %get3A_1074 = arith.constant 0 : index
      %get3A_1075 = tpu.vector_load %arg4[%get3A_1073, %get3A_1074] {strides = array<i32>} : memref<64x16xf32, #tpu.memory_space<vmem>>, vector<1x16xf32>,
      %get3A_1076 = vector.shape_cast %get3A_1075 : vector<1x16xf32> to vector<16xf32>
      %max3A_1077 = arith.maximumf %max3A_1056, %get3A_1076 : vector<16xf32>
      %min3A_1078 = arith.minimumf %max3A_1056, %get3A_1076 : vector<16xf32>
      %max3A_1079 = arith.maximumf %max3A_1058, %min3A_1078 : vector<16xf32>
      %min3A_1080 = arith.minimumf %max3A_1058, %min3A_1078 : vector<16xf32>
      %max3A_1081 = arith.maximumf %max3A_1060, %min3A_1080 : vector<16xf32>
      %min3A_1082 = arith.minimumf %max3A_1060, %min3A_1080 : vector<16xf32>
      %max3A_1083 = arith.maximumf %max3A_1062, %min3A_1082 : vector<16xf32>
      %min3A_1084 = arith.minimumf %max3A_1062, %min3A_1082 : vector<16xf32>
      %max3A_1085 = arith.maximumf %max3A_1064, %min3A_1084 : vector<16xf32>
      %min3A_1086 = arith.minimumf %max3A_1064, %min3A_1084 : vector<16xf32>
      %max3A_1087 = arith.maximumf %max3A_1066, %min3A_1086 : vector<16xf32>
      %min3A_1088 = arith.minimumf %max3A_1066, %min3A_1086 : vector<16xf32>
      %max3A_1089 = arith.maximumf %max3A_1068, %min3A_1088 : vector<16xf32>
      %min3A_1090 = arith.minimumf %max3A_1068, %min3A_1088 : vector<16xf32>
      %max3A_1091 = arith.maximumf %max3A_1070, %min3A_1090 : vector<16xf32>
      %min3A_1092 = arith.minimumf %max3A_1070, %min3A_1090 : vector<16xf32>
      %get3A_1093 = arith.constant 52 : i32
      %get3A_1094 = arith.index_cast %get3A_1093 : i32 to index
      %get3A_1095 = arith.constant 0 : index
      %get3A_1096 = tpu.vector_load %arg4[%get3A_1094, %get3A_1095] {strides = array<i32>} : memref<64x16xf32, #tpu.memory_space<vmem>>, vector<1x16xf32>,
      %get3A_1097 = vector.shape_cast %get3A_1096 : vector<1x16xf32> to vector<16xf32>
      %max3A_1098 = arith.maximumf %max3A_1077, %get3A_1097 : vector<16xf32>
      %min3A_1099 = arith.minimumf %max3A_1077, %get3A_1097 : vector<16xf32>
      %max3A_1100 = arith.maximumf %max3A_1079, %min3A_1099 : vector<16xf32>
      %min3A_1101 = arith.minimumf %max3A_1079, %min3A_1099 : vector<16xf32>
      %max3A_1102 = arith.maximumf %max3A_1081, %min3A_1101 : vector<16xf32>
      %min3A_1103 = arith.minimumf %max3A_1081, %min3A_1101 : vector<16xf32>
      %max3A_1104 = arith.maximumf %max3A_1083, %min3A_1103 : vector<16xf32>
      %min3A_1105 = arith.minimumf %max3A_1083, %min3A_1103 : vector<16xf32>
      %max3A_1106 = arith.maximumf %max3A_1085, %min3A_1105 : vector<16xf32>
      %min3A_1107 = arith.minimumf %max3A_1085, %min3A_1105 : vector<16xf32>
      %max3A_1108 = arith.maximumf %max3A_1087, %min3A_1107 : vector<16xf32>
      %min3A_1109 = arith.minimumf %max3A_1087, %min3A_1107 : vector<16xf32>
      %max3A_1110 = arith.maximumf %max3A_1089, %min3A_1109 : vector<16xf32>
      %min3A_1111 = arith.minimumf %max3A_1089, %min3A_1109 : vector<16xf32>
      %max3A_1112 = arith.maximumf %max3A_1091, %min3A_1111 : vector<16xf32>
      %min3A_1113 = arith.minimumf %max3A_1091, %min3A_1111 : vector<16xf32>
      %get3A_1114 = arith.constant 53 : i32
      %get3A_1115 = arith.index_cast %get3A_1114 : i32 to index
      %get3A_1116 = arith.constant 0 : index
      %get3A_1117 = tpu.vector_load %arg4[%get3A_1115, %get3A_1116] {strides = array<i32>} : memref<64x16xf32, #tpu.memory_space<vmem>>, vector<1x16xf32>,
      %get3A_1118 = vector.shape_cast %get3A_1117 : vector<1x16xf32> to vector<16xf32>
      %max3A_1119 = arith.maximumf %max3A_1098, %get3A_1118 : vector<16xf32>
      %min3A_1120 = arith.minimumf %max3A_1098, %get3A_1118 : vector<16xf32>
      %max3A_1121 = arith.maximumf %max3A_1100, %min3A_1120 : vector<16xf32>
      %min3A_1122 = arith.minimumf %max3A_1100, %min3A_1120 : vector<16xf32>
      %max3A_1123 = arith.maximumf %max3A_1102, %min3A_1122 : vector<16xf32>
      %min3A_1124 = arith.minimumf %max3A_1102, %min3A_1122 : vector<16xf32>
      %max3A_1125 = arith.maximumf %max3A_1104, %min3A_1124 : vector<16xf32>
      %min3A_1126 = arith.minimumf %max3A_1104, %min3A_1124 : vector<16xf32>
      %max3A_1127 = arith.maximumf %max3A_1106, %min3A_1126 : vector<16xf32>
      %min3A_1128 = arith.minimumf %max3A_1106, %min3A_1126 : vector<16xf32>
      %max3A_1129 = arith.maximumf %max3A_1108, %min3A_1128 : vector<16xf32>
      %min3A_1130 = arith.minimumf %max3A_1108, %min3A_1128 : vector<16xf32>
      %max3A_1131 = arith.maximumf %max3A_1110, %min3A_1130 : vector<16xf32>
      %min3A_1132 = arith.minimumf %max3A_1110, %min3A_1130 : vector<16xf32>
      %max3A_1133 = arith.maximumf %max3A_1112, %min3A_1132 : vector<16xf32>
      %min3A_1134 = arith.minimumf %max3A_1112, %min3A_1132 : vector<16xf32>
      %get3A_1135 = arith.constant 54 : i32
      %get3A_1136 = arith.index_cast %get3A_1135 : i32 to index
      %get3A_1137 = arith.constant 0 : index
      %get3A_1138 = tpu.vector_load %arg4[%get3A_1136, %get3A_1137] {strides = array<i32>} : memref<64x16xf32, #tpu.memory_space<vmem>>, vector<1x16xf32>,
      %get3A_1139 = vector.shape_cast %get3A_1138 : vector<1x16xf32> to vector<16xf32>
      %max3A_1140 = arith.maximumf %max3A_1119, %get3A_1139 : vector<16xf32>
      %min3A_1141 = arith.minimumf %max3A_1119, %get3A_1139 : vector<16xf32>
      %max3A_1142 = arith.maximumf %max3A_1121, %min3A_1141 : vector<16xf32>
      %min3A_1143 = arith.minimumf %max3A_1121, %min3A_1141 : vector<16xf32>
      %max3A_1144 = arith.maximumf %max3A_1123, %min3A_1143 : vector<16xf32>
      %min3A_1145 = arith.minimumf %max3A_1123, %min3A_1143 : vector<16xf32>
      %max3A_1146 = arith.maximumf %max3A_1125, %min3A_1145 : vector<16xf32>
      %min3A_1147 = arith.minimumf %max3A_1125, %min3A_1145 : vector<16xf32>
      %max3A_1148 = arith.maximumf %max3A_1127, %min3A_1147 : vector<16xf32>
      %min3A_1149 = arith.minimumf %max3A_1127, %min3A_1147 : vector<16xf32>
      %max3A_1150 = arith.maximumf %max3A_1129, %min3A_1149 : vector<16xf32>
      %min3A_1151 = arith.minimumf %max3A_1129, %min3A_1149 : vector<16xf32>
      %max3A_1152 = arith.maximumf %max3A_1131, %min3A_1151 : vector<16xf32>
      %min3A_1153 = arith.minimumf %max3A_1131, %min3A_1151 : vector<16xf32>
      %max3A_1154 = arith.maximumf %max3A_1133, %min3A_1153 : vector<16xf32>
      %min3A_1155 = arith.minimumf %max3A_1133, %min3A_1153 : vector<16xf32>
      %get3A_1156 = arith.constant 55 : i32
      %get3A_1157 = arith.index_cast %get3A_1156 : i32 to index
      %get3A_1158 = arith.constant 0 : index
      %get3A_1159 = tpu.vector_load %arg4[%get3A_1157, %get3A_1158] {strides = array<i32>} : memref<64x16xf32, #tpu.memory_space<vmem>>, vector<1x16xf32>,
      %get3A_1160 = vector.shape_cast %get3A_1159 : vector<1x16xf32> to vector<16xf32>
      %max3A_1161 = arith.maximumf %max3A_1140, %get3A_1160 : vector<16xf32>
      %min3A_1162 = arith.minimumf %max3A_1140, %get3A_1160 : vector<16xf32>
      %max3A_1163 = arith.maximumf %max3A_1142, %min3A_1162 : vector<16xf32>
      %min3A_1164 = arith.minimumf %max3A_1142, %min3A_1162 : vector<16xf32>
      %max3A_1165 = arith.maximumf %max3A_1144, %min3A_1164 : vector<16xf32>
      %min3A_1166 = arith.minimumf %max3A_1144, %min3A_1164 : vector<16xf32>
      %max3A_1167 = arith.maximumf %max3A_1146, %min3A_1166 : vector<16xf32>
      %min3A_1168 = arith.minimumf %max3A_1146, %min3A_1166 : vector<16xf32>
      %max3A_1169 = arith.maximumf %max3A_1148, %min3A_1168 : vector<16xf32>
      %min3A_1170 = arith.minimumf %max3A_1148, %min3A_1168 : vector<16xf32>
      %max3A_1171 = arith.maximumf %max3A_1150, %min3A_1170 : vector<16xf32>
      %min3A_1172 = arith.minimumf %max3A_1150, %min3A_1170 : vector<16xf32>
      %max3A_1173 = arith.maximumf %max3A_1152, %min3A_1172 : vector<16xf32>
      %min3A_1174 = arith.minimumf %max3A_1152, %min3A_1172 : vector<16xf32>
      %max3A_1175 = arith.maximumf %max3A_1154, %min3A_1174 : vector<16xf32>
      %min3A_1176 = arith.minimumf %max3A_1154, %min3A_1174 : vector<16xf32>
      %get3A_1177 = arith.constant 56 : i32
      %get3A_1178 = arith.index_cast %get3A_1177 : i32 to index
      %get3A_1179 = arith.constant 0 : index
      %get3A_1180 = tpu.vector_load %arg4[%get3A_1178, %get3A_1179] {strides = array<i32>} : memref<64x16xf32, #tpu.memory_space<vmem>>, vector<1x16xf32>,
      %get3A_1181 = vector.shape_cast %get3A_1180 : vector<1x16xf32> to vector<16xf32>
      %max3A_1182 = arith.maximumf %max3A_1161, %get3A_1181 : vector<16xf32>
      %min3A_1183 = arith.minimumf %max3A_1161, %get3A_1181 : vector<16xf32>
      %max3A_1184 = arith.maximumf %max3A_1163, %min3A_1183 : vector<16xf32>
      %min3A_1185 = arith.minimumf %max3A_1163, %min3A_1183 : vector<16xf32>
      %max3A_1186 = arith.maximumf %max3A_1165, %min3A_1185 : vector<16xf32>
      %min3A_1187 = arith.minimumf %max3A_1165, %min3A_1185 : vector<16xf32>
      %max3A_1188 = arith.maximumf %max3A_1167, %min3A_1187 : vector<16xf32>
      %min3A_1189 = arith.minimumf %max3A_1167, %min3A_1187 : vector<16xf32>
      %max3A_1190 = arith.maximumf %max3A_1169, %min3A_1189 : vector<16xf32>
      %min3A_1191 = arith.minimumf %max3A_1169, %min3A_1189 : vector<16xf32>
      %max3A_1192 = arith.maximumf %max3A_1171, %min3A_1191 : vector<16xf32>
      %min3A_1193 = arith.minimumf %max3A_1171, %min3A_1191 : vector<16xf32>
      %max3A_1194 = arith.maximumf %max3A_1173, %min3A_1193 : vector<16xf32>
      %min3A_1195 = arith.minimumf %max3A_1173, %min3A_1193 : vector<16xf32>
      %max3A_1196 = arith.maximumf %max3A_1175, %min3A_1195 : vector<16xf32>
      %min3A_1197 = arith.minimumf %max3A_1175, %min3A_1195 : vector<16xf32>
      %get3A_1198 = arith.constant 57 : i32
      %get3A_1199 = arith.index_cast %get3A_1198 : i32 to index
      %get3A_1200 = arith.constant 0 : index
      %get3A_1201 = tpu.vector_load %arg4[%get3A_1199, %get3A_1200] {strides = array<i32>} : memref<64x16xf32, #tpu.memory_space<vmem>>, vector<1x16xf32>,
      %get3A_1202 = vector.shape_cast %get3A_1201 : vector<1x16xf32> to vector<16xf32>
      %max3A_1203 = arith.maximumf %max3A_1182, %get3A_1202 : vector<16xf32>
      %min3A_1204 = arith.minimumf %max3A_1182, %get3A_1202 : vector<16xf32>
      %max3A_1205 = arith.maximumf %max3A_1184, %min3A_1204 : vector<16xf32>
      %min3A_1206 = arith.minimumf %max3A_1184, %min3A_1204 : vector<16xf32>
      %max3A_1207 = arith.maximumf %max3A_1186, %min3A_1206 : vector<16xf32>
      %min3A_1208 = arith.minimumf %max3A_1186, %min3A_1206 : vector<16xf32>
      %max3A_1209 = arith.maximumf %max3A_1188, %min3A_1208 : vector<16xf32>
      %min3A_1210 = arith.minimumf %max3A_1188, %min3A_1208 : vector<16xf32>
      %max3A_1211 = arith.maximumf %max3A_1190, %min3A_1210 : vector<16xf32>
      %min3A_1212 = arith.minimumf %max3A_1190, %min3A_1210 : vector<16xf32>
      %max3A_1213 = arith.maximumf %max3A_1192, %min3A_1212 : vector<16xf32>
      %min3A_1214 = arith.minimumf %max3A_1192, %min3A_1212 : vector<16xf32>
      %max3A_1215 = arith.maximumf %max3A_1194, %min3A_1214 : vector<16xf32>
      %min3A_1216 = arith.minimumf %max3A_1194, %min3A_1214 : vector<16xf32>
      %max3A_1217 = arith.maximumf %max3A_1196, %min3A_1216 : vector<16xf32>
      %min3A_1218 = arith.minimumf %max3A_1196, %min3A_1216 : vector<16xf32>
      %get3A_1219 = arith.constant 58 : i32
      %get3A_1220 = arith.index_cast %get3A_1219 : i32 to index
      %get3A_1221 = arith.constant 0 : index
      %get3A_1222 = tpu.vector_load %arg4[%get3A_1220, %get3A_1221] {strides = array<i32>} : memref<64x16xf32, #tpu.memory_space<vmem>>, vector<1x16xf32>,
      %get3A_1223 = vector.shape_cast %get3A_1222 : vector<1x16xf32> to vector<16xf32>
      %max3A_1224 = arith.maximumf %max3A_1203, %get3A_1223 : vector<16xf32>
      %min3A_1225 = arith.minimumf %max3A_1203, %get3A_1223 : vector<16xf32>
      %max3A_1226 = arith.maximumf %max3A_1205, %min3A_1225 : vector<16xf32>
      %min3A_1227 = arith.minimumf %max3A_1205, %min3A_1225 : vector<16xf32>
      %max3A_1228 = arith.maximumf %max3A_1207, %min3A_1227 : vector<16xf32>
      %min3A_1229 = arith.minimumf %max3A_1207, %min3A_1227 : vector<16xf32>
      %max3A_1230 = arith.maximumf %max3A_1209, %min3A_1229 : vector<16xf32>
      %min3A_1231 = arith.minimumf %max3A_1209, %min3A_1229 : vector<16xf32>
      %max3A_1232 = arith.maximumf %max3A_1211, %min3A_1231 : vector<16xf32>
      %min3A_1233 = arith.minimumf %max3A_1211, %min3A_1231 : vector<16xf32>
      %max3A_1234 = arith.maximumf %max3A_1213, %min3A_1233 : vector<16xf32>
      %min3A_1235 = arith.minimumf %max3A_1213, %min3A_1233 : vector<16xf32>
      %max3A_1236 = arith.maximumf %max3A_1215, %min3A_1235 : vector<16xf32>
      %min3A_1237 = arith.minimumf %max3A_1215, %min3A_1235 : vector<16xf32>
      %max3A_1238 = arith.maximumf %max3A_1217, %min3A_1237 : vector<16xf32>
      %min3A_1239 = arith.minimumf %max3A_1217, %min3A_1237 : vector<16xf32>
      %get3A_1240 = arith.constant 59 : i32
      %get3A_1241 = arith.index_cast %get3A_1240 : i32 to index
      %get3A_1242 = arith.constant 0 : index
      %get3A_1243 = tpu.vector_load %arg4[%get3A_1241, %get3A_1242] {strides = array<i32>} : memref<64x16xf32, #tpu.memory_space<vmem>>, vector<1x16xf32>,
      %get3A_1244 = vector.shape_cast %get3A_1243 : vector<1x16xf32> to vector<16xf32>
      %max3A_1245 = arith.maximumf %max3A_1224, %get3A_1244 : vector<16xf32>
      %min3A_1246 = arith.minimumf %max3A_1224, %get3A_1244 : vector<16xf32>
      %max3A_1247 = arith.maximumf %max3A_1226, %min3A_1246 : vector<16xf32>
      %min3A_1248 = arith.minimumf %max3A_1226, %min3A_1246 : vector<16xf32>
      %max3A_1249 = arith.maximumf %max3A_1228, %min3A_1248 : vector<16xf32>
      %min3A_1250 = arith.minimumf %max3A_1228, %min3A_1248 : vector<16xf32>
      %max3A_1251 = arith.maximumf %max3A_1230, %min3A_1250 : vector<16xf32>
      %min3A_1252 = arith.minimumf %max3A_1230, %min3A_1250 : vector<16xf32>
      %max3A_1253 = arith.maximumf %max3A_1232, %min3A_1252 : vector<16xf32>
      %min3A_1254 = arith.minimumf %max3A_1232, %min3A_1252 : vector<16xf32>
      %max3A_1255 = arith.maximumf %max3A_1234, %min3A_1254 : vector<16xf32>
      %min3A_1256 = arith.minimumf %max3A_1234, %min3A_1254 : vector<16xf32>
      %max3A_1257 = arith.maximumf %max3A_1236, %min3A_1256 : vector<16xf32>
      %min3A_1258 = arith.minimumf %max3A_1236, %min3A_1256 : vector<16xf32>
      %max3A_1259 = arith.maximumf %max3A_1238, %min3A_1258 : vector<16xf32>
      %min3A_1260 = arith.minimumf %max3A_1238, %min3A_1258 : vector<16xf32>
      %get3A_1261 = arith.constant 60 : i32
      %get3A_1262 = arith.index_cast %get3A_1261 : i32 to index
      %get3A_1263 = arith.constant 0 : index
      %get3A_1264 = tpu.vector_load %arg4[%get3A_1262, %get3A_1263] {strides = array<i32>} : memref<64x16xf32, #tpu.memory_space<vmem>>, vector<1x16xf32>,
      %get3A_1265 = vector.shape_cast %get3A_1264 : vector<1x16xf32> to vector<16xf32>
      %max3A_1266 = arith.maximumf %max3A_1245, %get3A_1265 : vector<16xf32>
      %min3A_1267 = arith.minimumf %max3A_1245, %get3A_1265 : vector<16xf32>
      %max3A_1268 = arith.maximumf %max3A_1247, %min3A_1267 : vector<16xf32>
      %min3A_1269 = arith.minimumf %max3A_1247, %min3A_1267 : vector<16xf32>
      %max3A_1270 = arith.maximumf %max3A_1249, %min3A_1269 : vector<16xf32>
      %min3A_1271 = arith.minimumf %max3A_1249, %min3A_1269 : vector<16xf32>
      %max3A_1272 = arith.maximumf %max3A_1251, %min3A_1271 : vector<16xf32>
      %min3A_1273 = arith.minimumf %max3A_1251, %min3A_1271 : vector<16xf32>
      %max3A_1274 = arith.maximumf %max3A_1253, %min3A_1273 : vector<16xf32>
      %min3A_1275 = arith.minimumf %max3A_1253, %min3A_1273 : vector<16xf32>
      %max3A_1276 = arith.maximumf %max3A_1255, %min3A_1275 : vector<16xf32>
      %min3A_1277 = arith.minimumf %max3A_1255, %min3A_1275 : vector<16xf32>
      %max3A_1278 = arith.maximumf %max3A_1257, %min3A_1277 : vector<16xf32>
      %min3A_1279 = arith.minimumf %max3A_1257, %min3A_1277 : vector<16xf32>
      %max3A_1280 = arith.maximumf %max3A_1259, %min3A_1279 : vector<16xf32>
      %min3A_1281 = arith.minimumf %max3A_1259, %min3A_1279 : vector<16xf32>
      %get3A_1282 = arith.constant 61 : i32
      %get3A_1283 = arith.index_cast %get3A_1282 : i32 to index
      %get3A_1284 = arith.constant 0 : index
      %get3A_1285 = tpu.vector_load %arg4[%get3A_1283, %get3A_1284] {strides = array<i32>} : memref<64x16xf32, #tpu.memory_space<vmem>>, vector<1x16xf32>,
      %get3A_1286 = vector.shape_cast %get3A_1285 : vector<1x16xf32> to vector<16xf32>
      %max3A_1287 = arith.maximumf %max3A_1266, %get3A_1286 : vector<16xf32>
      %min3A_1288 = arith.minimumf %max3A_1266, %get3A_1286 : vector<16xf32>
      %max3A_1289 = arith.maximumf %max3A_1268, %min3A_1288 : vector<16xf32>
      %min3A_1290 = arith.minimumf %max3A_1268, %min3A_1288 : vector<16xf32>
      %max3A_1291 = arith.maximumf %max3A_1270, %min3A_1290 : vector<16xf32>
      %min3A_1292 = arith.minimumf %max3A_1270, %min3A_1290 : vector<16xf32>
      %max3A_1293 = arith.maximumf %max3A_1272, %min3A_1292 : vector<16xf32>
      %min3A_1294 = arith.minimumf %max3A_1272, %min3A_1292 : vector<16xf32>
      %max3A_1295 = arith.maximumf %max3A_1274, %min3A_1294 : vector<16xf32>
      %min3A_1296 = arith.minimumf %max3A_1274, %min3A_1294 : vector<16xf32>
      %max3A_1297 = arith.maximumf %max3A_1276, %min3A_1296 : vector<16xf32>
      %min3A_1298 = arith.minimumf %max3A_1276, %min3A_1296 : vector<16xf32>
      %max3A_1299 = arith.maximumf %max3A_1278, %min3A_1298 : vector<16xf32>
      %min3A_1300 = arith.minimumf %max3A_1278, %min3A_1298 : vector<16xf32>
      %max3A_1301 = arith.maximumf %max3A_1280, %min3A_1300 : vector<16xf32>
      %min3A_1302 = arith.minimumf %max3A_1280, %min3A_1300 : vector<16xf32>
      %get3A_1303 = arith.constant 62 : i32
      %get3A_1304 = arith.index_cast %get3A_1303 : i32 to index
      %get3A_1305 = arith.constant 0 : index
      %get3A_1306 = tpu.vector_load %arg4[%get3A_1304, %get3A_1305] {strides = array<i32>} : memref<64x16xf32, #tpu.memory_space<vmem>>, vector<1x16xf32>,
      %get3A_1307 = vector.shape_cast %get3A_1306 : vector<1x16xf32> to vector<16xf32>
      %max3A_1308 = arith.maximumf %max3A_1287, %get3A_1307 : vector<16xf32>
      %min3A_1309 = arith.minimumf %max3A_1287, %get3A_1307 : vector<16xf32>
      %max3A_1310 = arith.maximumf %max3A_1289, %min3A_1309 : vector<16xf32>
      %min3A_1311 = arith.minimumf %max3A_1289, %min3A_1309 : vector<16xf32>
      %max3A_1312 = arith.maximumf %max3A_1291, %min3A_1311 : vector<16xf32>
      %min3A_1313 = arith.minimumf %max3A_1291, %min3A_1311 : vector<16xf32>
      %max3A_1314 = arith.maximumf %max3A_1293, %min3A_1313 : vector<16xf32>
      %min3A_1315 = arith.minimumf %max3A_1293, %min3A_1313 : vector<16xf32>
      %max3A_1316 = arith.maximumf %max3A_1295, %min3A_1315 : vector<16xf32>
      %min3A_1317 = arith.minimumf %max3A_1295, %min3A_1315 : vector<16xf32>
      %max3A_1318 = arith.maximumf %max3A_1297, %min3A_1317 : vector<16xf32>
      %min3A_1319 = arith.minimumf %max3A_1297, %min3A_1317 : vector<16xf32>
      %max3A_1320 = arith.maximumf %max3A_1299, %min3A_1319 : vector<16xf32>
      %min3A_1321 = arith.minimumf %max3A_1299, %min3A_1319 : vector<16xf32>
      %max3A_1322 = arith.maximumf %max3A_1301, %min3A_1321 : vector<16xf32>
      %min3A_1323 = arith.minimumf %max3A_1301, %min3A_1321 : vector<16xf32>
      %get3A_1324 = arith.constant 63 : i32
      %get3A_1325 = arith.index_cast %get3A_1324 : i32 to index
      %get3A_1326 = arith.constant 0 : index
      %get3A_1327 = tpu.vector_load %arg4[%get3A_1325, %get3A_1326] {strides = array<i32>} : memref<64x16xf32, #tpu.memory_space<vmem>>, vector<1x16xf32>,
      %get3A_1328 = vector.shape_cast %get3A_1327 : vector<1x16xf32> to vector<16xf32>
      %max3A_1329 = arith.maximumf %max3A_1308, %get3A_1328 : vector<16xf32>
      %min3A_1330 = arith.minimumf %max3A_1308, %get3A_1328 : vector<16xf32>
      %max3A_1331 = arith.maximumf %max3A_1310, %min3A_1330 : vector<16xf32>
      %min3A_1332 = arith.minimumf %max3A_1310, %min3A_1330 : vector<16xf32>
      %max3A_1333 = arith.maximumf %max3A_1312, %min3A_1332 : vector<16xf32>
      %min3A_1334 = arith.minimumf %max3A_1312, %min3A_1332 : vector<16xf32>
      %max3A_1335 = arith.maximumf %max3A_1314, %min3A_1334 : vector<16xf32>
      %min3A_1336 = arith.minimumf %max3A_1314, %min3A_1334 : vector<16xf32>
      %max3A_1337 = arith.maximumf %max3A_1316, %min3A_1336 : vector<16xf32>
      %min3A_1338 = arith.minimumf %max3A_1316, %min3A_1336 : vector<16xf32>
      %max3A_1339 = arith.maximumf %max3A_1318, %min3A_1338 : vector<16xf32>
      %min3A_1340 = arith.minimumf %max3A_1318, %min3A_1338 : vector<16xf32>
      %max3A_1341 = arith.maximumf %max3A_1320, %min3A_1340 : vector<16xf32>
      %min3A_1342 = arith.minimumf %max3A_1320, %min3A_1340 : vector<16xf32>
      %max3A_1343 = arith.maximumf %max3A_1322, %min3A_1342 : vector<16xf32>
      %min3A_1344 = arith.minimumf %max3A_1322, %min3A_1342 : vector<16xf32>
      %broadcast_in_dim3A_1345 = arith.constant 0.000000e+00 : f32
      %broadcast_in_dim3A_1346 = vector.broadcast %broadcast_in_dim3A_1345 : f32 to vector<16xf32>
      %sub3A = arith.subf %max3A_1329, %max3A_1329 : vector<16xf32>
      %exp3A = math.exp %sub3A : vector<16xf32>
      %add3A_1347 = arith.addf %broadcast_in_dim3A_1346, %exp3A : vector<16xf32>
      %sub3A_1348 = arith.subf %max3A_1331, %max3A_1329 : vector<16xf32>
      %exp3A_1349 = math.exp %sub3A_1348 : vector<16xf32>
      %add3A_1350 = arith.addf %add3A_1347, %exp3A_1349 : vector<16xf32>
      %sub3A_1351 = arith.subf %max3A_1333, %max3A_1329 : vector<16xf32>
      %exp3A_1352 = math.exp %sub3A_1351 : vector<16xf32>
      %add3A_1353 = arith.addf %add3A_1350, %exp3A_1352 : vector<16xf32>
      %sub3A_1354 = arith.subf %max3A_1335, %max3A_1329 : vector<16xf32>
      %exp3A_1355 = math.exp %sub3A_1354 : vector<16xf32>
      %add3A_1356 = arith.addf %add3A_1353, %exp3A_1355 : vector<16xf32>
      %sub3A_1357 = arith.subf %max3A_1337, %max3A_1329 : vector<16xf32>
      %exp3A_1358 = math.exp %sub3A_1357 : vector<16xf32>
      %add3A_1359 = arith.addf %add3A_1356, %exp3A_1358 : vector<16xf32>
      %sub3A_1360 = arith.subf %max3A_1339, %max3A_1329 : vector<16xf32>
      %exp3A_1361 = math.exp %sub3A_1360 : vector<16xf32>
      %add3A_1362 = arith.addf %add3A_1359, %exp3A_1361 : vector<16xf32>
      %sub3A_1363 = arith.subf %max3A_1341, %max3A_1329 : vector<16xf32>
      %exp3A_1364 = math.exp %sub3A_1363 : vector<16xf32>
      %add3A_1365 = arith.addf %add3A_1362, %exp3A_1364 : vector<16xf32>
      %sub3A_1366 = arith.subf %max3A_1343, %max3A_1329 : vector<16xf32>
      %exp3A_1367 = math.exp %sub3A_1366 : vector<16xf32>
      %add3A_1368 = arith.addf %add3A_1365, %exp3A_1367 : vector<16xf32>
      %div3A = arith.constant 1.000000e+00 : f32
      %div3A_1369 = vector.broadcast %div3A : f32 to vector<16xf32>
      %div3A_1370 = arith.divf %div3A_1369, %add3A_1368 : vector<16xf32>
      %get3A_1371 = arith.constant 0 : i32
      %get3A_1372 = arith.index_cast %get3A_1371 : i32 to index
      %get3A_1373 = arith.constant 0 : index
      %get3A_1374 = tpu.vector_load %arg4[%get3A_1372, %get3A_1373] {strides = array<i32>} : memref<64x16xf32, #tpu.memory_space<vmem>>, vector<1x16xf32>,
      %get3A_1375 = vector.shape_cast %get3A_1374 : vector<1x16xf32> to vector<16xf32>
      %ge3A = arith.cmpf oge, %get3A_1375, %max3A_1343 : vector<16xf32>
      %sub3A_1376 = arith.subf %get3A_1375, %max3A_1329 : vector<16xf32>
      %exp3A_1377 = math.exp %sub3A_1376 : vector<16xf32>
      %mul3A_1378 = arith.mulf %exp3A_1377, %div3A_1370 : vector<16xf32>
      %jit3A = arith.constant 0.000000e+00 : f32
      %broadcast_in_dim3A_1379 = vector.broadcast %jit3A : f32 to vector<16xf32>
      %select_n3A = arith.select %ge3A, %mul3A_1378, %broadcast_in_dim3A_1379 : vector<16xi1>, vector<16xf32>
      %swap3A = arith.constant 0 : i32
      %swap3A_1380 = arith.index_cast %swap3A : i32 to index
      %swap3A_1381 = arith.constant 0 : index
      %swap3A_1382 = tpu.vector_load %arg5[%swap3A_1380, %swap3A_1381] {strides = array<i32>} : memref<64x16xf32, #tpu.memory_space<vmem>>, vector<1x16xf32>,
      %swap3A_1383 = vector.shape_cast %swap3A_1382 : vector<1x16xf32> to vector<16xf32>
      %swap3A_1384 = vector.shape_cast %select_n3A : vector<16xf32> to vector<1x16xf32>
      tpu.vector_store %arg5[%swap3A_1380, %swap3A_1381], %swap3A_1384 {strides = array<i32>} : memref<64x16xf32, #tpu.memory_space<vmem>>, vector<1x16xf32>,
      %get3A_1385 = arith.constant 1 : i32
      %get3A_1386 = arith.index_cast %get3A_1385 : i32 to index
      %get3A_1387 = arith.constant 0 : index
      %get3A_1388 = tpu.vector_load %arg4[%get3A_1386, %get3A_1387] {strides = array<i32>} : memref<64x16xf32, #tpu.memory_space<vmem>>, vector<1x16xf32>,
      %get3A_1389 = vector.shape_cast %get3A_1388 : vector<1x16xf32> to vector<16xf32>
      %ge3A_1390 = arith.cmpf oge, %get3A_1389, %max3A_1343 : vector<16xf32>
      %sub3A_1391 = arith.subf %get3A_1389, %max3A_1329 : vector<16xf32>
      %exp3A_1392 = math.exp %sub3A_1391 : vector<16xf32>
      %mul3A_1393 = arith.mulf %exp3A_1392, %div3A_1370 : vector<16xf32>
      %jit3A_1394 = arith.constant 0.000000e+00 : f32
      %broadcast_in_dim3A_1395 = vector.broadcast %jit3A_1394 : f32 to vector<16xf32>
      %select_n3A_1396 = arith.select %ge3A_1390, %mul3A_1393, %broadcast_in_dim3A_1395 : vector<16xi1>, vector<16xf32>
      %swap3A_1397 = arith.constant 1 : i32
      %swap3A_1398 = arith.index_cast %swap3A_1397 : i32 to index
      %swap3A_1399 = arith.constant 0 : index
      %swap3A_1400 = tpu.vector_load %arg5[%swap3A_1398, %swap3A_1399] {strides = array<i32>} : memref<64x16xf32, #tpu.memory_space<vmem>>, vector<1x16xf32>,
      %swap3A_1401 = vector.shape_cast %swap3A_1400 : vector<1x16xf32> to vector<16xf32>
      %swap3A_1402 = vector.shape_cast %select_n3A_1396 : vector<16xf32> to vector<1x16xf32>
      tpu.vector_store %arg5[%swap3A_1398, %swap3A_1399], %swap3A_1402 {strides = array<i32>} : memref<64x16xf32, #tpu.memory_space<vmem>>, vector<1x16xf32>,
      %get3A_1403 = arith.constant 2 : i32
      %get3A_1404 = arith.index_cast %get3A_1403 : i32 to index
      %get3A_1405 = arith.constant 0 : index
      %get3A_1406 = tpu.vector_load %arg4[%get3A_1404, %get3A_1405] {strides = array<i32>} : memref<64x16xf32, #tpu.memory_space<vmem>>, vector<1x16xf32>,
      %get3A_1407 = vector.shape_cast %get3A_1406 : vector<1x16xf32> to vector<16xf32>
      %ge3A_1408 = arith.cmpf oge, %get3A_1407, %max3A_1343 : vector<16xf32>
      %sub3A_1409 = arith.subf %get3A_1407, %max3A_1329 : vector<16xf32>
      %exp3A_1410 = math.exp %sub3A_1409 : vector<16xf32>
      %mul3A_1411 = arith.mulf %exp3A_1410, %div3A_1370 : vector<16xf32>
      %jit3A_1412 = arith.constant 0.000000e+00 : f32
      %broadcast_in_dim3A_1413 = vector.broadcast %jit3A_1412 : f32 to vector<16xf32>
      %select_n3A_1414 = arith.select %ge3A_1408, %mul3A_1411, %broadcast_in_dim3A_1413 : vector<16xi1>, vector<16xf32>
      %swap3A_1415 = arith.constant 2 : i32
      %swap3A_1416 = arith.index_cast %swap3A_1415 : i32 to index
      %swap3A_1417 = arith.constant 0 : index
      %swap3A_1418 = tpu.vector_load %arg5[%swap3A_1416, %swap3A_1417] {strides = array<i32>} : memref<64x16xf32, #tpu.memory_space<vmem>>, vector<1x16xf32>,
      %swap3A_1419 = vector.shape_cast %swap3A_1418 : vector<1x16xf32> to vector<16xf32>
      %swap3A_1420 = vector.shape_cast %select_n3A_1414 : vector<16xf32> to vector<1x16xf32>
      tpu.vector_store %arg5[%swap3A_1416, %swap3A_1417], %swap3A_1420 {strides = array<i32>} : memref<64x16xf32, #tpu.memory_space<vmem>>, vector<1x16xf32>,
      %get3A_1421 = arith.constant 3 : i32
      %get3A_1422 = arith.index_cast %get3A_1421 : i32 to index
      %get3A_1423 = arith.constant 0 : index
      %get3A_1424 = tpu.vector_load %arg4[%get3A_1422, %get3A_1423] {strides = array<i32>} : memref<64x16xf32, #tpu.memory_space<vmem>>, vector<1x16xf32>,
      %get3A_1425 = vector.shape_cast %get3A_1424 : vector<1x16xf32> to vector<16xf32>
      %ge3A_1426 = arith.cmpf oge, %get3A_1425, %max3A_1343 : vector<16xf32>
      %sub3A_1427 = arith.subf %get3A_1425, %max3A_1329 : vector<16xf32>
      %exp3A_1428 = math.exp %sub3A_1427 : vector<16xf32>
      %mul3A_1429 = arith.mulf %exp3A_1428, %div3A_1370 : vector<16xf32>
      %jit3A_1430 = arith.constant 0.000000e+00 : f32
      %broadcast_in_dim3A_1431 = vector.broadcast %jit3A_1430 : f32 to vector<16xf32>
      %select_n3A_1432 = arith.select %ge3A_1426, %mul3A_1429, %broadcast_in_dim3A_1431 : vector<16xi1>, vector<16xf32>
      %swap3A_1433 = arith.constant 3 : i32
      %swap3A_1434 = arith.index_cast %swap3A_1433 : i32 to index
      %swap3A_1435 = arith.constant 0 : index
      %swap3A_1436 = tpu.vector_load %arg5[%swap3A_1434, %swap3A_1435] {strides = array<i32>} : memref<64x16xf32, #tpu.memory_space<vmem>>, vector<1x16xf32>,
      %swap3A_1437 = vector.shape_cast %swap3A_1436 : vector<1x16xf32> to vector<16xf32>
      %swap3A_1438 = vector.shape_cast %select_n3A_1432 : vector<16xf32> to vector<1x16xf32>
      tpu.vector_store %arg5[%swap3A_1434, %swap3A_1435], %swap3A_1438 {strides = array<i32>} : memref<64x16xf32, #tpu.memory_space<vmem>>, vector<1x16xf32>,
      %get3A_1439 = arith.constant 4 : i32
      %get3A_1440 = arith.index_cast %get3A_1439 : i32 to index
      %get3A_1441 = arith.constant 0 : index
      %get3A_1442 = tpu.vector_load %arg4[%get3A_1440, %get3A_1441] {strides = array<i32>} : memref<64x16xf32, #tpu.memory_space<vmem>>, vector<1x16xf32>,
      %get3A_1443 = vector.shape_cast %get3A_1442 : vector<1x16xf32> to vector<16xf32>
      %ge3A_1444 = arith.cmpf oge, %get3A_1443, %max3A_1343 : vector<16xf32>
      %sub3A_1445 = arith.subf %get3A_1443, %max3A_1329 : vector<16xf32>
      %exp3A_1446 = math.exp %sub3A_1445 : vector<16xf32>
      %mul3A_1447 = arith.mulf %exp3A_1446, %div3A_1370 : vector<16xf32>
      %jit3A_1448 = arith.constant 0.000000e+00 : f32
      %broadcast_in_dim3A_1449 = vector.broadcast %jit3A_1448 : f32 to vector<16xf32>
      %select_n3A_1450 = arith.select %ge3A_1444, %mul3A_1447, %broadcast_in_dim3A_1449 : vector<16xi1>, vector<16xf32>
      %swap3A_1451 = arith.constant 4 : i32
      %swap3A_1452 = arith.index_cast %swap3A_1451 : i32 to index
      %swap3A_1453 = arith.constant 0 : index
      %swap3A_1454 = tpu.vector_load %arg5[%swap3A_1452, %swap3A_1453] {strides = array<i32>} : memref<64x16xf32, #tpu.memory_space<vmem>>, vector<1x16xf32>,
      %swap3A_1455 = vector.shape_cast %swap3A_1454 : vector<1x16xf32> to vector<16xf32>
      %swap3A_1456 = vector.shape_cast %select_n3A_1450 : vector<16xf32> to vector<1x16xf32>
      tpu.vector_store %arg5[%swap3A_1452, %swap3A_1453], %swap3A_1456 {strides = array<i32>} : memref<64x16xf32, #tpu.memory_space<vmem>>, vector<1x16xf32>,
      %get3A_1457 = arith.constant 5 : i32
      %get3A_1458 = arith.index_cast %get3A_1457 : i32 to index
      %get3A_1459 = arith.constant 0 : index
      %get3A_1460 = tpu.vector_load %arg4[%get3A_1458, %get3A_1459] {strides = array<i32>} : memref<64x16xf32, #tpu.memory_space<vmem>>, vector<1x16xf32>,
      %get3A_1461 = vector.shape_cast %get3A_1460 : vector<1x16xf32> to vector<16xf32>
      %ge3A_1462 = arith.cmpf oge, %get3A_1461, %max3A_1343 : vector<16xf32>
      %sub3A_1463 = arith.subf %get3A_1461, %max3A_1329 : vector<16xf32>
      %exp3A_1464 = math.exp %sub3A_1463 : vector<16xf32>
      %mul3A_1465 = arith.mulf %exp3A_1464, %div3A_1370 : vector<16xf32>
      %jit3A_1466 = arith.constant 0.000000e+00 : f32
      %broadcast_in_dim3A_1467 = vector.broadcast %jit3A_1466 : f32 to vector<16xf32>
      %select_n3A_1468 = arith.select %ge3A_1462, %mul3A_1465, %broadcast_in_dim3A_1467 : vector<16xi1>, vector<16xf32>
      %swap3A_1469 = arith.constant 5 : i32
      %swap3A_1470 = arith.index_cast %swap3A_1469 : i32 to index
      %swap3A_1471 = arith.constant 0 : index
      %swap3A_1472 = tpu.vector_load %arg5[%swap3A_1470, %swap3A_1471] {strides = array<i32>} : memref<64x16xf32, #tpu.memory_space<vmem>>, vector<1x16xf32>,
      %swap3A_1473 = vector.shape_cast %swap3A_1472 : vector<1x16xf32> to vector<16xf32>
      %swap3A_1474 = vector.shape_cast %select_n3A_1468 : vector<16xf32> to vector<1x16xf32>
      tpu.vector_store %arg5[%swap3A_1470, %swap3A_1471], %swap3A_1474 {strides = array<i32>} : memref<64x16xf32, #tpu.memory_space<vmem>>, vector<1x16xf32>,
      %get3A_1475 = arith.constant 6 : i32
      %get3A_1476 = arith.index_cast %get3A_1475 : i32 to index
      %get3A_1477 = arith.constant 0 : index
      %get3A_1478 = tpu.vector_load %arg4[%get3A_1476, %get3A_1477] {strides = array<i32>} : memref<64x16xf32, #tpu.memory_space<vmem>>, vector<1x16xf32>,
      %get3A_1479 = vector.shape_cast %get3A_1478 : vector<1x16xf32> to vector<16xf32>
      %ge3A_1480 = arith.cmpf oge, %get3A_1479, %max3A_1343 : vector<16xf32>
      %sub3A_1481 = arith.subf %get3A_1479, %max3A_1329 : vector<16xf32>
      %exp3A_1482 = math.exp %sub3A_1481 : vector<16xf32>
      %mul3A_1483 = arith.mulf %exp3A_1482, %div3A_1370 : vector<16xf32>
      %jit3A_1484 = arith.constant 0.000000e+00 : f32
      %broadcast_in_dim3A_1485 = vector.broadcast %jit3A_1484 : f32 to vector<16xf32>
      %select_n3A_1486 = arith.select %ge3A_1480, %mul3A_1483, %broadcast_in_dim3A_1485 : vector<16xi1>, vector<16xf32>
      %swap3A_1487 = arith.constant 6 : i32
      %swap3A_1488 = arith.index_cast %swap3A_1487 : i32 to index
      %swap3A_1489 = arith.constant 0 : index
      %swap3A_1490 = tpu.vector_load %arg5[%swap3A_1488, %swap3A_1489] {strides = array<i32>} : memref<64x16xf32, #tpu.memory_space<vmem>>, vector<1x16xf32>,
      %swap3A_1491 = vector.shape_cast %swap3A_1490 : vector<1x16xf32> to vector<16xf32>
      %swap3A_1492 = vector.shape_cast %select_n3A_1486 : vector<16xf32> to vector<1x16xf32>
      tpu.vector_store %arg5[%swap3A_1488, %swap3A_1489], %swap3A_1492 {strides = array<i32>} : memref<64x16xf32, #tpu.memory_space<vmem>>, vector<1x16xf32>,
      %get3A_1493 = arith.constant 7 : i32
      %get3A_1494 = arith.index_cast %get3A_1493 : i32 to index
      %get3A_1495 = arith.constant 0 : index
      %get3A_1496 = tpu.vector_load %arg4[%get3A_1494, %get3A_1495] {strides = array<i32>} : memref<64x16xf32, #tpu.memory_space<vmem>>, vector<1x16xf32>,
      %get3A_1497 = vector.shape_cast %get3A_1496 : vector<1x16xf32> to vector<16xf32>
      %ge3A_1498 = arith.cmpf oge, %get3A_1497, %max3A_1343 : vector<16xf32>
      %sub3A_1499 = arith.subf %get3A_1497, %max3A_1329 : vector<16xf32>
      %exp3A_1500 = math.exp %sub3A_1499 : vector<16xf32>
      %mul3A_1501 = arith.mulf %exp3A_1500, %div3A_1370 : vector<16xf32>
      %jit3A_1502 = arith.constant 0.000000e+00 : f32
      %broadcast_in_dim3A_1503 = vector.broadcast %jit3A_1502 : f32 to vector<16xf32>
      %select_n3A_1504 = arith.select %ge3A_1498, %mul3A_1501, %broadcast_in_dim3A_1503 : vector<16xi1>, vector<16xf32>
      %swap3A_1505 = arith.constant 7 : i32
      %swap3A_1506 = arith.index_cast %swap3A_1505 : i32 to index
      %swap3A_1507 = arith.constant 0 : index
      %swap3A_1508 = tpu.vector_load %arg5[%swap3A_1506, %swap3A_1507] {strides = array<i32>} : memref<64x16xf32, #tpu.memory_space<vmem>>, vector<1x16xf32>,
      %swap3A_1509 = vector.shape_cast %swap3A_1508 : vector<1x16xf32> to vector<16xf32>
      %swap3A_1510 = vector.shape_cast %select_n3A_1504 : vector<16xf32> to vector<1x16xf32>
      tpu.vector_store %arg5[%swap3A_1506, %swap3A_1507], %swap3A_1510 {strides = array<i32>} : memref<64x16xf32, #tpu.memory_space<vmem>>, vector<1x16xf32>,
      %get3A_1511 = arith.constant 8 : i32
      %get3A_1512 = arith.index_cast %get3A_1511 : i32 to index
      %get3A_1513 = arith.constant 0 : index
      %get3A_1514 = tpu.vector_load %arg4[%get3A_1512, %get3A_1513] {strides = array<i32>} : memref<64x16xf32, #tpu.memory_space<vmem>>, vector<1x16xf32>,
      %get3A_1515 = vector.shape_cast %get3A_1514 : vector<1x16xf32> to vector<16xf32>
      %ge3A_1516 = arith.cmpf oge, %get3A_1515, %max3A_1343 : vector<16xf32>
      %sub3A_1517 = arith.subf %get3A_1515, %max3A_1329 : vector<16xf32>
      %exp3A_1518 = math.exp %sub3A_1517 : vector<16xf32>
      %mul3A_1519 = arith.mulf %exp3A_1518, %div3A_1370 : vector<16xf32>
      %jit3A_1520 = arith.constant 0.000000e+00 : f32
      %broadcast_in_dim3A_1521 = vector.broadcast %jit3A_1520 : f32 to vector<16xf32>
      %select_n3A_1522 = arith.select %ge3A_1516, %mul3A_1519, %broadcast_in_dim3A_1521 : vector<16xi1>, vector<16xf32>
      %swap3A_1523 = arith.constant 8 : i32
      %swap3A_1524 = arith.index_cast %swap3A_1523 : i32 to index
      %swap3A_1525 = arith.constant 0 : index
      %swap3A_1526 = tpu.vector_load %arg5[%swap3A_1524, %swap3A_1525] {strides = array<i32>} : memref<64x16xf32, #tpu.memory_space<vmem>>, vector<1x16xf32>,
      %swap3A_1527 = vector.shape_cast %swap3A_1526 : vector<1x16xf32> to vector<16xf32>
      %swap3A_1528 = vector.shape_cast %select_n3A_1522 : vector<16xf32> to vector<1x16xf32>
      tpu.vector_store %arg5[%swap3A_1524, %swap3A_1525], %swap3A_1528 {strides = array<i32>} : memref<64x16xf32, #tpu.memory_space<vmem>>, vector<1x16xf32>,
      %get3A_1529 = arith.constant 9 : i32
      %get3A_1530 = arith.index_cast %get3A_1529 : i32 to index
      %get3A_1531 = arith.constant 0 : index
      %get3A_1532 = tpu.vector_load %arg4[%get3A_1530, %get3A_1531] {strides = array<i32>} : memref<64x16xf32, #tpu.memory_space<vmem>>, vector<1x16xf32>,
      %get3A_1533 = vector.shape_cast %get3A_1532 : vector<1x16xf32> to vector<16xf32>
      %ge3A_1534 = arith.cmpf oge, %get3A_1533, %max3A_1343 : vector<16xf32>
      %sub3A_1535 = arith.subf %get3A_1533, %max3A_1329 : vector<16xf32>
      %exp3A_1536 = math.exp %sub3A_1535 : vector<16xf32>
      %mul3A_1537 = arith.mulf %exp3A_1536, %div3A_1370 : vector<16xf32>
      %jit3A_1538 = arith.constant 0.000000e+00 : f32
      %broadcast_in_dim3A_1539 = vector.broadcast %jit3A_1538 : f32 to vector<16xf32>
      %select_n3A_1540 = arith.select %ge3A_1534, %mul3A_1537, %broadcast_in_dim3A_1539 : vector<16xi1>, vector<16xf32>
      %swap3A_1541 = arith.constant 9 : i32
      %swap3A_1542 = arith.index_cast %swap3A_1541 : i32 to index
      %swap3A_1543 = arith.constant 0 : index
      %swap3A_1544 = tpu.vector_load %arg5[%swap3A_1542, %swap3A_1543] {strides = array<i32>} : memref<64x16xf32, #tpu.memory_space<vmem>>, vector<1x16xf32>,
      %swap3A_1545 = vector.shape_cast %swap3A_1544 : vector<1x16xf32> to vector<16xf32>
      %swap3A_1546 = vector.shape_cast %select_n3A_1540 : vector<16xf32> to vector<1x16xf32>
      tpu.vector_store %arg5[%swap3A_1542, %swap3A_1543], %swap3A_1546 {strides = array<i32>} : memref<64x16xf32, #tpu.memory_space<vmem>>, vector<1x16xf32>,
      %get3A_1547 = arith.constant 10 : i32
      %get3A_1548 = arith.index_cast %get3A_1547 : i32 to index
      %get3A_1549 = arith.constant 0 : index
      %get3A_1550 = tpu.vector_load %arg4[%get3A_1548, %get3A_1549] {strides = array<i32>} : memref<64x16xf32, #tpu.memory_space<vmem>>, vector<1x16xf32>,
      %get3A_1551 = vector.shape_cast %get3A_1550 : vector<1x16xf32> to vector<16xf32>
      %ge3A_1552 = arith.cmpf oge, %get3A_1551, %max3A_1343 : vector<16xf32>
      %sub3A_1553 = arith.subf %get3A_1551, %max3A_1329 : vector<16xf32>
      %exp3A_1554 = math.exp %sub3A_1553 : vector<16xf32>
      %mul3A_1555 = arith.mulf %exp3A_1554, %div3A_1370 : vector<16xf32>
      %jit3A_1556 = arith.constant 0.000000e+00 : f32
      %broadcast_in_dim3A_1557 = vector.broadcast %jit3A_1556 : f32 to vector<16xf32>
      %select_n3A_1558 = arith.select %ge3A_1552, %mul3A_1555, %broadcast_in_dim3A_1557 : vector<16xi1>, vector<16xf32>
      %swap3A_1559 = arith.constant 10 : i32
      %swap3A_1560 = arith.index_cast %swap3A_1559 : i32 to index
      %swap3A_1561 = arith.constant 0 : index
      %swap3A_1562 = tpu.vector_load %arg5[%swap3A_1560, %swap3A_1561] {strides = array<i32>} : memref<64x16xf32, #tpu.memory_space<vmem>>, vector<1x16xf32>,
      %swap3A_1563 = vector.shape_cast %swap3A_1562 : vector<1x16xf32> to vector<16xf32>
      %swap3A_1564 = vector.shape_cast %select_n3A_1558 : vector<16xf32> to vector<1x16xf32>
      tpu.vector_store %arg5[%swap3A_1560, %swap3A_1561], %swap3A_1564 {strides = array<i32>} : memref<64x16xf32, #tpu.memory_space<vmem>>, vector<1x16xf32>,
      %get3A_1565 = arith.constant 11 : i32
      %get3A_1566 = arith.index_cast %get3A_1565 : i32 to index
      %get3A_1567 = arith.constant 0 : index
      %get3A_1568 = tpu.vector_load %arg4[%get3A_1566, %get3A_1567] {strides = array<i32>} : memref<64x16xf32, #tpu.memory_space<vmem>>, vector<1x16xf32>,
      %get3A_1569 = vector.shape_cast %get3A_1568 : vector<1x16xf32> to vector<16xf32>
      %ge3A_1570 = arith.cmpf oge, %get3A_1569, %max3A_1343 : vector<16xf32>
      %sub3A_1571 = arith.subf %get3A_1569, %max3A_1329 : vector<16xf32>
      %exp3A_1572 = math.exp %sub3A_1571 : vector<16xf32>
      %mul3A_1573 = arith.mulf %exp3A_1572, %div3A_1370 : vector<16xf32>
      %jit3A_1574 = arith.constant 0.000000e+00 : f32
      %broadcast_in_dim3A_1575 = vector.broadcast %jit3A_1574 : f32 to vector<16xf32>
      %select_n3A_1576 = arith.select %ge3A_1570, %mul3A_1573, %broadcast_in_dim3A_1575 : vector<16xi1>, vector<16xf32>
      %swap3A_1577 = arith.constant 11 : i32
      %swap3A_1578 = arith.index_cast %swap3A_1577 : i32 to index
      %swap3A_1579 = arith.constant 0 : index
      %swap3A_1580 = tpu.vector_load %arg5[%swap3A_1578, %swap3A_1579] {strides = array<i32>} : memref<64x16xf32, #tpu.memory_space<vmem>>, vector<1x16xf32>,
      %swap3A_1581 = vector.shape_cast %swap3A_1580 : vector<1x16xf32> to vector<16xf32>
      %swap3A_1582 = vector.shape_cast %select_n3A_1576 : vector<16xf32> to vector<1x16xf32>
      tpu.vector_store %arg5[%swap3A_1578, %swap3A_1579], %swap3A_1582 {strides = array<i32>} : memref<64x16xf32, #tpu.memory_space<vmem>>, vector<1x16xf32>,
      %get3A_1583 = arith.constant 12 : i32
      %get3A_1584 = arith.index_cast %get3A_1583 : i32 to index
      %get3A_1585 = arith.constant 0 : index
      %get3A_1586 = tpu.vector_load %arg4[%get3A_1584, %get3A_1585] {strides = array<i32>} : memref<64x16xf32, #tpu.memory_space<vmem>>, vector<1x16xf32>,
      %get3A_1587 = vector.shape_cast %get3A_1586 : vector<1x16xf32> to vector<16xf32>
      %ge3A_1588 = arith.cmpf oge, %get3A_1587, %max3A_1343 : vector<16xf32>
      %sub3A_1589 = arith.subf %get3A_1587, %max3A_1329 : vector<16xf32>
      %exp3A_1590 = math.exp %sub3A_1589 : vector<16xf32>
      %mul3A_1591 = arith.mulf %exp3A_1590, %div3A_1370 : vector<16xf32>
      %jit3A_1592 = arith.constant 0.000000e+00 : f32
      %broadcast_in_dim3A_1593 = vector.broadcast %jit3A_1592 : f32 to vector<16xf32>
      %select_n3A_1594 = arith.select %ge3A_1588, %mul3A_1591, %broadcast_in_dim3A_1593 : vector<16xi1>, vector<16xf32>
      %swap3A_1595 = arith.constant 12 : i32
      %swap3A_1596 = arith.index_cast %swap3A_1595 : i32 to index
      %swap3A_1597 = arith.constant 0 : index
      %swap3A_1598 = tpu.vector_load %arg5[%swap3A_1596, %swap3A_1597] {strides = array<i32>} : memref<64x16xf32, #tpu.memory_space<vmem>>, vector<1x16xf32>,
      %swap3A_1599 = vector.shape_cast %swap3A_1598 : vector<1x16xf32> to vector<16xf32>
      %swap3A_1600 = vector.shape_cast %select_n3A_1594 : vector<16xf32> to vector<1x16xf32>
      tpu.vector_store %arg5[%swap3A_1596, %swap3A_1597], %swap3A_1600 {strides = array<i32>} : memref<64x16xf32, #tpu.memory_space<vmem>>, vector<1x16xf32>,
      %get3A_1601 = arith.constant 13 : i32
      %get3A_1602 = arith.index_cast %get3A_1601 : i32 to index
      %get3A_1603 = arith.constant 0 : index
      %get3A_1604 = tpu.vector_load %arg4[%get3A_1602, %get3A_1603] {strides = array<i32>} : memref<64x16xf32, #tpu.memory_space<vmem>>, vector<1x16xf32>,
      %get3A_1605 = vector.shape_cast %get3A_1604 : vector<1x16xf32> to vector<16xf32>
      %ge3A_1606 = arith.cmpf oge, %get3A_1605, %max3A_1343 : vector<16xf32>
      %sub3A_1607 = arith.subf %get3A_1605, %max3A_1329 : vector<16xf32>
      %exp3A_1608 = math.exp %sub3A_1607 : vector<16xf32>
      %mul3A_1609 = arith.mulf %exp3A_1608, %div3A_1370 : vector<16xf32>
      %jit3A_1610 = arith.constant 0.000000e+00 : f32
      %broadcast_in_dim3A_1611 = vector.broadcast %jit3A_1610 : f32 to vector<16xf32>
      %select_n3A_1612 = arith.select %ge3A_1606, %mul3A_1609, %broadcast_in_dim3A_1611 : vector<16xi1>, vector<16xf32>
      %swap3A_1613 = arith.constant 13 : i32
      %swap3A_1614 = arith.index_cast %swap3A_1613 : i32 to index
      %swap3A_1615 = arith.constant 0 : index
      %swap3A_1616 = tpu.vector_load %arg5[%swap3A_1614, %swap3A_1615] {strides = array<i32>} : memref<64x16xf32, #tpu.memory_space<vmem>>, vector<1x16xf32>,
      %swap3A_1617 = vector.shape_cast %swap3A_1616 : vector<1x16xf32> to vector<16xf32>
      %swap3A_1618 = vector.shape_cast %select_n3A_1612 : vector<16xf32> to vector<1x16xf32>
      tpu.vector_store %arg5[%swap3A_1614, %swap3A_1615], %swap3A_1618 {strides = array<i32>} : memref<64x16xf32, #tpu.memory_space<vmem>>, vector<1x16xf32>,
      %get3A_1619 = arith.constant 14 : i32
      %get3A_1620 = arith.index_cast %get3A_1619 : i32 to index
      %get3A_1621 = arith.constant 0 : index
      %get3A_1622 = tpu.vector_load %arg4[%get3A_1620, %get3A_1621] {strides = array<i32>} : memref<64x16xf32, #tpu.memory_space<vmem>>, vector<1x16xf32>,
      %get3A_1623 = vector.shape_cast %get3A_1622 : vector<1x16xf32> to vector<16xf32>
      %ge3A_1624 = arith.cmpf oge, %get3A_1623, %max3A_1343 : vector<16xf32>
      %sub3A_1625 = arith.subf %get3A_1623, %max3A_1329 : vector<16xf32>
      %exp3A_1626 = math.exp %sub3A_1625 : vector<16xf32>
      %mul3A_1627 = arith.mulf %exp3A_1626, %div3A_1370 : vector<16xf32>
      %jit3A_1628 = arith.constant 0.000000e+00 : f32
      %broadcast_in_dim3A_1629 = vector.broadcast %jit3A_1628 : f32 to vector<16xf32>
      %select_n3A_1630 = arith.select %ge3A_1624, %mul3A_1627, %broadcast_in_dim3A_1629 : vector<16xi1>, vector<16xf32>
      %swap3A_1631 = arith.constant 14 : i32
      %swap3A_1632 = arith.index_cast %swap3A_1631 : i32 to index
      %swap3A_1633 = arith.constant 0 : index
      %swap3A_1634 = tpu.vector_load %arg5[%swap3A_1632, %swap3A_1633] {strides = array<i32>} : memref<64x16xf32, #tpu.memory_space<vmem>>, vector<1x16xf32>,
      %swap3A_1635 = vector.shape_cast %swap3A_1634 : vector<1x16xf32> to vector<16xf32>
      %swap3A_1636 = vector.shape_cast %select_n3A_1630 : vector<16xf32> to vector<1x16xf32>
      tpu.vector_store %arg5[%swap3A_1632, %swap3A_1633], %swap3A_1636 {strides = array<i32>} : memref<64x16xf32, #tpu.memory_space<vmem>>, vector<1x16xf32>,
      %get3A_1637 = arith.constant 15 : i32
      %get3A_1638 = arith.index_cast %get3A_1637 : i32 to index
      %get3A_1639 = arith.constant 0 : index
      %get3A_1640 = tpu.vector_load %arg4[%get3A_1638, %get3A_1639] {strides = array<i32>} : memref<64x16xf32, #tpu.memory_space<vmem>>, vector<1x16xf32>,
      %get3A_1641 = vector.shape_cast %get3A_1640 : vector<1x16xf32> to vector<16xf32>
      %ge3A_1642 = arith.cmpf oge, %get3A_1641, %max3A_1343 : vector<16xf32>
      %sub3A_1643 = arith.subf %get3A_1641, %max3A_1329 : vector<16xf32>
      %exp3A_1644 = math.exp %sub3A_1643 : vector<16xf32>
      %mul3A_1645 = arith.mulf %exp3A_1644, %div3A_1370 : vector<16xf32>
      %jit3A_1646 = arith.constant 0.000000e+00 : f32
      %broadcast_in_dim3A_1647 = vector.broadcast %jit3A_1646 : f32 to vector<16xf32>
      %select_n3A_1648 = arith.select %ge3A_1642, %mul3A_1645, %broadcast_in_dim3A_1647 : vector<16xi1>, vector<16xf32>
      %swap3A_1649 = arith.constant 15 : i32
      %swap3A_1650 = arith.index_cast %swap3A_1649 : i32 to index
      %swap3A_1651 = arith.constant 0 : index
      %swap3A_1652 = tpu.vector_load %arg5[%swap3A_1650, %swap3A_1651] {strides = array<i32>} : memref<64x16xf32, #tpu.memory_space<vmem>>, vector<1x16xf32>,
      %swap3A_1653 = vector.shape_cast %swap3A_1652 : vector<1x16xf32> to vector<16xf32>
      %swap3A_1654 = vector.shape_cast %select_n3A_1648 : vector<16xf32> to vector<1x16xf32>
      tpu.vector_store %arg5[%swap3A_1650, %swap3A_1651], %swap3A_1654 {strides = array<i32>} : memref<64x16xf32, #tpu.memory_space<vmem>>, vector<1x16xf32>,
      %get3A_1655 = arith.constant 16 : i32
      %get3A_1656 = arith.index_cast %get3A_1655 : i32 to index
      %get3A_1657 = arith.constant 0 : index
      %get3A_1658 = tpu.vector_load %arg4[%get3A_1656, %get3A_1657] {strides = array<i32>} : memref<64x16xf32, #tpu.memory_space<vmem>>, vector<1x16xf32>,
      %get3A_1659 = vector.shape_cast %get3A_1658 : vector<1x16xf32> to vector<16xf32>
      %ge3A_1660 = arith.cmpf oge, %get3A_1659, %max3A_1343 : vector<16xf32>
      %sub3A_1661 = arith.subf %get3A_1659, %max3A_1329 : vector<16xf32>
      %exp3A_1662 = math.exp %sub3A_1661 : vector<16xf32>
      %mul3A_1663 = arith.mulf %exp3A_1662, %div3A_1370 : vector<16xf32>
      %jit3A_1664 = arith.constant 0.000000e+00 : f32
      %broadcast_in_dim3A_1665 = vector.broadcast %jit3A_1664 : f32 to vector<16xf32>
      %select_n3A_1666 = arith.select %ge3A_1660, %mul3A_1663, %broadcast_in_dim3A_1665 : vector<16xi1>, vector<16xf32>
      %swap3A_1667 = arith.constant 16 : i32
      %swap3A_1668 = arith.index_cast %swap3A_1667 : i32 to index
      %swap3A_1669 = arith.constant 0 : index
      %swap3A_1670 = tpu.vector_load %arg5[%swap3A_1668, %swap3A_1669] {strides = array<i32>} : memref<64x16xf32, #tpu.memory_space<vmem>>, vector<1x16xf32>,
      %swap3A_1671 = vector.shape_cast %swap3A_1670 : vector<1x16xf32> to vector<16xf32>
      %swap3A_1672 = vector.shape_cast %select_n3A_1666 : vector<16xf32> to vector<1x16xf32>
      tpu.vector_store %arg5[%swap3A_1668, %swap3A_1669], %swap3A_1672 {strides = array<i32>} : memref<64x16xf32, #tpu.memory_space<vmem>>, vector<1x16xf32>,
      %get3A_1673 = arith.constant 17 : i32
      %get3A_1674 = arith.index_cast %get3A_1673 : i32 to index
      %get3A_1675 = arith.constant 0 : index
      %get3A_1676 = tpu.vector_load %arg4[%get3A_1674, %get3A_1675] {strides = array<i32>} : memref<64x16xf32, #tpu.memory_space<vmem>>, vector<1x16xf32>,
      %get3A_1677 = vector.shape_cast %get3A_1676 : vector<1x16xf32> to vector<16xf32>
      %ge3A_1678 = arith.cmpf oge, %get3A_1677, %max3A_1343 : vector<16xf32>
      %sub3A_1679 = arith.subf %get3A_1677, %max3A_1329 : vector<16xf32>
      %exp3A_1680 = math.exp %sub3A_1679 : vector<16xf32>
      %mul3A_1681 = arith.mulf %exp3A_1680, %div3A_1370 : vector<16xf32>
      %jit3A_1682 = arith.constant 0.000000e+00 : f32
      %broadcast_in_dim3A_1683 = vector.broadcast %jit3A_1682 : f32 to vector<16xf32>
      %select_n3A_1684 = arith.select %ge3A_1678, %mul3A_1681, %broadcast_in_dim3A_1683 : vector<16xi1>, vector<16xf32>
      %swap3A_1685 = arith.constant 17 : i32
      %swap3A_1686 = arith.index_cast %swap3A_1685 : i32 to index
      %swap3A_1687 = arith.constant 0 : index
      %swap3A_1688 = tpu.vector_load %arg5[%swap3A_1686, %swap3A_1687] {strides = array<i32>} : memref<64x16xf32, #tpu.memory_space<vmem>>, vector<1x16xf32>,
      %swap3A_1689 = vector.shape_cast %swap3A_1688 : vector<1x16xf32> to vector<16xf32>
      %swap3A_1690 = vector.shape_cast %select_n3A_1684 : vector<16xf32> to vector<1x16xf32>
      tpu.vector_store %arg5[%swap3A_1686, %swap3A_1687], %swap3A_1690 {strides = array<i32>} : memref<64x16xf32, #tpu.memory_space<vmem>>, vector<1x16xf32>,
      %get3A_1691 = arith.constant 18 : i32
      %get3A_1692 = arith.index_cast %get3A_1691 : i32 to index
      %get3A_1693 = arith.constant 0 : index
      %get3A_1694 = tpu.vector_load %arg4[%get3A_1692, %get3A_1693] {strides = array<i32>} : memref<64x16xf32, #tpu.memory_space<vmem>>, vector<1x16xf32>,
      %get3A_1695 = vector.shape_cast %get3A_1694 : vector<1x16xf32> to vector<16xf32>
      %ge3A_1696 = arith.cmpf oge, %get3A_1695, %max3A_1343 : vector<16xf32>
      %sub3A_1697 = arith.subf %get3A_1695, %max3A_1329 : vector<16xf32>
      %exp3A_1698 = math.exp %sub3A_1697 : vector<16xf32>
      %mul3A_1699 = arith.mulf %exp3A_1698, %div3A_1370 : vector<16xf32>
      %jit3A_1700 = arith.constant 0.000000e+00 : f32
      %broadcast_in_dim3A_1701 = vector.broadcast %jit3A_1700 : f32 to vector<16xf32>
      %select_n3A_1702 = arith.select %ge3A_1696, %mul3A_1699, %broadcast_in_dim3A_1701 : vector<16xi1>, vector<16xf32>
      %swap3A_1703 = arith.constant 18 : i32
      %swap3A_1704 = arith.index_cast %swap3A_1703 : i32 to index
      %swap3A_1705 = arith.constant 0 : index
      %swap3A_1706 = tpu.vector_load %arg5[%swap3A_1704, %swap3A_1705] {strides = array<i32>} : memref<64x16xf32, #tpu.memory_space<vmem>>, vector<1x16xf32>,
      %swap3A_1707 = vector.shape_cast %swap3A_1706 : vector<1x16xf32> to vector<16xf32>
      %swap3A_1708 = vector.shape_cast %select_n3A_1702 : vector<16xf32> to vector<1x16xf32>
      tpu.vector_store %arg5[%swap3A_1704, %swap3A_1705], %swap3A_1708 {strides = array<i32>} : memref<64x16xf32, #tpu.memory_space<vmem>>, vector<1x16xf32>,
      %get3A_1709 = arith.constant 19 : i32
      %get3A_1710 = arith.index_cast %get3A_1709 : i32 to index
      %get3A_1711 = arith.constant 0 : index
      %get3A_1712 = tpu.vector_load %arg4[%get3A_1710, %get3A_1711] {strides = array<i32>} : memref<64x16xf32, #tpu.memory_space<vmem>>, vector<1x16xf32>,
      %get3A_1713 = vector.shape_cast %get3A_1712 : vector<1x16xf32> to vector<16xf32>
      %ge3A_1714 = arith.cmpf oge, %get3A_1713, %max3A_1343 : vector<16xf32>
      %sub3A_1715 = arith.subf %get3A_1713, %max3A_1329 : vector<16xf32>
      %exp3A_1716 = math.exp %sub3A_1715 : vector<16xf32>
      %mul3A_1717 = arith.mulf %exp3A_1716, %div3A_1370 : vector<16xf32>
      %jit3A_1718 = arith.constant 0.000000e+00 : f32
      %broadcast_in_dim3A_1719 = vector.broadcast %jit3A_1718 : f32 to vector<16xf32>
      %select_n3A_1720 = arith.select %ge3A_1714, %mul3A_1717, %broadcast_in_dim3A_1719 : vector<16xi1>, vector<16xf32>
      %swap3A_1721 = arith.constant 19 : i32
      %swap3A_1722 = arith.index_cast %swap3A_1721 : i32 to index
      %swap3A_1723 = arith.constant 0 : index
      %swap3A_1724 = tpu.vector_load %arg5[%swap3A_1722, %swap3A_1723] {strides = array<i32>} : memref<64x16xf32, #tpu.memory_space<vmem>>, vector<1x16xf32>,
      %swap3A_1725 = vector.shape_cast %swap3A_1724 : vector<1x16xf32> to vector<16xf32>
      %swap3A_1726 = vector.shape_cast %select_n3A_1720 : vector<16xf32> to vector<1x16xf32>
      tpu.vector_store %arg5[%swap3A_1722, %swap3A_1723], %swap3A_1726 {strides = array<i32>} : memref<64x16xf32, #tpu.memory_space<vmem>>, vector<1x16xf32>,
      %get3A_1727 = arith.constant 20 : i32
      %get3A_1728 = arith.index_cast %get3A_1727 : i32 to index
      %get3A_1729 = arith.constant 0 : index
      %get3A_1730 = tpu.vector_load %arg4[%get3A_1728, %get3A_1729] {strides = array<i32>} : memref<64x16xf32, #tpu.memory_space<vmem>>, vector<1x16xf32>,
      %get3A_1731 = vector.shape_cast %get3A_1730 : vector<1x16xf32> to vector<16xf32>
      %ge3A_1732 = arith.cmpf oge, %get3A_1731, %max3A_1343 : vector<16xf32>
      %sub3A_1733 = arith.subf %get3A_1731, %max3A_1329 : vector<16xf32>
      %exp3A_1734 = math.exp %sub3A_1733 : vector<16xf32>
      %mul3A_1735 = arith.mulf %exp3A_1734, %div3A_1370 : vector<16xf32>
      %jit3A_1736 = arith.constant 0.000000e+00 : f32
      %broadcast_in_dim3A_1737 = vector.broadcast %jit3A_1736 : f32 to vector<16xf32>
      %select_n3A_1738 = arith.select %ge3A_1732, %mul3A_1735, %broadcast_in_dim3A_1737 : vector<16xi1>, vector<16xf32>
      %swap3A_1739 = arith.constant 20 : i32
      %swap3A_1740 = arith.index_cast %swap3A_1739 : i32 to index
      %swap3A_1741 = arith.constant 0 : index
      %swap3A_1742 = tpu.vector_load %arg5[%swap3A_1740, %swap3A_1741] {strides = array<i32>} : memref<64x16xf32, #tpu.memory_space<vmem>>, vector<1x16xf32>,
      %swap3A_1743 = vector.shape_cast %swap3A_1742 : vector<1x16xf32> to vector<16xf32>
      %swap3A_1744 = vector.shape_cast %select_n3A_1738 : vector<16xf32> to vector<1x16xf32>
      tpu.vector_store %arg5[%swap3A_1740, %swap3A_1741], %swap3A_1744 {strides = array<i32>} : memref<64x16xf32, #tpu.memory_space<vmem>>, vector<1x16xf32>,
      %get3A_1745 = arith.constant 21 : i32
      %get3A_1746 = arith.index_cast %get3A_1745 : i32 to index
      %get3A_1747 = arith.constant 0 : index
      %get3A_1748 = tpu.vector_load %arg4[%get3A_1746, %get3A_1747] {strides = array<i32>} : memref<64x16xf32, #tpu.memory_space<vmem>>, vector<1x16xf32>,
      %get3A_1749 = vector.shape_cast %get3A_1748 : vector<1x16xf32> to vector<16xf32>
      %ge3A_1750 = arith.cmpf oge, %get3A_1749, %max3A_1343 : vector<16xf32>
      %sub3A_1751 = arith.subf %get3A_1749, %max3A_1329 : vector<16xf32>
      %exp3A_1752 = math.exp %sub3A_1751 : vector<16xf32>
      %mul3A_1753 = arith.mulf %exp3A_1752, %div3A_1370 : vector<16xf32>
      %jit3A_1754 = arith.constant 0.000000e+00 : f32
      %broadcast_in_dim3A_1755 = vector.broadcast %jit3A_1754 : f32 to vector<16xf32>
      %select_n3A_1756 = arith.select %ge3A_1750, %mul3A_1753, %broadcast_in_dim3A_1755 : vector<16xi1>, vector<16xf32>
      %swap3A_1757 = arith.constant 21 : i32
      %swap3A_1758 = arith.index_cast %swap3A_1757 : i32 to index
      %swap3A_1759 = arith.constant 0 : index
      %swap3A_1760 = tpu.vector_load %arg5[%swap3A_1758, %swap3A_1759] {strides = array<i32>} : memref<64x16xf32, #tpu.memory_space<vmem>>, vector<1x16xf32>,
      %swap3A_1761 = vector.shape_cast %swap3A_1760 : vector<1x16xf32> to vector<16xf32>
      %swap3A_1762 = vector.shape_cast %select_n3A_1756 : vector<16xf32> to vector<1x16xf32>
      tpu.vector_store %arg5[%swap3A_1758, %swap3A_1759], %swap3A_1762 {strides = array<i32>} : memref<64x16xf32, #tpu.memory_space<vmem>>, vector<1x16xf32>,
      %get3A_1763 = arith.constant 22 : i32
      %get3A_1764 = arith.index_cast %get3A_1763 : i32 to index
      %get3A_1765 = arith.constant 0 : index
      %get3A_1766 = tpu.vector_load %arg4[%get3A_1764, %get3A_1765] {strides = array<i32>} : memref<64x16xf32, #tpu.memory_space<vmem>>, vector<1x16xf32>,
      %get3A_1767 = vector.shape_cast %get3A_1766 : vector<1x16xf32> to vector<16xf32>
      %ge3A_1768 = arith.cmpf oge, %get3A_1767, %max3A_1343 : vector<16xf32>
      %sub3A_1769 = arith.subf %get3A_1767, %max3A_1329 : vector<16xf32>
      %exp3A_1770 = math.exp %sub3A_1769 : vector<16xf32>
      %mul3A_1771 = arith.mulf %exp3A_1770, %div3A_1370 : vector<16xf32>
      %jit3A_1772 = arith.constant 0.000000e+00 : f32
      %broadcast_in_dim3A_1773 = vector.broadcast %jit3A_1772 : f32 to vector<16xf32>
      %select_n3A_1774 = arith.select %ge3A_1768, %mul3A_1771, %broadcast_in_dim3A_1773 : vector<16xi1>, vector<16xf32>
      %swap3A_1775 = arith.constant 22 : i32
      %swap3A_1776 = arith.index_cast %swap3A_1775 : i32 to index
      %swap3A_1777 = arith.constant 0 : index
      %swap3A_1778 = tpu.vector_load %arg5[%swap3A_1776, %swap3A_1777] {strides = array<i32>} : memref<64x16xf32, #tpu.memory_space<vmem>>, vector<1x16xf32>,
      %swap3A_1779 = vector.shape_cast %swap3A_1778 : vector<1x16xf32> to vector<16xf32>
      %swap3A_1780 = vector.shape_cast %select_n3A_1774 : vector<16xf32> to vector<1x16xf32>
      tpu.vector_store %arg5[%swap3A_1776, %swap3A_1777], %swap3A_1780 {strides = array<i32>} : memref<64x16xf32, #tpu.memory_space<vmem>>, vector<1x16xf32>,
      %get3A_1781 = arith.constant 23 : i32
      %get3A_1782 = arith.index_cast %get3A_1781 : i32 to index
      %get3A_1783 = arith.constant 0 : index
      %get3A_1784 = tpu.vector_load %arg4[%get3A_1782, %get3A_1783] {strides = array<i32>} : memref<64x16xf32, #tpu.memory_space<vmem>>, vector<1x16xf32>,
      %get3A_1785 = vector.shape_cast %get3A_1784 : vector<1x16xf32> to vector<16xf32>
      %ge3A_1786 = arith.cmpf oge, %get3A_1785, %max3A_1343 : vector<16xf32>
      %sub3A_1787 = arith.subf %get3A_1785, %max3A_1329 : vector<16xf32>
      %exp3A_1788 = math.exp %sub3A_1787 : vector<16xf32>
      %mul3A_1789 = arith.mulf %exp3A_1788, %div3A_1370 : vector<16xf32>
      %jit3A_1790 = arith.constant 0.000000e+00 : f32
      %broadcast_in_dim3A_1791 = vector.broadcast %jit3A_1790 : f32 to vector<16xf32>
      %select_n3A_1792 = arith.select %ge3A_1786, %mul3A_1789, %broadcast_in_dim3A_1791 : vector<16xi1>, vector<16xf32>
      %swap3A_1793 = arith.constant 23 : i32
      %swap3A_1794 = arith.index_cast %swap3A_1793 : i32 to index
      %swap3A_1795 = arith.constant 0 : index
      %swap3A_1796 = tpu.vector_load %arg5[%swap3A_1794, %swap3A_1795] {strides = array<i32>} : memref<64x16xf32, #tpu.memory_space<vmem>>, vector<1x16xf32>,
      %swap3A_1797 = vector.shape_cast %swap3A_1796 : vector<1x16xf32> to vector<16xf32>
      %swap3A_1798 = vector.shape_cast %select_n3A_1792 : vector<16xf32> to vector<1x16xf32>
      tpu.vector_store %arg5[%swap3A_1794, %swap3A_1795], %swap3A_1798 {strides = array<i32>} : memref<64x16xf32, #tpu.memory_space<vmem>>, vector<1x16xf32>,
      %get3A_1799 = arith.constant 24 : i32
      %get3A_1800 = arith.index_cast %get3A_1799 : i32 to index
      %get3A_1801 = arith.constant 0 : index
      %get3A_1802 = tpu.vector_load %arg4[%get3A_1800, %get3A_1801] {strides = array<i32>} : memref<64x16xf32, #tpu.memory_space<vmem>>, vector<1x16xf32>,
      %get3A_1803 = vector.shape_cast %get3A_1802 : vector<1x16xf32> to vector<16xf32>
      %ge3A_1804 = arith.cmpf oge, %get3A_1803, %max3A_1343 : vector<16xf32>
      %sub3A_1805 = arith.subf %get3A_1803, %max3A_1329 : vector<16xf32>
      %exp3A_1806 = math.exp %sub3A_1805 : vector<16xf32>
      %mul3A_1807 = arith.mulf %exp3A_1806, %div3A_1370 : vector<16xf32>
      %jit3A_1808 = arith.constant 0.000000e+00 : f32
      %broadcast_in_dim3A_1809 = vector.broadcast %jit3A_1808 : f32 to vector<16xf32>
      %select_n3A_1810 = arith.select %ge3A_1804, %mul3A_1807, %broadcast_in_dim3A_1809 : vector<16xi1>, vector<16xf32>
      %swap3A_1811 = arith.constant 24 : i32
      %swap3A_1812 = arith.index_cast %swap3A_1811 : i32 to index
      %swap3A_1813 = arith.constant 0 : index
      %swap3A_1814 = tpu.vector_load %arg5[%swap3A_1812, %swap3A_1813] {strides = array<i32>} : memref<64x16xf32, #tpu.memory_space<vmem>>, vector<1x16xf32>,
      %swap3A_1815 = vector.shape_cast %swap3A_1814 : vector<1x16xf32> to vector<16xf32>
      %swap3A_1816 = vector.shape_cast %select_n3A_1810 : vector<16xf32> to vector<1x16xf32>
      tpu.vector_store %arg5[%swap3A_1812, %swap3A_1813], %swap3A_1816 {strides = array<i32>} : memref<64x16xf32, #tpu.memory_space<vmem>>, vector<1x16xf32>,
      %get3A_1817 = arith.constant 25 : i32
      %get3A_1818 = arith.index_cast %get3A_1817 : i32 to index
      %get3A_1819 = arith.constant 0 : index
      %get3A_1820 = tpu.vector_load %arg4[%get3A_1818, %get3A_1819] {strides = array<i32>} : memref<64x16xf32, #tpu.memory_space<vmem>>, vector<1x16xf32>,
      %get3A_1821 = vector.shape_cast %get3A_1820 : vector<1x16xf32> to vector<16xf32>
      %ge3A_1822 = arith.cmpf oge, %get3A_1821, %max3A_1343 : vector<16xf32>
      %sub3A_1823 = arith.subf %get3A_1821, %max3A_1329 : vector<16xf32>
      %exp3A_1824 = math.exp %sub3A_1823 : vector<16xf32>
      %mul3A_1825 = arith.mulf %exp3A_1824, %div3A_1370 : vector<16xf32>
      %jit3A_1826 = arith.constant 0.000000e+00 : f32
      %broadcast_in_dim3A_1827 = vector.broadcast %jit3A_1826 : f32 to vector<16xf32>
      %select_n3A_1828 = arith.select %ge3A_1822, %mul3A_1825, %broadcast_in_dim3A_1827 : vector<16xi1>, vector<16xf32>
      %swap3A_1829 = arith.constant 25 : i32
      %swap3A_1830 = arith.index_cast %swap3A_1829 : i32 to index
      %swap3A_1831 = arith.constant 0 : index
      %swap3A_1832 = tpu.vector_load %arg5[%swap3A_1830, %swap3A_1831] {strides = array<i32>} : memref<64x16xf32, #tpu.memory_space<vmem>>, vector<1x16xf32>,
      %swap3A_1833 = vector.shape_cast %swap3A_1832 : vector<1x16xf32> to vector<16xf32>
      %swap3A_1834 = vector.shape_cast %select_n3A_1828 : vector<16xf32> to vector<1x16xf32>
      tpu.vector_store %arg5[%swap3A_1830, %swap3A_1831], %swap3A_1834 {strides = array<i32>} : memref<64x16xf32, #tpu.memory_space<vmem>>, vector<1x16xf32>,
      %get3A_1835 = arith.constant 26 : i32
      %get3A_1836 = arith.index_cast %get3A_1835 : i32 to index
      %get3A_1837 = arith.constant 0 : index
      %get3A_1838 = tpu.vector_load %arg4[%get3A_1836, %get3A_1837] {strides = array<i32>} : memref<64x16xf32, #tpu.memory_space<vmem>>, vector<1x16xf32>,
      %get3A_1839 = vector.shape_cast %get3A_1838 : vector<1x16xf32> to vector<16xf32>
      %ge3A_1840 = arith.cmpf oge, %get3A_1839, %max3A_1343 : vector<16xf32>
      %sub3A_1841 = arith.subf %get3A_1839, %max3A_1329 : vector<16xf32>
      %exp3A_1842 = math.exp %sub3A_1841 : vector<16xf32>
      %mul3A_1843 = arith.mulf %exp3A_1842, %div3A_1370 : vector<16xf32>
      %jit3A_1844 = arith.constant 0.000000e+00 : f32
      %broadcast_in_dim3A_1845 = vector.broadcast %jit3A_1844 : f32 to vector<16xf32>
      %select_n3A_1846 = arith.select %ge3A_1840, %mul3A_1843, %broadcast_in_dim3A_1845 : vector<16xi1>, vector<16xf32>
      %swap3A_1847 = arith.constant 26 : i32
      %swap3A_1848 = arith.index_cast %swap3A_1847 : i32 to index
      %swap3A_1849 = arith.constant 0 : index
      %swap3A_1850 = tpu.vector_load %arg5[%swap3A_1848, %swap3A_1849] {strides = array<i32>} : memref<64x16xf32, #tpu.memory_space<vmem>>, vector<1x16xf32>,
      %swap3A_1851 = vector.shape_cast %swap3A_1850 : vector<1x16xf32> to vector<16xf32>
      %swap3A_1852 = vector.shape_cast %select_n3A_1846 : vector<16xf32> to vector<1x16xf32>
      tpu.vector_store %arg5[%swap3A_1848, %swap3A_1849], %swap3A_1852 {strides = array<i32>} : memref<64x16xf32, #tpu.memory_space<vmem>>, vector<1x16xf32>,
      %get3A_1853 = arith.constant 27 : i32
      %get3A_1854 = arith.index_cast %get3A_1853 : i32 to index
      %get3A_1855 = arith.constant 0 : index
      %get3A_1856 = tpu.vector_load %arg4[%get3A_1854, %get3A_1855] {strides = array<i32>} : memref<64x16xf32, #tpu.memory_space<vmem>>, vector<1x16xf32>,
      %get3A_1857 = vector.shape_cast %get3A_1856 : vector<1x16xf32> to vector<16xf32>
      %ge3A_1858 = arith.cmpf oge, %get3A_1857, %max3A_1343 : vector<16xf32>
      %sub3A_1859 = arith.subf %get3A_1857, %max3A_1329 : vector<16xf32>
      %exp3A_1860 = math.exp %sub3A_1859 : vector<16xf32>
      %mul3A_1861 = arith.mulf %exp3A_1860, %div3A_1370 : vector<16xf32>
      %jit3A_1862 = arith.constant 0.000000e+00 : f32
      %broadcast_in_dim3A_1863 = vector.broadcast %jit3A_1862 : f32 to vector<16xf32>
      %select_n3A_1864 = arith.select %ge3A_1858, %mul3A_1861, %broadcast_in_dim3A_1863 : vector<16xi1>, vector<16xf32>
      %swap3A_1865 = arith.constant 27 : i32
      %swap3A_1866 = arith.index_cast %swap3A_1865 : i32 to index
      %swap3A_1867 = arith.constant 0 : index
      %swap3A_1868 = tpu.vector_load %arg5[%swap3A_1866, %swap3A_1867] {strides = array<i32>} : memref<64x16xf32, #tpu.memory_space<vmem>>, vector<1x16xf32>,
      %swap3A_1869 = vector.shape_cast %swap3A_1868 : vector<1x16xf32> to vector<16xf32>
      %swap3A_1870 = vector.shape_cast %select_n3A_1864 : vector<16xf32> to vector<1x16xf32>
      tpu.vector_store %arg5[%swap3A_1866, %swap3A_1867], %swap3A_1870 {strides = array<i32>} : memref<64x16xf32, #tpu.memory_space<vmem>>, vector<1x16xf32>,
      %get3A_1871 = arith.constant 28 : i32
      %get3A_1872 = arith.index_cast %get3A_1871 : i32 to index
      %get3A_1873 = arith.constant 0 : index
      %get3A_1874 = tpu.vector_load %arg4[%get3A_1872, %get3A_1873] {strides = array<i32>} : memref<64x16xf32, #tpu.memory_space<vmem>>, vector<1x16xf32>,
      %get3A_1875 = vector.shape_cast %get3A_1874 : vector<1x16xf32> to vector<16xf32>
      %ge3A_1876 = arith.cmpf oge, %get3A_1875, %max3A_1343 : vector<16xf32>
      %sub3A_1877 = arith.subf %get3A_1875, %max3A_1329 : vector<16xf32>
      %exp3A_1878 = math.exp %sub3A_1877 : vector<16xf32>
      %mul3A_1879 = arith.mulf %exp3A_1878, %div3A_1370 : vector<16xf32>
      %jit3A_1880 = arith.constant 0.000000e+00 : f32
      %broadcast_in_dim3A_1881 = vector.broadcast %jit3A_1880 : f32 to vector<16xf32>
      %select_n3A_1882 = arith.select %ge3A_1876, %mul3A_1879, %broadcast_in_dim3A_1881 : vector<16xi1>, vector<16xf32>
      %swap3A_1883 = arith.constant 28 : i32
      %swap3A_1884 = arith.index_cast %swap3A_1883 : i32 to index
      %swap3A_1885 = arith.constant 0 : index
      %swap3A_1886 = tpu.vector_load %arg5[%swap3A_1884, %swap3A_1885] {strides = array<i32>} : memref<64x16xf32, #tpu.memory_space<vmem>>, vector<1x16xf32>,
      %swap3A_1887 = vector.shape_cast %swap3A_1886 : vector<1x16xf32> to vector<16xf32>
      %swap3A_1888 = vector.shape_cast %select_n3A_1882 : vector<16xf32> to vector<1x16xf32>
      tpu.vector_store %arg5[%swap3A_1884, %swap3A_1885], %swap3A_1888 {strides = array<i32>} : memref<64x16xf32, #tpu.memory_space<vmem>>, vector<1x16xf32>,
      %get3A_1889 = arith.constant 29 : i32
      %get3A_1890 = arith.index_cast %get3A_1889 : i32 to index
      %get3A_1891 = arith.constant 0 : index
      %get3A_1892 = tpu.vector_load %arg4[%get3A_1890, %get3A_1891] {strides = array<i32>} : memref<64x16xf32, #tpu.memory_space<vmem>>, vector<1x16xf32>,
      %get3A_1893 = vector.shape_cast %get3A_1892 : vector<1x16xf32> to vector<16xf32>
      %ge3A_1894 = arith.cmpf oge, %get3A_1893, %max3A_1343 : vector<16xf32>
      %sub3A_1895 = arith.subf %get3A_1893, %max3A_1329 : vector<16xf32>
      %exp3A_1896 = math.exp %sub3A_1895 : vector<16xf32>
      %mul3A_1897 = arith.mulf %exp3A_1896, %div3A_1370 : vector<16xf32>
      %jit3A_1898 = arith.constant 0.000000e+00 : f32
      %broadcast_in_dim3A_1899 = vector.broadcast %jit3A_1898 : f32 to vector<16xf32>
      %select_n3A_1900 = arith.select %ge3A_1894, %mul3A_1897, %broadcast_in_dim3A_1899 : vector<16xi1>, vector<16xf32>
      %swap3A_1901 = arith.constant 29 : i32
      %swap3A_1902 = arith.index_cast %swap3A_1901 : i32 to index
      %swap3A_1903 = arith.constant 0 : index
      %swap3A_1904 = tpu.vector_load %arg5[%swap3A_1902, %swap3A_1903] {strides = array<i32>} : memref<64x16xf32, #tpu.memory_space<vmem>>, vector<1x16xf32>,
      %swap3A_1905 = vector.shape_cast %swap3A_1904 : vector<1x16xf32> to vector<16xf32>
      %swap3A_1906 = vector.shape_cast %select_n3A_1900 : vector<16xf32> to vector<1x16xf32>
      tpu.vector_store %arg5[%swap3A_1902, %swap3A_1903], %swap3A_1906 {strides = array<i32>} : memref<64x16xf32, #tpu.memory_space<vmem>>, vector<1x16xf32>,
      %get3A_1907 = arith.constant 30 : i32
      %get3A_1908 = arith.index_cast %get3A_1907 : i32 to index
      %get3A_1909 = arith.constant 0 : index
      %get3A_1910 = tpu.vector_load %arg4[%get3A_1908, %get3A_1909] {strides = array<i32>} : memref<64x16xf32, #tpu.memory_space<vmem>>, vector<1x16xf32>,
      %get3A_1911 = vector.shape_cast %get3A_1910 : vector<1x16xf32> to vector<16xf32>
      %ge3A_1912 = arith.cmpf oge, %get3A_1911, %max3A_1343 : vector<16xf32>
      %sub3A_1913 = arith.subf %get3A_1911, %max3A_1329 : vector<16xf32>
      %exp3A_1914 = math.exp %sub3A_1913 : vector<16xf32>
      %mul3A_1915 = arith.mulf %exp3A_1914, %div3A_1370 : vector<16xf32>
      %jit3A_1916 = arith.constant 0.000000e+00 : f32
      %broadcast_in_dim3A_1917 = vector.broadcast %jit3A_1916 : f32 to vector<16xf32>
      %select_n3A_1918 = arith.select %ge3A_1912, %mul3A_1915, %broadcast_in_dim3A_1917 : vector<16xi1>, vector<16xf32>
      %swap3A_1919 = arith.constant 30 : i32
      %swap3A_1920 = arith.index_cast %swap3A_1919 : i32 to index
      %swap3A_1921 = arith.constant 0 : index
      %swap3A_1922 = tpu.vector_load %arg5[%swap3A_1920, %swap3A_1921] {strides = array<i32>} : memref<64x16xf32, #tpu.memory_space<vmem>>, vector<1x16xf32>,
      %swap3A_1923 = vector.shape_cast %swap3A_1922 : vector<1x16xf32> to vector<16xf32>
      %swap3A_1924 = vector.shape_cast %select_n3A_1918 : vector<16xf32> to vector<1x16xf32>
      tpu.vector_store %arg5[%swap3A_1920, %swap3A_1921], %swap3A_1924 {strides = array<i32>} : memref<64x16xf32, #tpu.memory_space<vmem>>, vector<1x16xf32>,
      %get3A_1925 = arith.constant 31 : i32
      %get3A_1926 = arith.index_cast %get3A_1925 : i32 to index
      %get3A_1927 = arith.constant 0 : index
      %get3A_1928 = tpu.vector_load %arg4[%get3A_1926, %get3A_1927] {strides = array<i32>} : memref<64x16xf32, #tpu.memory_space<vmem>>, vector<1x16xf32>,
      %get3A_1929 = vector.shape_cast %get3A_1928 : vector<1x16xf32> to vector<16xf32>
      %ge3A_1930 = arith.cmpf oge, %get3A_1929, %max3A_1343 : vector<16xf32>
      %sub3A_1931 = arith.subf %get3A_1929, %max3A_1329 : vector<16xf32>
      %exp3A_1932 = math.exp %sub3A_1931 : vector<16xf32>
      %mul3A_1933 = arith.mulf %exp3A_1932, %div3A_1370 : vector<16xf32>
      %jit3A_1934 = arith.constant 0.000000e+00 : f32
      %broadcast_in_dim3A_1935 = vector.broadcast %jit3A_1934 : f32 to vector<16xf32>
      %select_n3A_1936 = arith.select %ge3A_1930, %mul3A_1933, %broadcast_in_dim3A_1935 : vector<16xi1>, vector<16xf32>
      %swap3A_1937 = arith.constant 31 : i32
      %swap3A_1938 = arith.index_cast %swap3A_1937 : i32 to index
      %swap3A_1939 = arith.constant 0 : index
      %swap3A_1940 = tpu.vector_load %arg5[%swap3A_1938, %swap3A_1939] {strides = array<i32>} : memref<64x16xf32, #tpu.memory_space<vmem>>, vector<1x16xf32>,
      %swap3A_1941 = vector.shape_cast %swap3A_1940 : vector<1x16xf32> to vector<16xf32>
      %swap3A_1942 = vector.shape_cast %select_n3A_1936 : vector<16xf32> to vector<1x16xf32>
      tpu.vector_store %arg5[%swap3A_1938, %swap3A_1939], %swap3A_1942 {strides = array<i32>} : memref<64x16xf32, #tpu.memory_space<vmem>>, vector<1x16xf32>,
      %get3A_1943 = arith.constant 32 : i32
      %get3A_1944 = arith.index_cast %get3A_1943 : i32 to index
      %get3A_1945 = arith.constant 0 : index
      %get3A_1946 = tpu.vector_load %arg4[%get3A_1944, %get3A_1945] {strides = array<i32>} : memref<64x16xf32, #tpu.memory_space<vmem>>, vector<1x16xf32>,
      %get3A_1947 = vector.shape_cast %get3A_1946 : vector<1x16xf32> to vector<16xf32>
      %ge3A_1948 = arith.cmpf oge, %get3A_1947, %max3A_1343 : vector<16xf32>
      %sub3A_1949 = arith.subf %get3A_1947, %max3A_1329 : vector<16xf32>
      %exp3A_1950 = math.exp %sub3A_1949 : vector<16xf32>
      %mul3A_1951 = arith.mulf %exp3A_1950, %div3A_1370 : vector<16xf32>
      %jit3A_1952 = arith.constant 0.000000e+00 : f32
      %broadcast_in_dim3A_1953 = vector.broadcast %jit3A_1952 : f32 to vector<16xf32>
      %select_n3A_1954 = arith.select %ge3A_1948, %mul3A_1951, %broadcast_in_dim3A_1953 : vector<16xi1>, vector<16xf32>
      %swap3A_1955 = arith.constant 32 : i32
      %swap3A_1956 = arith.index_cast %swap3A_1955 : i32 to index
      %swap3A_1957 = arith.constant 0 : index
      %swap3A_1958 = tpu.vector_load %arg5[%swap3A_1956, %swap3A_1957] {strides = array<i32>} : memref<64x16xf32, #tpu.memory_space<vmem>>, vector<1x16xf32>,
      %swap3A_1959 = vector.shape_cast %swap3A_1958 : vector<1x16xf32> to vector<16xf32>
      %swap3A_1960 = vector.shape_cast %select_n3A_1954 : vector<16xf32> to vector<1x16xf32>
      tpu.vector_store %arg5[%swap3A_1956, %swap3A_1957], %swap3A_1960 {strides = array<i32>} : memref<64x16xf32, #tpu.memory_space<vmem>>, vector<1x16xf32>,
      %get3A_1961 = arith.constant 33 : i32
      %get3A_1962 = arith.index_cast %get3A_1961 : i32 to index
      %get3A_1963 = arith.constant 0 : index
      %get3A_1964 = tpu.vector_load %arg4[%get3A_1962, %get3A_1963] {strides = array<i32>} : memref<64x16xf32, #tpu.memory_space<vmem>>, vector<1x16xf32>,
      %get3A_1965 = vector.shape_cast %get3A_1964 : vector<1x16xf32> to vector<16xf32>
      %ge3A_1966 = arith.cmpf oge, %get3A_1965, %max3A_1343 : vector<16xf32>
      %sub3A_1967 = arith.subf %get3A_1965, %max3A_1329 : vector<16xf32>
      %exp3A_1968 = math.exp %sub3A_1967 : vector<16xf32>
      %mul3A_1969 = arith.mulf %exp3A_1968, %div3A_1370 : vector<16xf32>
      %jit3A_1970 = arith.constant 0.000000e+00 : f32
      %broadcast_in_dim3A_1971 = vector.broadcast %jit3A_1970 : f32 to vector<16xf32>
      %select_n3A_1972 = arith.select %ge3A_1966, %mul3A_1969, %broadcast_in_dim3A_1971 : vector<16xi1>, vector<16xf32>
      %swap3A_1973 = arith.constant 33 : i32
      %swap3A_1974 = arith.index_cast %swap3A_1973 : i32 to index
      %swap3A_1975 = arith.constant 0 : index
      %swap3A_1976 = tpu.vector_load %arg5[%swap3A_1974, %swap3A_1975] {strides = array<i32>} : memref<64x16xf32, #tpu.memory_space<vmem>>, vector<1x16xf32>,
      %swap3A_1977 = vector.shape_cast %swap3A_1976 : vector<1x16xf32> to vector<16xf32>
      %swap3A_1978 = vector.shape_cast %select_n3A_1972 : vector<16xf32> to vector<1x16xf32>
      tpu.vector_store %arg5[%swap3A_1974, %swap3A_1975], %swap3A_1978 {strides = array<i32>} : memref<64x16xf32, #tpu.memory_space<vmem>>, vector<1x16xf32>,
      %get3A_1979 = arith.constant 34 : i32
      %get3A_1980 = arith.index_cast %get3A_1979 : i32 to index
      %get3A_1981 = arith.constant 0 : index
      %get3A_1982 = tpu.vector_load %arg4[%get3A_1980, %get3A_1981] {strides = array<i32>} : memref<64x16xf32, #tpu.memory_space<vmem>>, vector<1x16xf32>,
      %get3A_1983 = vector.shape_cast %get3A_1982 : vector<1x16xf32> to vector<16xf32>
      %ge3A_1984 = arith.cmpf oge, %get3A_1983, %max3A_1343 : vector<16xf32>
      %sub3A_1985 = arith.subf %get3A_1983, %max3A_1329 : vector<16xf32>
      %exp3A_1986 = math.exp %sub3A_1985 : vector<16xf32>
      %mul3A_1987 = arith.mulf %exp3A_1986, %div3A_1370 : vector<16xf32>
      %jit3A_1988 = arith.constant 0.000000e+00 : f32
      %broadcast_in_dim3A_1989 = vector.broadcast %jit3A_1988 : f32 to vector<16xf32>
      %select_n3A_1990 = arith.select %ge3A_1984, %mul3A_1987, %broadcast_in_dim3A_1989 : vector<16xi1>, vector<16xf32>
      %swap3A_1991 = arith.constant 34 : i32
      %swap3A_1992 = arith.index_cast %swap3A_1991 : i32 to index
      %swap3A_1993 = arith.constant 0 : index
      %swap3A_1994 = tpu.vector_load %arg5[%swap3A_1992, %swap3A_1993] {strides = array<i32>} : memref<64x16xf32, #tpu.memory_space<vmem>>, vector<1x16xf32>,
      %swap3A_1995 = vector.shape_cast %swap3A_1994 : vector<1x16xf32> to vector<16xf32>
      %swap3A_1996 = vector.shape_cast %select_n3A_1990 : vector<16xf32> to vector<1x16xf32>
      tpu.vector_store %arg5[%swap3A_1992, %swap3A_1993], %swap3A_1996 {strides = array<i32>} : memref<64x16xf32, #tpu.memory_space<vmem>>, vector<1x16xf32>,
      %get3A_1997 = arith.constant 35 : i32
      %get3A_1998 = arith.index_cast %get3A_1997 : i32 to index
      %get3A_1999 = arith.constant 0 : index
      %get3A_2000 = tpu.vector_load %arg4[%get3A_1998, %get3A_1999] {strides = array<i32>} : memref<64x16xf32, #tpu.memory_space<vmem>>, vector<1x16xf32>,
      %get3A_2001 = vector.shape_cast %get3A_2000 : vector<1x16xf32> to vector<16xf32>
      %ge3A_2002 = arith.cmpf oge, %get3A_2001, %max3A_1343 : vector<16xf32>
      %sub3A_2003 = arith.subf %get3A_2001, %max3A_1329 : vector<16xf32>
      %exp3A_2004 = math.exp %sub3A_2003 : vector<16xf32>
      %mul3A_2005 = arith.mulf %exp3A_2004, %div3A_1370 : vector<16xf32>
      %jit3A_2006 = arith.constant 0.000000e+00 : f32
      %broadcast_in_dim3A_2007 = vector.broadcast %jit3A_2006 : f32 to vector<16xf32>
      %select_n3A_2008 = arith.select %ge3A_2002, %mul3A_2005, %broadcast_in_dim3A_2007 : vector<16xi1>, vector<16xf32>
      %swap3A_2009 = arith.constant 35 : i32
      %swap3A_2010 = arith.index_cast %swap3A_2009 : i32 to index
      %swap3A_2011 = arith.constant 0 : index
      %swap3A_2012 = tpu.vector_load %arg5[%swap3A_2010, %swap3A_2011] {strides = array<i32>} : memref<64x16xf32, #tpu.memory_space<vmem>>, vector<1x16xf32>,
      %swap3A_2013 = vector.shape_cast %swap3A_2012 : vector<1x16xf32> to vector<16xf32>
      %swap3A_2014 = vector.shape_cast %select_n3A_2008 : vector<16xf32> to vector<1x16xf32>
      tpu.vector_store %arg5[%swap3A_2010, %swap3A_2011], %swap3A_2014 {strides = array<i32>} : memref<64x16xf32, #tpu.memory_space<vmem>>, vector<1x16xf32>,
      %get3A_2015 = arith.constant 36 : i32
      %get3A_2016 = arith.index_cast %get3A_2015 : i32 to index
      %get3A_2017 = arith.constant 0 : index
      %get3A_2018 = tpu.vector_load %arg4[%get3A_2016, %get3A_2017] {strides = array<i32>} : memref<64x16xf32, #tpu.memory_space<vmem>>, vector<1x16xf32>,
      %get3A_2019 = vector.shape_cast %get3A_2018 : vector<1x16xf32> to vector<16xf32>
      %ge3A_2020 = arith.cmpf oge, %get3A_2019, %max3A_1343 : vector<16xf32>
      %sub3A_2021 = arith.subf %get3A_2019, %max3A_1329 : vector<16xf32>
      %exp3A_2022 = math.exp %sub3A_2021 : vector<16xf32>
      %mul3A_2023 = arith.mulf %exp3A_2022, %div3A_1370 : vector<16xf32>
      %jit3A_2024 = arith.constant 0.000000e+00 : f32
      %broadcast_in_dim3A_2025 = vector.broadcast %jit3A_2024 : f32 to vector<16xf32>
      %select_n3A_2026 = arith.select %ge3A_2020, %mul3A_2023, %broadcast_in_dim3A_2025 : vector<16xi1>, vector<16xf32>
      %swap3A_2027 = arith.constant 36 : i32
      %swap3A_2028 = arith.index_cast %swap3A_2027 : i32 to index
      %swap3A_2029 = arith.constant 0 : index
      %swap3A_2030 = tpu.vector_load %arg5[%swap3A_2028, %swap3A_2029] {strides = array<i32>} : memref<64x16xf32, #tpu.memory_space<vmem>>, vector<1x16xf32>,
      %swap3A_2031 = vector.shape_cast %swap3A_2030 : vector<1x16xf32> to vector<16xf32>
      %swap3A_2032 = vector.shape_cast %select_n3A_2026 : vector<16xf32> to vector<1x16xf32>
      tpu.vector_store %arg5[%swap3A_2028, %swap3A_2029], %swap3A_2032 {strides = array<i32>} : memref<64x16xf32, #tpu.memory_space<vmem>>, vector<1x16xf32>,
      %get3A_2033 = arith.constant 37 : i32
      %get3A_2034 = arith.index_cast %get3A_2033 : i32 to index
      %get3A_2035 = arith.constant 0 : index
      %get3A_2036 = tpu.vector_load %arg4[%get3A_2034, %get3A_2035] {strides = array<i32>} : memref<64x16xf32, #tpu.memory_space<vmem>>, vector<1x16xf32>,
      %get3A_2037 = vector.shape_cast %get3A_2036 : vector<1x16xf32> to vector<16xf32>
      %ge3A_2038 = arith.cmpf oge, %get3A_2037, %max3A_1343 : vector<16xf32>
      %sub3A_2039 = arith.subf %get3A_2037, %max3A_1329 : vector<16xf32>
      %exp3A_2040 = math.exp %sub3A_2039 : vector<16xf32>
      %mul3A_2041 = arith.mulf %exp3A_2040, %div3A_1370 : vector<16xf32>
      %jit3A_2042 = arith.constant 0.000000e+00 : f32
      %broadcast_in_dim3A_2043 = vector.broadcast %jit3A_2042 : f32 to vector<16xf32>
      %select_n3A_2044 = arith.select %ge3A_2038, %mul3A_2041, %broadcast_in_dim3A_2043 : vector<16xi1>, vector<16xf32>
      %swap3A_2045 = arith.constant 37 : i32
      %swap3A_2046 = arith.index_cast %swap3A_2045 : i32 to index
      %swap3A_2047 = arith.constant 0 : index
      %swap3A_2048 = tpu.vector_load %arg5[%swap3A_2046, %swap3A_2047] {strides = array<i32>} : memref<64x16xf32, #tpu.memory_space<vmem>>, vector<1x16xf32>,
      %swap3A_2049 = vector.shape_cast %swap3A_2048 : vector<1x16xf32> to vector<16xf32>
      %swap3A_2050 = vector.shape_cast %select_n3A_2044 : vector<16xf32> to vector<1x16xf32>
      tpu.vector_store %arg5[%swap3A_2046, %swap3A_2047], %swap3A_2050 {strides = array<i32>} : memref<64x16xf32, #tpu.memory_space<vmem>>, vector<1x16xf32>,
      %get3A_2051 = arith.constant 38 : i32
      %get3A_2052 = arith.index_cast %get3A_2051 : i32 to index
      %get3A_2053 = arith.constant 0 : index
      %get3A_2054 = tpu.vector_load %arg4[%get3A_2052, %get3A_2053] {strides = array<i32>} : memref<64x16xf32, #tpu.memory_space<vmem>>, vector<1x16xf32>,
      %get3A_2055 = vector.shape_cast %get3A_2054 : vector<1x16xf32> to vector<16xf32>
      %ge3A_2056 = arith.cmpf oge, %get3A_2055, %max3A_1343 : vector<16xf32>
      %sub3A_2057 = arith.subf %get3A_2055, %max3A_1329 : vector<16xf32>
      %exp3A_2058 = math.exp %sub3A_2057 : vector<16xf32>
      %mul3A_2059 = arith.mulf %exp3A_2058, %div3A_1370 : vector<16xf32>
      %jit3A_2060 = arith.constant 0.000000e+00 : f32
      %broadcast_in_dim3A_2061 = vector.broadcast %jit3A_2060 : f32 to vector<16xf32>
      %select_n3A_2062 = arith.select %ge3A_2056, %mul3A_2059, %broadcast_in_dim3A_2061 : vector<16xi1>, vector<16xf32>
      %swap3A_2063 = arith.constant 38 : i32
      %swap3A_2064 = arith.index_cast %swap3A_2063 : i32 to index
      %swap3A_2065 = arith.constant 0 : index
      %swap3A_2066 = tpu.vector_load %arg5[%swap3A_2064, %swap3A_2065] {strides = array<i32>} : memref<64x16xf32, #tpu.memory_space<vmem>>, vector<1x16xf32>,
      %swap3A_2067 = vector.shape_cast %swap3A_2066 : vector<1x16xf32> to vector<16xf32>
      %swap3A_2068 = vector.shape_cast %select_n3A_2062 : vector<16xf32> to vector<1x16xf32>
      tpu.vector_store %arg5[%swap3A_2064, %swap3A_2065], %swap3A_2068 {strides = array<i32>} : memref<64x16xf32, #tpu.memory_space<vmem>>, vector<1x16xf32>,
      %get3A_2069 = arith.constant 39 : i32
      %get3A_2070 = arith.index_cast %get3A_2069 : i32 to index
      %get3A_2071 = arith.constant 0 : index
      %get3A_2072 = tpu.vector_load %arg4[%get3A_2070, %get3A_2071] {strides = array<i32>} : memref<64x16xf32, #tpu.memory_space<vmem>>, vector<1x16xf32>,
      %get3A_2073 = vector.shape_cast %get3A_2072 : vector<1x16xf32> to vector<16xf32>
      %ge3A_2074 = arith.cmpf oge, %get3A_2073, %max3A_1343 : vector<16xf32>
      %sub3A_2075 = arith.subf %get3A_2073, %max3A_1329 : vector<16xf32>
      %exp3A_2076 = math.exp %sub3A_2075 : vector<16xf32>
      %mul3A_2077 = arith.mulf %exp3A_2076, %div3A_1370 : vector<16xf32>
      %jit3A_2078 = arith.constant 0.000000e+00 : f32
      %broadcast_in_dim3A_2079 = vector.broadcast %jit3A_2078 : f32 to vector<16xf32>
      %select_n3A_2080 = arith.select %ge3A_2074, %mul3A_2077, %broadcast_in_dim3A_2079 : vector<16xi1>, vector<16xf32>
      %swap3A_2081 = arith.constant 39 : i32
      %swap3A_2082 = arith.index_cast %swap3A_2081 : i32 to index
      %swap3A_2083 = arith.constant 0 : index
      %swap3A_2084 = tpu.vector_load %arg5[%swap3A_2082, %swap3A_2083] {strides = array<i32>} : memref<64x16xf32, #tpu.memory_space<vmem>>, vector<1x16xf32>,
      %swap3A_2085 = vector.shape_cast %swap3A_2084 : vector<1x16xf32> to vector<16xf32>
      %swap3A_2086 = vector.shape_cast %select_n3A_2080 : vector<16xf32> to vector<1x16xf32>
      tpu.vector_store %arg5[%swap3A_2082, %swap3A_2083], %swap3A_2086 {strides = array<i32>} : memref<64x16xf32, #tpu.memory_space<vmem>>, vector<1x16xf32>,
      %get3A_2087 = arith.constant 40 : i32
      %get3A_2088 = arith.index_cast %get3A_2087 : i32 to index
      %get3A_2089 = arith.constant 0 : index
      %get3A_2090 = tpu.vector_load %arg4[%get3A_2088, %get3A_2089] {strides = array<i32>} : memref<64x16xf32, #tpu.memory_space<vmem>>, vector<1x16xf32>,
      %get3A_2091 = vector.shape_cast %get3A_2090 : vector<1x16xf32> to vector<16xf32>
      %ge3A_2092 = arith.cmpf oge, %get3A_2091, %max3A_1343 : vector<16xf32>
      %sub3A_2093 = arith.subf %get3A_2091, %max3A_1329 : vector<16xf32>
      %exp3A_2094 = math.exp %sub3A_2093 : vector<16xf32>
      %mul3A_2095 = arith.mulf %exp3A_2094, %div3A_1370 : vector<16xf32>
      %jit3A_2096 = arith.constant 0.000000e+00 : f32
      %broadcast_in_dim3A_2097 = vector.broadcast %jit3A_2096 : f32 to vector<16xf32>
      %select_n3A_2098 = arith.select %ge3A_2092, %mul3A_2095, %broadcast_in_dim3A_2097 : vector<16xi1>, vector<16xf32>
      %swap3A_2099 = arith.constant 40 : i32
      %swap3A_2100 = arith.index_cast %swap3A_2099 : i32 to index
      %swap3A_2101 = arith.constant 0 : index
      %swap3A_2102 = tpu.vector_load %arg5[%swap3A_2100, %swap3A_2101] {strides = array<i32>} : memref<64x16xf32, #tpu.memory_space<vmem>>, vector<1x16xf32>,
      %swap3A_2103 = vector.shape_cast %swap3A_2102 : vector<1x16xf32> to vector<16xf32>
      %swap3A_2104 = vector.shape_cast %select_n3A_2098 : vector<16xf32> to vector<1x16xf32>
      tpu.vector_store %arg5[%swap3A_2100, %swap3A_2101], %swap3A_2104 {strides = array<i32>} : memref<64x16xf32, #tpu.memory_space<vmem>>, vector<1x16xf32>,
      %get3A_2105 = arith.constant 41 : i32
      %get3A_2106 = arith.index_cast %get3A_2105 : i32 to index
      %get3A_2107 = arith.constant 0 : index
      %get3A_2108 = tpu.vector_load %arg4[%get3A_2106, %get3A_2107] {strides = array<i32>} : memref<64x16xf32, #tpu.memory_space<vmem>>, vector<1x16xf32>,
      %get3A_2109 = vector.shape_cast %get3A_2108 : vector<1x16xf32> to vector<16xf32>
      %ge3A_2110 = arith.cmpf oge, %get3A_2109, %max3A_1343 : vector<16xf32>
      %sub3A_2111 = arith.subf %get3A_2109, %max3A_1329 : vector<16xf32>
      %exp3A_2112 = math.exp %sub3A_2111 : vector<16xf32>
      %mul3A_2113 = arith.mulf %exp3A_2112, %div3A_1370 : vector<16xf32>
      %jit3A_2114 = arith.constant 0.000000e+00 : f32
      %broadcast_in_dim3A_2115 = vector.broadcast %jit3A_2114 : f32 to vector<16xf32>
      %select_n3A_2116 = arith.select %ge3A_2110, %mul3A_2113, %broadcast_in_dim3A_2115 : vector<16xi1>, vector<16xf32>
      %swap3A_2117 = arith.constant 41 : i32
      %swap3A_2118 = arith.index_cast %swap3A_2117 : i32 to index
      %swap3A_2119 = arith.constant 0 : index
      %swap3A_2120 = tpu.vector_load %arg5[%swap3A_2118, %swap3A_2119] {strides = array<i32>} : memref<64x16xf32, #tpu.memory_space<vmem>>, vector<1x16xf32>,
      %swap3A_2121 = vector.shape_cast %swap3A_2120 : vector<1x16xf32> to vector<16xf32>
      %swap3A_2122 = vector.shape_cast %select_n3A_2116 : vector<16xf32> to vector<1x16xf32>
      tpu.vector_store %arg5[%swap3A_2118, %swap3A_2119], %swap3A_2122 {strides = array<i32>} : memref<64x16xf32, #tpu.memory_space<vmem>>, vector<1x16xf32>,
      %get3A_2123 = arith.constant 42 : i32
      %get3A_2124 = arith.index_cast %get3A_2123 : i32 to index
      %get3A_2125 = arith.constant 0 : index
      %get3A_2126 = tpu.vector_load %arg4[%get3A_2124, %get3A_2125] {strides = array<i32>} : memref<64x16xf32, #tpu.memory_space<vmem>>, vector<1x16xf32>,
      %get3A_2127 = vector.shape_cast %get3A_2126 : vector<1x16xf32> to vector<16xf32>
      %ge3A_2128 = arith.cmpf oge, %get3A_2127, %max3A_1343 : vector<16xf32>
      %sub3A_2129 = arith.subf %get3A_2127, %max3A_1329 : vector<16xf32>
      %exp3A_2130 = math.exp %sub3A_2129 : vector<16xf32>
      %mul3A_2131 = arith.mulf %exp3A_2130, %div3A_1370 : vector<16xf32>
      %jit3A_2132 = arith.constant 0.000000e+00 : f32
      %broadcast_in_dim3A_2133 = vector.broadcast %jit3A_2132 : f32 to vector<16xf32>
      %select_n3A_2134 = arith.select %ge3A_2128, %mul3A_2131, %broadcast_in_dim3A_2133 : vector<16xi1>, vector<16xf32>
      %swap3A_2135 = arith.constant 42 : i32
      %swap3A_2136 = arith.index_cast %swap3A_2135 : i32 to index
      %swap3A_2137 = arith.constant 0 : index
      %swap3A_2138 = tpu.vector_load %arg5[%swap3A_2136, %swap3A_2137] {strides = array<i32>} : memref<64x16xf32, #tpu.memory_space<vmem>>, vector<1x16xf32>,
      %swap3A_2139 = vector.shape_cast %swap3A_2138 : vector<1x16xf32> to vector<16xf32>
      %swap3A_2140 = vector.shape_cast %select_n3A_2134 : vector<16xf32> to vector<1x16xf32>
      tpu.vector_store %arg5[%swap3A_2136, %swap3A_2137], %swap3A_2140 {strides = array<i32>} : memref<64x16xf32, #tpu.memory_space<vmem>>, vector<1x16xf32>,
      %get3A_2141 = arith.constant 43 : i32
      %get3A_2142 = arith.index_cast %get3A_2141 : i32 to index
      %get3A_2143 = arith.constant 0 : index
      %get3A_2144 = tpu.vector_load %arg4[%get3A_2142, %get3A_2143] {strides = array<i32>} : memref<64x16xf32, #tpu.memory_space<vmem>>, vector<1x16xf32>,
      %get3A_2145 = vector.shape_cast %get3A_2144 : vector<1x16xf32> to vector<16xf32>
      %ge3A_2146 = arith.cmpf oge, %get3A_2145, %max3A_1343 : vector<16xf32>
      %sub3A_2147 = arith.subf %get3A_2145, %max3A_1329 : vector<16xf32>
      %exp3A_2148 = math.exp %sub3A_2147 : vector<16xf32>
      %mul3A_2149 = arith.mulf %exp3A_2148, %div3A_1370 : vector<16xf32>
      %jit3A_2150 = arith.constant 0.000000e+00 : f32
      %broadcast_in_dim3A_2151 = vector.broadcast %jit3A_2150 : f32 to vector<16xf32>
      %select_n3A_2152 = arith.select %ge3A_2146, %mul3A_2149, %broadcast_in_dim3A_2151 : vector<16xi1>, vector<16xf32>
      %swap3A_2153 = arith.constant 43 : i32
      %swap3A_2154 = arith.index_cast %swap3A_2153 : i32 to index
      %swap3A_2155 = arith.constant 0 : index
      %swap3A_2156 = tpu.vector_load %arg5[%swap3A_2154, %swap3A_2155] {strides = array<i32>} : memref<64x16xf32, #tpu.memory_space<vmem>>, vector<1x16xf32>,
      %swap3A_2157 = vector.shape_cast %swap3A_2156 : vector<1x16xf32> to vector<16xf32>
      %swap3A_2158 = vector.shape_cast %select_n3A_2152 : vector<16xf32> to vector<1x16xf32>
      tpu.vector_store %arg5[%swap3A_2154, %swap3A_2155], %swap3A_2158 {strides = array<i32>} : memref<64x16xf32, #tpu.memory_space<vmem>>, vector<1x16xf32>,
      %get3A_2159 = arith.constant 44 : i32
      %get3A_2160 = arith.index_cast %get3A_2159 : i32 to index
      %get3A_2161 = arith.constant 0 : index
      %get3A_2162 = tpu.vector_load %arg4[%get3A_2160, %get3A_2161] {strides = array<i32>} : memref<64x16xf32, #tpu.memory_space<vmem>>, vector<1x16xf32>,
      %get3A_2163 = vector.shape_cast %get3A_2162 : vector<1x16xf32> to vector<16xf32>
      %ge3A_2164 = arith.cmpf oge, %get3A_2163, %max3A_1343 : vector<16xf32>
      %sub3A_2165 = arith.subf %get3A_2163, %max3A_1329 : vector<16xf32>
      %exp3A_2166 = math.exp %sub3A_2165 : vector<16xf32>
      %mul3A_2167 = arith.mulf %exp3A_2166, %div3A_1370 : vector<16xf32>
      %jit3A_2168 = arith.constant 0.000000e+00 : f32
      %broadcast_in_dim3A_2169 = vector.broadcast %jit3A_2168 : f32 to vector<16xf32>
      %select_n3A_2170 = arith.select %ge3A_2164, %mul3A_2167, %broadcast_in_dim3A_2169 : vector<16xi1>, vector<16xf32>
      %swap3A_2171 = arith.constant 44 : i32
      %swap3A_2172 = arith.index_cast %swap3A_2171 : i32 to index
      %swap3A_2173 = arith.constant 0 : index
      %swap3A_2174 = tpu.vector_load %arg5[%swap3A_2172, %swap3A_2173] {strides = array<i32>} : memref<64x16xf32, #tpu.memory_space<vmem>>, vector<1x16xf32>,
      %swap3A_2175 = vector.shape_cast %swap3A_2174 : vector<1x16xf32> to vector<16xf32>
      %swap3A_2176 = vector.shape_cast %select_n3A_2170 : vector<16xf32> to vector<1x16xf32>
      tpu.vector_store %arg5[%swap3A_2172, %swap3A_2173], %swap3A_2176 {strides = array<i32>} : memref<64x16xf32, #tpu.memory_space<vmem>>, vector<1x16xf32>,
      %get3A_2177 = arith.constant 45 : i32
      %get3A_2178 = arith.index_cast %get3A_2177 : i32 to index
      %get3A_2179 = arith.constant 0 : index
      %get3A_2180 = tpu.vector_load %arg4[%get3A_2178, %get3A_2179] {strides = array<i32>} : memref<64x16xf32, #tpu.memory_space<vmem>>, vector<1x16xf32>,
      %get3A_2181 = vector.shape_cast %get3A_2180 : vector<1x16xf32> to vector<16xf32>
      %ge3A_2182 = arith.cmpf oge, %get3A_2181, %max3A_1343 : vector<16xf32>
      %sub3A_2183 = arith.subf %get3A_2181, %max3A_1329 : vector<16xf32>
      %exp3A_2184 = math.exp %sub3A_2183 : vector<16xf32>
      %mul3A_2185 = arith.mulf %exp3A_2184, %div3A_1370 : vector<16xf32>
      %jit3A_2186 = arith.constant 0.000000e+00 : f32
      %broadcast_in_dim3A_2187 = vector.broadcast %jit3A_2186 : f32 to vector<16xf32>
      %select_n3A_2188 = arith.select %ge3A_2182, %mul3A_2185, %broadcast_in_dim3A_2187 : vector<16xi1>, vector<16xf32>
      %swap3A_2189 = arith.constant 45 : i32
      %swap3A_2190 = arith.index_cast %swap3A_2189 : i32 to index
      %swap3A_2191 = arith.constant 0 : index
      %swap3A_2192 = tpu.vector_load %arg5[%swap3A_2190, %swap3A_2191] {strides = array<i32>} : memref<64x16xf32, #tpu.memory_space<vmem>>, vector<1x16xf32>,
      %swap3A_2193 = vector.shape_cast %swap3A_2192 : vector<1x16xf32> to vector<16xf32>
      %swap3A_2194 = vector.shape_cast %select_n3A_2188 : vector<16xf32> to vector<1x16xf32>
      tpu.vector_store %arg5[%swap3A_2190, %swap3A_2191], %swap3A_2194 {strides = array<i32>} : memref<64x16xf32, #tpu.memory_space<vmem>>, vector<1x16xf32>,
      %get3A_2195 = arith.constant 46 : i32
      %get3A_2196 = arith.index_cast %get3A_2195 : i32 to index
      %get3A_2197 = arith.constant 0 : index
      %get3A_2198 = tpu.vector_load %arg4[%get3A_2196, %get3A_2197] {strides = array<i32>} : memref<64x16xf32, #tpu.memory_space<vmem>>, vector<1x16xf32>,
      %get3A_2199 = vector.shape_cast %get3A_2198 : vector<1x16xf32> to vector<16xf32>
      %ge3A_2200 = arith.cmpf oge, %get3A_2199, %max3A_1343 : vector<16xf32>
      %sub3A_2201 = arith.subf %get3A_2199, %max3A_1329 : vector<16xf32>
      %exp3A_2202 = math.exp %sub3A_2201 : vector<16xf32>
      %mul3A_2203 = arith.mulf %exp3A_2202, %div3A_1370 : vector<16xf32>
      %jit3A_2204 = arith.constant 0.000000e+00 : f32
      %broadcast_in_dim3A_2205 = vector.broadcast %jit3A_2204 : f32 to vector<16xf32>
      %select_n3A_2206 = arith.select %ge3A_2200, %mul3A_2203, %broadcast_in_dim3A_2205 : vector<16xi1>, vector<16xf32>
      %swap3A_2207 = arith.constant 46 : i32
      %swap3A_2208 = arith.index_cast %swap3A_2207 : i32 to index
      %swap3A_2209 = arith.constant 0 : index
      %swap3A_2210 = tpu.vector_load %arg5[%swap3A_2208, %swap3A_2209] {strides = array<i32>} : memref<64x16xf32, #tpu.memory_space<vmem>>, vector<1x16xf32>,
      %swap3A_2211 = vector.shape_cast %swap3A_2210 : vector<1x16xf32> to vector<16xf32>
      %swap3A_2212 = vector.shape_cast %select_n3A_2206 : vector<16xf32> to vector<1x16xf32>
      tpu.vector_store %arg5[%swap3A_2208, %swap3A_2209], %swap3A_2212 {strides = array<i32>} : memref<64x16xf32, #tpu.memory_space<vmem>>, vector<1x16xf32>,
      %get3A_2213 = arith.constant 47 : i32
      %get3A_2214 = arith.index_cast %get3A_2213 : i32 to index
      %get3A_2215 = arith.constant 0 : index
      %get3A_2216 = tpu.vector_load %arg4[%get3A_2214, %get3A_2215] {strides = array<i32>} : memref<64x16xf32, #tpu.memory_space<vmem>>, vector<1x16xf32>,
      %get3A_2217 = vector.shape_cast %get3A_2216 : vector<1x16xf32> to vector<16xf32>
      %ge3A_2218 = arith.cmpf oge, %get3A_2217, %max3A_1343 : vector<16xf32>
      %sub3A_2219 = arith.subf %get3A_2217, %max3A_1329 : vector<16xf32>
      %exp3A_2220 = math.exp %sub3A_2219 : vector<16xf32>
      %mul3A_2221 = arith.mulf %exp3A_2220, %div3A_1370 : vector<16xf32>
      %jit3A_2222 = arith.constant 0.000000e+00 : f32
      %broadcast_in_dim3A_2223 = vector.broadcast %jit3A_2222 : f32 to vector<16xf32>
      %select_n3A_2224 = arith.select %ge3A_2218, %mul3A_2221, %broadcast_in_dim3A_2223 : vector<16xi1>, vector<16xf32>
      %swap3A_2225 = arith.constant 47 : i32
      %swap3A_2226 = arith.index_cast %swap3A_2225 : i32 to index
      %swap3A_2227 = arith.constant 0 : index
      %swap3A_2228 = tpu.vector_load %arg5[%swap3A_2226, %swap3A_2227] {strides = array<i32>} : memref<64x16xf32, #tpu.memory_space<vmem>>, vector<1x16xf32>,
      %swap3A_2229 = vector.shape_cast %swap3A_2228 : vector<1x16xf32> to vector<16xf32>
      %swap3A_2230 = vector.shape_cast %select_n3A_2224 : vector<16xf32> to vector<1x16xf32>
      tpu.vector_store %arg5[%swap3A_2226, %swap3A_2227], %swap3A_2230 {strides = array<i32>} : memref<64x16xf32, #tpu.memory_space<vmem>>, vector<1x16xf32>,
      %get3A_2231 = arith.constant 48 : i32
      %get3A_2232 = arith.index_cast %get3A_2231 : i32 to index
      %get3A_2233 = arith.constant 0 : index
      %get3A_2234 = tpu.vector_load %arg4[%get3A_2232, %get3A_2233] {strides = array<i32>} : memref<64x16xf32, #tpu.memory_space<vmem>>, vector<1x16xf32>,
      %get3A_2235 = vector.shape_cast %get3A_2234 : vector<1x16xf32> to vector<16xf32>
      %ge3A_2236 = arith.cmpf oge, %get3A_2235, %max3A_1343 : vector<16xf32>
      %sub3A_2237 = arith.subf %get3A_2235, %max3A_1329 : vector<16xf32>
      %exp3A_2238 = math.exp %sub3A_2237 : vector<16xf32>
      %mul3A_2239 = arith.mulf %exp3A_2238, %div3A_1370 : vector<16xf32>
      %jit3A_2240 = arith.constant 0.000000e+00 : f32
      %broadcast_in_dim3A_2241 = vector.broadcast %jit3A_2240 : f32 to vector<16xf32>
      %select_n3A_2242 = arith.select %ge3A_2236, %mul3A_2239, %broadcast_in_dim3A_2241 : vector<16xi1>, vector<16xf32>
      %swap3A_2243 = arith.constant 48 : i32
      %swap3A_2244 = arith.index_cast %swap3A_2243 : i32 to index
      %swap3A_2245 = arith.constant 0 : index
      %swap3A_2246 = tpu.vector_load %arg5[%swap3A_2244, %swap3A_2245] {strides = array<i32>} : memref<64x16xf32, #tpu.memory_space<vmem>>, vector<1x16xf32>,
      %swap3A_2247 = vector.shape_cast %swap3A_2246 : vector<1x16xf32> to vector<16xf32>
      %swap3A_2248 = vector.shape_cast %select_n3A_2242 : vector<16xf32> to vector<1x16xf32>
      tpu.vector_store %arg5[%swap3A_2244, %swap3A_2245], %swap3A_2248 {strides = array<i32>} : memref<64x16xf32, #tpu.memory_space<vmem>>, vector<1x16xf32>,
      %get3A_2249 = arith.constant 49 : i32
      %get3A_2250 = arith.index_cast %get3A_2249 : i32 to index
      %get3A_2251 = arith.constant 0 : index
      %get3A_2252 = tpu.vector_load %arg4[%get3A_2250, %get3A_2251] {strides = array<i32>} : memref<64x16xf32, #tpu.memory_space<vmem>>, vector<1x16xf32>,
      %get3A_2253 = vector.shape_cast %get3A_2252 : vector<1x16xf32> to vector<16xf32>
      %ge3A_2254 = arith.cmpf oge, %get3A_2253, %max3A_1343 : vector<16xf32>
      %sub3A_2255 = arith.subf %get3A_2253, %max3A_1329 : vector<16xf32>
      %exp3A_2256 = math.exp %sub3A_2255 : vector<16xf32>
      %mul3A_2257 = arith.mulf %exp3A_2256, %div3A_1370 : vector<16xf32>
      %jit3A_2258 = arith.constant 0.000000e+00 : f32
      %broadcast_in_dim3A_2259 = vector.broadcast %jit3A_2258 : f32 to vector<16xf32>
      %select_n3A_2260 = arith.select %ge3A_2254, %mul3A_2257, %broadcast_in_dim3A_2259 : vector<16xi1>, vector<16xf32>
      %swap3A_2261 = arith.constant 49 : i32
      %swap3A_2262 = arith.index_cast %swap3A_2261 : i32 to index
      %swap3A_2263 = arith.constant 0 : index
      %swap3A_2264 = tpu.vector_load %arg5[%swap3A_2262, %swap3A_2263] {strides = array<i32>} : memref<64x16xf32, #tpu.memory_space<vmem>>, vector<1x16xf32>,
      %swap3A_2265 = vector.shape_cast %swap3A_2264 : vector<1x16xf32> to vector<16xf32>
      %swap3A_2266 = vector.shape_cast %select_n3A_2260 : vector<16xf32> to vector<1x16xf32>
      tpu.vector_store %arg5[%swap3A_2262, %swap3A_2263], %swap3A_2266 {strides = array<i32>} : memref<64x16xf32, #tpu.memory_space<vmem>>, vector<1x16xf32>,
      %get3A_2267 = arith.constant 50 : i32
      %get3A_2268 = arith.index_cast %get3A_2267 : i32 to index
      %get3A_2269 = arith.constant 0 : index
      %get3A_2270 = tpu.vector_load %arg4[%get3A_2268, %get3A_2269] {strides = array<i32>} : memref<64x16xf32, #tpu.memory_space<vmem>>, vector<1x16xf32>,
      %get3A_2271 = vector.shape_cast %get3A_2270 : vector<1x16xf32> to vector<16xf32>
      %ge3A_2272 = arith.cmpf oge, %get3A_2271, %max3A_1343 : vector<16xf32>
      %sub3A_2273 = arith.subf %get3A_2271, %max3A_1329 : vector<16xf32>
      %exp3A_2274 = math.exp %sub3A_2273 : vector<16xf32>
      %mul3A_2275 = arith.mulf %exp3A_2274, %div3A_1370 : vector<16xf32>
      %jit3A_2276 = arith.constant 0.000000e+00 : f32
      %broadcast_in_dim3A_2277 = vector.broadcast %jit3A_2276 : f32 to vector<16xf32>
      %select_n3A_2278 = arith.select %ge3A_2272, %mul3A_2275, %broadcast_in_dim3A_2277 : vector<16xi1>, vector<16xf32>
      %swap3A_2279 = arith.constant 50 : i32
      %swap3A_2280 = arith.index_cast %swap3A_2279 : i32 to index
      %swap3A_2281 = arith.constant 0 : index
      %swap3A_2282 = tpu.vector_load %arg5[%swap3A_2280, %swap3A_2281] {strides = array<i32>} : memref<64x16xf32, #tpu.memory_space<vmem>>, vector<1x16xf32>,
      %swap3A_2283 = vector.shape_cast %swap3A_2282 : vector<1x16xf32> to vector<16xf32>
      %swap3A_2284 = vector.shape_cast %select_n3A_2278 : vector<16xf32> to vector<1x16xf32>
      tpu.vector_store %arg5[%swap3A_2280, %swap3A_2281], %swap3A_2284 {strides = array<i32>} : memref<64x16xf32, #tpu.memory_space<vmem>>, vector<1x16xf32>,
      %get3A_2285 = arith.constant 51 : i32
      %get3A_2286 = arith.index_cast %get3A_2285 : i32 to index
      %get3A_2287 = arith.constant 0 : index
      %get3A_2288 = tpu.vector_load %arg4[%get3A_2286, %get3A_2287] {strides = array<i32>} : memref<64x16xf32, #tpu.memory_space<vmem>>, vector<1x16xf32>,
      %get3A_2289 = vector.shape_cast %get3A_2288 : vector<1x16xf32> to vector<16xf32>
      %ge3A_2290 = arith.cmpf oge, %get3A_2289, %max3A_1343 : vector<16xf32>
      %sub3A_2291 = arith.subf %get3A_2289, %max3A_1329 : vector<16xf32>
      %exp3A_2292 = math.exp %sub3A_2291 : vector<16xf32>
      %mul3A_2293 = arith.mulf %exp3A_2292, %div3A_1370 : vector<16xf32>
      %jit3A_2294 = arith.constant 0.000000e+00 : f32
      %broadcast_in_dim3A_2295 = vector.broadcast %jit3A_2294 : f32 to vector<16xf32>
      %select_n3A_2296 = arith.select %ge3A_2290, %mul3A_2293, %broadcast_in_dim3A_2295 : vector<16xi1>, vector<16xf32>
      %swap3A_2297 = arith.constant 51 : i32
      %swap3A_2298 = arith.index_cast %swap3A_2297 : i32 to index
      %swap3A_2299 = arith.constant 0 : index
      %swap3A_2300 = tpu.vector_load %arg5[%swap3A_2298, %swap3A_2299] {strides = array<i32>} : memref<64x16xf32, #tpu.memory_space<vmem>>, vector<1x16xf32>,
      %swap3A_2301 = vector.shape_cast %swap3A_2300 : vector<1x16xf32> to vector<16xf32>
      %swap3A_2302 = vector.shape_cast %select_n3A_2296 : vector<16xf32> to vector<1x16xf32>
      tpu.vector_store %arg5[%swap3A_2298, %swap3A_2299], %swap3A_2302 {strides = array<i32>} : memref<64x16xf32, #tpu.memory_space<vmem>>, vector<1x16xf32>,
      %get3A_2303 = arith.constant 52 : i32
      %get3A_2304 = arith.index_cast %get3A_2303 : i32 to index
      %get3A_2305 = arith.constant 0 : index
      %get3A_2306 = tpu.vector_load %arg4[%get3A_2304, %get3A_2305] {strides = array<i32>} : memref<64x16xf32, #tpu.memory_space<vmem>>, vector<1x16xf32>,
      %get3A_2307 = vector.shape_cast %get3A_2306 : vector<1x16xf32> to vector<16xf32>
      %ge3A_2308 = arith.cmpf oge, %get3A_2307, %max3A_1343 : vector<16xf32>
      %sub3A_2309 = arith.subf %get3A_2307, %max3A_1329 : vector<16xf32>
      %exp3A_2310 = math.exp %sub3A_2309 : vector<16xf32>
      %mul3A_2311 = arith.mulf %exp3A_2310, %div3A_1370 : vector<16xf32>
      %jit3A_2312 = arith.constant 0.000000e+00 : f32
      %broadcast_in_dim3A_2313 = vector.broadcast %jit3A_2312 : f32 to vector<16xf32>
      %select_n3A_2314 = arith.select %ge3A_2308, %mul3A_2311, %broadcast_in_dim3A_2313 : vector<16xi1>, vector<16xf32>
      %swap3A_2315 = arith.constant 52 : i32
      %swap3A_2316 = arith.index_cast %swap3A_2315 : i32 to index
      %swap3A_2317 = arith.constant 0 : index
      %swap3A_2318 = tpu.vector_load %arg5[%swap3A_2316, %swap3A_2317] {strides = array<i32>} : memref<64x16xf32, #tpu.memory_space<vmem>>, vector<1x16xf32>,
      %swap3A_2319 = vector.shape_cast %swap3A_2318 : vector<1x16xf32> to vector<16xf32>
      %swap3A_2320 = vector.shape_cast %select_n3A_2314 : vector<16xf32> to vector<1x16xf32>
      tpu.vector_store %arg5[%swap3A_2316, %swap3A_2317], %swap3A_2320 {strides = array<i32>} : memref<64x16xf32, #tpu.memory_space<vmem>>, vector<1x16xf32>,
      %get3A_2321 = arith.constant 53 : i32
      %get3A_2322 = arith.index_cast %get3A_2321 : i32 to index
      %get3A_2323 = arith.constant 0 : index
      %get3A_2324 = tpu.vector_load %arg4[%get3A_2322, %get3A_2323] {strides = array<i32>} : memref<64x16xf32, #tpu.memory_space<vmem>>, vector<1x16xf32>,
      %get3A_2325 = vector.shape_cast %get3A_2324 : vector<1x16xf32> to vector<16xf32>
      %ge3A_2326 = arith.cmpf oge, %get3A_2325, %max3A_1343 : vector<16xf32>
      %sub3A_2327 = arith.subf %get3A_2325, %max3A_1329 : vector<16xf32>
      %exp3A_2328 = math.exp %sub3A_2327 : vector<16xf32>
      %mul3A_2329 = arith.mulf %exp3A_2328, %div3A_1370 : vector<16xf32>
      %jit3A_2330 = arith.constant 0.000000e+00 : f32
      %broadcast_in_dim3A_2331 = vector.broadcast %jit3A_2330 : f32 to vector<16xf32>
      %select_n3A_2332 = arith.select %ge3A_2326, %mul3A_2329, %broadcast_in_dim3A_2331 : vector<16xi1>, vector<16xf32>
      %swap3A_2333 = arith.constant 53 : i32
      %swap3A_2334 = arith.index_cast %swap3A_2333 : i32 to index
      %swap3A_2335 = arith.constant 0 : index
      %swap3A_2336 = tpu.vector_load %arg5[%swap3A_2334, %swap3A_2335] {strides = array<i32>} : memref<64x16xf32, #tpu.memory_space<vmem>>, vector<1x16xf32>,
      %swap3A_2337 = vector.shape_cast %swap3A_2336 : vector<1x16xf32> to vector<16xf32>
      %swap3A_2338 = vector.shape_cast %select_n3A_2332 : vector<16xf32> to vector<1x16xf32>
      tpu.vector_store %arg5[%swap3A_2334, %swap3A_2335], %swap3A_2338 {strides = array<i32>} : memref<64x16xf32, #tpu.memory_space<vmem>>, vector<1x16xf32>,
      %get3A_2339 = arith.constant 54 : i32
      %get3A_2340 = arith.index_cast %get3A_2339 : i32 to index
      %get3A_2341 = arith.constant 0 : index
      %get3A_2342 = tpu.vector_load %arg4[%get3A_2340, %get3A_2341] {strides = array<i32>} : memref<64x16xf32, #tpu.memory_space<vmem>>, vector<1x16xf32>,
      %get3A_2343 = vector.shape_cast %get3A_2342 : vector<1x16xf32> to vector<16xf32>
      %ge3A_2344 = arith.cmpf oge, %get3A_2343, %max3A_1343 : vector<16xf32>
      %sub3A_2345 = arith.subf %get3A_2343, %max3A_1329 : vector<16xf32>
      %exp3A_2346 = math.exp %sub3A_2345 : vector<16xf32>
      %mul3A_2347 = arith.mulf %exp3A_2346, %div3A_1370 : vector<16xf32>
      %jit3A_2348 = arith.constant 0.000000e+00 : f32
      %broadcast_in_dim3A_2349 = vector.broadcast %jit3A_2348 : f32 to vector<16xf32>
      %select_n3A_2350 = arith.select %ge3A_2344, %mul3A_2347, %broadcast_in_dim3A_2349 : vector<16xi1>, vector<16xf32>
      %swap3A_2351 = arith.constant 54 : i32
      %swap3A_2352 = arith.index_cast %swap3A_2351 : i32 to index
      %swap3A_2353 = arith.constant 0 : index
      %swap3A_2354 = tpu.vector_load %arg5[%swap3A_2352, %swap3A_2353] {strides = array<i32>} : memref<64x16xf32, #tpu.memory_space<vmem>>, vector<1x16xf32>,
      %swap3A_2355 = vector.shape_cast %swap3A_2354 : vector<1x16xf32> to vector<16xf32>
      %swap3A_2356 = vector.shape_cast %select_n3A_2350 : vector<16xf32> to vector<1x16xf32>
      tpu.vector_store %arg5[%swap3A_2352, %swap3A_2353], %swap3A_2356 {strides = array<i32>} : memref<64x16xf32, #tpu.memory_space<vmem>>, vector<1x16xf32>,
      %get3A_2357 = arith.constant 55 : i32
      %get3A_2358 = arith.index_cast %get3A_2357 : i32 to index
      %get3A_2359 = arith.constant 0 : index
      %get3A_2360 = tpu.vector_load %arg4[%get3A_2358, %get3A_2359] {strides = array<i32>} : memref<64x16xf32, #tpu.memory_space<vmem>>, vector<1x16xf32>,
      %get3A_2361 = vector.shape_cast %get3A_2360 : vector<1x16xf32> to vector<16xf32>
      %ge3A_2362 = arith.cmpf oge, %get3A_2361, %max3A_1343 : vector<16xf32>
      %sub3A_2363 = arith.subf %get3A_2361, %max3A_1329 : vector<16xf32>
      %exp3A_2364 = math.exp %sub3A_2363 : vector<16xf32>
      %mul3A_2365 = arith.mulf %exp3A_2364, %div3A_1370 : vector<16xf32>
      %jit3A_2366 = arith.constant 0.000000e+00 : f32
      %broadcast_in_dim3A_2367 = vector.broadcast %jit3A_2366 : f32 to vector<16xf32>
      %select_n3A_2368 = arith.select %ge3A_2362, %mul3A_2365, %broadcast_in_dim3A_2367 : vector<16xi1>, vector<16xf32>
      %swap3A_2369 = arith.constant 55 : i32
      %swap3A_2370 = arith.index_cast %swap3A_2369 : i32 to index
      %swap3A_2371 = arith.constant 0 : index
      %swap3A_2372 = tpu.vector_load %arg5[%swap3A_2370, %swap3A_2371] {strides = array<i32>} : memref<64x16xf32, #tpu.memory_space<vmem>>, vector<1x16xf32>,
      %swap3A_2373 = vector.shape_cast %swap3A_2372 : vector<1x16xf32> to vector<16xf32>
      %swap3A_2374 = vector.shape_cast %select_n3A_2368 : vector<16xf32> to vector<1x16xf32>
      tpu.vector_store %arg5[%swap3A_2370, %swap3A_2371], %swap3A_2374 {strides = array<i32>} : memref<64x16xf32, #tpu.memory_space<vmem>>, vector<1x16xf32>,
      %get3A_2375 = arith.constant 56 : i32
      %get3A_2376 = arith.index_cast %get3A_2375 : i32 to index
      %get3A_2377 = arith.constant 0 : index
      %get3A_2378 = tpu.vector_load %arg4[%get3A_2376, %get3A_2377] {strides = array<i32>} : memref<64x16xf32, #tpu.memory_space<vmem>>, vector<1x16xf32>,
      %get3A_2379 = vector.shape_cast %get3A_2378 : vector<1x16xf32> to vector<16xf32>
      %ge3A_2380 = arith.cmpf oge, %get3A_2379, %max3A_1343 : vector<16xf32>
      %sub3A_2381 = arith.subf %get3A_2379, %max3A_1329 : vector<16xf32>
      %exp3A_2382 = math.exp %sub3A_2381 : vector<16xf32>
      %mul3A_2383 = arith.mulf %exp3A_2382, %div3A_1370 : vector<16xf32>
      %jit3A_2384 = arith.constant 0.000000e+00 : f32
      %broadcast_in_dim3A_2385 = vector.broadcast %jit3A_2384 : f32 to vector<16xf32>
      %select_n3A_2386 = arith.select %ge3A_2380, %mul3A_2383, %broadcast_in_dim3A_2385 : vector<16xi1>, vector<16xf32>
      %swap3A_2387 = arith.constant 56 : i32
      %swap3A_2388 = arith.index_cast %swap3A_2387 : i32 to index
      %swap3A_2389 = arith.constant 0 : index
      %swap3A_2390 = tpu.vector_load %arg5[%swap3A_2388, %swap3A_2389] {strides = array<i32>} : memref<64x16xf32, #tpu.memory_space<vmem>>, vector<1x16xf32>,
      %swap3A_2391 = vector.shape_cast %swap3A_2390 : vector<1x16xf32> to vector<16xf32>
      %swap3A_2392 = vector.shape_cast %select_n3A_2386 : vector<16xf32> to vector<1x16xf32>
      tpu.vector_store %arg5[%swap3A_2388, %swap3A_2389], %swap3A_2392 {strides = array<i32>} : memref<64x16xf32, #tpu.memory_space<vmem>>, vector<1x16xf32>,
      %get3A_2393 = arith.constant 57 : i32
      %get3A_2394 = arith.index_cast %get3A_2393 : i32 to index
      %get3A_2395 = arith.constant 0 : index
      %get3A_2396 = tpu.vector_load %arg4[%get3A_2394, %get3A_2395] {strides = array<i32>} : memref<64x16xf32, #tpu.memory_space<vmem>>, vector<1x16xf32>,
      %get3A_2397 = vector.shape_cast %get3A_2396 : vector<1x16xf32> to vector<16xf32>
      %ge3A_2398 = arith.cmpf oge, %get3A_2397, %max3A_1343 : vector<16xf32>
      %sub3A_2399 = arith.subf %get3A_2397, %max3A_1329 : vector<16xf32>
      %exp3A_2400 = math.exp %sub3A_2399 : vector<16xf32>
      %mul3A_2401 = arith.mulf %exp3A_2400, %div3A_1370 : vector<16xf32>
      %jit3A_2402 = arith.constant 0.000000e+00 : f32
      %broadcast_in_dim3A_2403 = vector.broadcast %jit3A_2402 : f32 to vector<16xf32>
      %select_n3A_2404 = arith.select %ge3A_2398, %mul3A_2401, %broadcast_in_dim3A_2403 : vector<16xi1>, vector<16xf32>
      %swap3A_2405 = arith.constant 57 : i32
      %swap3A_2406 = arith.index_cast %swap3A_2405 : i32 to index
      %swap3A_2407 = arith.constant 0 : index
      %swap3A_2408 = tpu.vector_load %arg5[%swap3A_2406, %swap3A_2407] {strides = array<i32>} : memref<64x16xf32, #tpu.memory_space<vmem>>, vector<1x16xf32>,
      %swap3A_2409 = vector.shape_cast %swap3A_2408 : vector<1x16xf32> to vector<16xf32>
      %swap3A_2410 = vector.shape_cast %select_n3A_2404 : vector<16xf32> to vector<1x16xf32>
      tpu.vector_store %arg5[%swap3A_2406, %swap3A_2407], %swap3A_2410 {strides = array<i32>} : memref<64x16xf32, #tpu.memory_space<vmem>>, vector<1x16xf32>,
      %get3A_2411 = arith.constant 58 : i32
      %get3A_2412 = arith.index_cast %get3A_2411 : i32 to index
      %get3A_2413 = arith.constant 0 : index
      %get3A_2414 = tpu.vector_load %arg4[%get3A_2412, %get3A_2413] {strides = array<i32>} : memref<64x16xf32, #tpu.memory_space<vmem>>, vector<1x16xf32>,
      %get3A_2415 = vector.shape_cast %get3A_2414 : vector<1x16xf32> to vector<16xf32>
      %ge3A_2416 = arith.cmpf oge, %get3A_2415, %max3A_1343 : vector<16xf32>
      %sub3A_2417 = arith.subf %get3A_2415, %max3A_1329 : vector<16xf32>
      %exp3A_2418 = math.exp %sub3A_2417 : vector<16xf32>
      %mul3A_2419 = arith.mulf %exp3A_2418, %div3A_1370 : vector<16xf32>
      %jit3A_2420 = arith.constant 0.000000e+00 : f32
      %broadcast_in_dim3A_2421 = vector.broadcast %jit3A_2420 : f32 to vector<16xf32>
      %select_n3A_2422 = arith.select %ge3A_2416, %mul3A_2419, %broadcast_in_dim3A_2421 : vector<16xi1>, vector<16xf32>
      %swap3A_2423 = arith.constant 58 : i32
      %swap3A_2424 = arith.index_cast %swap3A_2423 : i32 to index
      %swap3A_2425 = arith.constant 0 : index
      %swap3A_2426 = tpu.vector_load %arg5[%swap3A_2424, %swap3A_2425] {strides = array<i32>} : memref<64x16xf32, #tpu.memory_space<vmem>>, vector<1x16xf32>,
      %swap3A_2427 = vector.shape_cast %swap3A_2426 : vector<1x16xf32> to vector<16xf32>
      %swap3A_2428 = vector.shape_cast %select_n3A_2422 : vector<16xf32> to vector<1x16xf32>
      tpu.vector_store %arg5[%swap3A_2424, %swap3A_2425], %swap3A_2428 {strides = array<i32>} : memref<64x16xf32, #tpu.memory_space<vmem>>, vector<1x16xf32>,
      %get3A_2429 = arith.constant 59 : i32
      %get3A_2430 = arith.index_cast %get3A_2429 : i32 to index
      %get3A_2431 = arith.constant 0 : index
      %get3A_2432 = tpu.vector_load %arg4[%get3A_2430, %get3A_2431] {strides = array<i32>} : memref<64x16xf32, #tpu.memory_space<vmem>>, vector<1x16xf32>,
      %get3A_2433 = vector.shape_cast %get3A_2432 : vector<1x16xf32> to vector<16xf32>
      %ge3A_2434 = arith.cmpf oge, %get3A_2433, %max3A_1343 : vector<16xf32>
      %sub3A_2435 = arith.subf %get3A_2433, %max3A_1329 : vector<16xf32>
      %exp3A_2436 = math.exp %sub3A_2435 : vector<16xf32>
      %mul3A_2437 = arith.mulf %exp3A_2436, %div3A_1370 : vector<16xf32>
      %jit3A_2438 = arith.constant 0.000000e+00 : f32
      %broadcast_in_dim3A_2439 = vector.broadcast %jit3A_2438 : f32 to vector<16xf32>
      %select_n3A_2440 = arith.select %ge3A_2434, %mul3A_2437, %broadcast_in_dim3A_2439 : vector<16xi1>, vector<16xf32>
      %swap3A_2441 = arith.constant 59 : i32
      %swap3A_2442 = arith.index_cast %swap3A_2441 : i32 to index
      %swap3A_2443 = arith.constant 0 : index
      %swap3A_2444 = tpu.vector_load %arg5[%swap3A_2442, %swap3A_2443] {strides = array<i32>} : memref<64x16xf32, #tpu.memory_space<vmem>>, vector<1x16xf32>,
      %swap3A_2445 = vector.shape_cast %swap3A_2444 : vector<1x16xf32> to vector<16xf32>
      %swap3A_2446 = vector.shape_cast %select_n3A_2440 : vector<16xf32> to vector<1x16xf32>
      tpu.vector_store %arg5[%swap3A_2442, %swap3A_2443], %swap3A_2446 {strides = array<i32>} : memref<64x16xf32, #tpu.memory_space<vmem>>, vector<1x16xf32>,
      %get3A_2447 = arith.constant 60 : i32
      %get3A_2448 = arith.index_cast %get3A_2447 : i32 to index
      %get3A_2449 = arith.constant 0 : index
      %get3A_2450 = tpu.vector_load %arg4[%get3A_2448, %get3A_2449] {strides = array<i32>} : memref<64x16xf32, #tpu.memory_space<vmem>>, vector<1x16xf32>,
      %get3A_2451 = vector.shape_cast %get3A_2450 : vector<1x16xf32> to vector<16xf32>
      %ge3A_2452 = arith.cmpf oge, %get3A_2451, %max3A_1343 : vector<16xf32>
      %sub3A_2453 = arith.subf %get3A_2451, %max3A_1329 : vector<16xf32>
      %exp3A_2454 = math.exp %sub3A_2453 : vector<16xf32>
      %mul3A_2455 = arith.mulf %exp3A_2454, %div3A_1370 : vector<16xf32>
      %jit3A_2456 = arith.constant 0.000000e+00 : f32
      %broadcast_in_dim3A_2457 = vector.broadcast %jit3A_2456 : f32 to vector<16xf32>
      %select_n3A_2458 = arith.select %ge3A_2452, %mul3A_2455, %broadcast_in_dim3A_2457 : vector<16xi1>, vector<16xf32>
      %swap3A_2459 = arith.constant 60 : i32
      %swap3A_2460 = arith.index_cast %swap3A_2459 : i32 to index
      %swap3A_2461 = arith.constant 0 : index
      %swap3A_2462 = tpu.vector_load %arg5[%swap3A_2460, %swap3A_2461] {strides = array<i32>} : memref<64x16xf32, #tpu.memory_space<vmem>>, vector<1x16xf32>,
      %swap3A_2463 = vector.shape_cast %swap3A_2462 : vector<1x16xf32> to vector<16xf32>
      %swap3A_2464 = vector.shape_cast %select_n3A_2458 : vector<16xf32> to vector<1x16xf32>
      tpu.vector_store %arg5[%swap3A_2460, %swap3A_2461], %swap3A_2464 {strides = array<i32>} : memref<64x16xf32, #tpu.memory_space<vmem>>, vector<1x16xf32>,
      %get3A_2465 = arith.constant 61 : i32
      %get3A_2466 = arith.index_cast %get3A_2465 : i32 to index
      %get3A_2467 = arith.constant 0 : index
      %get3A_2468 = tpu.vector_load %arg4[%get3A_2466, %get3A_2467] {strides = array<i32>} : memref<64x16xf32, #tpu.memory_space<vmem>>, vector<1x16xf32>,
      %get3A_2469 = vector.shape_cast %get3A_2468 : vector<1x16xf32> to vector<16xf32>
      %ge3A_2470 = arith.cmpf oge, %get3A_2469, %max3A_1343 : vector<16xf32>
      %sub3A_2471 = arith.subf %get3A_2469, %max3A_1329 : vector<16xf32>
      %exp3A_2472 = math.exp %sub3A_2471 : vector<16xf32>
      %mul3A_2473 = arith.mulf %exp3A_2472, %div3A_1370 : vector<16xf32>
      %jit3A_2474 = arith.constant 0.000000e+00 : f32
      %broadcast_in_dim3A_2475 = vector.broadcast %jit3A_2474 : f32 to vector<16xf32>
      %select_n3A_2476 = arith.select %ge3A_2470, %mul3A_2473, %broadcast_in_dim3A_2475 : vector<16xi1>, vector<16xf32>
      %swap3A_2477 = arith.constant 61 : i32
      %swap3A_2478 = arith.index_cast %swap3A_2477 : i32 to index
      %swap3A_2479 = arith.constant 0 : index
      %swap3A_2480 = tpu.vector_load %arg5[%swap3A_2478, %swap3A_2479] {strides = array<i32>} : memref<64x16xf32, #tpu.memory_space<vmem>>, vector<1x16xf32>,
      %swap3A_2481 = vector.shape_cast %swap3A_2480 : vector<1x16xf32> to vector<16xf32>
      %swap3A_2482 = vector.shape_cast %select_n3A_2476 : vector<16xf32> to vector<1x16xf32>
      tpu.vector_store %arg5[%swap3A_2478, %swap3A_2479], %swap3A_2482 {strides = array<i32>} : memref<64x16xf32, #tpu.memory_space<vmem>>, vector<1x16xf32>,
      %get3A_2483 = arith.constant 62 : i32
      %get3A_2484 = arith.index_cast %get3A_2483 : i32 to index
      %get3A_2485 = arith.constant 0 : index
      %get3A_2486 = tpu.vector_load %arg4[%get3A_2484, %get3A_2485] {strides = array<i32>} : memref<64x16xf32, #tpu.memory_space<vmem>>, vector<1x16xf32>,
      %get3A_2487 = vector.shape_cast %get3A_2486 : vector<1x16xf32> to vector<16xf32>
      %ge3A_2488 = arith.cmpf oge, %get3A_2487, %max3A_1343 : vector<16xf32>
      %sub3A_2489 = arith.subf %get3A_2487, %max3A_1329 : vector<16xf32>
      %exp3A_2490 = math.exp %sub3A_2489 : vector<16xf32>
      %mul3A_2491 = arith.mulf %exp3A_2490, %div3A_1370 : vector<16xf32>
      %jit3A_2492 = arith.constant 0.000000e+00 : f32
      %broadcast_in_dim3A_2493 = vector.broadcast %jit3A_2492 : f32 to vector<16xf32>
      %select_n3A_2494 = arith.select %ge3A_2488, %mul3A_2491, %broadcast_in_dim3A_2493 : vector<16xi1>, vector<16xf32>
      %swap3A_2495 = arith.constant 62 : i32
      %swap3A_2496 = arith.index_cast %swap3A_2495 : i32 to index
      %swap3A_2497 = arith.constant 0 : index
      %swap3A_2498 = tpu.vector_load %arg5[%swap3A_2496, %swap3A_2497] {strides = array<i32>} : memref<64x16xf32, #tpu.memory_space<vmem>>, vector<1x16xf32>,
      %swap3A_2499 = vector.shape_cast %swap3A_2498 : vector<1x16xf32> to vector<16xf32>
      %swap3A_2500 = vector.shape_cast %select_n3A_2494 : vector<16xf32> to vector<1x16xf32>
      tpu.vector_store %arg5[%swap3A_2496, %swap3A_2497], %swap3A_2500 {strides = array<i32>} : memref<64x16xf32, #tpu.memory_space<vmem>>, vector<1x16xf32>,
      %get3A_2501 = arith.constant 63 : i32
      %get3A_2502 = arith.index_cast %get3A_2501 : i32 to index
      %get3A_2503 = arith.constant 0 : index
      %get3A_2504 = tpu.vector_load %arg4[%get3A_2502, %get3A_2503] {strides = array<i32>} : memref<64x16xf32, #tpu.memory_space<vmem>>, vector<1x16xf32>,
      %get3A_2505 = vector.shape_cast %get3A_2504 : vector<1x16xf32> to vector<16xf32>
      %ge3A_2506 = arith.cmpf oge, %get3A_2505, %max3A_1343 : vector<16xf32>
      %sub3A_2507 = arith.subf %get3A_2505, %max3A_1329 : vector<16xf32>
      %exp3A_2508 = math.exp %sub3A_2507 : vector<16xf32>
      %mul3A_2509 = arith.mulf %exp3A_2508, %div3A_1370 : vector<16xf32>
      %jit3A_2510 = arith.constant 0.000000e+00 : f32
      %broadcast_in_dim3A_2511 = vector.broadcast %jit3A_2510 : f32 to vector<16xf32>
      %select_n3A_2512 = arith.select %ge3A_2506, %mul3A_2509, %broadcast_in_dim3A_2511 : vector<16xi1>, vector<16xf32>
      %swap3A_2513 = arith.constant 63 : i32
      %swap3A_2514 = arith.index_cast %swap3A_2513 : i32 to index
      %swap3A_2515 = arith.constant 0 : index
      %swap3A_2516 = tpu.vector_load %arg5[%swap3A_2514, %swap3A_2515] {strides = array<i32>} : memref<64x16xf32, #tpu.memory_space<vmem>>, vector<1x16xf32>,
      %swap3A_2517 = vector.shape_cast %swap3A_2516 : vector<1x16xf32> to vector<16xf32>
      %swap3A_2518 = vector.shape_cast %select_n3A_2512 : vector<16xf32> to vector<1x16xf32>
      tpu.vector_store %arg5[%swap3A_2514, %swap3A_2515], %swap3A_2518 {strides = array<i32>} : memref<64x16xf32, #tpu.memory_space<vmem>>, vector<1x16xf32>,
      "tpu.region"() ({
        %run_scoped3A = tpu.sem_alloc : memref<!tpu.dma_semaphore, #tpu.memory_space<semaphore_mem>>
        %dma_start3A = arith.constant 0 : i32
        %dma_start3A_2519 = arith.constant 0 : i32
        %dma_start3A_2520 = tpu.memref_slice %arg3[%add3A, %dma_start3A, %dma_start3A_2519] : memref<8x64x16xf32, #tpu.memory_space<hbm>> -> memref<1x64x16xf32, #tpu.memory_space<hbm>>
        %dma_start3A_2521 = tpu.memref_squeeze %dma_start3A_2520 : memref<1x64x16xf32, #tpu.memory_space<hbm>> -> memref<64x16xf32, #tpu.memory_space<hbm>>
        %dma_start3A_2522 = arith.constant 0 : i32
        %dma_start3A_2523 = arith.constant 0 : i32
        %dma_start3A_2524 = tpu.memref_slice %arg3[%add3A, %dma_start3A_2522, %dma_start3A_2523] : memref<8x64x16xf32, #tpu.memory_space<hbm>> -> memref<1x64x16xf32, #tpu.memory_space<hbm>>
        %dma_start3A_2525 = tpu.memref_squeeze %dma_start3A_2524 : memref<1x64x16xf32, #tpu.memory_space<hbm>> -> memref<64x16xf32, #tpu.memory_space<hbm>>
        tpu.enqueue_dma source(%arg5 : memref<64x16xf32, #tpu.memory_space<vmem>>) target(%dma_start3A_2525 : memref<64x16xf32, #tpu.memory_space<hbm>>) target_semaphore(%run_scoped3A : memref<!tpu.dma_semaphore, #tpu.memory_space<semaphore_mem>>)
        %dma_wait3A = arith.constant 0 : i32
        %dma_wait3A_2526 = arith.constant 0 : i32
        %dma_wait3A_2527 = tpu.memref_slice %arg3[%add3A, %dma_wait3A, %dma_wait3A_2526] : memref<8x64x16xf32, #tpu.memory_space<hbm>> -> memref<1x64x16xf32, #tpu.memory_space<hbm>>
        %dma_wait3A_2528 = tpu.memref_squeeze %dma_wait3A_2527 : memref<1x64x16xf32, #tpu.memory_space<hbm>> -> memref<64x16xf32, #tpu.memory_space<hbm>>
        %dma_wait3A_2529 = arith.constant 0 : i32
        %dma_wait3A_2530 = arith.constant 0 : i32
        %dma_wait3A_2531 = tpu.memref_slice %arg3[%add3A, %dma_wait3A_2529, %dma_wait3A_2530] : memref<8x64x16xf32, #tpu.memory_space<hbm>> -> memref<1x64x16xf32, #tpu.memory_space<hbm>>
        %dma_wait3A_2532 = tpu.memref_squeeze %dma_wait3A_2531 : memref<1x64x16xf32, #tpu.memory_space<hbm>> -> memref<64x16xf32, #tpu.memory_space<hbm>>
        tpu.wait_dma2 semaphore(%run_scoped3A : memref<!tpu.dma_semaphore, #tpu.memory_space<semaphore_mem>>) src(%arg5 : memref<64x16xf32, #tpu.memory_space<vmem>>) dst(%dma_wait3A_2532 : memref<64x16xf32, #tpu.memory_space<hbm>>)
        tpu.yield
      }) : () -> ()
    } else {
    }
    return
  }
}

module attributes {stable_mosaic.version = 14 : i64} {
  func.func @_logits_body(%arg0: memref<128x1024xf32, #tpu.memory_space<vmem>>, %arg1: memref<64x1024xf32, #tpu.memory_space<vmem>>, %arg2: memref<8x64x16xf32, #tpu.memory_space<vmem>>) attributes {dimension_semantics = [], scalar_prefetch = 0 : i64, scratch_operands = 0 : i64, tpu.core_type = #tpu.core_type<tc>} {
    %get3A = arith.constant 0 : index
    %get3A_0 = arith.constant 0 : index
    %get3A_1 = vector.load %arg0[%get3A, %get3A_0] : memref<128x1024xf32, #tpu.memory_space<vmem>>, vector<16x1024xf32>
    %get3A_2 = arith.constant 0 : index
    %get3A_3 = arith.constant 0 : index
    %get3A_4 = vector.load %arg1[%get3A_2, %get3A_3] : memref<64x1024xf32, #tpu.memory_space<vmem>>, vector<64x1024xf32>
    %dot_general3A = arith.constant dense<0.000000e+00> : vector<64x16xf32>
    %dot_general3A_5 = tpu.matmul %get3A_4, %get3A_1, %dot_general3A {dimension_numbers = #tpu.dot_dimension_numbers<[1], [1], [0], [0], [0, 0, 1, 0], [], []>, transpose_lhs_hint = false} : vector<64x1024xf32>, vector<16x1024xf32>, vector<64x16xf32> -> vector<64x16xf32>
    %swap3A = arith.constant 0 : index
    %swap3A_6 = arith.constant 0 : index
    %swap3A_7 = arith.constant 0 : index
    %swap3A_8 = vector.load %arg2[%swap3A, %swap3A_6, %swap3A_7] : memref<8x64x16xf32, #tpu.memory_space<vmem>>, vector<1x64x16xf32>
    %swap3A_9 = vector.shape_cast %swap3A_8 : vector<1x64x16xf32> to vector<64x16xf32>
    %swap3A_10 = vector.shape_cast %dot_general3A_5 : vector<64x16xf32> to vector<1x64x16xf32>
    tpu.vector_store %arg2[%swap3A, %swap3A_6, %swap3A_7], %swap3A_10 {strides = array<i32>} : memref<8x64x16xf32, #tpu.memory_space<vmem>>, vector<1x64x16xf32>,
    %get3A_11 = arith.constant 16 : index
    %get3A_12 = arith.constant 0 : index
    %get3A_13 = vector.load %arg0[%get3A_11, %get3A_12] : memref<128x1024xf32, #tpu.memory_space<vmem>>, vector<16x1024xf32>
    %get3A_14 = arith.constant 0 : index
    %get3A_15 = arith.constant 0 : index
    %get3A_16 = vector.load %arg1[%get3A_14, %get3A_15] : memref<64x1024xf32, #tpu.memory_space<vmem>>, vector<64x1024xf32>
    %dot_general3A_17 = arith.constant dense<0.000000e+00> : vector<64x16xf32>
    %dot_general3A_18 = tpu.matmul %get3A_16, %get3A_13, %dot_general3A_17 {dimension_numbers = #tpu.dot_dimension_numbers<[1], [1], [0], [0], [0, 0, 1, 0], [], []>, transpose_lhs_hint = false} : vector<64x1024xf32>, vector<16x1024xf32>, vector<64x16xf32> -> vector<64x16xf32>
    %swap3A_19 = arith.constant 1 : index
    %swap3A_20 = arith.constant 0 : index
    %swap3A_21 = arith.constant 0 : index
    %swap3A_22 = vector.load %arg2[%swap3A_19, %swap3A_20, %swap3A_21] : memref<8x64x16xf32, #tpu.memory_space<vmem>>, vector<1x64x16xf32>
    %swap3A_23 = vector.shape_cast %swap3A_22 : vector<1x64x16xf32> to vector<64x16xf32>
    %swap3A_24 = vector.shape_cast %dot_general3A_18 : vector<64x16xf32> to vector<1x64x16xf32>
    tpu.vector_store %arg2[%swap3A_19, %swap3A_20, %swap3A_21], %swap3A_24 {strides = array<i32>} : memref<8x64x16xf32, #tpu.memory_space<vmem>>, vector<1x64x16xf32>,
    %get3A_25 = arith.constant 32 : index
    %get3A_26 = arith.constant 0 : index
    %get3A_27 = vector.load %arg0[%get3A_25, %get3A_26] : memref<128x1024xf32, #tpu.memory_space<vmem>>, vector<16x1024xf32>
    %get3A_28 = arith.constant 0 : index
    %get3A_29 = arith.constant 0 : index
    %get3A_30 = vector.load %arg1[%get3A_28, %get3A_29] : memref<64x1024xf32, #tpu.memory_space<vmem>>, vector<64x1024xf32>
    %dot_general3A_31 = arith.constant dense<0.000000e+00> : vector<64x16xf32>
    %dot_general3A_32 = tpu.matmul %get3A_30, %get3A_27, %dot_general3A_31 {dimension_numbers = #tpu.dot_dimension_numbers<[1], [1], [0], [0], [0, 0, 1, 0], [], []>, transpose_lhs_hint = false} : vector<64x1024xf32>, vector<16x1024xf32>, vector<64x16xf32> -> vector<64x16xf32>
    %swap3A_33 = arith.constant 2 : index
    %swap3A_34 = arith.constant 0 : index
    %swap3A_35 = arith.constant 0 : index
    %swap3A_36 = vector.load %arg2[%swap3A_33, %swap3A_34, %swap3A_35] : memref<8x64x16xf32, #tpu.memory_space<vmem>>, vector<1x64x16xf32>
    %swap3A_37 = vector.shape_cast %swap3A_36 : vector<1x64x16xf32> to vector<64x16xf32>
    %swap3A_38 = vector.shape_cast %dot_general3A_32 : vector<64x16xf32> to vector<1x64x16xf32>
    tpu.vector_store %arg2[%swap3A_33, %swap3A_34, %swap3A_35], %swap3A_38 {strides = array<i32>} : memref<8x64x16xf32, #tpu.memory_space<vmem>>, vector<1x64x16xf32>,
    %get3A_39 = arith.constant 48 : index
    %get3A_40 = arith.constant 0 : index
    %get3A_41 = vector.load %arg0[%get3A_39, %get3A_40] : memref<128x1024xf32, #tpu.memory_space<vmem>>, vector<16x1024xf32>
    %get3A_42 = arith.constant 0 : index
    %get3A_43 = arith.constant 0 : index
    %get3A_44 = vector.load %arg1[%get3A_42, %get3A_43] : memref<64x1024xf32, #tpu.memory_space<vmem>>, vector<64x1024xf32>
    %dot_general3A_45 = arith.constant dense<0.000000e+00> : vector<64x16xf32>
    %dot_general3A_46 = tpu.matmul %get3A_44, %get3A_41, %dot_general3A_45 {dimension_numbers = #tpu.dot_dimension_numbers<[1], [1], [0], [0], [0, 0, 1, 0], [], []>, transpose_lhs_hint = false} : vector<64x1024xf32>, vector<16x1024xf32>, vector<64x16xf32> -> vector<64x16xf32>
    %swap3A_47 = arith.constant 3 : index
    %swap3A_48 = arith.constant 0 : index
    %swap3A_49 = arith.constant 0 : index
    %swap3A_50 = vector.load %arg2[%swap3A_47, %swap3A_48, %swap3A_49] : memref<8x64x16xf32, #tpu.memory_space<vmem>>, vector<1x64x16xf32>
    %swap3A_51 = vector.shape_cast %swap3A_50 : vector<1x64x16xf32> to vector<64x16xf32>
    %swap3A_52 = vector.shape_cast %dot_general3A_46 : vector<64x16xf32> to vector<1x64x16xf32>
    tpu.vector_store %arg2[%swap3A_47, %swap3A_48, %swap3A_49], %swap3A_52 {strides = array<i32>} : memref<8x64x16xf32, #tpu.memory_space<vmem>>, vector<1x64x16xf32>,
    %get3A_53 = arith.constant 64 : index
    %get3A_54 = arith.constant 0 : index
    %get3A_55 = vector.load %arg0[%get3A_53, %get3A_54] : memref<128x1024xf32, #tpu.memory_space<vmem>>, vector<16x1024xf32>
    %get3A_56 = arith.constant 0 : index
    %get3A_57 = arith.constant 0 : index
    %get3A_58 = vector.load %arg1[%get3A_56, %get3A_57] : memref<64x1024xf32, #tpu.memory_space<vmem>>, vector<64x1024xf32>
    %dot_general3A_59 = arith.constant dense<0.000000e+00> : vector<64x16xf32>
    %dot_general3A_60 = tpu.matmul %get3A_58, %get3A_55, %dot_general3A_59 {dimension_numbers = #tpu.dot_dimension_numbers<[1], [1], [0], [0], [0, 0, 1, 0], [], []>, transpose_lhs_hint = false} : vector<64x1024xf32>, vector<16x1024xf32>, vector<64x16xf32> -> vector<64x16xf32>
    %swap3A_61 = arith.constant 4 : index
    %swap3A_62 = arith.constant 0 : index
    %swap3A_63 = arith.constant 0 : index
    %swap3A_64 = vector.load %arg2[%swap3A_61, %swap3A_62, %swap3A_63] : memref<8x64x16xf32, #tpu.memory_space<vmem>>, vector<1x64x16xf32>
    %swap3A_65 = vector.shape_cast %swap3A_64 : vector<1x64x16xf32> to vector<64x16xf32>
    %swap3A_66 = vector.shape_cast %dot_general3A_60 : vector<64x16xf32> to vector<1x64x16xf32>
    tpu.vector_store %arg2[%swap3A_61, %swap3A_62, %swap3A_63], %swap3A_66 {strides = array<i32>} : memref<8x64x16xf32, #tpu.memory_space<vmem>>, vector<1x64x16xf32>,
    %get3A_67 = arith.constant 80 : index
    %get3A_68 = arith.constant 0 : index
    %get3A_69 = vector.load %arg0[%get3A_67, %get3A_68] : memref<128x1024xf32, #tpu.memory_space<vmem>>, vector<16x1024xf32>
    %get3A_70 = arith.constant 0 : index
    %get3A_71 = arith.constant 0 : index
    %get3A_72 = vector.load %arg1[%get3A_70, %get3A_71] : memref<64x1024xf32, #tpu.memory_space<vmem>>, vector<64x1024xf32>
    %dot_general3A_73 = arith.constant dense<0.000000e+00> : vector<64x16xf32>
    %dot_general3A_74 = tpu.matmul %get3A_72, %get3A_69, %dot_general3A_73 {dimension_numbers = #tpu.dot_dimension_numbers<[1], [1], [0], [0], [0, 0, 1, 0], [], []>, transpose_lhs_hint = false} : vector<64x1024xf32>, vector<16x1024xf32>, vector<64x16xf32> -> vector<64x16xf32>
    %swap3A_75 = arith.constant 5 : index
    %swap3A_76 = arith.constant 0 : index
    %swap3A_77 = arith.constant 0 : index
    %swap3A_78 = vector.load %arg2[%swap3A_75, %swap3A_76, %swap3A_77] : memref<8x64x16xf32, #tpu.memory_space<vmem>>, vector<1x64x16xf32>
    %swap3A_79 = vector.shape_cast %swap3A_78 : vector<1x64x16xf32> to vector<64x16xf32>
    %swap3A_80 = vector.shape_cast %dot_general3A_74 : vector<64x16xf32> to vector<1x64x16xf32>
    tpu.vector_store %arg2[%swap3A_75, %swap3A_76, %swap3A_77], %swap3A_80 {strides = array<i32>} : memref<8x64x16xf32, #tpu.memory_space<vmem>>, vector<1x64x16xf32>,
    %get3A_81 = arith.constant 96 : index
    %get3A_82 = arith.constant 0 : index
    %get3A_83 = vector.load %arg0[%get3A_81, %get3A_82] : memref<128x1024xf32, #tpu.memory_space<vmem>>, vector<16x1024xf32>
    %get3A_84 = arith.constant 0 : index
    %get3A_85 = arith.constant 0 : index
    %get3A_86 = vector.load %arg1[%get3A_84, %get3A_85] : memref<64x1024xf32, #tpu.memory_space<vmem>>, vector<64x1024xf32>
    %dot_general3A_87 = arith.constant dense<0.000000e+00> : vector<64x16xf32>
    %dot_general3A_88 = tpu.matmul %get3A_86, %get3A_83, %dot_general3A_87 {dimension_numbers = #tpu.dot_dimension_numbers<[1], [1], [0], [0], [0, 0, 1, 0], [], []>, transpose_lhs_hint = false} : vector<64x1024xf32>, vector<16x1024xf32>, vector<64x16xf32> -> vector<64x16xf32>
    %swap3A_89 = arith.constant 6 : index
    %swap3A_90 = arith.constant 0 : index
    %swap3A_91 = arith.constant 0 : index
    %swap3A_92 = vector.load %arg2[%swap3A_89, %swap3A_90, %swap3A_91] : memref<8x64x16xf32, #tpu.memory_space<vmem>>, vector<1x64x16xf32>
    %swap3A_93 = vector.shape_cast %swap3A_92 : vector<1x64x16xf32> to vector<64x16xf32>
    %swap3A_94 = vector.shape_cast %dot_general3A_88 : vector<64x16xf32> to vector<1x64x16xf32>
    tpu.vector_store %arg2[%swap3A_89, %swap3A_90, %swap3A_91], %swap3A_94 {strides = array<i32>} : memref<8x64x16xf32, #tpu.memory_space<vmem>>, vector<1x64x16xf32>,
    %get3A_95 = arith.constant 112 : index
    %get3A_96 = arith.constant 0 : index
    %get3A_97 = vector.load %arg0[%get3A_95, %get3A_96] : memref<128x1024xf32, #tpu.memory_space<vmem>>, vector<16x1024xf32>
    %get3A_98 = arith.constant 0 : index
    %get3A_99 = arith.constant 0 : index
    %get3A_100 = vector.load %arg1[%get3A_98, %get3A_99] : memref<64x1024xf32, #tpu.memory_space<vmem>>, vector<64x1024xf32>
    %dot_general3A_101 = arith.constant dense<0.000000e+00> : vector<64x16xf32>
    %dot_general3A_102 = tpu.matmul %get3A_100, %get3A_97, %dot_general3A_101 {dimension_numbers = #tpu.dot_dimension_numbers<[1], [1], [0], [0], [0, 0, 1, 0], [], []>, transpose_lhs_hint = false} : vector<64x1024xf32>, vector<16x1024xf32>, vector<64x16xf32> -> vector<64x16xf32>
    %swap3A_103 = arith.constant 7 : index
    %swap3A_104 = arith.constant 0 : index
    %swap3A_105 = arith.constant 0 : index
    %swap3A_106 = vector.load %arg2[%swap3A_103, %swap3A_104, %swap3A_105] : memref<8x64x16xf32, #tpu.memory_space<vmem>>, vector<1x64x16xf32>
    %swap3A_107 = vector.shape_cast %swap3A_106 : vector<1x64x16xf32> to vector<64x16xf32>
    %swap3A_108 = vector.shape_cast %dot_general3A_102 : vector<64x16xf32> to vector<1x64x16xf32>
    tpu.vector_store %arg2[%swap3A_103, %swap3A_104, %swap3A_105], %swap3A_108 {strides = array<i32>} : memref<8x64x16xf32, #tpu.memory_space<vmem>>, vector<1x64x16xf32>,
    return
  }
}

module attributes {stable_mosaic.version = 14 : i64} {
  func.func @_expert_body(%arg0: i32, %arg1: memref<128x1024xf32, #tpu.memory_space<vmem>>, %arg2: memref<8x64x16xf32, #tpu.memory_space<vmem>>, %arg3: memref<128x1024xf32, #tpu.memory_space<vmem>>, %arg4: memref<2x1024x512xf32, #tpu.memory_space<vmem>>, %arg5: memref<2x1024x512xf32, #tpu.memory_space<vmem>>, %arg6: memref<2x512x1024xf32, #tpu.memory_space<vmem>>, %arg7: memref<128x1024xf32, #tpu.memory_space<vmem>>, %arg8: memref<128x64xf32, #tpu.memory_space<vmem>>) attributes {dimension_semantics = [#tpu.dimension_semantics<arbitrary>], iteration_bounds = array<i64: 32>, scalar_prefetch = 0 : i64, scratch_operands = 1 : i64, tpu.core_type = #tpu.core_type<tc>, window_params = [{pipeline_mode = #tpu.pipeline_mode<synchronous>, transform_indices = @transform_0, window_bounds = array<i64: 128, 1024>}, {pipeline_mode = #tpu.pipeline_mode<synchronous>, transform_indices = @transform_1, window_bounds = array<i64: 8, 64, 16>}, {pipeline_mode = #tpu.pipeline_mode<synchronous>, transform_indices = @transform_2, window_bounds = array<i64: 128, 1024>}, {transform_indices = @transform_3, window_bounds = array<i64: 2, 1024, 512>}, {transform_indices = @transform_4, window_bounds = array<i64: 2, 1024, 512>}, {transform_indices = @transform_5, window_bounds = array<i64: 2, 512, 1024>}, {pipeline_mode = #tpu.pipeline_mode<synchronous>, transform_indices = @transform_6, window_bounds = array<i64: 128, 1024>}]} {
    %get3A = arith.constant 0 : index
    %get3A_0 = arith.constant 0 : index
    %get3A_1 = vector.load %arg1[%get3A, %get3A_0] : memref<128x1024xf32, #tpu.memory_space<vmem>>, vector<128x1024xf32>
    %iota3A = tpu.iota {dimensions = array<i32: 1>} : vector<128x64xi32>
    %eq3A = arith.constant 0 : i32
    %eq3A_2 = arith.cmpi eq, %arg0, %eq3A : i32
    %convert_element_type3A = arith.extui %eq3A_2 : i1 to i32
    %cond3A = arith.constant 0 : i32
    %cond3A_3 = arith.cmpi ne, %convert_element_type3A, %cond3A : i32
    scf.if %cond3A_3 {
      %get3A_98 = arith.constant 0 : index
      %get3A_99 = arith.constant 0 : index
      %get3A_100 = vector.load %arg3[%get3A_98, %get3A_99] : memref<128x1024xf32, #tpu.memory_space<vmem>>, vector<128x1024xf32>
      %swap3A_101 = arith.constant 0 : index
      %swap3A_102 = arith.constant 0 : index
      %swap3A_103 = vector.load %arg7[%swap3A_101, %swap3A_102] : memref<128x1024xf32, #tpu.memory_space<vmem>>, vector<128x1024xf32>
      tpu.vector_store %arg7[%swap3A_101, %swap3A_102], %get3A_100 {strides = array<i32>} : memref<128x1024xf32, #tpu.memory_space<vmem>>, vector<128x1024xf32>,
      %get3A_104 = arith.constant 0 : index
      %get3A_105 = arith.constant 0 : index
      %get3A_106 = arith.constant 0 : index
      %get3A_107 = vector.load %arg2[%get3A_104, %get3A_105, %get3A_106] : memref<8x64x16xf32, #tpu.memory_space<vmem>>, vector<1x64x16xf32>
      %get3A_108 = vector.shape_cast %get3A_107 : vector<1x64x16xf32> to vector<64x16xf32>
      %transpose3A = tpu.transpose %get3A_108, [1, 0] : vector<64x16xf32> -> vector<16x64xf32>
      %swap3A_109 = arith.constant 0 : index
      %swap3A_110 = arith.constant 0 : index
      %swap3A_111 = vector.load %arg8[%swap3A_109, %swap3A_110] : memref<128x64xf32, #tpu.memory_space<vmem>>, vector<16x64xf32>
      tpu.vector_store %arg8[%swap3A_109, %swap3A_110], %transpose3A {strides = array<i32>} : memref<128x64xf32, #tpu.memory_space<vmem>>, vector<16x64xf32>,
      %get3A_112 = arith.constant 1 : index
      %get3A_113 = arith.constant 0 : index
      %get3A_114 = arith.constant 0 : index
      %get3A_115 = vector.load %arg2[%get3A_112, %get3A_113, %get3A_114] : memref<8x64x16xf32, #tpu.memory_space<vmem>>, vector<1x64x16xf32>
      %get3A_116 = vector.shape_cast %get3A_115 : vector<1x64x16xf32> to vector<64x16xf32>
      %transpose3A_117 = tpu.transpose %get3A_116, [1, 0] : vector<64x16xf32> -> vector<16x64xf32>
      %swap3A_118 = arith.constant 16 : index
      %swap3A_119 = arith.constant 0 : index
      %swap3A_120 = vector.load %arg8[%swap3A_118, %swap3A_119] : memref<128x64xf32, #tpu.memory_space<vmem>>, vector<16x64xf32>
      tpu.vector_store %arg8[%swap3A_118, %swap3A_119], %transpose3A_117 {strides = array<i32>} : memref<128x64xf32, #tpu.memory_space<vmem>>, vector<16x64xf32>,
      %get3A_121 = arith.constant 2 : index
      %get3A_122 = arith.constant 0 : index
      %get3A_123 = arith.constant 0 : index
      %get3A_124 = vector.load %arg2[%get3A_121, %get3A_122, %get3A_123] : memref<8x64x16xf32, #tpu.memory_space<vmem>>, vector<1x64x16xf32>
      %get3A_125 = vector.shape_cast %get3A_124 : vector<1x64x16xf32> to vector<64x16xf32>
      %transpose3A_126 = tpu.transpose %get3A_125, [1, 0] : vector<64x16xf32> -> vector<16x64xf32>
      %swap3A_127 = arith.constant 32 : index
      %swap3A_128 = arith.constant 0 : index
      %swap3A_129 = vector.load %arg8[%swap3A_127, %swap3A_128] : memref<128x64xf32, #tpu.memory_space<vmem>>, vector<16x64xf32>
      tpu.vector_store %arg8[%swap3A_127, %swap3A_128], %transpose3A_126 {strides = array<i32>} : memref<128x64xf32, #tpu.memory_space<vmem>>, vector<16x64xf32>,
      %get3A_130 = arith.constant 3 : index
      %get3A_131 = arith.constant 0 : index
      %get3A_132 = arith.constant 0 : index
      %get3A_133 = vector.load %arg2[%get3A_130, %get3A_131, %get3A_132] : memref<8x64x16xf32, #tpu.memory_space<vmem>>, vector<1x64x16xf32>
      %get3A_134 = vector.shape_cast %get3A_133 : vector<1x64x16xf32> to vector<64x16xf32>
      %transpose3A_135 = tpu.transpose %get3A_134, [1, 0] : vector<64x16xf32> -> vector<16x64xf32>
      %swap3A_136 = arith.constant 48 : index
      %swap3A_137 = arith.constant 0 : index
      %swap3A_138 = vector.load %arg8[%swap3A_136, %swap3A_137] : memref<128x64xf32, #tpu.memory_space<vmem>>, vector<16x64xf32>
      tpu.vector_store %arg8[%swap3A_136, %swap3A_137], %transpose3A_135 {strides = array<i32>} : memref<128x64xf32, #tpu.memory_space<vmem>>, vector<16x64xf32>,
      %get3A_139 = arith.constant 4 : index
      %get3A_140 = arith.constant 0 : index
      %get3A_141 = arith.constant 0 : index
      %get3A_142 = vector.load %arg2[%get3A_139, %get3A_140, %get3A_141] : memref<8x64x16xf32, #tpu.memory_space<vmem>>, vector<1x64x16xf32>
      %get3A_143 = vector.shape_cast %get3A_142 : vector<1x64x16xf32> to vector<64x16xf32>
      %transpose3A_144 = tpu.transpose %get3A_143, [1, 0] : vector<64x16xf32> -> vector<16x64xf32>
      %swap3A_145 = arith.constant 64 : index
      %swap3A_146 = arith.constant 0 : index
      %swap3A_147 = vector.load %arg8[%swap3A_145, %swap3A_146] : memref<128x64xf32, #tpu.memory_space<vmem>>, vector<16x64xf32>
      tpu.vector_store %arg8[%swap3A_145, %swap3A_146], %transpose3A_144 {strides = array<i32>} : memref<128x64xf32, #tpu.memory_space<vmem>>, vector<16x64xf32>,
      %get3A_148 = arith.constant 5 : index
      %get3A_149 = arith.constant 0 : index
      %get3A_150 = arith.constant 0 : index
      %get3A_151 = vector.load %arg2[%get3A_148, %get3A_149, %get3A_150] : memref<8x64x16xf32, #tpu.memory_space<vmem>>, vector<1x64x16xf32>
      %get3A_152 = vector.shape_cast %get3A_151 : vector<1x64x16xf32> to vector<64x16xf32>
      %transpose3A_153 = tpu.transpose %get3A_152, [1, 0] : vector<64x16xf32> -> vector<16x64xf32>
      %swap3A_154 = arith.constant 80 : index
      %swap3A_155 = arith.constant 0 : index
      %swap3A_156 = vector.load %arg8[%swap3A_154, %swap3A_155] : memref<128x64xf32, #tpu.memory_space<vmem>>, vector<16x64xf32>
      tpu.vector_store %arg8[%swap3A_154, %swap3A_155], %transpose3A_153 {strides = array<i32>} : memref<128x64xf32, #tpu.memory_space<vmem>>, vector<16x64xf32>,
      %get3A_157 = arith.constant 6 : index
      %get3A_158 = arith.constant 0 : index
      %get3A_159 = arith.constant 0 : index
      %get3A_160 = vector.load %arg2[%get3A_157, %get3A_158, %get3A_159] : memref<8x64x16xf32, #tpu.memory_space<vmem>>, vector<1x64x16xf32>
      %get3A_161 = vector.shape_cast %get3A_160 : vector<1x64x16xf32> to vector<64x16xf32>
      %transpose3A_162 = tpu.transpose %get3A_161, [1, 0] : vector<64x16xf32> -> vector<16x64xf32>
      %swap3A_163 = arith.constant 96 : index
      %swap3A_164 = arith.constant 0 : index
      %swap3A_165 = vector.load %arg8[%swap3A_163, %swap3A_164] : memref<128x64xf32, #tpu.memory_space<vmem>>, vector<16x64xf32>
      tpu.vector_store %arg8[%swap3A_163, %swap3A_164], %transpose3A_162 {strides = array<i32>} : memref<128x64xf32, #tpu.memory_space<vmem>>, vector<16x64xf32>,
      %get3A_166 = arith.constant 7 : index
      %get3A_167 = arith.constant 0 : index
      %get3A_168 = arith.constant 0 : index
      %get3A_169 = vector.load %arg2[%get3A_166, %get3A_167, %get3A_168] : memref<8x64x16xf32, #tpu.memory_space<vmem>>, vector<1x64x16xf32>
      %get3A_170 = vector.shape_cast %get3A_169 : vector<1x64x16xf32> to vector<64x16xf32>
      %transpose3A_171 = tpu.transpose %get3A_170, [1, 0] : vector<64x16xf32> -> vector<16x64xf32>
      %swap3A_172 = arith.constant 112 : index
      %swap3A_173 = arith.constant 0 : index
      %swap3A_174 = vector.load %arg8[%swap3A_172, %swap3A_173] : memref<128x64xf32, #tpu.memory_space<vmem>>, vector<16x64xf32>
      tpu.vector_store %arg8[%swap3A_172, %swap3A_173], %transpose3A_171 {strides = array<i32>} : memref<128x64xf32, #tpu.memory_space<vmem>>, vector<16x64xf32>,
    } else {
    }
    %broadcast_in_dim3A = arith.constant 0.000000e+00 : f32
    %broadcast_in_dim3A_4 = vector.broadcast %broadcast_in_dim3A : f32 to vector<128x1024xf32>
    %get3A_5 = arith.constant 0 : index
    %get3A_6 = arith.constant 0 : index
    %get3A_7 = arith.constant 0 : index
    %get3A_8 = vector.load %arg4[%get3A_5, %get3A_6, %get3A_7] : memref<2x1024x512xf32, #tpu.memory_space<vmem>>, vector<1x1024x512xf32>
    %get3A_9 = vector.shape_cast %get3A_8 : vector<1x1024x512xf32> to vector<1024x512xf32>
    %dot_general3A = arith.constant dense<0.000000e+00> : vector<128x512xf32>
    %dot_general3A_10 = tpu.matmul %get3A_1, %get3A_9, %dot_general3A {dimension_numbers = #tpu.dot_dimension_numbers<[1], [0], [0], [1], [0, 0, 1, 1], [], []>, transpose_lhs_hint = false} : vector<128x1024xf32>, vector<1024x512xf32>, vector<128x512xf32> -> vector<128x512xf32>
    %get3A_11 = arith.constant 0 : index
    %get3A_12 = arith.constant 0 : index
    %get3A_13 = arith.constant 0 : index
    %get3A_14 = vector.load %arg5[%get3A_11, %get3A_12, %get3A_13] : memref<2x1024x512xf32, #tpu.memory_space<vmem>>, vector<1x1024x512xf32>
    %get3A_15 = vector.shape_cast %get3A_14 : vector<1x1024x512xf32> to vector<1024x512xf32>
    %dot_general3A_16 = arith.constant dense<0.000000e+00> : vector<128x512xf32>
    %dot_general3A_17 = tpu.matmul %get3A_1, %get3A_15, %dot_general3A_16 {dimension_numbers = #tpu.dot_dimension_numbers<[1], [0], [0], [1], [0, 0, 1, 1], [], []>, transpose_lhs_hint = false} : vector<128x1024xf32>, vector<1024x512xf32>, vector<128x512xf32> -> vector<128x512xf32>
    %logistic3A = arith.negf %dot_general3A_10 : vector<128x512xf32>
    %logistic3A_18 = math.exp %logistic3A : vector<128x512xf32>
    %logistic3A_19 = arith.constant 1.000000e+00 : f32
    %logistic3A_20 = vector.broadcast %logistic3A_19 : f32 to vector<128x512xf32>
    %logistic3A_21 = arith.addf %logistic3A_20, %logistic3A_18 : vector<128x512xf32>
    %logistic3A_22 = arith.divf %logistic3A_20, %logistic3A_21 : vector<128x512xf32>
    %mul3A = arith.mulf %dot_general3A_10, %logistic3A_22 : vector<128x512xf32>
    %mul3A_23 = arith.mulf %mul3A, %dot_general3A_17 : vector<128x512xf32>
    %get3A_24 = arith.constant 0 : index
    %get3A_25 = arith.constant 0 : index
    %get3A_26 = arith.constant 0 : index
    %get3A_27 = vector.load %arg6[%get3A_24, %get3A_25, %get3A_26] : memref<2x512x1024xf32, #tpu.memory_space<vmem>>, vector<1x512x1024xf32>
    %get3A_28 = vector.shape_cast %get3A_27 : vector<1x512x1024xf32> to vector<512x1024xf32>
    %dot_general3A_29 = arith.constant dense<0.000000e+00> : vector<128x1024xf32>
    %dot_general3A_30 = tpu.matmul %mul3A_23, %get3A_28, %dot_general3A_29 {dimension_numbers = #tpu.dot_dimension_numbers<[1], [0], [0], [1], [0, 0, 1, 1], [], []>, transpose_lhs_hint = false} : vector<128x512xf32>, vector<512x1024xf32>, vector<128x1024xf32> -> vector<128x1024xf32>
    %mul3A_31 = arith.constant 2 : i32
    %mul3A_32 = arith.muli %arg0, %mul3A_31 : i32
    %add3A = arith.constant 0 : i32
    %add3A_33 = arith.addi %mul3A_32, %add3A : i32
    %eq3A_34 = vector.broadcast %add3A_33 : i32 to vector<128x64xi32>
    %eq3A_35 = arith.cmpi eq, %iota3A, %eq3A_34 : vector<128x64xi32>
    %get3A_36 = arith.constant 0 : index
    %get3A_37 = arith.constant 0 : index
    %get3A_38 = vector.load %arg8[%get3A_36, %get3A_37] : memref<128x64xf32, #tpu.memory_space<vmem>>, vector<128x64xf32>
    %jit3A = arith.constant 0.000000e+00 : f32
    %broadcast_in_dim3A_39 = vector.broadcast %jit3A : f32 to vector<128x64xf32>
    %select_n3A = arith.select %eq3A_35, %get3A_38, %broadcast_in_dim3A_39 : vector<128x64xi1>, vector<128x64xf32>
    %reduce_sum3A = arith.constant dense<0.000000e+00> : vector<128xf32>
    %reduce_sum3A_40 = vector.multi_reduction <add>, %select_n3A, %reduce_sum3A [1] : vector<128x64xf32> to vector<128xf32>
    %broadcast_in_dim3A_41 = vector.shape_cast %reduce_sum3A_40 : vector<128xf32> to vector<128x1xf32>
    %mul3A_42 = vector.broadcast %broadcast_in_dim3A_41 : vector<128x1xf32> to vector<128x1024xf32>
    %mul3A_43 = arith.mulf %mul3A_42, %dot_general3A_30 : vector<128x1024xf32>
    %add3A_44 = arith.addf %broadcast_in_dim3A_4, %mul3A_43 : vector<128x1024xf32>
    %get3A_45 = arith.constant 1 : index
    %get3A_46 = arith.constant 0 : index
    %get3A_47 = arith.constant 0 : index
    %get3A_48 = vector.load %arg4[%get3A_45, %get3A_46, %get3A_47] : memref<2x1024x512xf32, #tpu.memory_space<vmem>>, vector<1x1024x512xf32>
    %get3A_49 = vector.shape_cast %get3A_48 : vector<1x1024x512xf32> to vector<1024x512xf32>
    %dot_general3A_50 = arith.constant dense<0.000000e+00> : vector<128x512xf32>
    %dot_general3A_51 = tpu.matmul %get3A_1, %get3A_49, %dot_general3A_50 {dimension_numbers = #tpu.dot_dimension_numbers<[1], [0], [0], [1], [0, 0, 1, 1], [], []>, transpose_lhs_hint = false} : vector<128x1024xf32>, vector<1024x512xf32>, vector<128x512xf32> -> vector<128x512xf32>
    %get3A_52 = arith.constant 1 : index
    %get3A_53 = arith.constant 0 : index
    %get3A_54 = arith.constant 0 : index
    %get3A_55 = vector.load %arg5[%get3A_52, %get3A_53, %get3A_54] : memref<2x1024x512xf32, #tpu.memory_space<vmem>>, vector<1x1024x512xf32>
    %get3A_56 = vector.shape_cast %get3A_55 : vector<1x1024x512xf32> to vector<1024x512xf32>
    %dot_general3A_57 = arith.constant dense<0.000000e+00> : vector<128x512xf32>
    %dot_general3A_58 = tpu.matmul %get3A_1, %get3A_56, %dot_general3A_57 {dimension_numbers = #tpu.dot_dimension_numbers<[1], [0], [0], [1], [0, 0, 1, 1], [], []>, transpose_lhs_hint = false} : vector<128x1024xf32>, vector<1024x512xf32>, vector<128x512xf32> -> vector<128x512xf32>
    %logistic3A_59 = arith.negf %dot_general3A_51 : vector<128x512xf32>
    %logistic3A_60 = math.exp %logistic3A_59 : vector<128x512xf32>
    %logistic3A_61 = arith.constant 1.000000e+00 : f32
    %logistic3A_62 = vector.broadcast %logistic3A_61 : f32 to vector<128x512xf32>
    %logistic3A_63 = arith.addf %logistic3A_62, %logistic3A_60 : vector<128x512xf32>
    %logistic3A_64 = arith.divf %logistic3A_62, %logistic3A_63 : vector<128x512xf32>
    %mul3A_65 = arith.mulf %dot_general3A_51, %logistic3A_64 : vector<128x512xf32>
    %mul3A_66 = arith.mulf %mul3A_65, %dot_general3A_58 : vector<128x512xf32>
    %get3A_67 = arith.constant 1 : index
    %get3A_68 = arith.constant 0 : index
    %get3A_69 = arith.constant 0 : index
    %get3A_70 = vector.load %arg6[%get3A_67, %get3A_68, %get3A_69] : memref<2x512x1024xf32, #tpu.memory_space<vmem>>, vector<1x512x1024xf32>
    %get3A_71 = vector.shape_cast %get3A_70 : vector<1x512x1024xf32> to vector<512x1024xf32>
    %dot_general3A_72 = arith.constant dense<0.000000e+00> : vector<128x1024xf32>
    %dot_general3A_73 = tpu.matmul %mul3A_66, %get3A_71, %dot_general3A_72 {dimension_numbers = #tpu.dot_dimension_numbers<[1], [0], [0], [1], [0, 0, 1, 1], [], []>, transpose_lhs_hint = false} : vector<128x512xf32>, vector<512x1024xf32>, vector<128x1024xf32> -> vector<128x1024xf32>
    %mul3A_74 = arith.constant 2 : i32
    %mul3A_75 = arith.muli %arg0, %mul3A_74 : i32
    %add3A_76 = arith.constant 1 : i32
    %add3A_77 = arith.addi %mul3A_75, %add3A_76 : i32
    %eq3A_78 = vector.broadcast %add3A_77 : i32 to vector<128x64xi32>
    %eq3A_79 = arith.cmpi eq, %iota3A, %eq3A_78 : vector<128x64xi32>
    %get3A_80 = arith.constant 0 : index
    %get3A_81 = arith.constant 0 : index
    %get3A_82 = vector.load %arg8[%get3A_80, %get3A_81] : memref<128x64xf32, #tpu.memory_space<vmem>>, vector<128x64xf32>
    %jit3A_83 = arith.constant 0.000000e+00 : f32
    %broadcast_in_dim3A_84 = vector.broadcast %jit3A_83 : f32 to vector<128x64xf32>
    %select_n3A_85 = arith.select %eq3A_79, %get3A_82, %broadcast_in_dim3A_84 : vector<128x64xi1>, vector<128x64xf32>
    %reduce_sum3A_86 = arith.constant dense<0.000000e+00> : vector<128xf32>
    %reduce_sum3A_87 = vector.multi_reduction <add>, %select_n3A_85, %reduce_sum3A_86 [1] : vector<128x64xf32> to vector<128xf32>
    %broadcast_in_dim3A_88 = vector.shape_cast %reduce_sum3A_87 : vector<128xf32> to vector<128x1xf32>
    %mul3A_89 = vector.broadcast %broadcast_in_dim3A_88 : vector<128x1xf32> to vector<128x1024xf32>
    %mul3A_90 = arith.mulf %mul3A_89, %dot_general3A_73 : vector<128x1024xf32>
    %add3A_91 = arith.addf %add3A_44, %mul3A_90 : vector<128x1024xf32>
    %get3A_92 = arith.constant 0 : index
    %get3A_93 = arith.constant 0 : index
    %get3A_94 = vector.load %arg7[%get3A_92, %get3A_93] : memref<128x1024xf32, #tpu.memory_space<vmem>>, vector<128x1024xf32>
    %add3A_95 = arith.addf %get3A_94, %add3A_91 : vector<128x1024xf32>
    %swap3A = arith.constant 0 : index
    %swap3A_96 = arith.constant 0 : index
    %swap3A_97 = vector.load %arg7[%swap3A, %swap3A_96] : memref<128x1024xf32, #tpu.memory_space<vmem>>, vector<128x1024xf32>
    tpu.vector_store %arg7[%swap3A, %swap3A_96], %add3A_95 {strides = array<i32>} : memref<128x1024xf32, #tpu.memory_space<vmem>>, vector<128x1024xf32>,
    return
  }
  func.func @transform_0(%arg0: i32) -> (i32, i32) {
    %c0_i32 = arith.constant 0 : i32
    %c0_i32_0 = arith.constant 0 : i32
    %c0_i32_1 = arith.constant 0 : i32
    return %c0_i32, %c0_i32_0 : i32, i32
  }
  func.func @transform_1(%arg0: i32) -> (i32, i32, i32) {
    %c0_i32 = arith.constant 0 : i32
    %c0_i32_0 = arith.constant 0 : i32
    %c0_i32_1 = arith.constant 0 : i32
    %c0_i32_2 = arith.constant 0 : i32
    return %c0_i32, %c0_i32_0, %c0_i32_1 : i32, i32, i32
  }
  func.func @transform_2(%arg0: i32) -> (i32, i32) {
    %c0_i32 = arith.constant 0 : i32
    %c0_i32_0 = arith.constant 0 : i32
    %c0_i32_1 = arith.constant 0 : i32
    return %c0_i32, %c0_i32_0 : i32, i32
  }
  func.func @transform_3(%arg0: i32) -> (i32, i32, i32) {
    %c0_i32 = arith.constant 0 : i32
    %c0_i32_0 = arith.constant 0 : i32
    %c0_i32_1 = arith.constant 0 : i32
    return %arg0, %c0_i32, %c0_i32_0 : i32, i32, i32
  }
  func.func @transform_4(%arg0: i32) -> (i32, i32, i32) {
    %c0_i32 = arith.constant 0 : i32
    %c0_i32_0 = arith.constant 0 : i32
    %c0_i32_1 = arith.constant 0 : i32
    return %arg0, %c0_i32, %c0_i32_0 : i32, i32, i32
  }
  func.func @transform_5(%arg0: i32) -> (i32, i32, i32) {
    %c0_i32 = arith.constant 0 : i32
    %c0_i32_0 = arith.constant 0 : i32
    %c0_i32_1 = arith.constant 0 : i32
    return %arg0, %c0_i32, %c0_i32_0 : i32, i32, i32
  }
  func.func @transform_6(%arg0: i32) -> (i32, i32) {
    %c0_i32 = arith.constant 0 : i32
    %c0_i32_0 = arith.constant 0 : i32
    %c0_i32_1 = arith.constant 0 : i32
    return %c0_i32, %c0_i32_0 : i32, i32
  }
}

module attributes {stable_mosaic.version = 14 : i64} {
  func.func @_shared_body(%arg0: i32, %arg1: memref<128x1024xf32, #tpu.memory_space<vmem>>, %arg2: memref<1024x512xf32, #tpu.memory_space<vmem>>, %arg3: memref<1024x512xf32, #tpu.memory_space<vmem>>, %arg4: memref<512x1024xf32, #tpu.memory_space<vmem>>, %arg5: memref<1x1024xf32, #tpu.memory_space<vmem>>, %arg6: memref<128x1024xf32, #tpu.memory_space<vmem>>) attributes {dimension_semantics = [#tpu.dimension_semantics<arbitrary>], iteration_bounds = array<i64: 4>, scalar_prefetch = 0 : i64, scratch_operands = 0 : i64, tpu.core_type = #tpu.core_type<tc>, window_params = [{pipeline_mode = #tpu.pipeline_mode<synchronous>, transform_indices = @transform_0, window_bounds = array<i64: 128, 1024>}, {transform_indices = @transform_1, window_bounds = array<i64: 1024, 512>}, {transform_indices = @transform_2, window_bounds = array<i64: 1024, 512>}, {transform_indices = @transform_3, window_bounds = array<i64: 512, 1024>}, {pipeline_mode = #tpu.pipeline_mode<synchronous>, transform_indices = @transform_4, window_bounds = array<i64: 1, 1024>}, {pipeline_mode = #tpu.pipeline_mode<synchronous>, transform_indices = @transform_5, window_bounds = array<i64: 128, 1024>}]} {
    %get3A = arith.constant 0 : index
    %get3A_0 = arith.constant 0 : index
    %get3A_1 = vector.load %arg1[%get3A, %get3A_0] : memref<128x1024xf32, #tpu.memory_space<vmem>>, vector<128x1024xf32>
    %get3A_2 = arith.constant 0 : index
    %get3A_3 = arith.constant 0 : index
    %get3A_4 = vector.load %arg2[%get3A_2, %get3A_3] : memref<1024x512xf32, #tpu.memory_space<vmem>>, vector<1024x512xf32>
    %dot_general3A = arith.constant dense<0.000000e+00> : vector<128x512xf32>
    %dot_general3A_5 = tpu.matmul %get3A_1, %get3A_4, %dot_general3A {dimension_numbers = #tpu.dot_dimension_numbers<[1], [0], [0], [1], [0, 0, 1, 1], [], []>, transpose_lhs_hint = false} : vector<128x1024xf32>, vector<1024x512xf32>, vector<128x512xf32> -> vector<128x512xf32>
    %get3A_6 = arith.constant 0 : index
    %get3A_7 = arith.constant 0 : index
    %get3A_8 = vector.load %arg3[%get3A_6, %get3A_7] : memref<1024x512xf32, #tpu.memory_space<vmem>>, vector<1024x512xf32>
    %dot_general3A_9 = arith.constant dense<0.000000e+00> : vector<128x512xf32>
    %dot_general3A_10 = tpu.matmul %get3A_1, %get3A_8, %dot_general3A_9 {dimension_numbers = #tpu.dot_dimension_numbers<[1], [0], [0], [1], [0, 0, 1, 1], [], []>, transpose_lhs_hint = false} : vector<128x1024xf32>, vector<1024x512xf32>, vector<128x512xf32> -> vector<128x512xf32>
    %logistic3A = arith.negf %dot_general3A_5 : vector<128x512xf32>
    %logistic3A_11 = math.exp %logistic3A : vector<128x512xf32>
    %logistic3A_12 = arith.constant 1.000000e+00 : f32
    %logistic3A_13 = vector.broadcast %logistic3A_12 : f32 to vector<128x512xf32>
    %logistic3A_14 = arith.addf %logistic3A_13, %logistic3A_11 : vector<128x512xf32>
    %logistic3A_15 = arith.divf %logistic3A_13, %logistic3A_14 : vector<128x512xf32>
    %mul3A = arith.mulf %dot_general3A_5, %logistic3A_15 : vector<128x512xf32>
    %mul3A_16 = arith.mulf %mul3A, %dot_general3A_10 : vector<128x512xf32>
    %get3A_17 = arith.constant 0 : index
    %get3A_18 = arith.constant 0 : index
    %get3A_19 = vector.load %arg4[%get3A_17, %get3A_18] : memref<512x1024xf32, #tpu.memory_space<vmem>>, vector<512x1024xf32>
    %dot_general3A_20 = arith.constant dense<0.000000e+00> : vector<128x1024xf32>
    %dot_general3A_21 = tpu.matmul %mul3A_16, %get3A_19, %dot_general3A_20 {dimension_numbers = #tpu.dot_dimension_numbers<[1], [0], [0], [1], [0, 0, 1, 1], [], []>, transpose_lhs_hint = false} : vector<128x512xf32>, vector<512x1024xf32>, vector<128x1024xf32> -> vector<128x1024xf32>
    %eq3A = arith.constant 0 : i32
    %eq3A_22 = arith.cmpi eq, %arg0, %eq3A : i32
    %convert_element_type3A = arith.extui %eq3A_22 : i1 to i32
    %cond3A = arith.constant 0 : i32
    %cond3A_23 = arith.cmpi ne, %convert_element_type3A, %cond3A : i32
    scf.if %cond3A_23 {
      %broadcast_in_dim3A = arith.constant 0.000000e+00 : f32
      %broadcast_in_dim3A_34 = vector.broadcast %broadcast_in_dim3A : f32 to vector<128x1024xf32>
      %swap3A_35 = arith.constant 0 : index
      %swap3A_36 = arith.constant 0 : index
      %swap3A_37 = vector.load %arg6[%swap3A_35, %swap3A_36] : memref<128x1024xf32, #tpu.memory_space<vmem>>, vector<128x1024xf32>
      tpu.vector_store %arg6[%swap3A_35, %swap3A_36], %broadcast_in_dim3A_34 {strides = array<i32>} : memref<128x1024xf32, #tpu.memory_space<vmem>>, vector<128x1024xf32>,
    } else {
    }
    %get3A_24 = arith.constant 0 : index
    %get3A_25 = arith.constant 0 : index
    %get3A_26 = vector.load %arg6[%get3A_24, %get3A_25] : memref<128x1024xf32, #tpu.memory_space<vmem>>, vector<128x1024xf32>
    %add3A = arith.addf %get3A_26, %dot_general3A_21 : vector<128x1024xf32>
    %swap3A = arith.constant 0 : index
    %swap3A_27 = arith.constant 0 : index
    %swap3A_28 = vector.load %arg6[%swap3A, %swap3A_27] : memref<128x1024xf32, #tpu.memory_space<vmem>>, vector<128x1024xf32>
    tpu.vector_store %arg6[%swap3A, %swap3A_27], %add3A {strides = array<i32>} : memref<128x1024xf32, #tpu.memory_space<vmem>>, vector<128x1024xf32>,
    %eq3A_29 = arith.constant 3 : i32
    %eq3A_30 = arith.cmpi eq, %arg0, %eq3A_29 : i32
    %convert_element_type3A_31 = arith.extui %eq3A_30 : i1 to i32
    %cond3A_32 = arith.constant 0 : i32
    %cond3A_33 = arith.cmpi ne, %convert_element_type3A_31, %cond3A_32 : i32
    scf.if %cond3A_33 {
      %get3A_34 = arith.constant 0 : index
      %get3A_35 = arith.constant 0 : index
      %get3A_36 = vector.load %arg5[%get3A_34, %get3A_35] : memref<1x1024xf32, #tpu.memory_space<vmem>>, vector<1x1024xf32>
      %dot_general3A_37 = arith.constant dense<0.000000e+00> : vector<128x1xf32>
      %dot_general3A_38 = tpu.matmul %get3A_1, %get3A_36, %dot_general3A_37 {dimension_numbers = #tpu.dot_dimension_numbers<[1], [1], [0], [0], [0, 0, 1, 0], [], []>, transpose_lhs_hint = false} : vector<128x1024xf32>, vector<1x1024xf32>, vector<128x1xf32> -> vector<128x1xf32>
      %logistic3A_39 = arith.negf %dot_general3A_38 : vector<128x1xf32>
      %logistic3A_40 = math.exp %logistic3A_39 : vector<128x1xf32>
      %logistic3A_41 = arith.constant 1.000000e+00 : f32
      %logistic3A_42 = vector.broadcast %logistic3A_41 : f32 to vector<128x1xf32>
      %logistic3A_43 = arith.addf %logistic3A_42, %logistic3A_40 : vector<128x1xf32>
      %logistic3A_44 = arith.divf %logistic3A_42, %logistic3A_43 : vector<128x1xf32>
      %get3A_45 = arith.constant 0 : index
      %get3A_46 = arith.constant 0 : index
      %get3A_47 = vector.load %arg6[%get3A_45, %get3A_46] : memref<128x1024xf32, #tpu.memory_space<vmem>>, vector<128x1024xf32>
      %mul3A_48 = vector.broadcast %logistic3A_44 : vector<128x1xf32> to vector<128x1024xf32>
      %mul3A_49 = arith.mulf %mul3A_48, %get3A_47 : vector<128x1024xf32>
      %swap3A_50 = arith.constant 0 : index
      %swap3A_51 = arith.constant 0 : index
      %swap3A_52 = vector.load %arg6[%swap3A_50, %swap3A_51] : memref<128x1024xf32, #tpu.memory_space<vmem>>, vector<128x1024xf32>
      tpu.vector_store %arg6[%swap3A_50, %swap3A_51], %mul3A_49 {strides = array<i32>} : memref<128x1024xf32, #tpu.memory_space<vmem>>, vector<128x1024xf32>,
    } else {
    }
    return
  }
  func.func @transform_0(%arg0: i32) -> (i32, i32) {
    %c0_i32 = arith.constant 0 : i32
    %c0_i32_0 = arith.constant 0 : i32
    %c0_i32_1 = arith.constant 0 : i32
    return %c0_i32, %c0_i32_0 : i32, i32
  }
  func.func @transform_1(%arg0: i32) -> (i32, i32) {
    %c0_i32 = arith.constant 0 : i32
    %c0_i32_0 = arith.constant 0 : i32
    return %c0_i32, %arg0 : i32, i32
  }
  func.func @transform_2(%arg0: i32) -> (i32, i32) {
    %c0_i32 = arith.constant 0 : i32
    %c0_i32_0 = arith.constant 0 : i32
    return %c0_i32, %arg0 : i32, i32
  }
  func.func @transform_3(%arg0: i32) -> (i32, i32) {
    %c0_i32 = arith.constant 0 : i32
    %c0_i32_0 = arith.constant 0 : i32
    return %arg0, %c0_i32 : i32, i32
  }
  func.func @transform_4(%arg0: i32) -> (i32, i32) {
    %c0_i32 = arith.constant 0 : i32
    %c0_i32_0 = arith.constant 0 : i32
    %c0_i32_1 = arith.constant 0 : i32
    return %c0_i32, %c0_i32_0 : i32, i32
  }
  func.func @transform_5(%arg0: i32) -> (i32, i32) {
    %c0_i32 = arith.constant 0 : i32
    %c0_i32_0 = arith.constant 0 : i32
    %c0_i32_1 = arith.constant 0 : i32
    return %c0_i32, %c0_i32_0 : i32, i32
  }
}

</mosaic_0001>

<sc_bundles>
// kernel: kernel.6.cloned.1.call-start
scs
__scs_entry_jumppad:
0x0: {  	(pc) =	sbr.rel $0x88, $3  }
0x1: {  	(tag) =	ssettag $0x0;
	lr =	simm.s32 $0x1  }
0x2: {  	[smem:$0x3F98] =	sst lr;
	_ =	strace $0xD0000000  }
0x3: {  	_ = 	snop  }
0x4: {  	_ = 	snop  }
0x5: {  	_ = 	snop  }
0x6: {  	_ = 	snop  }
0x7: {  	_ = 	snop  }
__scs_overlays_trampoline_lowered:
0x8: {  	[smem:$0x3FA7] =	sst s0  }
0x9: {  	[smem:$0x3FA8] =	sst s1  }
0xa: {  	[smem:$0x3FA9] =	sst s2  }
0xb: {  	[smem:$0x3FAA] =	sst s3  }
0xc: {  	[smem:$0x3FAB] =	sst s4  }
0xd: {  	[smem:$0x3FAC] =	sst s5  }
0xe: {  	[smem:$0x3FAD] =	sst s6  }
0xf: {  	[smem:$0x3FAE] =	sst s7  }
0x10: {  	[smem:$0x3FAF] =	sst s8  }
0x11: {  	[smem:$0x3FB0] =	sst s9;
	s0 =	simm.s32 @!p0 $0x0  }
0x12: {  	s1 =	sld [smem:$0x3F96];
	s0 =	simm.s32 @p0 $0x1  }
0x13: {  	[smem:$0x3FB1] =	sst s0;
	s0 =	simm.s32 @!p1 $0x0  }
0x14: {  	s2 =	sld [smem:$0x3F95];
	s0 =	simm.s32 @p1 $0x1  }
0x15: {  	[smem:$0x3FB2] =	sst s0;
	s0 =	simm.s32 @!p2 $0x0  }
0x16: {  	s3 =	sld [smem:$0x3FDB];
	s0 =	simm.s32 @p2 $0x1  }
0x17: {  	s4 =	simm.s32 $0x1BF5;
	[smem:$0x3FB4] =	sst s0  }
0x18: {  	s0 =	sld [smem:$0x3F97];
	_ =	swait.ge [sflag:s4], $0x0  }
0x19: {  	s7 =	sld [smem:$0x3F98]  }
0x1a: {  	s8 =	sadd.s32 $0xFFFFE003, lr  }
0x1b: {  	s9 =	sadd.s32 $0xFFFFFEF7, lr;
	s5 =	simm.s32 $0xFFFFFFFF;
	p2 =	slt.u32 s8, $0xFFFFF086  }
0x1c: {  	p1 =	slt.u32 s9, $0xF7A;
	s5 =	simm.s32 @!p2 $0x0  }
0x1d: {  	s5 =	simm.s32 @p1 $0x1;
	p0 =	seq.s32 s7, s2  }
0x1e: {  	s7 =	smul.u32 @!p0 $0xF7A, s2;
	p2 =	seq.s32 @!p0 s5, $0x0  }
0x1f: {  	s9 =	smul.u32 $0xF7A, s1;
	s8 =	simm.s32 @!p0 $0x1BF5;
	p2 =	por !p2, p0  }
0x20: {  	[sflag:s8] =	ssyncset.s32 @!p0 $0xFFFFF086;
	s6 =	sadd.s32 @!p0 s3, s7;
	s7 =	simm.s32 @!p0 $0x108  }
0x21: {  	s3 =	sadd.s32 s3, s9;
	s6 =	sadd.s32 @!p0 $0x88, s6;
	s7 =	simm.s32 @p2 $0x1082  }
0x22: {  	[simem:s7], [sflag:s8] =	dma.local @!p0 [hbm:s6], $0xF7A  }
0x23: {  	s9 =	sor.u32 $0xD0000000, s2;
	s6 =	simm.s32 $0x108;
	_ =	swait.ge @!p0 [sflag:s8], $0x0  }
0x24: {  	s3 =	sadd.s32 $0x88, s3;
	s6 =	simm.s32 @!p1 $0x1082;
	[sflag:s4] =	ssyncset.s32 $0xFFFFF086  }
0x25: {  	[simem:s6], [sflag:s4] =	dma.local [hbm:s3], $0xF7A  }
0x26: {  	[smem:$0x3F98] =	sst s1;
	(tag) =	ssettag s2;
	_ =	strace s9  }
0x27: {  	s1 =	sld [smem:$0x3FA8]  }
0x28: {  	s2 =	sld [smem:$0x3FA9]  }
0x29: {  	s4 =	sld [smem:$0x3FAB]  }
0x2a: {  	p0 =	seq.s32 s5, $0x0;
	s5 =	sld [smem:$0x3FAC]  }
0x2b: {  	s6 =	sld [smem:$0x3FAD]  }
0x2c: {  	s7 =	sld [smem:$0x3FAE]  }
0x2d: {  	s3 =	simm.s32 $0x108;
	s8 =	sld [smem:$0x3FAF]  }
0x2e: {  	s3 =	simm.s32 @!p0 $0x1082;
	s9 =	sld [smem:$0x3FB0]  }
0x2f: {  	lr =	sadd.s32 s0, s3;
	s0 =	sld [smem:$0x3FA7]  }
0x30: {  	s3 =	sld [smem:$0x3FAA]  }
0x31: {  	[smem:$0x3FB3] =	sst s10  }
0x32: {  	s10 =	sld [smem:$0x3FB1];
	_ =	sdelay $0x3  }
0x33: {  	p0 =	seq.s32 s10, $0x1;
	s10 =	sld [smem:$0x3FB3];
	_ =	sdelay $0x3  }
0x34: {  	[smem:$0x3FB3] =	sst s10  }
0x35: {  	s10 =	sld [smem:$0x3FB2];
	_ =	sdelay $0x3  }
0x36: {  	p1 =	seq.s32 s10, $0x1;
	s10 =	sld [smem:$0x3FB3];
	_ =	sdelay $0x3  }
0x37: {  	[smem:$0x3FB3] =	sst s10  }
0x38: {  	s10 =	sld [smem:$0x3FB4]  }
0x39: {  	_ = 	snop;
	(pc) =	sbr.ind lr, $3  }
0x3a: {  	_ = 	snop  }
0x3b: {  	_ = 	snop  }
0x3c: {  	p2 =	seq.s32 s10, $0x1;
	s10 =	sld [smem:$0x3FB3]  }
0x3d: {  	_ =	shalt  }
0x3e: {  	_ =	shalt  }
0x3f: {  	_ =	shalt  }
0x40: {  	_ =	shalt  }
0x41: {  	_ =	shalt  }
0x42: {  	_ =	shalt  }
0x43: {  	_ =	shalt  }
0x44: {  	_ =	shalt  }
0x45: {  	_ =	shalt  }
0x46: {  	_ =	shalt  }
0x47: {  	_ =	shalt  }
0x48: {  	_ =	shalt  }
0x49: {  	_ =	shalt  }
0x4a: {  	_ =	shalt  }
0x4b: {  	_ =	shalt  }
0x4c: {  	_ =	shalt  }
0x4d: {  	_ =	shalt  }
0x4e: {  	_ =	shalt  }
0x4f: {  	_ =	shalt  }
0x50: {  	_ =	shalt  }
0x51: {  	_ =	shalt  }
0x52: {  	_ =	shalt  }
0x53: {  	_ =	shalt  }
0x54: {  	_ =	shalt  }
0x55: {  	_ =	shalt  }
0x56: {  	_ =	shalt  }
0x57: {  	_ =	shalt  }
0x58: {  	_ =	shalt  }
0x59: {  	_ =	shalt  }
0x5a: {  	_ =	shalt  }
0x5b: {  	_ =	shalt  }
0x5c: {  	_ =	shalt  }
0x5d: {  	_ =	shalt  }
0x5e: {  	_ =	shalt  }
0x5f: {  	_ =	shalt  }
0x60: {  	_ =	shalt  }
0x61: {  	_ =	shalt  }
0x62: {  	_ =	shalt  }
0x63: {  	_ =	shalt  }
0x64: {  	_ =	shalt  }
0x65: {  	_ =	shalt  }
0x66: {  	_ =	shalt  }
0x67: {  	_ =	shalt  }
0x68: {  	_ =	shalt  }
0x69: {  	_ =	shalt  }
0x6a: {  	_ =	shalt  }
0x6b: {  	_ =	shalt  }
0x6c: {  	_ =	shalt  }
0x6d: {  	_ =	shalt  }
0x6e: {  	_ =	shalt  }
0x6f: {  	_ =	shalt  }
0x70: {  	_ =	shalt  }
0x71: {  	_ =	shalt  }
0x72: {  	_ =	shalt  }
0x73: {  	_ =	shalt  }
0x74: {  	_ =	shalt  }
0x75: {  	_ =	shalt  }
0x76: {  	_ =	shalt  }
0x77: {  	_ =	shalt  }
0x78: {  	_ =	shalt  }
0x79: {  	_ =	shalt  }
0x7a: {  	_ =	shalt  }
0x7b: {  	_ =	shalt  }
0x7c: {  	_ =	shalt  }
0x7d: {  	_ =	shalt  }
0x7e: {  	_ =	shalt  }
0x7f: {  	_ =	shalt  }
0x80: {  	_ =	shalt  }
0x81: {  	_ =	shalt  }
0x82: {  	_ =	shalt  }
0x83: {  	_ =	shalt  }
0x84: {  	_ =	shalt  }
0x85: {  	_ =	shalt  }
0x86: {  	_ =	shalt  }
0x87: {  	_ =	shalt  }
.Lfunc_end0:
.L_simem_size_0:
called_computation_lowered:
.L_overlay_start_0:
0x88: {  	s2 =	sld [smem:$0x3FD9]  }
0x89: {  	s3 =	sld [smem:$0x3FFE];
	_ =	sdelay $0x1  }
0x8a: {  	s1 =	srdreg.scid  }
0x8b: {  	s0 =	sand.u32 $0x1, s1  }
0x8c: {  	s17 =	sshll.u32 s0, $0xA;
	s2 =	sadd.s32 s3, s2  }
0x8d: {  	s2 =	sadd.s32 s2, s17  }
0x8e: {  	[smem:$0x3FBF] =	sst s2  }
0x8f: {  	_ = 	snop  }
0x90: {  	s2 =	sld [smem:$0x3FD0];
	(tm) =	ssettm $0x1  }
0x91: {  	s18 =	sld [smem:$0x3FFB];
	_ =	sdelay $0x3  }
0x92: {  	_ =	strace s18  }
0x93: {  	s3 =	sld [smem:$0x3FFC];
	_ =	sdelay $0x3  }
0x94: {  	_ =	strace s3  }
0x95: {  	s3 =	sld [smem:$0x3FFD];
	_ =	sdelay $0x3  }
0x96: {  	_ =	strace s3  }
0x97: {  	_ =	strace $0x8FFFFFFF  }
0x98: {  	s19 =	sld [smem:$0x3FDB];
	_ =	sdelay $0x1  }
0x99: {  	s4 =	simm.s32 $_scs_section_size  }
0x9a: {  	s5 =	simm.s32 $_size__tile_overlayer_lowered;
	s6 =	simm.s32 $_tile_overlayer_lowered  }
0x9b: {  	s22 =	simm.s32 $0x1BFF;
	s21 =	sshll.u32 s6, $0x1;
	s3 =	sadd.s32 s4, s19  }
0x9c: {  	s7 =	simm.s32 $0x0;
	s20 =	sshll.u32 s5, $0x1;
	s5 =	sadd.s32 s21, s3  }
0x9d: {  	[timem:s7], [sflag:s22] =	dma.local [hbm:s5], s20  }
0x9e: {  	_ =	swait.ge [sflag:s22], s20  }
0x9f: {  	s4 =	ssub.s32 $0x0, s20;
	[sflag:s22] =	ssyncset.done $0x0  }
0xa0: {  	[sflag:s22] =	ssyncadd.s32 s4;
	_ =	sdelay $0x1  }
0xa1: {  	s23 =	simm.s32 $0x1B8B  }
0xa2: {  	_ =	swait.ge [sflag:s23], $0x1  }
0xa3: {  	[sflag:s23] =	ssyncset.done $0x0  }
0xa4: {  	s25 =	simm.s32 $0x1B8E;
	s24 =	sld [smem:$0x3FFE];
	[sflag:s23] =	ssyncadd.s32 $0xFFFFFFFF  }
0xa5: {  	s26 =	simm.s32 $execute0_lowered;
	[smem:$0x3FD2] =	sst s25  }
0xa6: {  	s5 =	sshll.u32 s26, $0x1;
	_ =	strace $0x80000046;
	[dreg:$0x1] =	wrdreg $0xFFFFFFFF  }
0xa7: {  	s28 =	simm.s32 $_size_execute0_lowered;
	s3 =	sadd.s32 s3, s5;
	[dreg:$0x0] =	wrdreg $0x0  }
0xa8: {  	s5 =	sshll.u32 s28, $0x1;
	[dreg:$0x2] =	wrdreg s3  }
0xa9: {  	[dreg:$0x3] =	wrdreg s5  }
0xaa: {  	[dreg:$0x4] =	wrdreg $0xC0  }
0xab: {  	_ =	task [dreg:s7], $0x5FFFF  }
0xac: {  	[dreg:$0x1] =	wrdreg $0xFFFFFFFF  }
0xad: {  	[dreg:$0x0] =	wrdreg $0x60  }
0xae: {  	[dreg:$0x2] =	wrdreg s2  }
0xaf: {  	[dreg:$0x3] =	wrdreg s24  }
0xb0: {  	[dreg:$0x4] =	wrdreg $0x9  }
0xb1: {  	_ =	task.clear_ibuf [dreg:s7], $0x5FFFF;
	_ =	strace $0x90000046  }
0xb2: {  	s29 =	simm.s32 $0x9;
	_ =	strace $0x80000048  }
0xb3: {  	_ =	swait.ge [sflag:s29], $0x1  }
0xb4: {  	[sflag:s29] =	ssyncadd.s32 $0xFFFFFFFF  }
0xb5: {  	_ =	strace $0x90000048  }
0xb6: {  	_ =	sfence  }
0xb7: {  	s30 =	sld [smem:$0x0];
	_ =	sdelay $0x2  }
0xb8: {  	s31 =	sshll.u32 s1, $0xD;
	s1 =	sshrl.u32 s1, $0x2  }
0xb9: {  	s3 =	sand.u32 $0x4000, s31;
	s1 =	sadd.s32 s1, s30  }
0xba: {  	s0 =	sor.u32 s3, s0;
	s1 =	sshll.u32 s1, $0x11  }
0xbb: {  	s0 =	sor.u32 s1, s0  }
0xbc: {  	s0 =	sadd.s32 $0x8F2B, s0  }
0xbd: {  	[sflag:s0] =	ssyncadd.remote.s32 $0x1  }
0xbe: {  	_ =	sfence.sel $0xFFFF  }
0xbf: {  	[dreg:$0x0] =	wrdreg $0xFFFFFFFF;
	(pc) =	sbr.abs _section_cstart, $3  }
0xc0: {  	[dreg:$0x1] =	wrdreg $0xFFFFFFFF  }
0xc1: {  	_ =	task.clear_ibuf [dreg:s7], $0x2FFFF;
	_ =	strace $0x9FFFFFFF  }
0xc2: {  	(tm) =	ssettm $0x7FFFFFFF  }
0xc3: {  	_ =	shalt  }
tec
execute0_lowered:
.L_overlay_start_1:
0x0: {  	(tag) =	ssettag $0x1  }
0x1: {  	s1 =	stileid.u32  }
0x2: {  	p0 =	sgt.u32 s1, $0x3  }
.Ltmp0:
0x3: {  	_ = 	snop;
	(pc) =	sbr.rel @p0 .LBB2_3-.Ltmp0, $4  }
0x4: {  	s4 =	rddreg [dreg:$0x0]  }
0x5: {  	s3 =	rddreg [dreg:$0x1];
	s2 =	simm.s32 $0x0  }
0x6: {  	[smem:$0x7FF] =	sst s2  }
0x7: {  	s0 =	rddreg [dreg:$0x2];
	_ =	strace $0x80000047  }
0x8: {  	s5 =	srdreg.scid  }
0x9: {  	s5 =	sand.u32 $0x1, s5  }
0xa: {  	s6 =	sshll.u32 s1, $0xB;
	s7 =	sshll.u32 s5, $0xA;
	s5 =	ssub.s32 $0x2, s5  }
0xb: {  	s6 =	sor.u32 s7, s6;
	s31 =	sshrl.u32 s5, $0x1;
	s7 =	simm.s32 $0x2000  }
0xc: {  	s3 =	sadd.s32 s6, s3;
	s5 =	ssub.s32 s5, s31;
	s4 =	sadd.s32 s4, s6  }
0xd: {  	s6 =	simm.s32 $0x1;
	s3 =	sadd.s32 $0x1600, s3;
	s5 =	smax.u32 s5, $0x1  }
.LBB2_2:
0xe: {  	[tilespmem:s2], [sflag:$0x1] =	stream.linear.gather [hbm4b:s4+s2], $0x2000, $0x38;
	[tilespmem:$0x4000] =	vst v63  }
0xf: {  	_ =	swait.ge [sflag:s6], $0x2000  }
0x10: {  	[sflag:s6] =	ssyncset.done $0x0  }
0x11: {  	[sflag:s6] =	ssyncadd.s32 $0xFFFFE000  }
0x12: {  	v0 =	vld [tilespmem:$0x0]  }
0x13: {  	v1 =	vld [tilespmem:$0x80]  }
0x14: {  	v2 =	vld [tilespmem:$0x100];
	_ =	sdelay $0x1  }
0x15: {  	v3 =	vld [tilespmem:$0x180]  }
0x16: {  	v4 =	vmax.f32 v0, $-3.000000010e+38;
	v5 =	vmin.f32 v0, $-3.000000010e+38  }
0x17: {  	v8 =	vld [tilespmem:$0x200];
	v5 =	vmax.f32 v5, $-3.000000010e+38;
	v6 =	vmax.f32 v4, v1;
	v1 =	vmin.f32 v4, v1  }
0x18: {  	v4 =	vmax.f32 v5, v1;
	v1 =	vmin.f32 v5, v1;
	v7 =	vmin.f32 v6, v2  }
0x19: {  	v9 =	vld [tilespmem:$0x280];
	v2 =	vmax.f32 v6, v2;
	v1 =	vmax.f32 v5, v1;
	v33 =	vmin.f32 v4, v7  }
0x1a: {  	v4 =	vmax.f32 v4, v7;
	v35 =	vmin.f32 v2, v3;
	v2 =	vmax.f32 v2, v3  }
0x1b: {  	v34 =	vmin.f32 v1, v33;
	v5 =	vmax.f32 v1, v33;
	v36 =	vmin.f32 v4, v35  }
0x1c: {  	v10 =	vld [tilespmem:$0x300];
	v37 =	vmax.f32 v4, v35;
	v40 =	vmin.f32 v2, v8;
	v2 =	vmax.f32 v2, v8  }
0x1d: {  	v1 =	vmax.f32 v1, v34;
	v38 =	vmin.f32 v5, v36;
	v5 =	vmax.f32 v5, v36  }
0x1e: {  	v41 =	vmin.f32 v37, v40;
	v3 =	vmax.f32 v37, v40;
	v8 =	vmin.f32 v2, v9  }
0x1f: {  	v48 =	vld [tilespmem:$0x380];
	v2 =	vmax.f32 v2, v9;
	v39 =	vmin.f32 v1, v38;
	v4 =	vmax.f32 v1, v38  }
0x20: {  	v42 =	vmin.f32 v5, v41;
	v5 =	vmax.f32 v5, v41;
	v11 =	vmin.f32 v3, v8  }
0x21: {  	v3 =	vmax.f32 v3, v8;
	v50 =	vmin.f32 v2, v10;
	v2 =	vmax.f32 v2, v10  }
0x22: {  	v12 =	vld [tilespmem:$0x400];
	v1 =	vmax.f32 v1, v39;
	v43 =	vmin.f32 v4, v42;
	v4 =	vmax.f32 v4, v42  }
0x23: {  	v45 =	vmin.f32 v5, v11;
	v5 =	vmax.f32 v5, v11;
	v51 =	vmin.f32 v3, v50  }
0x24: {  	v3 =	vmax.f32 v3, v50;
	v54 =	vmin.f32 v2, v48;
	v2 =	vmax.f32 v2, v48  }
0x25: {  	v61 =	vld [tilespmem:$0x480];
	v44 =	vmin.f32 v1, v43;
	v6 =	vmax.f32 v1, v43;
	v46 =	vmin.f32 v4, v45  }
0x26: {  	v4 =	vmax.f32 v4, v45;
	v52 =	vmin.f32 v5, v51;
	v5 =	vmax.f32 v5, v51  }
0x27: {  	v56 =	vmin.f32 v3, v54;
	v3 =	vmax.f32 v3, v54;
	v63 =	vmin.f32 v2, v12  }
0x28: {  	v2 =	vmax.f32 v2, v12;
	v1 =	vmax.f32 v1, v44;
	v47 =	vmin.f32 v6, v46  }
0x29: {  	v20 =	vld [tilespmem:$0x500];
	v6 =	vmax.f32 v6, v46;
	v53 =	vmax.f32 v4, v52;
	v4 =	vmin.f32 v4, v52  }
0x2a: {  	v14 =	vmin.f32 v5, v56;
	v5 =	vmax.f32 v5, v56;
	v17 =	vmin.f32 v2, v61  }
0x2b: {  	v2 =	vmax.f32 v2, v61;
	v49 =	vmin.f32 v1, v47;
	v7 =	vmax.f32 v1, v47  }
0x2c: {  	v27 =	vld [tilespmem:$0x580];
	v10 =	vmax.f32 v6, v4;
	v4 =	vmin.f32 v6, v4;
	v57 =	vmin.f32 v53, v14  }
0x2d: {  	v59 =	vmax.f32 v53, v14;
	v14 =	vmin.f32 v3, v63;
	v3 =	vmax.f32 v3, v63  }
0x2e: {  	v29 =	vmin.f32 v2, v20;
	v2 =	vmax.f32 v2, v20;
	v1 =	vmax.f32 v1, v49  }
0x2f: {  	v55 =	vmax.f32 v7, v4;
	v4 =	vmin.f32 v7, v4;
	v58 =	vmin.f32 v10, v57  }
0x30: {  	v35 =	vld [tilespmem:$0x600];
	v15 =	vmin.f32 v5, v14;
	v5 =	vmax.f32 v5, v14;
	v19 =	vmin.f32 v3, v17  }
0x31: {  	v3 =	vmax.f32 v3, v17;
	v33 =	vmin.f32 v2, v27;
	v2 =	vmax.f32 v2, v27  }
0x32: {  	v13 =	vmax.f32 v1, v4;
	v4 =	vmin.f32 v1, v4;
	v60 =	vmin.f32 v55, v58  }
0x33: {  	v6 =	vmax.f32 v55, v58;
	v16 =	vmax.f32 v59, v15;
	v7 =	vmin.f32 v59, v15  }
0x34: {  	v41 =	vld [tilespmem:$0x680];
	v22 =	vmin.f32 v5, v19;
	v5 =	vmax.f32 v5, v19;
	v30 =	vmin.f32 v3, v29  }
0x35: {  	v3 =	vmax.f32 v3, v29;
	v43 =	vmin.f32 v2, v35;
	v2 =	vmax.f32 v2, v35  }
0x36: {  	v1 =	vmax.f32 v1, v4;
	v4 =	vmax.f32 v10, v57;
	v62 =	vmin.f32 v13, v60  }
0x37: {  	v8 =	vmax.f32 v13, v60;
	v23 =	vmin.f32 v16, v22;
	v25 =	vmax.f32 v16, v22  }
0x38: {  	v31 =	vmin.f32 v5, v30;
	v5 =	vmax.f32 v5, v30;
	v34 =	vmin.f32 v3, v33  }
0x39: {  	v3 =	vmax.f32 v3, v33;
	v47 =	vmin.f32 v2, v41;
	v2 =	vmax.f32 v2, v41  }
0x3a: {  	v1 =	vmax.f32 v1, v62;
	v11 =	vmax.f32 v4, v7;
	v4 =	vmin.f32 v4, v7  }
0x3b: {  	v32 =	vmax.f32 v25, v31;
	v7 =	vmin.f32 v25, v31;
	v36 =	vmin.f32 v5, v34  }
0x3c: {  	v5 =	vmax.f32 v5, v34;
	v44 =	vmin.f32 v3, v43;
	v3 =	vmax.f32 v3, v43  }
0x3d: {  	v49 =	vld [tilespmem:$0x700];
	v18 =	vmax.f32 v6, v4;
	v4 =	vmin.f32 v6, v4;
	v24 =	vmin.f32 v11, v23  }
0x3e: {  	v37 =	vmin.f32 v32, v36;
	v39 =	vmax.f32 v32, v36;
	v45 =	vmin.f32 v5, v44  }
0x3f: {  	v5 =	vmax.f32 v5, v44;
	v48 =	vmin.f32 v3, v47;
	v3 =	vmax.f32 v3, v47  }
0x40: {  	v55 =	vld [tilespmem:$0x780];
	v21 =	vmax.f32 v8, v4;
	v4 =	vmin.f32 v8, v4;
	v26 =	vmin.f32 v18, v24  }
0x41: {  	v6 =	vmax.f32 v18, v24;
	v46 =	vmax.f32 v39, v45;
	v50 =	vmin.f32 v5, v48  }
0x42: {  	v5 =	vmax.f32 v5, v48;
	v57 =	vmin.f32 v2, v49;
	v2 =	vmax.f32 v2, v49  }
0x43: {  	v1 =	vmax.f32 v1, v4;
	v4 =	vmax.f32 v11, v23;
	v28 =	vmin.f32 v21, v26  }
0x44: {  	v63 =	vld [tilespmem:$0x800];
	v8 =	vmax.f32 v21, v26;
	v51 =	vmin.f32 v46, v50;
	v53 =	vmax.f32 v46, v50  }
0x45: {  	v58 =	vmin.f32 v3, v57;
	v3 =	vmax.f32 v3, v57;
	v61 =	vmin.f32 v2, v55  }
0x46: {  	v2 =	vmax.f32 v2, v55;
	v1 =	vmax.f32 v1, v28;
	v11 =	vmax.f32 v4, v7  }
0x47: {  	v4 =	vmin.f32 v4, v7;
	v7 =	vmin.f32 v39, v45;
	v59 =	vmin.f32 v5, v58  }
0x48: {  	v5 =	vmax.f32 v5, v58;
	v62 =	vmin.f32 v3, v61;
	v3 =	vmax.f32 v3, v61  }
0x49: {  	v23 =	vmin.f32 v2, v63;
	v2 =	vmax.f32 v2, v63;
	v12 =	vmax.f32 v6, v4  }
0x4a: {  	v4 =	vmin.f32 v6, v4;
	v38 =	vmin.f32 v11, v37;
	v60 =	vmax.f32 v53, v59  }
0x4b: {  	v16 =	vmin.f32 v5, v62;
	v5 =	vmax.f32 v5, v62;
	v24 =	vmin.f32 v3, v23  }
0x4c: {  	v3 =	vmax.f32 v3, v23;
	v14 =	vmax.f32 v8, v4;
	v4 =	vmin.f32 v8, v4  }
0x4d: {  	v21 =	vld [tilespmem:$0x880];
	v40 =	vmin.f32 v12, v38;
	v6 =	vmax.f32 v12, v38;
	v17 =	vmin.f32 v60, v16  }
0x4e: {  	v19 =	vmax.f32 v60, v16;
	v25 =	vmin.f32 v5, v24;
	v5 =	vmax.f32 v5, v24  }
0x4f: {  	v29 =	vld [tilespmem:$0x900];
	v1 =	vmax.f32 v1, v4;
	v4 =	vmax.f32 v11, v37;
	v42 =	vmin.f32 v14, v40  }
0x50: {  	v8 =	vmax.f32 v14, v40;
	v26 =	vmax.f32 v19, v25;
	v1 =	vmax.f32 v1, v42  }
0x51: {  	v11 =	vmax.f32 v4, v7;
	v4 =	vmin.f32 v4, v7;
	v7 =	vmin.f32 v53, v59  }
0x52: {  	v35 =	vld [tilespmem:$0x980];
	v27 =	vmin.f32 v2, v21;
	v2 =	vmax.f32 v2, v21;
	v12 =	vmax.f32 v6, v4  }
0x53: {  	v4 =	vmin.f32 v6, v4;
	v52 =	vmin.f32 v11, v51;
	v28 =	vmin.f32 v3, v27  }
0x54: {  	v3 =	vmax.f32 v3, v27;
	v37 =	vmin.f32 v2, v29;
	v2 =	vmax.f32 v2, v29  }
0x55: {  	v14 =	vmax.f32 v8, v4;
	v4 =	vmin.f32 v8, v4;
	v54 =	vmin.f32 v12, v52  }
0x56: {  	v43 =	vld [tilespmem:$0xA00];
	v6 =	vmax.f32 v12, v52;
	v30 =	vmin.f32 v5, v28;
	v5 =	vmax.f32 v5, v28  }
0x57: {  	v38 =	vmin.f32 v3, v37;
	v3 =	vmax.f32 v3, v37;
	v41 =	vmin.f32 v2, v35  }
0x58: {  	v2 =	vmax.f32 v2, v35;
	v1 =	vmax.f32 v1, v4;
	v4 =	vmax.f32 v11, v51  }
0x59: {  	v56 =	vmin.f32 v14, v54;
	v8 =	vmax.f32 v14, v54;
	v31 =	vmin.f32 v26, v30  }
0x5a: {  	v49 =	vld [tilespmem:$0xA80];
	v33 =	vmax.f32 v26, v30;
	v39 =	vmin.f32 v5, v38;
	v5 =	vmax.f32 v5, v38  }
0x5b: {  	v42 =	vmin.f32 v3, v41;
	v3 =	vmax.f32 v3, v41;
	v51 =	vmin.f32 v2, v43  }
0x5c: {  	v2 =	vmax.f32 v2, v43;
	v1 =	vmax.f32 v1, v56;
	v11 =	vmax.f32 v4, v7  }
0x5d: {  	v4 =	vmin.f32 v4, v7;
	v7 =	vmin.f32 v19, v25;
	v40 =	vmax.f32 v33, v39  }
0x5e: {  	v57 =	vld [tilespmem:$0xB00];
	v44 =	vmin.f32 v5, v42;
	v5 =	vmax.f32 v5, v42;
	v52 =	vmin.f32 v3, v51  }
0x5f: {  	v3 =	vmax.f32 v3, v51;
	v55 =	vmin.f32 v2, v49;
	v2 =	vmax.f32 v2, v49  }
0x60: {  	v12 =	vmax.f32 v6, v4;
	v4 =	vmin.f32 v6, v4;
	v18 =	vmin.f32 v11, v17  }
0x61: {  	v63 =	vld [tilespmem:$0xB80];
	v45 =	vmin.f32 v40, v44;
	v47 =	vmax.f32 v40, v44;
	v53 =	vmin.f32 v5, v52  }
0x62: {  	v5 =	vmax.f32 v5, v52;
	v56 =	vmin.f32 v3, v55;
	v3 =	vmax.f32 v3, v55  }
0x63: {  	v15 =	vmin.f32 v2, v57;
	v2 =	vmax.f32 v2, v57;
	v14 =	vmax.f32 v8, v4  }
0x64: {  	v4 =	vmin.f32 v8, v4;
	v20 =	vmin.f32 v12, v18;
	v6 =	vmax.f32 v12, v18  }
0x65: {  	v21 =	vld [tilespmem:$0xC00];
	v54 =	vmax.f32 v47, v53;
	v58 =	vmin.f32 v5, v56;
	v5 =	vmax.f32 v5, v56  }
0x66: {  	v16 =	vmin.f32 v3, v15;
	v3 =	vmax.f32 v3, v15;
	v19 =	vmin.f32 v2, v63  }
0x67: {  	v2 =	vmax.f32 v2, v63;
	v1 =	vmax.f32 v1, v4;
	v4 =	vmax.f32 v11, v17  }
0x68: {  	v22 =	vmin.f32 v14, v20;
	v8 =	vmax.f32 v14, v20;
	v59 =	vmin.f32 v54, v58  }
0x69: {  	v27 =	vld [tilespmem:$0xC80];
	v61 =	vmax.f32 v54, v58;
	v17 =	vmin.f32 v5, v16;
	v5 =	vmax.f32 v5, v16  }
0x6a: {  	v20 =	vmin.f32 v3, v19;
	v3 =	vmax.f32 v3, v19;
	v29 =	vmin.f32 v2, v21  }
0x6b: {  	v35 =	vld [tilespmem:$0xD00];
	v2 =	vmax.f32 v2, v21;
	v1 =	vmax.f32 v1, v22;
	v11 =	vmax.f32 v4, v7  }
0x6c: {  	v4 =	vmin.f32 v4, v7;
	v7 =	vmin.f32 v33, v39;
	v18 =	vmax.f32 v61, v17  }
0x6d: {  	v22 =	vmin.f32 v5, v20;
	v5 =	vmax.f32 v5, v20;
	v30 =	vmin.f32 v3, v29  }
0x6e: {  	v3 =	vmax.f32 v3, v29;
	v33 =	vmin.f32 v2, v27;
	v2 =	vmax.f32 v2, v27  }
0x6f: {  	v12 =	vmax.f32 v6, v4;
	v4 =	vmin.f32 v6, v4;
	v32 =	vmin.f32 v11, v31  }
0x70: {  	v23 =	vmin.f32 v18, v22;
	v25 =	vmax.f32 v18, v22;
	v43 =	vmin.f32 v2, v35  }
0x71: {  	v2 =	vmax.f32 v2, v35;
	v14 =	vmax.f32 v8, v4;
	v4 =	vmin.f32 v8, v4  }
0x72: {  	v34 =	vmin.f32 v12, v32;
	v6 =	vmax.f32 v12, v32;
	v1 =	vmax.f32 v1, v4  }
0x73: {  	v41 =	vld [tilespmem:$0xD80];
	v4 =	vmax.f32 v11, v31;
	v36 =	vmin.f32 v14, v34;
	v8 =	vmax.f32 v14, v34  }
0x74: {  	v31 =	vmin.f32 v5, v30;
	v5 =	vmax.f32 v5, v30;
	v34 =	vmin.f32 v3, v33  }
0x75: {  	v49 =	vld [tilespmem:$0xE00];
	v3 =	vmax.f32 v3, v33;
	v1 =	vmax.f32 v1, v36;
	v11 =	vmax.f32 v4, v7  }
0x76: {  	v4 =	vmin.f32 v4, v7;
	v7 =	vmin.f32 v47, v53;
	v32 =	vmax.f32 v25, v31  }
0x77: {  	v36 =	vmin.f32 v5, v34;
	v5 =	vmax.f32 v5, v34;
	v44 =	vmin.f32 v3, v43  }
0x78: {  	v3 =	vmax.f32 v3, v43;
	v47 =	vmin.f32 v2, v41;
	v2 =	vmax.f32 v2, v41  }
0x79: {  	v12 =	vmax.f32 v6, v4;
	v4 =	vmin.f32 v6, v4;
	v46 =	vmin.f32 v11, v45  }
0x7a: {  	v37 =	vmin.f32 v32, v36;
	v39 =	vmax.f32 v32, v36;
	v57 =	vmin.f32 v2, v49  }
0x7b: {  	v2 =	vmax.f32 v2, v49;
	v14 =	vmax.f32 v8, v4;
	v4 =	vmin.f32 v8, v4  }
0x7c: {  	v48 =	vmin.f32 v12, v46;
	v6 =	vmax.f32 v12, v46;
	v1 =	vmax.f32 v1, v4  }
0x7d: {  	v55 =	vld [tilespmem:$0xE80];
	v4 =	vmax.f32 v11, v45;
	v50 =	vmin.f32 v14, v48;
	v8 =	vmax.f32 v14, v48  }
0x7e: {  	v45 =	vmin.f32 v5, v44;
	v5 =	vmax.f32 v5, v44;
	v48 =	vmin.f32 v3, v47  }
0x7f: {  	v3 =	vmax.f32 v3, v47;
	v1 =	vmax.f32 v1, v50;
	v11 =	vmax.f32 v4, v7  }
0x80: {  	v4 =	vmin.f32 v4, v7;
	v7 =	vmin.f32 v61, v17;
	v46 =	vmax.f32 v39, v45  }
0x81: {  	v50 =	vmin.f32 v5, v48;
	v5 =	vmax.f32 v5, v48;
	v58 =	vmin.f32 v3, v57  }
0x82: {  	v3 =	vmax.f32 v3, v57;
	v61 =	vmin.f32 v2, v55;
	v2 =	vmax.f32 v2, v55  }
0x83: {  	v12 =	vmax.f32 v6, v4;
	v4 =	vmin.f32 v6, v4;
	v60 =	vmin.f32 v11, v59  }
0x84: {  	v51 =	vmin.f32 v46, v50;
	v53 =	vmax.f32 v46, v50;
	v14 =	vmax.f32 v8, v4  }
0x85: {  	v4 =	vmin.f32 v8, v4;
	v62 =	vmin.f32 v12, v60;
	v6 =	vmax.f32 v12, v60  }
0x86: {  	v1 =	vmax.f32 v1, v4;
	v4 =	vmax.f32 v11, v59;
	v12 =	vmin.f32 v14, v62  }
0x87: {  	v8 =	vmax.f32 v14, v62;
	v59 =	vmin.f32 v5, v58;
	v5 =	vmax.f32 v5, v58  }
0x88: {  	v62 =	vmin.f32 v3, v61;
	v3 =	vmax.f32 v3, v61;
	v1 =	vmax.f32 v1, v12  }
0x89: {  	v11 =	vmax.f32 v4, v7;
	v4 =	vmin.f32 v4, v7;
	v7 =	vmin.f32 v25, v31  }
0x8a: {  	v63 =	vld [tilespmem:$0xF00];
	v60 =	vmax.f32 v53, v59;
	v16 =	vmin.f32 v5, v62;
	v5 =	vmax.f32 v5, v62  }
0x8b: {  	v12 =	vmax.f32 v6, v4;
	v4 =	vmin.f32 v6, v4;
	v24 =	vmin.f32 v11, v23  }
0x8c: {  	v17 =	vmin.f32 v60, v16;
	v19 =	vmax.f32 v60, v16;
	v14 =	vmax.f32 v8, v4  }
0x8d: {  	v21 =	vld [tilespmem:$0xF80];
	v4 =	vmin.f32 v8, v4;
	v26 =	vmin.f32 v12, v24;
	v6 =	vmax.f32 v12, v24  }
0x8e: {  	v1 =	vmax.f32 v1, v4;
	v4 =	vmax.f32 v11, v23;
	v28 =	vmin.f32 v14, v26  }
0x8f: {  	v8 =	vmax.f32 v14, v26;
	v23 =	vmin.f32 v2, v63;
	v2 =	vmax.f32 v2, v63  }
0x90: {  	v1 =	vmax.f32 v1, v28;
	v11 =	vmax.f32 v4, v7;
	v4 =	vmin.f32 v4, v7  }
0x91: {  	v7 =	vmin.f32 v39, v45;
	v24 =	vmin.f32 v3, v23;
	v3 =	vmax.f32 v3, v23  }
0x92: {  	v27 =	vmin.f32 v2, v21;
	v2 =	vmax.f32 v2, v21;
	v12 =	vmax.f32 v6, v4  }
0x93: {  	v4 =	vmin.f32 v6, v4;
	v38 =	vmin.f32 v11, v37;
	v25 =	vmin.f32 v5, v24  }
0x94: {  	v29 =	vld [tilespmem:$0x1000];
	v5 =	vmax.f32 v5, v24;
	v28 =	vmin.f32 v3, v27;
	v3 =	vmax.f32 v3, v27  }
0x95: {  	v14 =	vmax.f32 v8, v4;
	v4 =	vmin.f32 v8, v4;
	v40 =	vmin.f32 v12, v38  }
0x96: {  	v6 =	vmax.f32 v12, v38;
	v26 =	vmax.f32 v19, v25;
	v30 =	vmin.f32 v5, v28  }
0x97: {  	v35 =	vld [tilespmem:$0x1080];
	v5 =	vmax.f32 v5, v28;
	v1 =	vmax.f32 v1, v4;
	v4 =	vmax.f32 v11, v37  }
0x98: {  	v42 =	vmin.f32 v14, v40;
	v8 =	vmax.f32 v14, v40;
	v31 =	vmin.f32 v26, v30  }
0x99: {  	v33 =	vmax.f32 v26, v30;
	v37 =	vmin.f32 v2, v29;
	v2 =	vmax.f32 v2, v29  }
0x9a: {  	v1 =	vmax.f32 v1, v42;
	v11 =	vmax.f32 v4, v7;
	v4 =	vmin.f32 v4, v7  }
0x9b: {  	v7 =	vmin.f32 v53, v59;
	v38 =	vmin.f32 v3, v37;
	v3 =	vmax.f32 v3, v37  }
0x9c: {  	v41 =	vmin.f32 v2, v35;
	v2 =	vmax.f32 v2, v35;
	v12 =	vmax.f32 v6, v4  }
0x9d: {  	v4 =	vmin.f32 v6, v4;
	v52 =	vmin.f32 v11, v51;
	v39 =	vmin.f32 v5, v38  }
0x9e: {  	v43 =	vld [tilespmem:$0x1100];
	v5 =	vmax.f32 v5, v38;
	v42 =	vmin.f32 v3, v41;
	v3 =	vmax.f32 v3, v41  }
0x9f: {  	v14 =	vmax.f32 v8, v4;
	v4 =	vmin.f32 v8, v4;
	v54 =	vmin.f32 v12, v52  }
0xa0: {  	v6 =	vmax.f32 v12, v52;
	v40 =	vmax.f32 v33, v39;
	v44 =	vmin.f32 v5, v42  }
0xa1: {  	v49 =	vld [tilespmem:$0x1180];
	v5 =	vmax.f32 v5, v42;
	v1 =	vmax.f32 v1, v4;
	v4 =	vmax.f32 v11, v51  }
0xa2: {  	v56 =	vmin.f32 v14, v54;
	v8 =	vmax.f32 v14, v54;
	v45 =	vmin.f32 v40, v44  }
0xa3: {  	v47 =	vmax.f32 v40, v44;
	v51 =	vmin.f32 v2, v43;
	v2 =	vmax.f32 v2, v43  }
0xa4: {  	v57 =	vld [tilespmem:$0x1200];
	v1 =	vmax.f32 v1, v56;
	v11 =	vmax.f32 v4, v7;
	v4 =	vmin.f32 v4, v7  }
0xa5: {  	v7 =	vmin.f32 v19, v25;
	v52 =	vmin.f32 v3, v51;
	v3 =	vmax.f32 v3, v51  }
0xa6: {  	v55 =	vmin.f32 v2, v49;
	v2 =	vmax.f32 v2, v49;
	v12 =	vmax.f32 v6, v4  }
0xa7: {  	v63 =	vld [tilespmem:$0x1280];
	v4 =	vmin.f32 v6, v4;
	v18 =	vmin.f32 v11, v17;
	v53 =	vmin.f32 v5, v52  }
0xa8: {  	v5 =	vmax.f32 v5, v52;
	v56 =	vmin.f32 v3, v55;
	v3 =	vmax.f32 v3, v55  }
0xa9: {  	v15 =	vmin.f32 v2, v57;
	v2 =	vmax.f32 v2, v57;
	v14 =	vmax.f32 v8, v4  }
0xaa: {  	v4 =	vmin.f32 v8, v4;
	v20 =	vmin.f32 v12, v18;
	v6 =	vmax.f32 v12, v18  }
0xab: {  	v21 =	vld [tilespmem:$0x1300];
	v54 =	vmax.f32 v47, v53;
	v58 =	vmin.f32 v5, v56;
	v5 =	vmax.f32 v5, v56  }
0xac: {  	v16 =	vmin.f32 v3, v15;
	v3 =	vmax.f32 v3, v15;
	v19 =	vmin.f32 v2, v63  }
0xad: {  	v2 =	vmax.f32 v2, v63;
	v1 =	vmax.f32 v1, v4;
	v4 =	vmax.f32 v11, v17  }
0xae: {  	v22 =	vmin.f32 v14, v20;
	v8 =	vmax.f32 v14, v20;
	v59 =	vmin.f32 v54, v58  }
0xaf: {  	v27 =	vld [tilespmem:$0x1380];
	v61 =	vmax.f32 v54, v58;
	v17 =	vmin.f32 v5, v16;
	v5 =	vmax.f32 v5, v16  }
0xb0: {  	v20 =	vmin.f32 v3, v19;
	v3 =	vmax.f32 v3, v19;
	v29 =	vmin.f32 v2, v21  }
0xb1: {  	v35 =	vld [tilespmem:$0x1400];
	v2 =	vmax.f32 v2, v21;
	v1 =	vmax.f32 v1, v22;
	v11 =	vmax.f32 v4, v7  }
0xb2: {  	v4 =	vmin.f32 v4, v7;
	v7 =	vmin.f32 v33, v39;
	v18 =	vmax.f32 v61, v17  }
0xb3: {  	v22 =	vmin.f32 v5, v20;
	v5 =	vmax.f32 v5, v20;
	v30 =	vmin.f32 v3, v29  }
0xb4: {  	v3 =	vmax.f32 v3, v29;
	v33 =	vmin.f32 v2, v27;
	v2 =	vmax.f32 v2, v27  }
0xb5: {  	v12 =	vmax.f32 v6, v4;
	v4 =	vmin.f32 v6, v4;
	v32 =	vmin.f32 v11, v31  }
0xb6: {  	v23 =	vmin.f32 v18, v22;
	v25 =	vmax.f32 v18, v22;
	v43 =	vmin.f32 v2, v35  }
0xb7: {  	v2 =	vmax.f32 v2, v35;
	v14 =	vmax.f32 v8, v4;
	v4 =	vmin.f32 v8, v4  }
0xb8: {  	v34 =	vmin.f32 v12, v32;
	v6 =	vmax.f32 v12, v32;
	v1 =	vmax.f32 v1, v4  }
0xb9: {  	v41 =	vld [tilespmem:$0x1480];
	v4 =	vmax.f32 v11, v31;
	v36 =	vmin.f32 v14, v34;
	v8 =	vmax.f32 v14, v34  }
0xba: {  	v31 =	vmin.f32 v5, v30;
	v5 =	vmax.f32 v5, v30;
	v34 =	vmin.f32 v3, v33  }
0xbb: {  	v49 =	vld [tilespmem:$0x1500];
	v3 =	vmax.f32 v3, v33;
	v1 =	vmax.f32 v1, v36;
	v11 =	vmax.f32 v4, v7  }
0xbc: {  	v4 =	vmin.f32 v4, v7;
	v7 =	vmin.f32 v47, v53;
	v32 =	vmax.f32 v25, v31  }
0xbd: {  	v36 =	vmin.f32 v5, v34;
	v5 =	vmax.f32 v5, v34;
	v44 =	vmin.f32 v3, v43  }
0xbe: {  	v3 =	vmax.f32 v3, v43;
	v47 =	vmin.f32 v2, v41;
	v2 =	vmax.f32 v2, v41  }
0xbf: {  	v12 =	vmax.f32 v6, v4;
	v4 =	vmin.f32 v6, v4;
	v46 =	vmin.f32 v11, v45  }
0xc0: {  	v37 =	vmin.f32 v32, v36;
	v39 =	vmax.f32 v32, v36;
	v57 =	vmin.f32 v2, v49  }
0xc1: {  	v2 =	vmax.f32 v2, v49;
	v14 =	vmax.f32 v8, v4;
	v4 =	vmin.f32 v8, v4  }
0xc2: {  	v48 =	vmin.f32 v12, v46;
	v6 =	vmax.f32 v12, v46;
	v1 =	vmax.f32 v1, v4  }
0xc3: {  	v55 =	vld [tilespmem:$0x1580];
	v4 =	vmax.f32 v11, v45;
	v50 =	vmin.f32 v14, v48;
	v8 =	vmax.f32 v14, v48  }
0xc4: {  	v45 =	vmin.f32 v5, v44;
	v5 =	vmax.f32 v5, v44;
	v48 =	vmin.f32 v3, v47  }
0xc5: {  	v3 =	vmax.f32 v3, v47;
	v1 =	vmax.f32 v1, v50;
	v11 =	vmax.f32 v4, v7  }
0xc6: {  	v4 =	vmin.f32 v4, v7;
	v7 =	vmin.f32 v61, v17;
	v46 =	vmax.f32 v39, v45  }
0xc7: {  	v50 =	vmin.f32 v5, v48;
	v5 =	vmax.f32 v5, v48;
	v58 =	vmin.f32 v3, v57  }
0xc8: {  	v3 =	vmax.f32 v3, v57;
	v61 =	vmin.f32 v2, v55;
	v2 =	vmax.f32 v2, v55  }
0xc9: {  	v12 =	vmax.f32 v6, v4;
	v4 =	vmin.f32 v6, v4;
	v60 =	vmin.f32 v11, v59  }
0xca: {  	v51 =	vmin.f32 v46, v50;
	v53 =	vmax.f32 v46, v50;
	v14 =	vmax.f32 v8, v4  }
0xcb: {  	v4 =	vmin.f32 v8, v4;
	v62 =	vmin.f32 v12, v60;
	v6 =	vmax.f32 v12, v60  }
0xcc: {  	v1 =	vmax.f32 v1, v4;
	v4 =	vmax.f32 v11, v59;
	v12 =	vmin.f32 v14, v62  }
0xcd: {  	v8 =	vmax.f32 v14, v62;
	v59 =	vmin.f32 v5, v58;
	v5 =	vmax.f32 v5, v58  }
0xce: {  	v62 =	vmin.f32 v3, v61;
	v3 =	vmax.f32 v3, v61;
	v1 =	vmax.f32 v1, v12  }
0xcf: {  	v11 =	vmax.f32 v4, v7;
	v4 =	vmin.f32 v4, v7;
	v7 =	vmin.f32 v25, v31  }
0xd0: {  	v63 =	vld [tilespmem:$0x1600];
	v60 =	vmax.f32 v53, v59;
	v16 =	vmin.f32 v5, v62;
	v5 =	vmax.f32 v5, v62  }
0xd1: {  	v12 =	vmax.f32 v6, v4;
	v4 =	vmin.f32 v6, v4;
	v24 =	vmin.f32 v11, v23  }
0xd2: {  	v17 =	vmin.f32 v60, v16;
	v19 =	vmax.f32 v60, v16;
	v14 =	vmax.f32 v8, v4  }
0xd3: {  	v21 =	vld [tilespmem:$0x1680];
	v4 =	vmin.f32 v8, v4;
	v26 =	vmin.f32 v12, v24;
	v6 =	vmax.f32 v12, v24  }
0xd4: {  	v1 =	vmax.f32 v1, v4;
	v4 =	vmax.f32 v11, v23;
	v28 =	vmin.f32 v14, v26  }
0xd5: {  	v8 =	vmax.f32 v14, v26;
	v23 =	vmin.f32 v2, v63;
	v2 =	vmax.f32 v2, v63  }
0xd6: {  	v1 =	vmax.f32 v1, v28;
	v11 =	vmax.f32 v4, v7;
	v4 =	vmin.f32 v4, v7  }
0xd7: {  	v7 =	vmin.f32 v39, v45;
	v24 =	vmin.f32 v3, v23;
	v3 =	vmax.f32 v3, v23  }
0xd8: {  	v27 =	vmin.f32 v2, v21;
	v2 =	vmax.f32 v2, v21;
	v12 =	vmax.f32 v6, v4  }
0xd9: {  	v4 =	vmin.f32 v6, v4;
	v38 =	vmin.f32 v11, v37;
	v25 =	vmin.f32 v5, v24  }
0xda: {  	v29 =	vld [tilespmem:$0x1700];
	v5 =	vmax.f32 v5, v24;
	v28 =	vmin.f32 v3, v27;
	v3 =	vmax.f32 v3, v27  }
0xdb: {  	v14 =	vmax.f32 v8, v4;
	v4 =	vmin.f32 v8, v4;
	v40 =	vmin.f32 v12, v38  }
0xdc: {  	v6 =	vmax.f32 v12, v38;
	v26 =	vmax.f32 v19, v25;
	v30 =	vmin.f32 v5, v28  }
0xdd: {  	v35 =	vld [tilespmem:$0x1780];
	v5 =	vmax.f32 v5, v28;
	v1 =	vmax.f32 v1, v4;
	v4 =	vmax.f32 v11, v37  }
0xde: {  	v42 =	vmin.f32 v14, v40;
	v8 =	vmax.f32 v14, v40;
	v31 =	vmin.f32 v26, v30  }
0xdf: {  	v33 =	vmax.f32 v26, v30;
	v37 =	vmin.f32 v2, v29;
	v2 =	vmax.f32 v2, v29  }
0xe0: {  	v1 =	vmax.f32 v1, v42;
	v11 =	vmax.f32 v4, v7;
	v4 =	vmin.f32 v4, v7  }
0xe1: {  	v7 =	vmin.f32 v53, v59;
	v38 =	vmin.f32 v3, v37;
	v3 =	vmax.f32 v3, v37  }
0xe2: {  	v41 =	vmin.f32 v2, v35;
	v2 =	vmax.f32 v2, v35;
	v12 =	vmax.f32 v6, v4  }
0xe3: {  	v4 =	vmin.f32 v6, v4;
	v52 =	vmin.f32 v11, v51;
	v39 =	vmin.f32 v5, v38  }
0xe4: {  	v43 =	vld [tilespmem:$0x1800];
	v5 =	vmax.f32 v5, v38;
	v42 =	vmin.f32 v3, v41;
	v3 =	vmax.f32 v3, v41  }
0xe5: {  	v14 =	vmax.f32 v8, v4;
	v4 =	vmin.f32 v8, v4;
	v54 =	vmin.f32 v12, v52  }
0xe6: {  	v6 =	vmax.f32 v12, v52;
	v40 =	vmax.f32 v33, v39;
	v44 =	vmin.f32 v5, v42  }
0xe7: {  	v49 =	vld [tilespmem:$0x1880];
	v5 =	vmax.f32 v5, v42;
	v1 =	vmax.f32 v1, v4;
	v4 =	vmax.f32 v11, v51  }
0xe8: {  	v56 =	vmin.f32 v14, v54;
	v8 =	vmax.f32 v14, v54;
	v45 =	vmin.f32 v40, v44  }
0xe9: {  	v47 =	vmax.f32 v40, v44;
	v51 =	vmin.f32 v2, v43;
	v2 =	vmax.f32 v2, v43  }
0xea: {  	v1 =	vmax.f32 v1, v56;
	v11 =	vmax.f32 v4, v7;
	v4 =	vmin.f32 v4, v7  }
0xeb: {  	v7 =	vmin.f32 v19, v25;
	v52 =	vmin.f32 v3, v51;
	v3 =	vmax.f32 v3, v51  }
0xec: {  	v55 =	vmin.f32 v2, v49;
	v2 =	vmax.f32 v2, v49;
	v12 =	vmax.f32 v6, v4  }
0xed: {  	v4 =	vmin.f32 v6, v4;
	v18 =	vmin.f32 v11, v17;
	v53 =	vmin.f32 v5, v52  }
0xee: {  	v57 =	vld [tilespmem:$0x1900];
	v5 =	vmax.f32 v5, v52;
	v56 =	vmin.f32 v3, v55;
	v3 =	vmax.f32 v3, v55  }
0xef: {  	v14 =	vmax.f32 v8, v4;
	v4 =	vmin.f32 v8, v4;
	v20 =	vmin.f32 v12, v18  }
0xf0: {  	v6 =	vmax.f32 v12, v18;
	v54 =	vmax.f32 v47, v53;
	v58 =	vmin.f32 v5, v56  }
0xf1: {  	v63 =	vld [tilespmem:$0x1980];
	v5 =	vmax.f32 v5, v56;
	v1 =	vmax.f32 v1, v4;
	v4 =	vmax.f32 v11, v17  }
0xf2: {  	v22 =	vmin.f32 v14, v20;
	v8 =	vmax.f32 v14, v20;
	v59 =	vmin.f32 v54, v58  }
0xf3: {  	v61 =	vmax.f32 v54, v58;
	v17 =	vmin.f32 v2, v57;
	v2 =	vmax.f32 v2, v57  }
0xf4: {  	v1 =	vmax.f32 v1, v22;
	v11 =	vmax.f32 v4, v7;
	v4 =	vmin.f32 v4, v7  }
0xf5: {  	v7 =	vmin.f32 v33, v39;
	v18 =	vmin.f32 v3, v17;
	v3 =	vmax.f32 v3, v17  }
0xf6: {  	v21 =	vmin.f32 v2, v63;
	v2 =	vmax.f32 v2, v63;
	v12 =	vmax.f32 v6, v4  }
0xf7: {  	v4 =	vmin.f32 v6, v4;
	v32 =	vmin.f32 v11, v31;
	v19 =	vmin.f32 v5, v18  }
0xf8: {  	v23 =	vld [tilespmem:$0x1A00];
	v5 =	vmax.f32 v5, v18;
	v22 =	vmin.f32 v3, v21;
	v3 =	vmax.f32 v3, v21  }
0xf9: {  	v14 =	vmax.f32 v8, v4;
	v4 =	vmin.f32 v8, v4;
	v34 =	vmin.f32 v12, v32  }
0xfa: {  	v6 =	vmax.f32 v12, v32;
	v20 =	vmax.f32 v61, v19;
	v24 =	vmin.f32 v5, v22  }
0xfb: {  	v29 =	vld [tilespmem:$0x1A80];
	v5 =	vmax.f32 v5, v22;
	v1 =	vmax.f32 v1, v4;
	v4 =	vmax.f32 v11, v31  }
0xfc: {  	v36 =	vmin.f32 v14, v34;
	v8 =	vmax.f32 v14, v34;
	v25 =	vmin.f32 v20, v24  }
0xfd: {  	v27 =	vmax.f32 v20, v24;
	v31 =	vmin.f32 v2, v23;
	v2 =	vmax.f32 v2, v23  }
0xfe: {  	v1 =	vmax.f32 v1, v36;
	v11 =	vmax.f32 v4, v7;
	v4 =	vmin.f32 v4, v7  }
0xff: {  	v7 =	vmin.f32 v47, v53;
	v32 =	vmin.f32 v3, v31;
	v3 =	vmax.f32 v3, v31  }
0x100: {  	v35 =	vmin.f32 v2, v29;
	v2 =	vmax.f32 v2, v29;
	v12 =	vmax.f32 v6, v4  }
0x101: {  	v4 =	vmin.f32 v6, v4;
	v46 =	vmin.f32 v11, v45;
	v33 =	vmin.f32 v5, v32  }
0x102: {  	v37 =	vld [tilespmem:$0x1B00];
	v5 =	vmax.f32 v5, v32;
	v36 =	vmin.f32 v3, v35;
	v3 =	vmax.f32 v3, v35  }
0x103: {  	v14 =	vmax.f32 v8, v4;
	v4 =	vmin.f32 v8, v4;
	v48 =	vmin.f32 v12, v46  }
0x104: {  	v6 =	vmax.f32 v12, v46;
	v34 =	vmax.f32 v27, v33;
	v38 =	vmin.f32 v5, v36  }
0x105: {  	v43 =	vld [tilespmem:$0x1B80];
	v5 =	vmax.f32 v5, v36;
	v1 =	vmax.f32 v1, v4;
	v4 =	vmax.f32 v11, v45  }
0x106: {  	v50 =	vmin.f32 v14, v48;
	v8 =	vmax.f32 v14, v48;
	v39 =	vmin.f32 v34, v38  }
0x107: {  	v41 =	vmax.f32 v34, v38;
	v45 =	vmin.f32 v2, v37;
	v2 =	vmax.f32 v2, v37  }
0x108: {  	v1 =	vmax.f32 v1, v50;
	v11 =	vmax.f32 v4, v7;
	v4 =	vmin.f32 v4, v7  }
0x109: {  	v7 =	vmin.f32 v61, v19;
	v46 =	vmin.f32 v3, v45;
	v3 =	vmax.f32 v3, v45  }
0x10a: {  	v49 =	vmin.f32 v2, v43;
	v2 =	vmax.f32 v2, v43;
	v12 =	vmax.f32 v6, v4  }
0x10b: {  	v4 =	vmin.f32 v6, v4;
	v60 =	vmin.f32 v11, v59;
	v47 =	vmin.f32 v5, v46  }
0x10c: {  	v51 =	vld [tilespmem:$0x1C00];
	v5 =	vmax.f32 v5, v46;
	v50 =	vmin.f32 v3, v49;
	v3 =	vmax.f32 v3, v49  }
0x10d: {  	v14 =	vmax.f32 v8, v4;
	v4 =	vmin.f32 v8, v4;
	v62 =	vmin.f32 v12, v60  }
0x10e: {  	v6 =	vmax.f32 v12, v60;
	v48 =	vmax.f32 v41, v47;
	v52 =	vmin.f32 v5, v50  }
0x10f: {  	v57 =	vld [tilespmem:$0x1C80];
	v5 =	vmax.f32 v5, v50;
	v1 =	vmax.f32 v1, v4;
	v4 =	vmax.f32 v11, v59  }
0x110: {  	v16 =	vmin.f32 v14, v62;
	v8 =	vmax.f32 v14, v62;
	v53 =	vmin.f32 v48, v52  }
0x111: {  	v55 =	vmax.f32 v48, v52;
	v59 =	vmin.f32 v2, v51;
	v2 =	vmax.f32 v2, v51  }
0x112: {  	v1 =	vmax.f32 v1, v16;
	v11 =	vmax.f32 v4, v7;
	v4 =	vmin.f32 v4, v7  }
0x113: {  	v7 =	vmin.f32 v27, v33;
	v60 =	vmin.f32 v3, v59;
	v3 =	vmax.f32 v3, v59  }
0x114: {  	v63 =	vmin.f32 v2, v57;
	v2 =	vmax.f32 v2, v57;
	v12 =	vmax.f32 v6, v4  }
0x115: {  	v4 =	vmin.f32 v6, v4;
	v26 =	vmin.f32 v11, v25;
	v61 =	vmin.f32 v5, v60  }
0x116: {  	v17 =	vld [tilespmem:$0x1D00];
	v5 =	vmax.f32 v5, v60;
	v16 =	vmin.f32 v3, v63;
	v3 =	vmax.f32 v3, v63  }
0x117: {  	v14 =	vmax.f32 v8, v4;
	v4 =	vmin.f32 v8, v4;
	v28 =	vmin.f32 v12, v26  }
0x118: {  	v6 =	vmax.f32 v12, v26;
	v62 =	vmax.f32 v55, v61;
	v18 =	vmin.f32 v5, v16  }
0x119: {  	v23 =	vld [tilespmem:$0x1D80];
	v5 =	vmax.f32 v5, v16;
	v1 =	vmax.f32 v1, v4;
	v4 =	vmax.f32 v11, v25  }
0x11a: {  	v30 =	vmin.f32 v14, v28;
	v8 =	vmax.f32 v14, v28;
	v19 =	vmin.f32 v62, v18  }
0x11b: {  	v21 =	vmax.f32 v62, v18;
	v25 =	vmin.f32 v2, v17;
	v2 =	vmax.f32 v2, v17  }
0x11c: {  	v1 =	vmax.f32 v1, v30;
	v11 =	vmax.f32 v4, v7;
	v4 =	vmin.f32 v4, v7  }
0x11d: {  	v7 =	vmin.f32 v41, v47;
	v26 =	vmin.f32 v3, v25;
	v3 =	vmax.f32 v3, v25  }
0x11e: {  	v29 =	vmin.f32 v2, v23;
	v2 =	vmax.f32 v2, v23;
	v12 =	vmax.f32 v6, v4  }
0x11f: {  	v4 =	vmin.f32 v6, v4;
	v40 =	vmin.f32 v11, v39;
	v27 =	vmin.f32 v5, v26  }
0x120: {  	v31 =	vld [tilespmem:$0x1E00];
	v5 =	vmax.f32 v5, v26;
	v30 =	vmin.f32 v3, v29;
	v3 =	vmax.f32 v3, v29  }
0x121: {  	v14 =	vmax.f32 v8, v4;
	v4 =	vmin.f32 v8, v4;
	v42 =	vmin.f32 v12, v40  }
0x122: {  	v6 =	vmax.f32 v12, v40;
	v28 =	vmax.f32 v21, v27;
	v32 =	vmin.f32 v5, v30  }
0x123: {  	v37 =	vld [tilespmem:$0x1E80];
	v5 =	vmax.f32 v5, v30;
	v1 =	vmax.f32 v1, v4;
	v4 =	vmax.f32 v11, v39  }
0x124: {  	v44 =	vmin.f32 v14, v42;
	v8 =	vmax.f32 v14, v42;
	v33 =	vmin.f32 v28, v32  }
0x125: {  	v35 =	vmax.f32 v28, v32;
	v39 =	vmin.f32 v2, v31;
	v2 =	vmax.f32 v2, v31  }
0x126: {  	v1 =	vmax.f32 v1, v44;
	v11 =	vmax.f32 v4, v7;
	v4 =	vmin.f32 v4, v7  }
0x127: {  	v7 =	vmin.f32 v55, v61;
	v40 =	vmin.f32 v3, v39;
	v3 =	vmax.f32 v3, v39  }
0x128: {  	v47 =	vld [tilespmem:$0x1F00];
	v43 =	vmin.f32 v2, v37;
	v2 =	vmax.f32 v2, v37;
	v12 =	vmax.f32 v6, v4  }
0x129: {  	v4 =	vmin.f32 v6, v4;
	v54 =	vmin.f32 v11, v53;
	v41 =	vmin.f32 v5, v40  }
0x12a: {  	v5 =	vmax.f32 v5, v40;
	v44 =	vmin.f32 v3, v43;
	v3 =	vmax.f32 v3, v43  }
0x12b: {  	v49 =	vld [tilespmem:$0x1F80];
	v14 =	vmax.f32 v8, v4;
	v4 =	vmin.f32 v8, v4;
	v56 =	vmin.f32 v12, v54  }
0x12c: {  	v6 =	vmax.f32 v12, v54;
	v42 =	vmax.f32 v35, v41;
	v46 =	vmin.f32 v5, v44  }
0x12d: {  	v5 =	vmax.f32 v5, v44;
	v54 =	vmax.f32 v2, v47;
	v2 =	vmin.f32 v2, v47  }
0x12e: {  	v1 =	vmax.f32 v1, v4;
	v4 =	vmax.f32 v11, v53;
	v58 =	vmin.f32 v14, v56  }
0x12f: {  	v8 =	vmax.f32 v14, v56;
	v48 =	vmin.f32 v42, v46;
	v51 =	vmax.f32 v42, v46  }
0x130: {  	v55 =	vmax.f32 v3, v2;
	v3 =	vmin.f32 v3, v2;
	v2 =	vmax.f32 v54, v49  }
0x131: {  	v59 =	vmin.f32 v54, v49;
	v1 =	vmax.f32 v1, v58;
	v11 =	vmax.f32 v4, v7  }
0x132: {  	v4 =	vmin.f32 v4, v7;
	v7 =	vmin.f32 v21, v27;
	v56 =	vmax.f32 v5, v3  }
0x133: {  	v3 =	vmin.f32 v5, v3;
	v57 =	vsub.f32 v2, v2;
	v9 =	vmax.f32 v55, v59  }
0x134: {  	v61 =	vmin.f32 v55, v59;
	v12 =	vmax.f32 v6, v4;
	v4 =	vmin.f32 v6, v4  }
0x135: {  	v20 =	vmin.f32 v11, v19;
	v58 =	vmax.f32 v51, v3;
	v3 =	vmin.f32 v51, v3  }
0x136: {  	v62 =	vsub.f32 v9, v2;
	v14 =	vmax.f32 v8, v4;
	v4 =	vmin.f32 v8, v4  }
0x137: {  	v22 =	vmin.f32 v12, v20;
	v6 =	vmax.f32 v12, v20;
	v5 =	vmul.f32 $1.442695020e+00, v57  }
0x138: {  	v1 =	vmax.f32 v1, v4;
	v4 =	vmax.f32 v11, v19;
	v24 =	vmin.f32 v14, v22  }
0x139: {  	v8 =	vmax.f32 v14, v22;
	v1 =	vmax.f32 v1, v24;
	v11 =	vmax.f32 v4, v7  }
0x13a: {  	v4 =	vmin.f32 v4, v7;
	v7 =	vmin.f32 v35, v41;
	(erf) = vpow2.f32 v5  }
0x13b: {  	v12 =	vmax.f32 v6, v4;
	v4 =	vmin.f32 v6, v4;
	v34 =	vmin.f32 v11, v33  }
0x13c: {  	v14 =	vmax.f32 v8, v4;
	v4 =	vmin.f32 v8, v4;
	v36 =	vmin.f32 v12, v34  }
0x13d: {  	v6 =	vmax.f32 v12, v34;
	v1 =	vmax.f32 v1, v4;
	v4 =	vmax.f32 v11, v33  }
0x13e: {  	v38 =	vmin.f32 v14, v36;
	v11 =	vmax.f32 v4, v7;
	v4 =	vmin.f32 v4, v7  }
0x13f: {  	v8 =	vmax.f32 v14, v36;
	v12 =	vmax.f32 v6, v4;
	v4 =	vmin.f32 v6, v4  }
0x140: {  	v1 =	vmax.f32 v1, v38;
	v50 =	vmin.f32 v11, v48;
	v45 =	vmax.f32 v8, v4  }
0x141: {  	v4 =	vmin.f32 v8, v4;
	v52 =	vmin.f32 v12, v50;
	v6 =	vmax.f32 v12, v50  }
0x142: {  	v12 =	vmul.f32 $1.442695020e+00, v62;
	v1 =	vmax.f32 v1, v4;
	v4 =	vmax.f32 v11, v48  }
0x143: {  	v53 =	vmax.f32 v45, v52;
	v8 =	vmin.f32 v45, v52;
	v11 =	vmax.f32 v56, v61  }
0x144: {  	v1 =	vmax.f32 v1, v8;
	v60 =	vmax.f32 v4, v3;
	v3 =	vmin.f32 v4, v3  }
0x145: {  	v4 =	vmin.f32 v56, v61;
	v14 =	vsub.f32 v11, v2;
	(erf) = vpow2.f32 v12  }
0x146: {  	v63 =	vmax.f32 v6, v3;
	v3 =	vmin.f32 v6, v3;
	v15 =	vmax.f32 v58, v4  }
0x147: {  	v4 =	vmin.f32 v58, v4;
	v16 =	vmul.f32 $1.442695020e+00, v14;
	v6 =	vsub.f32 v15, v2  }
0x148: {  	v17 =	vmax.f32 v53, v3;
	v18 =	vmax.f32 v60, v4;
	v4 =	vmin.f32 v60, v4  }
0x149: {  	v20 =	vsub.f32 v18, v2;
	(erf) = vpow2.f32 v16;
	v19 =	vmul.f32 $1.442695020e+00, v6  }
0x14a: {  	v3 =	vmin.f32 v53, v3;
	v8 =	vmax.f32 v63, v4;
	v4 =	vmin.f32 v63, v4  }
0x14b: {  	v22 =	vsub.f32 v8, v2;
	v21 =	vmul.f32 $1.442695020e+00, v20;
	(erf) = vpow2.f32 v19  }
0x14c: {  	v1 =	vmax.f32 v1, v3;
	v23 =	vmax.f32 v17, v4;
	v4 =	vmin.f32 v17, v4  }
0x14d: {  	v24 =	vpop (erf);
	v3 =	vsub.f32 v23, v2;
	v25 =	vmul.f32 $1.442695020e+00, v22;
	(erf) = vpow2.f32 v21  }
0x14e: {  	v26 =	vadd.f32 $0.0e+00, v24;
	v1 =	vmax.f32 v1, v4  }
0x14f: {  	v27 =	vsub.f32 v1, v2;
	v3 =	vmul.f32 $1.442695020e+00, v3;
	(erf) = vpow2.f32 v25  }
0x150: {  	v37 =	vld [tilespmem:$0x180];
	v28 =	vpop (erf)  }
0x151: {  	v40 =	vld [tilespmem:$0x200];
	v29 =	vmul.f32 $1.442695020e+00, v27;
	(erf) = vpow2.f32 v3;
	v4 =	vadd.f32 v28, v26  }
0x152: {  	v51 =	vld [tilespmem:$0x380];
	v30 =	vpop (erf)  }
0x153: {  	v35 =	vld [tilespmem:$0x100];
	(erf) = vpow2.f32 v29;
	v4 =	vadd.f32 v30, v4  }
0x154: {  	v34 =	vld [tilespmem:$0x80];
	v31 =	vpop (erf)  }
0x155: {  	v44 =	vld [tilespmem:$0x300];
	v3 =	vadd.f32 v31, v4  }
0x156: {  	v39 =	vsub.f32 v0, v2;
	v46 =	vsub.f32 v37, v2;
	v32 =	vpop (erf)  }
0x157: {  	v42 =	vld [tilespmem:$0x280];
	v49 =	vsub.f32 v40, v2;
	v3 =	vadd.f32 v32, v3  }
0x158: {  	v55 =	vsub.f32 v51, v2;
	v43 =	vsub.f32 v35, v2;
	v33 =	vpop (erf)  }
0x159: {  	v41 =	vsub.f32 v34, v2;
	v3 =	vadd.f32 v33, v3  }
0x15a: {  	v47 =	vmul.f32 $1.442695020e+00, v43;
	v48 =	vmul.f32 $1.442695020e+00, v46;
	v53 =	vsub.f32 v44, v2;
	v15 =	vld [tilespmem:$0x400];
	v36 =	vpop (erf)  }
0x15b: {  	v52 =	vmul.f32 $1.442695020e+00, v49;
	v45 =	vmul.f32 $1.442695020e+00, v41;
	v3 =	vadd.f32 v36, v3  }
0x15c: {  	v50 =	vsub.f32 v42, v2;
	v8 =	vmul.f32 $1.442695020e+00, v39;
	v54 =	vmul.f32 $1.442695020e+00, v53;
	v38 =	vpop (erf)  }
0x15d: {  	v63 =	vld [tilespmem:$0x500];
	v6 =	vmul.f32 $1.442695020e+00, v55;
	vm0 =	vge.f32 v0, v1;
	v3 =	vadd.f32 v38, v3  }
0x15e: {  	v16 =	vld [tilespmem:$0x480];
	vm15 =	vge.f32 v34, v1;
	vm1 =	vge.f32 v35, v1;
	vm2 =	vge.f32 v37, v1  }
0x15f: {  	v18 =	vld [tilespmem:$0x600];
	vm4 =	vge.f32 v40, v1;
	v24 =	vsub.f32 v15, v2;
	(erf) = vrcp.f32 v3  }
0x160: {  	vm5 =	vge.f32 v42, v1;
	vm6 =	vge.f32 v44, v1;
	v22 =	vld [tilespmem:$0x780];
	(erf) = vpow2.f32 v8  }
0x161: {  	vm7 =	vge.f32 v51, v1;
	v26 =	vmul.f32 $1.442695020e+00, v24;
	v24 =	vld [tilespmem:$0x880];
	(erf) = vpow2.f32 v45  }
0x162: {  	v17 =	vld [tilespmem:$0x580];
	vm8 =	vge.f32 v15, v1;
	vm10 =	vge.f32 v63, v1;
	(erf) = vpow2.f32 v47  }
0x163: {  	v19 =	vld [tilespmem:$0x680];
	v27 =	vsub.f32 v16, v2;
	v8 =	vmul.f32 $1.442695020e+00, v50;
	(erf) = vpow2.f32 v48  }
0x164: {  	v21 =	vld [tilespmem:$0x700];
	vm12 =	vge.f32 v18, v1;
	vm9 =	vge.f32 v16, v1;
	(erf) = vpow2.f32 v52  }
0x165: {  	v29 =	vmul.f32 $1.442695020e+00, v27;
	v37 =	vsub.f32 v22, v2;
	(erf) = vpow2.f32 v8  }
0x166: {  	v30 =	vsub.f32 v63, v2;
	v41 =	vsub.f32 v24, v2;
	(erf) = vpow2.f32 v54  }
0x167: {  	v40 =	vmul.f32 $1.442695020e+00, v37;
	v31 =	vsub.f32 v17, v2;
	v33 =	vsub.f32 v18, v2  }
0x168: {  	v20 =	vsub.f32 v19, v2;
	v44 =	vmul.f32 $1.442695020e+00, v41;
	v32 =	vmul.f32 $1.442695020e+00, v30;
	v3 =	vpop (erf)  }
0x169: {  	v27 =	vld [tilespmem:$0xA00];
	v35 =	vsub.f32 v21, v2;
	v11 =	vmul.f32 $1.442695020e+00, v31;
	v34 =	vmul.f32 $1.442695020e+00, v33;
	v56 =	vpop (erf)  }
0x16a: {  	vm11 =	vge.f32 v17, v1;
	v36 =	vmul.f32 $1.442695020e+00, v20;
	v57 =	vpop (erf);
	(erf) = vpow2.f32 v6  }
0x16b: {  	vm13 =	vge.f32 v19, v1;
	v38 =	vmul.f32 $1.442695020e+00, v35;
	v8 =	vmul.f32 v3, v56;
	v58 =	vpop (erf)  }
0x16c: {  	vm14 =	vge.f32 v21, v1;
	v59 =	vmul.f32 v3, v57;
	v60 =	vpop (erf);
	(erf) = vpow2.f32 v26;
	v26 =	vld [tilespmem:$0x980]  }
0x16d: {  	v6 =	vnsel vm0, $0x0, v8;
	v14 =	vmul.f32 v3, v58;
	v13 =	vmul.f32 v3, v60;
	v61 =	vpop (erf)  }
0x16e: {  	v8 =	vnsel vm15, $0x0, v59;
	(erf) = vpow2.f32 v29;
	v29 =	vsub.f32 v27, v2;
	v62 =	vpop (erf)  }
0x16f: {  	vm15 =	vge.f32 v22, v1;
	v4 =	vmul.f32 v3, v61;
	(erf) = vpow2.f32 v32;
	v32 =	vld [tilespmem:$0xC80];
	v23 =	vpop (erf)  }
0x170: {  	v5 =	vnsel vm1, $0x0, v14;
	v7 =	vmul.f32 v3, v62;
	v25 =	vmul.f32 v23, v3;
	v23 =	vld [tilespmem:$0x800]  }
0x171: {  	v0 =	vnsel vm2, $0x0, v13;
	v51 =	vmul.f32 $1.442695020e+00, v29;
	v46 =	vsub.f32 v26, v2  }
0x172: {  	v9 =	vnsel vm4, $0x0, v4;
	v7 =	vnsel vm5, $0x0, v7;
	vm5 =	vge.f32 v24, v1  }
0x173: {  	v4 =	vnsel vm6, $0x0, v25;
	v25 =	vld [tilespmem:$0x900];
	v28 =	vpop (erf);
	(erf) = vpow2.f32 v11;
	v49 =	vmul.f32 $1.442695020e+00, v46  }
0x174: {  	v30 =	vld [tilespmem:$0xB00];
	v46 =	vsub.f32 v32, v2;
	v10 =	vmul.f32 v28, v3;
	(erf) = vpow2.f32 v34  }
0x175: {  	v39 =	vsub.f32 v23, v2;
	(erf) = vpow2.f32 v36;
	v43 =	vpop (erf);
	vm4 =	vge.f32 v23, v1  }
0x176: {  	v28 =	vld [tilespmem:$0xA80];
	v10 =	vnsel vm7, $0x0, v10;
	(erf) = vpow2.f32 v38;
	v14 =	vmul.f32 v43, v3  }
0x177: {  	v31 =	vld [tilespmem:$0xB80];
	v47 =	vpop (erf);
	vm7 =	vge.f32 v26, v1;
	v42 =	vmul.f32 $1.442695020e+00, v39;
	(erf) = vpow2.f32 v40  }
0x178: {  	v29 =	vld [tilespmem:$0xC00];
	v45 =	vsub.f32 v25, v2;
	v48 =	vmul.f32 v47, v3;
	v50 =	vpop (erf);
	vm6 =	vge.f32 v25, v1  }
0x179: {  	v40 =	vsub.f32 v30, v2;
	v11 =	vnsel vm8, $0x0, v14;
	v52 =	vmul.f32 v50, v3  }
0x17a: {  	vm8 =	vge.f32 v27, v1;
	(erf) = vpow2.f32 v42;
	v15 =	vmul.f32 $1.442695020e+00, v45  }
0x17b: {  	v12 =	vnsel vm9, $0x0, v48;
	v55 =	vsub.f32 v28, v2;
	(erf) = vpow2.f32 v44  }
0x17c: {  	v24 =	vmul.f32 $1.442695020e+00, v40;
	v42 =	vsub.f32 v31, v2;
	(erf) = vpow2.f32 v15  }
0x17d: {  	v45 =	vsub.f32 v29, v2;
	v48 =	vmul.f32 $1.442695020e+00, v46;
	v53 =	vpop (erf);
	(erf) = vpow2.f32 v49  }
0x17e: {  	vm9 =	vge.f32 v28, v1;
	v59 =	vmul.f32 $1.442695020e+00, v55;
	v54 =	vpop (erf);
	(erf) = vpow2.f32 v51  }
0x17f: {  	v40 =	vld [tilespmem:$0x1080];
	v15 =	vnsel vm10, $0x0, v52;
	v44 =	vmul.f32 $1.442695020e+00, v42;
	v56 =	vmul.f32 v53, v3;
	v57 =	vpop (erf)  }
0x180: {  	v26 =	vmul.f32 $1.442695020e+00, v45;
	vm10 =	vge.f32 v30, v1;
	v13 =	vmul.f32 v54, v3;
	v58 =	vpop (erf)  }
0x181: {  	v20 =	vnsel vm11, $0x0, v56;
	v60 =	vmul.f32 v57, v3;
	v61 =	vpop (erf);
	v62 =	vmul.f32 v58, v3  }
0x182: {  	vm11 =	vge.f32 v31, v1;
	v14 =	vnsel vm12, $0x0, v13;
	v33 =	vmul.f32 v61, v3  }
0x183: {  	vm12 =	vge.f32 v29, v1;
	v63 =	vpop (erf);
	(erf) = vpow2.f32 v59;
	v18 =	vnsel vm14, $0x0, v62  }
0x184: {  	v62 =	vsub.f32 v40, v2;
	v34 =	vpop (erf);
	v35 =	vmul.f32 v63, v3;
	v21 =	vnsel vm15, $0x0, v33;
	v33 =	vld [tilespmem:$0xD00]  }
0x185: {  	v17 =	vnsel vm13, $0x0, v60;
	(erf) = vpow2.f32 v24;
	v36 =	vmul.f32 v34, v3;
	v37 =	vpop (erf);
	v34 =	vld [tilespmem:$0xD80]  }
0x186: {  	(erf) = vpow2.f32 v44;
	v46 =	vmul.f32 $1.442695020e+00, v62;
	v16 =	vnsel vm4, $0x0, v35;
	v38 =	vpop (erf);
	v35 =	vld [tilespmem:$0xE00]  }
0x187: {  	vm13 =	vge.f32 v32, v1;
	v22 =	vmul.f32 v37, v3;
	v37 =	vld [tilespmem:$0xF00];
	(erf) = vpow2.f32 v26;
	v39 =	vpop (erf)  }
0x188: {  	v13 =	vnsel vm5, $0x0, v36;
	v19 =	vmul.f32 v38, v3;
	v36 =	vld [tilespmem:$0xE80];
	v41 =	vmul.f32 v39, v3  }
0x189: {  	v38 =	vld [tilespmem:$0xF80];
	(erf) = vpow2.f32 v48;
	v23 =	vnsel vm6, $0x0, v22;
	v47 =	vsub.f32 v33, v2  }
0x18a: {  	v22 =	vnsel vm7, $0x0, v19;
	vm14 =	vge.f32 v33, v1;
	v19 =	vnsel vm8, $0x0, v41  }
0x18b: {  	v39 =	vld [tilespmem:$0x1000];
	v49 =	vsub.f32 v34, v2;
	vm15 =	vge.f32 v34, v1;
	v50 =	vmul.f32 $1.442695020e+00, v47  }
0x18c: {  	v51 =	vsub.f32 v35, v2;
	v55 =	vsub.f32 v37, v2;
	vm4 =	vge.f32 v35, v1  }
0x18d: {  	v42 =	vld [tilespmem:$0x1180];
	vm6 =	vge.f32 v37, v1;
	v43 =	vpop (erf);
	v52 =	vmul.f32 $1.442695020e+00, v49;
	v53 =	vsub.f32 v36, v2  }
0x18e: {  	v41 =	vld [tilespmem:$0x1100];
	v57 =	vsub.f32 v38, v2;
	vm5 =	vge.f32 v36, v1;
	v25 =	vmul.f32 v43, v3  }
0x18f: {  	vm7 =	vge.f32 v38, v1;
	(erf) = vpow2.f32 v50;
	v54 =	vmul.f32 $1.442695020e+00, v51  }
0x190: {  	v58 =	vmul.f32 $1.442695020e+00, v55;
	v61 =	vsub.f32 v39, v2;
	(erf) = vpow2.f32 v52  }
0x191: {  	v59 =	vpop (erf);
	vm8 =	vge.f32 v39, v1;
	v56 =	vmul.f32 $1.442695020e+00, v53;
	v60 =	vmul.f32 $1.442695020e+00, v57  }
0x192: {  	v28 =	vmul.f32 v59, v3;
	v52 =	vsub.f32 v42, v2;
	v24 =	vnsel vm9, $0x0, v25  }
0x193: {  	v63 =	vpop (erf);
	(erf) = vpow2.f32 v54;
	v27 =	vmul.f32 $1.442695020e+00, v61;
	v43 =	vsub.f32 v41, v2  }
0x194: {  	v44 =	vld [tilespmem:$0x1280];
	v45 =	vmul.f32 v63, v3;
	v47 =	vpop (erf);
	(erf) = vpow2.f32 v56;
	v25 =	vnsel vm10, $0x0, v28  }
0x195: {  	v49 =	vmul.f32 v47, v3;
	vm10 =	vge.f32 v41, v1;
	v41 =	vld [tilespmem:$0x1600];
	(erf) = vpow2.f32 v58  }
0x196: {  	vm9 =	vge.f32 v40, v1;
	v50 =	vpop (erf);
	v56 =	vmul.f32 $1.442695020e+00, v52;
	(erf) = vpow2.f32 v60;
	v60 =	vld [tilespmem:$0x1200]  }
0x197: {  	v35 =	vld [tilespmem:$0x1300];
	v48 =	vmul.f32 $1.442695020e+00, v43;
	v26 =	vnsel vm11, $0x0, v45;
	v53 =	vmul.f32 v50, v3  }
0x198: {  	vm11 =	vge.f32 v42, v1;
	v28 =	vnsel vm12, $0x0, v49;
	(erf) = vpow2.f32 v27  }
0x199: {  	v38 =	vld [tilespmem:$0x1380];
	v31 =	vnsel vm13, $0x0, v53;
	vm13 =	vge.f32 v44, v1;
	(erf) = vpow2.f32 v46;
	v51 =	vpop (erf)  }
0x19a: {  	v36 =	vld [tilespmem:$0x1400];
	v33 =	vsub.f32 v41, v2;
	(erf) = vpow2.f32 v48;
	v29 =	vmul.f32 v51, v3  }
0x19b: {  	[tilespmem:$0x2000] =	vst v6;
	v39 =	vld [tilespmem:$0x1480];
	v54 =	vpop (erf);
	v47 =	vsub.f32 v60, v2;
	v51 =	vsub.f32 v44, v2;
	vm12 =	vge.f32 v60, v1  }
0x19c: {  	[tilespmem:$0x2080] =	vst v8;
	v55 =	vpop (erf);
	v57 =	vmul.f32 v54, v3;
	(erf) = vpow2.f32 v56;
	v54 =	vsub.f32 v35, v2  }
0x19d: {  	[tilespmem:$0x2580] =	vst v20;
	v20 =	vld [tilespmem:$0x1780];
	v27 =	vnsel vm14, $0x0, v29;
	v32 =	vmul.f32 v55, v3;
	v50 =	vmul.f32 $1.442695020e+00, v47  }
0x19e: {  	[tilespmem:$0x2100] =	vst v5;
	v58 =	vpop (erf);
	v53 =	vmul.f32 $1.442695020e+00, v51;
	v55 =	vsub.f32 v38, v2;
	vm14 =	vge.f32 v35, v1  }
0x19f: {  	[tilespmem:$0x2180] =	vst v0;
	v40 =	vld [tilespmem:$0x1580];
	v29 =	vnsel vm15, $0x0, v57;
	v61 =	vmul.f32 v58, v3;
	v56 =	vmul.f32 $1.442695020e+00, v54  }
0x1a0: {  	[tilespmem:$0x2200] =	vst v9;
	v59 =	vpop (erf);
	v57 =	vsub.f32 v36, v2;
	v58 =	vsub.f32 v39, v2;
	vm15 =	vge.f32 v38, v1  }
0x1a1: {  	[tilespmem:$0x2280] =	vst v7;
	v30 =	vnsel vm4, $0x0, v32;
	v34 =	vmul.f32 v59, v3;
	(erf) = vpow2.f32 v50  }
0x1a2: {  	[tilespmem:$0x2380] =	vst v10;
	v62 =	vpop (erf);
	v10 =	vmul.f32 $1.442695020e+00, v55;
	v50 =	vsub.f32 v20, v2;
	vm4 =	vge.f32 v36, v1  }
0x1a3: {  	[tilespmem:$0x2300] =	vst v4;
	v37 =	vld [tilespmem:$0x1680];
	v43 =	vmul.f32 v62, v3;
	v32 =	vnsel vm5, $0x0, v61;
	v59 =	vmul.f32 $1.442695020e+00, v57  }
0x1a4: {  	[tilespmem:$0x2600] =	vst v14;
	v14 =	vld [tilespmem:$0x1800];
	v63 =	vpop (erf);
	v61 =	vmul.f32 $1.442695020e+00, v58;
	v62 =	vsub.f32 v40, v2;
	vm5 =	vge.f32 v39, v1  }
0x1a5: {  	[tilespmem:$0x2400] =	vst v11;
	v8 =	vnsel vm6, $0x0, v34;
	v45 =	vmul.f32 v63, v3;
	v34 =	vld [tilespmem:$0x1500];
	v9 =	vmul.f32 $1.442695020e+00, v50  }
0x1a6: {  	[tilespmem:$0x2500] =	vst v15;
	v15 =	vld [tilespmem:$0x1700];
	v6 =	vnsel vm7, $0x0, v43;
	v42 =	vmul.f32 $1.442695020e+00, v62;
	vm7 =	vge.f32 v40, v1  }
0x1a7: {  	[tilespmem:$0x2B00] =	vst v25;
	v25 =	vld [tilespmem:$0x1980];
	v7 =	vnsel vm8, $0x0, v45;
	v45 =	vmul.f32 $1.442695020e+00, v33;
	vm8 =	vge.f32 v41, v1;
	v43 =	vpop (erf)  }
0x1a8: {  	[tilespmem:$0x2480] =	vst v12;
	v44 =	vld [tilespmem:$0x1C00];
	v46 =	vpop (erf);
	v48 =	vmul.f32 v43, v3;
	(erf) = vpow2.f32 v53;
	v43 =	vsub.f32 v37, v2  }
0x1a9: {  	[tilespmem:$0x2680] =	vst v17;
	v53 =	vsub.f32 v14, v2;
	v49 =	vmul.f32 v46, v3;
	v52 =	vpop (erf);
	(erf) = vpow2.f32 v56  }
0x1aa: {  	[tilespmem:$0x2D00] =	vst v27;
	v27 =	vld [tilespmem:$0x1A00];
	v60 =	vsub.f32 v34, v2;
	vm6 =	vge.f32 v34, v1;
	v4 =	vmul.f32 v52, v3  }
0x1ab: {  	[tilespmem:$0x2B80] =	vst v26;
	v26 =	vld [tilespmem:$0x1A80];
	v5 =	vnsel vm9, $0x0, v48;
	(erf) = vpow2.f32 v10;
	v47 =	vmul.f32 $1.442695020e+00, v43  }
0x1ac: {  	[tilespmem:$0x2700] =	vst v18;
	v48 =	vsub.f32 v15, v2;
	v12 =	vmul.f32 $1.442695020e+00, v53;
	vm9 =	vge.f32 v37, v1  }
0x1ad: {  	[tilespmem:$0x2780] =	vst v21;
	v43 =	vsub.f32 v25, v2;
	v53 =	vsub.f32 v44, v2;
	v0 =	vnsel vm10, $0x0, v49  }
0x1ae: {  	[tilespmem:$0x2800] =	vst v16;
	(erf) = vpow2.f32 v59;
	v63 =	vmul.f32 $1.442695020e+00, v60;
	v46 =	vpop (erf);
	v49 =	vld [tilespmem:$0x1880];
	vm10 =	vge.f32 v15, v1  }
0x1af: {  	[tilespmem:$0x2880] =	vst v13;
	(erf) = vpow2.f32 v61;
	v11 =	vmul.f32 v46, v3;
	v46 =	vsub.f32 v27, v2  }
0x1b0: {  	[tilespmem:$0x2900] =	vst v23;
	v52 =	vmul.f32 $1.442695020e+00, v48;
	v48 =	vsub.f32 v26, v2;
	(erf) = vpow2.f32 v63  }
0x1b1: {  	[tilespmem:$0x2F80] =	vst v6;
	v63 =	vld [tilespmem:$0x1900];
	(erf) = vpow2.f32 v42;
	v11 =	vnsel vm12, $0x0, v11;
	v6 =	vmul.f32 $1.442695020e+00, v46  }
0x1b2: {  	[tilespmem:$0x2980] =	vst v22;
	vm12 =	vge.f32 v14, v1;
	v14 =	vld [tilespmem:$0x1B80];
	v50 =	vmul.f32 $1.442695020e+00, v48;
	(erf) = vpow2.f32 v45  }
0x1b3: {  	v17 =	vld [tilespmem:$0x1C80];
	[tilespmem:$0x2A00] =	vst v19;
	(erf) = vpow2.f32 v47;
	v56 =	vsub.f32 v49, v2;
	v47 =	vmul.f32 $1.442695020e+00, v43;
	v51 =	vpop (erf)  }
0x1b4: {  	[tilespmem:$0x2A80] =	vst v24;
	v24 =	vld [tilespmem:$0x1B00];
	v4 =	vnsel vm11, $0x0, v4;
	(erf) = vpow2.f32 v52;
	v13 =	vmul.f32 v51, v3  }
0x1b5: {  	[tilespmem:$0x2C00] =	vst v28;
	vm11 =	vge.f32 v20, v1;
	v20 =	vld [tilespmem:$0x1D00];
	v54 =	vpop (erf);
	(erf) = vpow2.f32 v9;
	v9 =	vmul.f32 $1.442695020e+00, v56  }
0x1b6: {  	[tilespmem:$0x2C80] =	vst v31;
	v38 =	vsub.f32 v63, v2;
	v56 =	vmul.f32 $1.442695020e+00, v53;
	v10 =	vmul.f32 v54, v3  }
0x1b7: {  	[tilespmem:$0x2D80] =	vst v29;
	v55 =	vpop (erf);
	(erf) = vpow2.f32 v12;
	v51 =	vsub.f32 v14, v2;
	v13 =	vnsel vm13, $0x0, v13  }
0x1b8: {  	[tilespmem:$0x2E00] =	vst v30;
	v16 =	vmul.f32 v55, v3;
	v42 =	vmul.f32 $1.442695020e+00, v38;
	vm13 =	vge.f32 v49, v1  }
0x1b9: {  	v29 =	vld [tilespmem:$0x1D80];
	[tilespmem:$0x2E80] =	vst v32;
	v57 =	vpop (erf);
	v49 =	vsub.f32 v24, v2;
	v55 =	vsub.f32 v17, v2;
	v10 =	vnsel vm14, $0x0, v10  }
0x1ba: {  	[tilespmem:$0x2F00] =	vst v8;
	v58 =	vpop (erf);
	v12 =	vmul.f32 v57, v3;
	v54 =	vmul.f32 $1.442695020e+00, v51;
	v57 =	vsub.f32 v20, v2  }
0x1bb: {  	[tilespmem:$0x3000] =	vst v7;
	vm14 =	vge.f32 v63, v1;
	v59 =	vpop (erf);
	v18 =	vmul.f32 v58, v3;
	(erf) = vpow2.f32 v9  }
0x1bc: {  	[tilespmem:$0x3080] =	vst v5;
	v15 =	vld [tilespmem:$0x1E00];
	v16 =	vnsel vm15, $0x0, v16;
	v52 =	vmul.f32 $1.442695020e+00, v49;
	v58 =	vmul.f32 $1.442695020e+00, v55  }
0x1bd: {  	[tilespmem:$0x3100] =	vst v0;
	vm15 =	vge.f32 v25, v1;
	v60 =	vpop (erf);
	v12 =	vnsel vm4, $0x0, v12;
	v19 =	vmul.f32 v59, v3  }
0x1be: {  	[tilespmem:$0x3280] =	vst v13;
	v13 =	vld [tilespmem:$0x1E80];
	v59 =	vsub.f32 v29, v2;
	vm4 =	vge.f32 v27, v1;
	v61 =	vpop (erf);
	v9 =	vmul.f32 v60, v3  }
0x1bf: {  	[tilespmem:$0x3180] =	vst v4;
	v18 =	vnsel vm5, $0x0, v18;
	v60 =	vmul.f32 $1.442695020e+00, v57;
	v62 =	vpop (erf);
	v21 =	vmul.f32 v61, v3  }
0x1c0: {  	[tilespmem:$0x3400] =	vst v12;
	v12 =	vld [tilespmem:$0x1F00];
	v19 =	vnsel vm6, $0x0, v19;
	v22 =	vmul.f32 v62, v3;
	v31 =	vpop (erf);
	(erf) = vpow2.f32 v42  }
0x1c1: {  	[tilespmem:$0x3380] =	vst v16;
	v16 =	vld [tilespmem:$0x1F80];
	v61 =	vsub.f32 v15, v2;
	v62 =	vmul.f32 $1.442695020e+00, v59;
	(erf) = vpow2.f32 v47  }
0x1c2: {  	[tilespmem:$0x3480] =	vst v18;
	v9 =	vnsel vm7, $0x0, v9;
	v33 =	vpop (erf);
	v34 =	vmul.f32 v31, v3;
	(erf) = vpow2.f32 v6  }
0x1c3: {  	[tilespmem:$0x3500] =	vst v19;
	v19 =	vsub.f32 v13, v2;
	v18 =	vmul.f32 $1.442695020e+00, v61;
	v36 =	vpop (erf);
	(erf) = vpow2.f32 v50  }
0x1c4: {  	[tilespmem:$0x3200] =	vst v11;
	v21 =	vnsel vm8, $0x0, v21;
	v35 =	vmul.f32 v33, v3;
	(erf) = vpow2.f32 v52  }
0x1c5: {  	[tilespmem:$0x3600] =	vst v21;
	v23 =	vmul.f32 $1.442695020e+00, v19;
	v21 =	vsub.f32 v12, v2;
	(erf) = vpow2.f32 v54  }
0x1c6: {  	[tilespmem:$0x3300] =	vst v10;
	v37 =	vmul.f32 v36, v3;
	v2 =	vsub.f32 v16, v2;
	v41 =	vpop (erf);
	(erf) = vpow2.f32 v56  }
0x1c7: {  	[tilespmem:$0x3580] =	vst v9;
	v22 =	vnsel vm9, $0x0, v22;
	v4 =	vmul.f32 $1.442695020e+00, v21;
	(erf) = vpow2.f32 v58  }
0x1c8: {  	v8 =	vnsel vm10, $0x0, v34;
	[tilespmem:$0x3680] =	vst v22;
	v2 =	vmul.f32 $1.442695020e+00, v2;
	(erf) = vpow2.f32 v60  }
0x1c9: {  	v39 =	vnsel vm11, $0x0, v35;
	[tilespmem:$0x3700] =	vst v8;
	v45 =	vmul.f32 v41, v3;
	v63 =	vpop (erf);
	(erf) = vpow2.f32 v62  }
0x1ca: {  	v40 =	vnsel vm12, $0x0, v37;
	[tilespmem:$0x3780] =	vst v39;
	v9 =	vmul.f32 v63, v3;
	v22 =	vpop (erf);
	(erf) = vpow2.f32 v18  }
0x1cb: {  	[tilespmem:$0x3800] =	vst v40;
	v0 =	vnsel vm13, $0x0, v45;
	v8 =	vmul.f32 v22, v3;
	v31 =	vpop (erf);
	(erf) = vpow2.f32 v23  }
0x1cc: {  	[tilespmem:$0x3880] =	vst v0;
	v30 =	vnsel vm14, $0x0, v9;
	v32 =	vpop (erf);
	(erf) = vpow2.f32 v4;
	v5 =	vmul.f32 v31, v3  }
0x1cd: {  	v33 =	vnsel vm15, $0x0, v8;
	[tilespmem:$0x3900] =	vst v30;
	v0 =	vmul.f32 v32, v3;
	v34 =	vpop (erf);
	(erf) = vpow2.f32 v2  }
0x1ce: {  	vm5 =	vge.f32 v26, v1;
	v35 =	vpop (erf);
	[tilespmem:$0x3980] =	vst v33;
	v36 =	vnsel vm4, $0x0, v5;
	v37 =	vmul.f32 v34, v3  }
0x1cf: {  	vm6 =	vge.f32 v24, v1;
	v38 =	vpop (erf);
	[tilespmem:$0x3A00] =	vst v36;
	v0 =	vnsel vm5, $0x0, v0;
	v2 =	vmul.f32 v35, v3  }
0x1d0: {  	vm7 =	vge.f32 v14, v1;
	v39 =	vpop (erf);
	[tilespmem:$0x3A80] =	vst v0;
	v40 =	vnsel vm6, $0x0, v37;
	v41 =	vmul.f32 v38, v3  }
0x1d1: {  	vm8 =	vge.f32 v44, v1;
	v42 =	vpop (erf);
	[tilespmem:$0x3B00] =	vst v40;
	v43 =	vnsel vm7, $0x0, v2;
	v44 =	vmul.f32 v39, v3  }
0x1d2: {  	vm9 =	vge.f32 v17, v1;
	v45 =	vpop (erf);
	[tilespmem:$0x3B80] =	vst v43;
	v46 =	vnsel vm8, $0x0, v41;
	v47 =	vmul.f32 v42, v3  }
0x1d3: {  	vm10 =	vge.f32 v20, v1;
	v48 =	vpop (erf);
	[tilespmem:$0x3C00] =	vst v46;
	v49 =	vnsel vm9, $0x0, v44;
	v50 =	vmul.f32 v45, v3  }
0x1d4: {  	vm11 =	vge.f32 v29, v1;
	v51 =	vpop (erf);
	[tilespmem:$0x3C80] =	vst v49;
	v52 =	vnsel vm10, $0x0, v47;
	v53 =	vmul.f32 v48, v3  }
0x1d5: {  	vm12 =	vge.f32 v15, v1;
	v54 =	vpop (erf);
	[tilespmem:$0x3D00] =	vst v52;
	v55 =	vnsel vm11, $0x0, v50;
	v56 =	vmul.f32 v51, v3  }
0x1d6: {  	vm13 =	vge.f32 v13, v1;
	[tilespmem:$0x3D80] =	vst v55;
	v57 =	vnsel vm12, $0x0, v53;
	v58 =	vmul.f32 v54, v3;
	v59 =	vpop (erf)  }
0x1d7: {  	vm14 =	vge.f32 v12, v1;
	[tilespmem:$0x3E00] =	vst v57;
	v60 =	vnsel vm13, $0x0, v56;
	v61 =	vmul.f32 v59, v3  }
0x1d8: {  	vm15 =	vge.f32 v16, v1;
	[tilespmem:$0x3E80] =	vst v60;
	v62 =	vnsel vm14, $0x0, v58  }
0x1d9: {  	p0 =	sne.s32 s5, $0x1;
	[tilespmem:$0x3F00] =	vst v62;
	v63 =	vnsel vm15, $0x0, v61  }
.Ltmp1:
0x1da: {  	[tilespmem:$0x3F80] =	vst v63;
	(pc) =	sbr.rel @p0 .LBB2_2-.Ltmp1, $4  }
0x1db: {  	[hbm4b:s3+s2] =	stream.linear.scatter [tilespmem:s7], [sflag:$0x1], $0x2000, $0x38;
	[tilespmem:$0x4000] =	vst v63  }
0x1dc: {  	_ =	swait.ge [sflag:s6], $0x2000  }
0x1dd: {  	[sflag:s6] =	ssyncset.done $0x0  }
0x1de: {  	s5 =	sadd.s32 $0xFFFFFFFF, s5;
	[sflag:s6] =	ssyncadd.s32 $0xFFFFE000  }
.LBB2_3:
0x1df: {  	_ =	sfence.sel $0x180000  }
0x1e0: {  	[bflag:$0x0] =	sbarrier.arrive $0xFFFF  }
0x1e1: {  	p0 =	sne.s32 s1, $0x0;
	_ =	strace $0x90000047  }
0x1e2: {  	s0 =	sadd.s32 @!p0 $0x100000, s0;
	[bflag:$0x2] =	sbarrier.arrive $0xFFFF  }
0x1e3: {  	[sflag:s0] =	ssyncadd.tile.s32 @!p0 $0x1;
	_ =	shalt  }
.Lfunc_end2:
_tile_overlayer_lowered:
.L_overlay_start_2:
0x1e4: {  	(tag) =	ssettag $0x2  }
0x1e5: {  	s0 =	rddreg [dreg:$0x0];
	s2 =	stileid.u32  }
0x1e6: {  	s1 =	rddreg [dreg:$0x1];
	p0 =	sne.s32 s2, $0x0  }
0x1e7: {  	s3 =	rddreg [dreg:$0x2];
	[bflag:$0x3] =	sbarrier.arrive $0xFFFF;
	s2 =	simm.s32 @!p0 $0x1C01  }
0x1e8: {  	[timem:s3], [sflag:s2] =	dma.local @!p0 [hbm:s0], s1  }
0x1e9: {  	s0 =	simm.s32 @!p0 $0x1  }
0x1ea: {  	_ =	swait.ge @!p0 [sflag:s0], s1  }
0x1eb: {  	s1 =	ssub.s32 @!p0 $0x0, s1;
	[sflag:s0] =	ssyncset.done @!p0 $0x0  }
0x1ec: {  	[sflag:s0] =	ssyncadd.s32 @!p0 s1  }
0x1ed: {  	[bflag:$0x3] =	sbarrier.arrive $0xFFFF  }
0x1ee: {  	_ =	shalt  }

</sc_bundles>
